<compile_context>
chip_gen: v7x
topology: tpu7x:2x2x1
jax: 0.10.2.dev20260603
libtpu: 0.0.44.dev20260713+nightly
codegen_flags: <defaults>
</compile_context>

<pallas_src>
import functools

import jax
import jax.numpy as jnp
from jax import lax
from jax.experimental import pallas as pl
from jax.experimental.pallas import tpu as pltpu
from jax.experimental.pallas import tpu_sc as plsc

N = 10000
E = 320000
F = 128
H = 8
D = 16
NEG = 0.2

L = 16
NC, NS = 2, 16
NW = NC * NS
RPT = 320
NPAD = NW * RPT

C = 2560
NCHUNK = E // C
P = 96




def _proj_body(feat_ref, wt_ref, a_ref, fs_ref, elr_ref):
    fs = jnp.dot(feat_ref[...], wt_ref[...], preferred_element_type=jnp.float32)
    fs_ref[...] = fs.astype(jnp.bfloat16)
    elr_ref[...] = jnp.dot(fs, a_ref[...], preferred_element_type=jnp.float32)


def _project(feat, wt, a):
    blk = 1000
    return pl.pallas_call(
        _proj_body,
        grid=(N // blk,),
        in_specs=[
            pl.BlockSpec((blk, F), lambda i: (i, 0)),
            pl.BlockSpec((F, F), lambda i: (0, 0)),
            pl.BlockSpec((F, 2 * H), lambda i: (0, 0)),
        ],
        out_specs=[
            pl.BlockSpec((blk, F), lambda i: (i, 0)),
            pl.BlockSpec((blk, L), lambda i: (i, 0)),
        ],
        out_shape=[
            jax.ShapeDtypeStruct((N, F), jnp.bfloat16),
            jax.ShapeDtypeStruct((N, L), jnp.float32),
        ],
    )(feat, wt, a)




def _dyn_gather(x, idx):
    return lax.gather(
        x,
        idx[:, None],
        lax.GatherDimensionNumbers(
            offset_dims=(), collapsed_slice_dims=(0,), start_index_map=(0,)),
        slice_sizes=(1,),
        mode=lax.GatherScatterMode.PROMISE_IN_BOUNDS,
    )


def _gat_sc_body(src, dst, fused, ertab, out, srcb, dstb, csrc, cdst,
                 frows, ertile, acc, sloc, sem_e, sem_g):
    cid = lax.axis_index("c")
    sid = lax.axis_index("s")
    wid = sid * NC + cid
    lo = wid * RPT

    iota = lax.iota(jnp.int32, L)
    lane_lt8 = iota < 8
    lane0 = iota < 1
    hh = iota >> 3
    cola = (iota >> 3) * D + (iota & 7) * 2
    zf = jnp.zeros((L,), jnp.float32)
    zi = jnp.zeros((L,), jnp.int32)

    def _zrow(r, _):
        for k in range(F // L):
            acc[pl.ds(r * F + k * L, L)] = zf
        sloc[pl.ds(r * L, L)] = zf
        return 0
    lax.fori_loop(0, RPT + 1, _zrow, 0)

    def _zidx(j, _):
        csrc[pl.ds(j * L, L)] = zi
        cdst[pl.ds(j * L, L)] = zi
        return 0
    lax.fori_loop(0, 2 * C // L, _zidx, 0)

    pltpu.sync_copy(ertab.at[pl.ds(lo * L, RPT * L)], ertile)

    def _wait_edges():
        pltpu.make_async_copy(src.at[pl.ds(0, C)], srcb, sem_e).wait()
        pltpu.make_async_copy(dst.at[pl.ds(0, C)], dstb, sem_e).wait()

    def _fire_edges(ci):
        pltpu.async_copy(src.at[pl.ds(ci * C, C)], srcb, sem_e)
        pltpu.async_copy(dst.at[pl.ds(ci * C, C)], dstb, sem_e)

    def _fire_gathers(off):
        pltpu.async_copy(fused.at[csrc.at[pl.ds(off, P)]], frows, sem_g)

    def _wait_gathers():
        pltpu.make_async_copy(fused.at[pl.ds(0, P)], frows, sem_g).wait()

    def _scan(pn):
        def _body(k, cnt_vec):
            j = 4 * k
            dsv = [dstb[pl.ds((j + u) * L, L)] for u in range(4)]
            ssv = [srcb[pl.ds((j + u) * L, L)] for u in range(4)]
            ts = [d - lo for d in dsv]
            ms = [t.astype(jnp.uint32) < jnp.uint32(RPT) for t in ts]
            cs = [plsc.cumsum(jnp.where(m, 1, 0)) for m in ms]
            ps = [plsc.all_reduce_population_count(m) for m in ms]
            for u in range(4):
                pos = pn + (cnt_vec + cs[u] - 1)
                plsc.store_scatter(csrc, [pos], ssv[u], mask=ms[u])
                plsc.store_scatter(cdst, [pos], ts[u], mask=ms[u])
                cnt_vec = cnt_vec + ps[u]
            return cnt_vec
        cnt_vec = lax.fori_loop(0, C // L // 4, _body, zi)
        return jnp.max(cnt_vec, axis=0)

    def _edges(pc, base, nedge):
        def _edge(row, _):
            dl = plsc.load_gather(
                cdst, [jnp.full((L,), pc + base + row, jnp.int32)])
            sidx = dl * L + iota
            er16 = plsc.load_gather(ertile, [sidx])
            el16 = frows[row, pl.ds(4 * L, L)]
            e16 = el16 + er16
            e16 = jnp.where(e16 > 0, e16, NEG * e16)
            ex = jnp.exp(e16)
            plsc.addupdate_scatter(sloc, [sidx], ex, mask=lane_lt8)
            dlf = dl * F
            fbs = [plsc.bitcast(frows[row, pl.ds(k * L, L)], jnp.bfloat16)
                   for k in range(4)]
            ups = [plsc.unpack(fb, format=plsc.PackFormat.INTERLEAVED)
                   for fb in fbs]
            exms = [_dyn_gather(ex, hh + 2 * k) for k in range(4)]
            for k in range(4):
                a, b = ups[k]
                exm = exms[k]
                ca = dlf + (32 * k + cola)
                plsc.addupdate_scatter(acc, [ca], a * exm)
                plsc.addupdate_scatter(acc, [ca + 1], b * exm)
            return 0
        lax.fori_loop(0, nedge, _edge, 0)

    def _process(pc, cnt_cur):
        _wait_gathers()
        _edges(pc, 0, jnp.minimum(cnt_cur, P))

        nb = (cnt_cur + P - 1) // P

        def _extra(b, _):
            _fire_gathers(pc + b * P)
            _wait_gathers()
            _edges(pc, b * P, jnp.minimum(cnt_cur - b * P, P))
            return 0
        lax.fori_loop(1, nb, _extra, 0)

    pltpu.sync_copy(src.at[pl.ds(0, C)], srcb)
    pltpu.sync_copy(dst.at[pl.ds(0, C)], dstb)
    cnt0 = _scan(0)
    _fire_edges(1)
    _fire_gathers(0)

    def _chunk(i, cnt_cur):
        pc = (i & 1) * C
        pn = ((i + 1) & 1) * C
        _wait_edges()
        cnt_next = _scan(pn)
        _fire_edges(i + 2)
        _process(pc, cnt_cur)
        _fire_gathers(pn)
        return cnt_next
    cnt_t = lax.fori_loop(0, NCHUNK - 2, _chunk, cnt0)

    pc = ((NCHUNK - 2) & 1) * C
    pn = ((NCHUNK - 1) & 1) * C
    _wait_edges()
    cnt_last = _scan(pn)
    _process(pc, cnt_t)
    _fire_gathers(pn)
    _process(pn, cnt_last)

    def _norm(r, _):
        s16 = sloc[pl.ds(r * L, L)]
        rec = jnp.where(s16 > 0, 1.0 / s16, 0.0)
        for h in range(H):
            rh = _dyn_gather(rec, jnp.full((L,), h, jnp.int32))
            o = r * F + h * D
            acc[pl.ds(o, D)] = acc[pl.ds(o, D)] * rh
        return 0
    lax.fori_loop(0, RPT, _norm, 0)
    pltpu.sync_copy(acc.at[pl.ds(0, RPT * F)], out.at[pl.ds(lo * F, RPT * F)])


_gat_sc = functools.partial(
    pl.kernel,
    out_type=jax.ShapeDtypeStruct((NPAD * F,), jnp.float32),
    mesh=plsc.VectorSubcoreMesh(core_axis_name="c", subcore_axis_name="s"),
    scratch_types=[
        pltpu.VMEM((C,), jnp.int32),
        pltpu.VMEM((C,), jnp.int32),
        pltpu.VMEM((2 * C,), jnp.int32),
        pltpu.VMEM((2 * C,), jnp.int32),
        pltpu.VMEM((P, F), jnp.float32),
        pltpu.VMEM((RPT * L,), jnp.float32),
        pltpu.VMEM(((RPT + 1) * F,), jnp.float32),
        pltpu.VMEM(((RPT + 1) * L,), jnp.float32),
        pltpu.SemaphoreType.DMA,
        pltpu.SemaphoreType.DMA,
    ],
    compiler_params=pltpu.CompilerParams(needs_layout_passes=False),
)(_gat_sc_body)


def kernel(feat, edge_index, W, attn_l, attn_r):
    al = attn_l.reshape(H, D).astype(jnp.float32)
    ar = attn_r.reshape(H, D).astype(jnp.float32)
    eye = jnp.eye(H, dtype=jnp.float32)
    A = jnp.concatenate(
        [
            (al[:, :, None] * eye[:, None, :]).reshape(F, H),
            (ar[:, :, None] * eye[:, None, :]).reshape(F, H),
        ],
        axis=1,
    )
    fs_bf, elr16 = _project(feat, W.T, A)
    fs_words = lax.bitcast_convert_type(
        fs_bf.reshape(N, F // 2, 2), jnp.float32)
    fused = jnp.concatenate(
        [fs_words, elr16, jnp.zeros((N, F - F // 2 - 2 * H), jnp.float32)],
        axis=1)
    er_rows = jnp.concatenate(
        [elr16[:, H:], jnp.zeros((N, H), jnp.float32)], axis=1)
    ertab = jnp.zeros((NPAD * L,), jnp.float32).at[:N * L].set(
        er_rows.reshape(-1))
    rst = _gat_sc(edge_index[0], edge_index[1], fused, ertab)
    return rst[:N * F].reshape(N, H, D)

# --- scband reference (transcript-rebuilt; emitter-appended) ---
"""Pipeline reference for scband-gatconv-62225486185198 (READ-ONLY COPY).

The authoritative reference and input builder live on the scoring server;
editing this copy changes nothing except your own understanding.
"""

import jax, jax.numpy as jnp
import numpy as np

N = 10000
E = 320000
IN_FEATS = 128
H = 8
D = 16
NEG_SLOPE = 0.2


def setup_inputs(seed: int = 0) -> dict:
    key = jax.random.key(seed)
    k1, k2, k3, k4, k5 = jax.random.split(key, 5)
    feat = jax.random.normal(k1, (N, IN_FEATS), dtype=jnp.float32)
    edge_index = jax.random.randint(k2, (2, E), 0, N, dtype=jnp.int32)
    # xavier-normal-ish init for fc weight [H*D, IN] and attention vectors
    gain = float(np.sqrt(2.0))
    std_w = gain * float(np.sqrt(2.0 / (IN_FEATS + H * D)))
    W = jax.random.normal(k3, (H * D, IN_FEATS), dtype=jnp.float32) * std_w
    std_a = gain * float(np.sqrt(2.0 / (H + D)))
    attn_l = jax.random.normal(k4, (1, H, D), dtype=jnp.float32) * std_a
    attn_r = jax.random.normal(k5, (1, H, D), dtype=jnp.float32) * std_a
    return {"feat": feat, "edge_index": edge_index, "W": W, "attn_l": attn_l, "attn_r": attn_r}


def reference(feat, edge_index, W, attn_l, attn_r):
    # fc projection (fc_src == fc_dst == fc)
    feat_src = (feat @ W.T).reshape(-1, H, D)  # [N, H, D]
    el = (feat_src * attn_l).sum(axis=-1, keepdims=True)  # [N, H, 1]
    er = (feat_src * attn_r).sum(axis=-1, keepdims=True)  # [N, H, 1]
    src = edge_index[0]
    dst = edge_index[1]
    # sparse.apply_edge_heads: e_ij = el[src] + er[dst]
    e = el[src] + er[dst]  # [E, H, 1]
    # leaky_relu
    e = jnp.where(e > 0, e, NEG_SLOPE * e)
    # sparse.edge_softmax_heads: softmax over incoming edges per dst node, per head
    m = jax.ops.segment_max(e, dst, num_segments=N)  # [N, H, 1]
    m = jnp.where(jnp.isfinite(m), m, 0.0)
    ex = jnp.exp(e - m[dst])
    s = jax.ops.segment_sum(ex, dst, num_segments=N)  # [N, H, 1]
    alpha = ex / s[dst]
    # sparse.run_gspmv_op_heads: rst[v] = sum_{(u,v) in E} alpha_uv * feat_src[u]
    msg = feat_src[src] * alpha  # [E, H, D]
    rst = jax.ops.segment_sum(msg, dst, num_segments=N)  # [N, H, D]
    return rst

if __name__ == "__main__":
    import jax
    _d = setup_inputs()
    print(jax.jit(kernel)(*tuple(_d.values())))

</pallas_src>

<mosaic_0001>
#map = affine_map<(d0, d1) -> (0)>
#map1 = affine_map<(d0, d1) -> (0, 0)>
module attributes {stable_mosaic.version = 14 : i64} {
  func.func @_gat_sc_body(%arg0: i32, %arg1: i32, %arg2: memref<320000xi32, #tpu.memory_space<hbm>>, %arg3: memref<320000xi32, #tpu.memory_space<hbm>>, %arg4: memref<10000x128xf32, #tpu.memory_space<hbm>>, %arg5: memref<163840xf32, #tpu.memory_space<hbm>>, %arg6: memref<1310720xf32, #tpu.memory_space<hbm>>, %arg7: memref<2560xi32, #tpu.memory_space<vmem>>, %arg8: memref<2560xi32, #tpu.memory_space<vmem>>, %arg9: memref<5120xi32, #tpu.memory_space<vmem>>, %arg10: memref<5120xi32, #tpu.memory_space<vmem>>, %arg11: memref<96x128xf32, #tpu.memory_space<vmem>>, %arg12: memref<5120xf32, #tpu.memory_space<vmem>>, %arg13: memref<41088xf32, #tpu.memory_space<vmem>>, %arg14: memref<5136xf32, #tpu.memory_space<vmem>>, %arg15: memref<!tpu.dma_semaphore, #tpu.memory_space<semaphore_mem>>, %arg16: memref<!tpu.dma_semaphore, #tpu.memory_space<semaphore_mem>>) attributes {dimension_semantics = [#tpu.dimension_semantics<core_parallel>, #tpu.dimension_semantics<subcore_parallel>], iteration_bounds = array<i64: 2, 16>, scalar_prefetch = 0 : i64, scratch_operands = 10 : i64, tpu.core_type = #tpu.core_type<sc_vector_subcore>, window_params = [{transform_indices = #map}, {transform_indices = #map}, {transform_indices = #map1}, {transform_indices = #map}, {transform_indices = #map}]} {
    %mul3A = arith.constant 2 : i32
    %mul3A_0 = arith.muli %arg1, %mul3A : i32
    %add3A = arith.addi %mul3A_0, %arg0 : i32
    %mul3A_1 = arith.constant 320 : i32
    %mul3A_2 = arith.muli %add3A, %mul3A_1 : i32
    %iota3A = tpu.iota {dimensions = array<i32: 0>} : vector<16xi32>
    %lt3A = arith.constant 8 : i32
    %lt3A_3 = vector.broadcast %lt3A : i32 to vector<16xi32>
    %lt3A_4 = arith.cmpi slt, %iota3A, %lt3A_3 : vector<16xi32>
    %lt3A_5 = arith.constant 1 : i32
    %lt3A_6 = vector.broadcast %lt3A_5 : i32 to vector<16xi32>
    %lt3A_7 = arith.cmpi slt, %iota3A, %lt3A_6 : vector<16xi32>
    %shift_right_arithmetic3A = arith.constant 3 : i32
    %shift_right_arithmetic3A_8 = vector.broadcast %shift_right_arithmetic3A : i32 to vector<16xi32>
    %shift_right_arithmetic3A_9 = arith.shrsi %iota3A, %shift_right_arithmetic3A_8 : vector<16xi32>
    %shift_right_arithmetic3A_10 = arith.constant 3 : i32
    %shift_right_arithmetic3A_11 = vector.broadcast %shift_right_arithmetic3A_10 : i32 to vector<16xi32>
    %shift_right_arithmetic3A_12 = arith.shrsi %iota3A, %shift_right_arithmetic3A_11 : vector<16xi32>
    %mul3A_13 = arith.constant 16 : i32
    %mul3A_14 = vector.broadcast %mul3A_13 : i32 to vector<16xi32>
    %mul3A_15 = arith.muli %shift_right_arithmetic3A_12, %mul3A_14 : vector<16xi32>
    %and3A = arith.constant 7 : i32
    %and3A_16 = vector.broadcast %and3A : i32 to vector<16xi32>
    %and3A_17 = arith.andi %iota3A, %and3A_16 : vector<16xi32>
    %mul3A_18 = arith.constant 2 : i32
    %mul3A_19 = vector.broadcast %mul3A_18 : i32 to vector<16xi32>
    %mul3A_20 = arith.muli %and3A_17, %mul3A_19 : vector<16xi32>
    %add3A_21 = arith.addi %mul3A_15, %mul3A_20 : vector<16xi32>
    %broadcast_in_dim3A = arith.constant 0.000000e+00 : f32
    %broadcast_in_dim3A_22 = vector.broadcast %broadcast_in_dim3A : f32 to vector<16xf32>
    %broadcast_in_dim3A_23 = arith.constant 0 : i32
    %broadcast_in_dim3A_24 = vector.broadcast %broadcast_in_dim3A_23 : i32 to vector<16xi32>
    %scan3A = arith.constant 0 : i32
    %scan3A_25 = arith.constant 0 : i32
    %scan3A_26 = arith.constant 321 : i32
    %scan3A_27 = arith.addi %scan3A_25, %scan3A_26 : i32
    %scan3A_28 = arith.constant 1 : i32
    %scan3A_29 = scf.for %scan3A_217 = %scan3A_25 to %scan3A_27 step %scan3A_28 iter_args(%scan3A_218 = %scan3A) -> (i32)  : i32 {
      %mul3A_219 = arith.constant 128 : i32
      %mul3A_220 = arith.muli %scan3A_217, %mul3A_219 : i32
      %add3A_221 = arith.constant 0 : i32
      %add3A_222 = arith.addi %mul3A_220, %add3A_221 : i32
      %swap3A = arith.index_cast %add3A_222 : i32 to index
      %swap3A_223 = tpu.vector_load %arg13[%swap3A] {strides = array<i32>} : memref<41088xf32, #tpu.memory_space<vmem>>, vector<16xf32>,
      tpu.vector_store %arg13[%swap3A], %broadcast_in_dim3A_22 {strides = array<i32>} : memref<41088xf32, #tpu.memory_space<vmem>>, vector<16xf32>,
      %mul3A_224 = arith.constant 128 : i32
      %mul3A_225 = arith.muli %scan3A_217, %mul3A_224 : i32
      %add3A_226 = arith.constant 16 : i32
      %add3A_227 = arith.addi %mul3A_225, %add3A_226 : i32
      %swap3A_228 = arith.index_cast %add3A_227 : i32 to index
      %swap3A_229 = tpu.vector_load %arg13[%swap3A_228] {strides = array<i32>} : memref<41088xf32, #tpu.memory_space<vmem>>, vector<16xf32>,
      tpu.vector_store %arg13[%swap3A_228], %broadcast_in_dim3A_22 {strides = array<i32>} : memref<41088xf32, #tpu.memory_space<vmem>>, vector<16xf32>,
      %mul3A_230 = arith.constant 128 : i32
      %mul3A_231 = arith.muli %scan3A_217, %mul3A_230 : i32
      %add3A_232 = arith.constant 32 : i32
      %add3A_233 = arith.addi %mul3A_231, %add3A_232 : i32
      %swap3A_234 = arith.index_cast %add3A_233 : i32 to index
      %swap3A_235 = tpu.vector_load %arg13[%swap3A_234] {strides = array<i32>} : memref<41088xf32, #tpu.memory_space<vmem>>, vector<16xf32>,
      tpu.vector_store %arg13[%swap3A_234], %broadcast_in_dim3A_22 {strides = array<i32>} : memref<41088xf32, #tpu.memory_space<vmem>>, vector<16xf32>,
      %mul3A_236 = arith.constant 128 : i32
      %mul3A_237 = arith.muli %scan3A_217, %mul3A_236 : i32
      %add3A_238 = arith.constant 48 : i32
      %add3A_239 = arith.addi %mul3A_237, %add3A_238 : i32
      %swap3A_240 = arith.index_cast %add3A_239 : i32 to index
      %swap3A_241 = tpu.vector_load %arg13[%swap3A_240] {strides = array<i32>} : memref<41088xf32, #tpu.memory_space<vmem>>, vector<16xf32>,
      tpu.vector_store %arg13[%swap3A_240], %broadcast_in_dim3A_22 {strides = array<i32>} : memref<41088xf32, #tpu.memory_space<vmem>>, vector<16xf32>,
      %mul3A_242 = arith.constant 128 : i32
      %mul3A_243 = arith.muli %scan3A_217, %mul3A_242 : i32
      %add3A_244 = arith.constant 64 : i32
      %add3A_245 = arith.addi %mul3A_243, %add3A_244 : i32
      %swap3A_246 = arith.index_cast %add3A_245 : i32 to index
      %swap3A_247 = tpu.vector_load %arg13[%swap3A_246] {strides = array<i32>} : memref<41088xf32, #tpu.memory_space<vmem>>, vector<16xf32>,
      tpu.vector_store %arg13[%swap3A_246], %broadcast_in_dim3A_22 {strides = array<i32>} : memref<41088xf32, #tpu.memory_space<vmem>>, vector<16xf32>,
      %mul3A_248 = arith.constant 128 : i32
      %mul3A_249 = arith.muli %scan3A_217, %mul3A_248 : i32
      %add3A_250 = arith.constant 80 : i32
      %add3A_251 = arith.addi %mul3A_249, %add3A_250 : i32
      %swap3A_252 = arith.index_cast %add3A_251 : i32 to index
      %swap3A_253 = tpu.vector_load %arg13[%swap3A_252] {strides = array<i32>} : memref<41088xf32, #tpu.memory_space<vmem>>, vector<16xf32>,
      tpu.vector_store %arg13[%swap3A_252], %broadcast_in_dim3A_22 {strides = array<i32>} : memref<41088xf32, #tpu.memory_space<vmem>>, vector<16xf32>,
      %mul3A_254 = arith.constant 128 : i32
      %mul3A_255 = arith.muli %scan3A_217, %mul3A_254 : i32
      %add3A_256 = arith.constant 96 : i32
      %add3A_257 = arith.addi %mul3A_255, %add3A_256 : i32
      %swap3A_258 = arith.index_cast %add3A_257 : i32 to index
      %swap3A_259 = tpu.vector_load %arg13[%swap3A_258] {strides = array<i32>} : memref<41088xf32, #tpu.memory_space<vmem>>, vector<16xf32>,
      tpu.vector_store %arg13[%swap3A_258], %broadcast_in_dim3A_22 {strides = array<i32>} : memref<41088xf32, #tpu.memory_space<vmem>>, vector<16xf32>,
      %mul3A_260 = arith.constant 128 : i32
      %mul3A_261 = arith.muli %scan3A_217, %mul3A_260 : i32
      %add3A_262 = arith.constant 112 : i32
      %add3A_263 = arith.addi %mul3A_261, %add3A_262 : i32
      %swap3A_264 = arith.index_cast %add3A_263 : i32 to index
      %swap3A_265 = tpu.vector_load %arg13[%swap3A_264] {strides = array<i32>} : memref<41088xf32, #tpu.memory_space<vmem>>, vector<16xf32>,
      tpu.vector_store %arg13[%swap3A_264], %broadcast_in_dim3A_22 {strides = array<i32>} : memref<41088xf32, #tpu.memory_space<vmem>>, vector<16xf32>,
      %mul3A_266 = arith.constant 16 : i32
      %mul3A_267 = arith.muli %scan3A_217, %mul3A_266 : i32
      %swap3A_268 = arith.index_cast %mul3A_267 : i32 to index
      %swap3A_269 = tpu.vector_load %arg14[%swap3A_268] {strides = array<i32>} : memref<5136xf32, #tpu.memory_space<vmem>>, vector<16xf32>,
      tpu.vector_store %arg14[%swap3A_268], %broadcast_in_dim3A_22 {strides = array<i32>} : memref<5136xf32, #tpu.memory_space<vmem>>, vector<16xf32>,
      %scan3A_270 = arith.constant 0 : i32
      scf.yield %scan3A_270 : i32
    }
    %scan3A_30 = arith.constant 321 : i32
    %scan3A_31 = arith.constant 0 : i32
    %scan3A_32 = arith.constant 0 : i32
    %scan3A_33 = arith.constant 320 : i32
    %scan3A_34 = arith.addi %scan3A_32, %scan3A_33 : i32
    %scan3A_35 = arith.constant 1 : i32
    %scan3A_36 = scf.for %scan3A_217 = %scan3A_32 to %scan3A_34 step %scan3A_35 iter_args(%scan3A_218 = %scan3A_31) -> (i32)  : i32 {
      %mul3A_219 = arith.constant 16 : i32
      %mul3A_220 = arith.muli %scan3A_217, %mul3A_219 : i32
      %swap3A = arith.index_cast %mul3A_220 : i32 to index
      %swap3A_221 = tpu.vector_load %arg9[%swap3A] {strides = array<i32>} : memref<5120xi32, #tpu.memory_space<vmem>>, vector<16xi32>,
      tpu.vector_store %arg9[%swap3A], %broadcast_in_dim3A_24 {strides = array<i32>} : memref<5120xi32, #tpu.memory_space<vmem>>, vector<16xi32>,
      %mul3A_222 = arith.constant 16 : i32
      %mul3A_223 = arith.muli %scan3A_217, %mul3A_222 : i32
      %swap3A_224 = arith.index_cast %mul3A_223 : i32 to index
      %swap3A_225 = tpu.vector_load %arg10[%swap3A_224] {strides = array<i32>} : memref<5120xi32, #tpu.memory_space<vmem>>, vector<16xi32>,
      tpu.vector_store %arg10[%swap3A_224], %broadcast_in_dim3A_24 {strides = array<i32>} : memref<5120xi32, #tpu.memory_space<vmem>>, vector<16xi32>,
      %scan3A_226 = arith.constant 0 : i32
      scf.yield %scan3A_226 : i32
    }
    %scan3A_37 = arith.constant 320 : i32
    %mul3A_38 = arith.constant 16 : i32
    %mul3A_39 = arith.muli %mul3A_2, %mul3A_38 : i32
    "tpu.region"() ({
      %run_scoped3A = tpu.sem_alloc : memref<!tpu.dma_semaphore, #tpu.memory_space<semaphore_mem>>
      %dma_start3A_217 = tpu.memref_slice %arg5[%mul3A_39] : memref<163840xf32, #tpu.memory_space<hbm>> -> memref<5120xf32, #tpu.memory_space<hbm>>
      %dma_start3A_218 = tpu.memref_slice %arg5[%mul3A_39] : memref<163840xf32, #tpu.memory_space<hbm>> -> memref<5120xf32, #tpu.memory_space<hbm>>
      tpu.enqueue_dma source(%dma_start3A_218 : memref<5120xf32, #tpu.memory_space<hbm>>) target(%arg12 : memref<5120xf32, #tpu.memory_space<vmem>>) target_semaphore(%run_scoped3A : memref<!tpu.dma_semaphore, #tpu.memory_space<semaphore_mem>>)
      %dma_wait3A_219 = tpu.memref_slice %arg5[%mul3A_39] : memref<163840xf32, #tpu.memory_space<hbm>> -> memref<5120xf32, #tpu.memory_space<hbm>>
      %dma_wait3A_220 = tpu.memref_slice %arg5[%mul3A_39] : memref<163840xf32, #tpu.memory_space<hbm>> -> memref<5120xf32, #tpu.memory_space<hbm>>
      tpu.wait_dma2 semaphore(%run_scoped3A : memref<!tpu.dma_semaphore, #tpu.memory_space<semaphore_mem>>) src(%dma_wait3A_220 : memref<5120xf32, #tpu.memory_space<hbm>>) dst(%arg12 : memref<5120xf32, #tpu.memory_space<vmem>>)
      tpu.yield
    }) : () -> ()
    "tpu.region"() ({
      %run_scoped3A = tpu.sem_alloc : memref<!tpu.dma_semaphore, #tpu.memory_space<semaphore_mem>>
      %dma_start3A_217 = arith.constant 0 : i32
      %dma_start3A_218 = tpu.memref_slice %arg2[%dma_start3A_217] : memref<320000xi32, #tpu.memory_space<hbm>> -> memref<2560xi32, #tpu.memory_space<hbm>>
      %dma_start3A_219 = arith.constant 0 : i32
      %dma_start3A_220 = tpu.memref_slice %arg2[%dma_start3A_219] : memref<320000xi32, #tpu.memory_space<hbm>> -> memref<2560xi32, #tpu.memory_space<hbm>>
      tpu.enqueue_dma source(%dma_start3A_220 : memref<2560xi32, #tpu.memory_space<hbm>>) target(%arg7 : memref<2560xi32, #tpu.memory_space<vmem>>) target_semaphore(%run_scoped3A : memref<!tpu.dma_semaphore, #tpu.memory_space<semaphore_mem>>)
      %dma_wait3A_221 = arith.constant 0 : i32
      %dma_wait3A_222 = tpu.memref_slice %arg2[%dma_wait3A_221] : memref<320000xi32, #tpu.memory_space<hbm>> -> memref<2560xi32, #tpu.memory_space<hbm>>
      %dma_wait3A_223 = arith.constant 0 : i32
      %dma_wait3A_224 = tpu.memref_slice %arg2[%dma_wait3A_223] : memref<320000xi32, #tpu.memory_space<hbm>> -> memref<2560xi32, #tpu.memory_space<hbm>>
      tpu.wait_dma2 semaphore(%run_scoped3A : memref<!tpu.dma_semaphore, #tpu.memory_space<semaphore_mem>>) src(%dma_wait3A_224 : memref<2560xi32, #tpu.memory_space<hbm>>) dst(%arg7 : memref<2560xi32, #tpu.memory_space<vmem>>)
      tpu.yield
    }) : () -> ()
    "tpu.region"() ({
      %run_scoped3A = tpu.sem_alloc : memref<!tpu.dma_semaphore, #tpu.memory_space<semaphore_mem>>
      %dma_start3A_217 = arith.constant 0 : i32
      %dma_start3A_218 = tpu.memref_slice %arg3[%dma_start3A_217] : memref<320000xi32, #tpu.memory_space<hbm>> -> memref<2560xi32, #tpu.memory_space<hbm>>
      %dma_start3A_219 = arith.constant 0 : i32
      %dma_start3A_220 = tpu.memref_slice %arg3[%dma_start3A_219] : memref<320000xi32, #tpu.memory_space<hbm>> -> memref<2560xi32, #tpu.memory_space<hbm>>
      tpu.enqueue_dma source(%dma_start3A_220 : memref<2560xi32, #tpu.memory_space<hbm>>) target(%arg8 : memref<2560xi32, #tpu.memory_space<vmem>>) target_semaphore(%run_scoped3A : memref<!tpu.dma_semaphore, #tpu.memory_space<semaphore_mem>>)
      %dma_wait3A_221 = arith.constant 0 : i32
      %dma_wait3A_222 = tpu.memref_slice %arg3[%dma_wait3A_221] : memref<320000xi32, #tpu.memory_space<hbm>> -> memref<2560xi32, #tpu.memory_space<hbm>>
      %dma_wait3A_223 = arith.constant 0 : i32
      %dma_wait3A_224 = tpu.memref_slice %arg3[%dma_wait3A_223] : memref<320000xi32, #tpu.memory_space<hbm>> -> memref<2560xi32, #tpu.memory_space<hbm>>
      tpu.wait_dma2 semaphore(%run_scoped3A : memref<!tpu.dma_semaphore, #tpu.memory_space<semaphore_mem>>) src(%dma_wait3A_224 : memref<2560xi32, #tpu.memory_space<hbm>>) dst(%arg8 : memref<2560xi32, #tpu.memory_space<vmem>>)
      tpu.yield
    }) : () -> ()
    %scan3A_40 = arith.constant 0 : i32
    %scan3A_41 = arith.constant 40 : i32
    %scan3A_42 = arith.addi %scan3A_40, %scan3A_41 : i32
    %scan3A_43 = arith.constant 1 : i32
    %scan3A_44 = scf.for %scan3A_217 = %scan3A_40 to %scan3A_42 step %scan3A_43 iter_args(%scan3A_218 = %broadcast_in_dim3A_24) -> (vector<16xi32>)  : i32 {
      %mul3A_219 = arith.constant 4 : i32
      %mul3A_220 = arith.muli %mul3A_219, %scan3A_217 : i32
      %add3A_221 = arith.constant 0 : i32
      %add3A_222 = arith.addi %mul3A_220, %add3A_221 : i32
      %mul3A_223 = arith.constant 16 : i32
      %mul3A_224 = arith.muli %add3A_222, %mul3A_223 : i32
      %get3A = arith.index_cast %mul3A_224 : i32 to index
      %get3A_225 = tpu.vector_load %arg8[%get3A] {strides = array<i32>} : memref<2560xi32, #tpu.memory_space<vmem>>, vector<16xi32>,
      %add3A_226 = arith.constant 1 : i32
      %add3A_227 = arith.addi %mul3A_220, %add3A_226 : i32
      %mul3A_228 = arith.constant 16 : i32
      %mul3A_229 = arith.muli %add3A_227, %mul3A_228 : i32
      %get3A_230 = arith.index_cast %mul3A_229 : i32 to index
      %get3A_231 = tpu.vector_load %arg8[%get3A_230] {strides = array<i32>} : memref<2560xi32, #tpu.memory_space<vmem>>, vector<16xi32>,
      %add3A_232 = arith.constant 2 : i32
      %add3A_233 = arith.addi %mul3A_220, %add3A_232 : i32
      %mul3A_234 = arith.constant 16 : i32
      %mul3A_235 = arith.muli %add3A_233, %mul3A_234 : i32
      %get3A_236 = arith.index_cast %mul3A_235 : i32 to index
      %get3A_237 = tpu.vector_load %arg8[%get3A_236] {strides = array<i32>} : memref<2560xi32, #tpu.memory_space<vmem>>, vector<16xi32>,
      %add3A_238 = arith.constant 3 : i32
      %add3A_239 = arith.addi %mul3A_220, %add3A_238 : i32
      %mul3A_240 = arith.constant 16 : i32
      %mul3A_241 = arith.muli %add3A_239, %mul3A_240 : i32
      %get3A_242 = arith.index_cast %mul3A_241 : i32 to index
      %get3A_243 = tpu.vector_load %arg8[%get3A_242] {strides = array<i32>} : memref<2560xi32, #tpu.memory_space<vmem>>, vector<16xi32>,
      %add3A_244 = arith.constant 0 : i32
      %add3A_245 = arith.addi %mul3A_220, %add3A_244 : i32
      %mul3A_246 = arith.constant 16 : i32
      %mul3A_247 = arith.muli %add3A_245, %mul3A_246 : i32
      %get3A_248 = arith.index_cast %mul3A_247 : i32 to index
      %get3A_249 = tpu.vector_load %arg7[%get3A_248] {strides = array<i32>} : memref<2560xi32, #tpu.memory_space<vmem>>, vector<16xi32>,
      %add3A_250 = arith.constant 1 : i32
      %add3A_251 = arith.addi %mul3A_220, %add3A_250 : i32
      %mul3A_252 = arith.constant 16 : i32
      %mul3A_253 = arith.muli %add3A_251, %mul3A_252 : i32
      %get3A_254 = arith.index_cast %mul3A_253 : i32 to index
      %get3A_255 = tpu.vector_load %arg7[%get3A_254] {strides = array<i32>} : memref<2560xi32, #tpu.memory_space<vmem>>, vector<16xi32>,
      %add3A_256 = arith.constant 2 : i32
      %add3A_257 = arith.addi %mul3A_220, %add3A_256 : i32
      %mul3A_258 = arith.constant 16 : i32
      %mul3A_259 = arith.muli %add3A_257, %mul3A_258 : i32
      %get3A_260 = arith.index_cast %mul3A_259 : i32 to index
      %get3A_261 = tpu.vector_load %arg7[%get3A_260] {strides = array<i32>} : memref<2560xi32, #tpu.memory_space<vmem>>, vector<16xi32>,
      %add3A_262 = arith.constant 3 : i32
      %add3A_263 = arith.addi %mul3A_220, %add3A_262 : i32
      %mul3A_264 = arith.constant 16 : i32
      %mul3A_265 = arith.muli %add3A_263, %mul3A_264 : i32
      %get3A_266 = arith.index_cast %mul3A_265 : i32 to index
      %get3A_267 = tpu.vector_load %arg7[%get3A_266] {strides = array<i32>} : memref<2560xi32, #tpu.memory_space<vmem>>, vector<16xi32>,
      %sub3A_268 = vector.broadcast %mul3A_2 : i32 to vector<16xi32>
      %sub3A_269 = arith.subi %get3A_225, %sub3A_268 : vector<16xi32>
      %sub3A_270 = vector.broadcast %mul3A_2 : i32 to vector<16xi32>
      %sub3A_271 = arith.subi %get3A_231, %sub3A_270 : vector<16xi32>
      %sub3A_272 = vector.broadcast %mul3A_2 : i32 to vector<16xi32>
      %sub3A_273 = arith.subi %get3A_237, %sub3A_272 : vector<16xi32>
      %sub3A_274 = vector.broadcast %mul3A_2 : i32 to vector<16xi32>
      %sub3A_275 = arith.subi %get3A_243, %sub3A_274 : vector<16xi32>
      %lt3A_276 = arith.constant 320 : i32
      %lt3A_277 = vector.broadcast %lt3A_276 : i32 to vector<16xi32>
      %lt3A_278 = arith.cmpi ult, %sub3A_269, %lt3A_277 : vector<16xi32>
      %lt3A_279 = arith.constant 320 : i32
      %lt3A_280 = vector.broadcast %lt3A_279 : i32 to vector<16xi32>
      %lt3A_281 = arith.cmpi ult, %sub3A_271, %lt3A_280 : vector<16xi32>
      %lt3A_282 = arith.constant 320 : i32
      %lt3A_283 = vector.broadcast %lt3A_282 : i32 to vector<16xi32>
      %lt3A_284 = arith.cmpi ult, %sub3A_273, %lt3A_283 : vector<16xi32>
      %lt3A_285 = arith.constant 320 : i32
      %lt3A_286 = vector.broadcast %lt3A_285 : i32 to vector<16xi32>
      %lt3A_287 = arith.cmpi ult, %sub3A_275, %lt3A_286 : vector<16xi32>
      %jit3A_288 = arith.constant 1 : i32
      %jit3A_289 = arith.constant 0 : i32
      %broadcast_in_dim3A_290 = vector.broadcast %jit3A_288 : i32 to vector<16xi32>
      %broadcast_in_dim3A_291 = vector.broadcast %jit3A_289 : i32 to vector<16xi32>
      %select_n3A_292 = arith.select %lt3A_278, %broadcast_in_dim3A_290, %broadcast_in_dim3A_291 : vector<16xi1>, vector<16xi32>
      %broadcast_in_dim3A_293 = arith.constant true
      %broadcast_in_dim3A_294 = vector.broadcast %broadcast_in_dim3A_293 : i1 to vector<16xi1>
      %masked_cumsum3A = tpu.scan <sum>, %select_n3A_292 masked %broadcast_in_dim3A_294 : vector<16xi32>, vector<16xi1> -> vector<16xi32>
      %jit3A_295 = arith.constant 1 : i32
      %jit3A_296 = arith.constant 0 : i32
      %broadcast_in_dim3A_297 = vector.broadcast %jit3A_295 : i32 to vector<16xi32>
      %broadcast_in_dim3A_298 = vector.broadcast %jit3A_296 : i32 to vector<16xi32>
      %select_n3A_299 = arith.select %lt3A_281, %broadcast_in_dim3A_297, %broadcast_in_dim3A_298 : vector<16xi1>, vector<16xi32>
      %broadcast_in_dim3A_300 = arith.constant true
      %broadcast_in_dim3A_301 = vector.broadcast %broadcast_in_dim3A_300 : i1 to vector<16xi1>
      %masked_cumsum3A_302 = tpu.scan <sum>, %select_n3A_299 masked %broadcast_in_dim3A_301 : vector<16xi32>, vector<16xi1> -> vector<16xi32>
      %jit3A_303 = arith.constant 1 : i32
      %jit3A_304 = arith.constant 0 : i32
      %broadcast_in_dim3A_305 = vector.broadcast %jit3A_303 : i32 to vector<16xi32>
      %broadcast_in_dim3A_306 = vector.broadcast %jit3A_304 : i32 to vector<16xi32>
      %select_n3A_307 = arith.select %lt3A_284, %broadcast_in_dim3A_305, %broadcast_in_dim3A_306 : vector<16xi1>, vector<16xi32>
      %broadcast_in_dim3A_308 = arith.constant true
      %broadcast_in_dim3A_309 = vector.broadcast %broadcast_in_dim3A_308 : i1 to vector<16xi1>
      %masked_cumsum3A_310 = tpu.scan <sum>, %select_n3A_307 masked %broadcast_in_dim3A_309 : vector<16xi32>, vector<16xi1> -> vector<16xi32>
      %jit3A_311 = arith.constant 1 : i32
      %jit3A_312 = arith.constant 0 : i32
      %broadcast_in_dim3A_313 = vector.broadcast %jit3A_311 : i32 to vector<16xi32>
      %broadcast_in_dim3A_314 = vector.broadcast %jit3A_312 : i32 to vector<16xi32>
      %select_n3A_315 = arith.select %lt3A_287, %broadcast_in_dim3A_313, %broadcast_in_dim3A_314 : vector<16xi1>, vector<16xi32>
      %broadcast_in_dim3A_316 = arith.constant true
      %broadcast_in_dim3A_317 = vector.broadcast %broadcast_in_dim3A_316 : i1 to vector<16xi1>
      %masked_cumsum3A_318 = tpu.scan <sum>, %select_n3A_315 masked %broadcast_in_dim3A_317 : vector<16xi32>, vector<16xi1> -> vector<16xi32>
      %all_reduce_population_count3A = tpu.all_reduce %lt3A_278 {dim = 0 : i64, kind = #tpu.reduction_kind<sum>} : vector<16xi1> -> vector<16xi32>
      %all_reduce_population_count3A_319 = tpu.all_reduce %lt3A_281 {dim = 0 : i64, kind = #tpu.reduction_kind<sum>} : vector<16xi1> -> vector<16xi32>
      %all_reduce_population_count3A_320 = tpu.all_reduce %lt3A_284 {dim = 0 : i64, kind = #tpu.reduction_kind<sum>} : vector<16xi1> -> vector<16xi32>
      %all_reduce_population_count3A_321 = tpu.all_reduce %lt3A_287 {dim = 0 : i64, kind = #tpu.reduction_kind<sum>} : vector<16xi1> -> vector<16xi32>
      %add3A_322 = arith.addi %scan3A_218, %masked_cumsum3A : vector<16xi32>
      %sub3A_323 = arith.constant 1 : i32
      %sub3A_324 = vector.broadcast %sub3A_323 : i32 to vector<16xi32>
      %sub3A_325 = arith.subi %add3A_322, %sub3A_324 : vector<16xi32>
      %add3A_326 = arith.constant 0 : i32
      %add3A_327 = vector.broadcast %add3A_326 : i32 to vector<16xi32>
      %add3A_328 = arith.addi %add3A_327, %sub3A_325 : vector<16xi32>
      tpu.vector_store_idx %arg9[%add3A_328], %get3A_249 masked %lt3A_278 : memref<5120xi32, #tpu.memory_space<vmem>>[vector<16xi32>], vector<16xi32>, vector<16xi1>
      tpu.vector_store_idx %arg10[%add3A_328], %sub3A_269 masked %lt3A_278 : memref<5120xi32, #tpu.memory_space<vmem>>[vector<16xi32>], vector<16xi32>, vector<16xi1>
      %add3A_329 = arith.addi %scan3A_218, %all_reduce_population_count3A : vector<16xi32>
      %add3A_330 = arith.addi %add3A_329, %masked_cumsum3A_302 : vector<16xi32>
      %sub3A_331 = arith.constant 1 : i32
      %sub3A_332 = vector.broadcast %sub3A_331 : i32 to vector<16xi32>
      %sub3A_333 = arith.subi %add3A_330, %sub3A_332 : vector<16xi32>
      %add3A_334 = arith.constant 0 : i32
      %add3A_335 = vector.broadcast %add3A_334 : i32 to vector<16xi32>
      %add3A_336 = arith.addi %add3A_335, %sub3A_333 : vector<16xi32>
      tpu.vector_store_idx %arg9[%add3A_336], %get3A_255 masked %lt3A_281 : memref<5120xi32, #tpu.memory_space<vmem>>[vector<16xi32>], vector<16xi32>, vector<16xi1>
      tpu.vector_store_idx %arg10[%add3A_336], %sub3A_271 masked %lt3A_281 : memref<5120xi32, #tpu.memory_space<vmem>>[vector<16xi32>], vector<16xi32>, vector<16xi1>
      %add3A_337 = arith.addi %add3A_329, %all_reduce_population_count3A_319 : vector<16xi32>
      %add3A_338 = arith.addi %add3A_337, %masked_cumsum3A_310 : vector<16xi32>
      %sub3A_339 = arith.constant 1 : i32
      %sub3A_340 = vector.broadcast %sub3A_339 : i32 to vector<16xi32>
      %sub3A_341 = arith.subi %add3A_338, %sub3A_340 : vector<16xi32>
      %add3A_342 = arith.constant 0 : i32
      %add3A_343 = vector.broadcast %add3A_342 : i32 to vector<16xi32>
      %add3A_344 = arith.addi %add3A_343, %sub3A_341 : vector<16xi32>
      tpu.vector_store_idx %arg9[%add3A_344], %get3A_261 masked %lt3A_284 : memref<5120xi32, #tpu.memory_space<vmem>>[vector<16xi32>], vector<16xi32>, vector<16xi1>
      tpu.vector_store_idx %arg10[%add3A_344], %sub3A_273 masked %lt3A_284 : memref<5120xi32, #tpu.memory_space<vmem>>[vector<16xi32>], vector<16xi32>, vector<16xi1>
      %add3A_345 = arith.addi %add3A_337, %all_reduce_population_count3A_320 : vector<16xi32>
      %add3A_346 = arith.addi %add3A_345, %masked_cumsum3A_318 : vector<16xi32>
      %sub3A_347 = arith.constant 1 : i32
      %sub3A_348 = vector.broadcast %sub3A_347 : i32 to vector<16xi32>
      %sub3A_349 = arith.subi %add3A_346, %sub3A_348 : vector<16xi32>
      %add3A_350 = arith.constant 0 : i32
      %add3A_351 = vector.broadcast %add3A_350 : i32 to vector<16xi32>
      %add3A_352 = arith.addi %add3A_351, %sub3A_349 : vector<16xi32>
      tpu.vector_store_idx %arg9[%add3A_352], %get3A_267 masked %lt3A_287 : memref<5120xi32, #tpu.memory_space<vmem>>[vector<16xi32>], vector<16xi32>, vector<16xi1>
      tpu.vector_store_idx %arg10[%add3A_352], %sub3A_275 masked %lt3A_287 : memref<5120xi32, #tpu.memory_space<vmem>>[vector<16xi32>], vector<16xi32>, vector<16xi1>
      %add3A_353 = arith.addi %add3A_345, %all_reduce_population_count3A_321 : vector<16xi32>
      scf.yield %add3A_353 : vector<16xi32>
    }
    %scan3A_45 = arith.constant 40 : i32
    %reduce_max3A = arith.constant true
    %reduce_max3A_46 = vector.broadcast %reduce_max3A : i1 to vector<16xi1>
    %reduce_max3A_47 = arith.constant -2147483648 : i32
    %reduce_max3A_48 = vector.broadcast %reduce_max3A_47 : i32 to vector<16xi32>
    %reduce_max3A_49 = arith.xori %scan3A_44, %reduce_max3A_48 : vector<16xi32>
    %reduce_max3A_50 = tpu.scan <max>, %reduce_max3A_49 masked %reduce_max3A_46 : vector<16xi32>, vector<16xi1> -> vector<16xi32>
    %reduce_max3A_51 = arith.xori %reduce_max3A_50, %reduce_max3A_48 : vector<16xi32>
    %reduce_max3A_52 = vector.extract %reduce_max3A_51[15] : i32 from vector<16xi32>
    %dma_start3A = arith.constant 2560 : i32
    %dma_start3A_53 = tpu.memref_slice %arg2[%dma_start3A] : memref<320000xi32, #tpu.memory_space<hbm>> -> memref<2560xi32, #tpu.memory_space<hbm>>
    %dma_start3A_54 = arith.constant 2560 : i32
    %dma_start3A_55 = tpu.memref_slice %arg2[%dma_start3A_54] : memref<320000xi32, #tpu.memory_space<hbm>> -> memref<2560xi32, #tpu.memory_space<hbm>>
    tpu.enqueue_dma source(%dma_start3A_55 : memref<2560xi32, #tpu.memory_space<hbm>>) target(%arg7 : memref<2560xi32, #tpu.memory_space<vmem>>) target_semaphore(%arg15 : memref<!tpu.dma_semaphore, #tpu.memory_space<semaphore_mem>>)
    %dma_start3A_56 = arith.constant 2560 : i32
    %dma_start3A_57 = tpu.memref_slice %arg3[%dma_start3A_56] : memref<320000xi32, #tpu.memory_space<hbm>> -> memref<2560xi32, #tpu.memory_space<hbm>>
    %dma_start3A_58 = arith.constant 2560 : i32
    %dma_start3A_59 = tpu.memref_slice %arg3[%dma_start3A_58] : memref<320000xi32, #tpu.memory_space<hbm>> -> memref<2560xi32, #tpu.memory_space<hbm>>
    tpu.enqueue_dma source(%dma_start3A_59 : memref<2560xi32, #tpu.memory_space<hbm>>) target(%arg8 : memref<2560xi32, #tpu.memory_space<vmem>>) target_semaphore(%arg15 : memref<!tpu.dma_semaphore, #tpu.memory_space<semaphore_mem>>)
    %dma_start3A_60 = arith.constant 0 : i32
    %dma_start3A_61 = tpu.memref_slice %arg9[%dma_start3A_60] : memref<5120xi32, #tpu.memory_space<vmem>> -> memref<96xi32, #tpu.memory_space<vmem>>
    %dma_start3A_62 = arith.constant 0 : i32
    %dma_start3A_63 = arith.constant 0 : i32
    %dma_start3A_64 = tpu.memref_slice %arg4[%dma_start3A_62, %dma_start3A_63] : memref<10000x128xf32, #tpu.memory_space<hbm>> -> memref<10000x128xf32, #tpu.memory_space<hbm>>
    tpu.enqueue_indirect_dma source(%dma_start3A_64 : memref<10000x128xf32, #tpu.memory_space<hbm>>) target(%arg11 : memref<96x128xf32, #tpu.memory_space<vmem>>) offsets(%dma_start3A_61 : memref<96xi32, #tpu.memory_space<vmem>>) semaphore(%arg16 : memref<!tpu.dma_semaphore, #tpu.memory_space<semaphore_mem>>)
    %scan3A_65 = arith.constant 0 : i32
    %scan3A_66 = arith.constant 123 : i32
    %scan3A_67 = arith.addi %scan3A_65, %scan3A_66 : i32
    %scan3A_68 = arith.constant 1 : i32
    %scan3A_69 = scf.for %scan3A_217 = %scan3A_65 to %scan3A_67 step %scan3A_68 iter_args(%scan3A_218 = %reduce_max3A_52) -> (i32)  : i32 {
      %and3A_219 = arith.constant 1 : i32
      %and3A_220 = arith.andi %scan3A_217, %and3A_219 : i32
      %mul3A_221 = arith.constant 2560 : i32
      %mul3A_222 = arith.muli %and3A_220, %mul3A_221 : i32
      %add3A_223 = arith.constant 1 : i32
      %add3A_224 = arith.addi %scan3A_217, %add3A_223 : i32
      %and3A_225 = arith.constant 1 : i32
      %and3A_226 = arith.andi %add3A_224, %and3A_225 : i32
      %mul3A_227 = arith.constant 2560 : i32
      %mul3A_228 = arith.muli %and3A_226, %mul3A_227 : i32
      %dma_wait3A_229 = arith.constant 0 : i32
      %dma_wait3A_230 = tpu.memref_slice %arg2[%dma_wait3A_229] : memref<320000xi32, #tpu.memory_space<hbm>> -> memref<2560xi32, #tpu.memory_space<hbm>>
      %dma_wait3A_231 = arith.constant 0 : i32
      %dma_wait3A_232 = tpu.memref_slice %arg2[%dma_wait3A_231] : memref<320000xi32, #tpu.memory_space<hbm>> -> memref<2560xi32, #tpu.memory_space<hbm>>
      tpu.wait_dma2 semaphore(%arg15 : memref<!tpu.dma_semaphore, #tpu.memory_space<semaphore_mem>>) src(%dma_wait3A_232 : memref<2560xi32, #tpu.memory_space<hbm>>) dst(%arg7 : memref<2560xi32, #tpu.memory_space<vmem>>)
      %dma_wait3A_233 = arith.constant 0 : i32
      %dma_wait3A_234 = tpu.memref_slice %arg3[%dma_wait3A_233] : memref<320000xi32, #tpu.memory_space<hbm>> -> memref<2560xi32, #tpu.memory_space<hbm>>
      %dma_wait3A_235 = arith.constant 0 : i32
      %dma_wait3A_236 = tpu.memref_slice %arg3[%dma_wait3A_235] : memref<320000xi32, #tpu.memory_space<hbm>> -> memref<2560xi32, #tpu.memory_space<hbm>>
      tpu.wait_dma2 semaphore(%arg15 : memref<!tpu.dma_semaphore, #tpu.memory_space<semaphore_mem>>) src(%dma_wait3A_236 : memref<2560xi32, #tpu.memory_space<hbm>>) dst(%arg8 : memref<2560xi32, #tpu.memory_space<vmem>>)
      %scan3A_237 = arith.constant 0 : i32
      %scan3A_238 = arith.constant 40 : i32
      %scan3A_239 = arith.addi %scan3A_237, %scan3A_238 : i32
      %scan3A_240 = arith.constant 1 : i32
      %scan3A_241 = scf.for %scan3A_325 = %scan3A_237 to %scan3A_239 step %scan3A_240 iter_args(%scan3A_326 = %broadcast_in_dim3A_24) -> (vector<16xi32>)  : i32 {
        %mul3A_327 = arith.constant 4 : i32
        %mul3A_328 = arith.muli %mul3A_327, %scan3A_325 : i32
        %add3A_329 = arith.constant 0 : i32
        %add3A_330 = arith.addi %mul3A_328, %add3A_329 : i32
        %mul3A_331 = arith.constant 16 : i32
        %mul3A_332 = arith.muli %add3A_330, %mul3A_331 : i32
        %get3A = arith.index_cast %mul3A_332 : i32 to index
        %get3A_333 = tpu.vector_load %arg8[%get3A] {strides = array<i32>} : memref<2560xi32, #tpu.memory_space<vmem>>, vector<16xi32>,
        %add3A_334 = arith.constant 1 : i32
        %add3A_335 = arith.addi %mul3A_328, %add3A_334 : i32
        %mul3A_336 = arith.constant 16 : i32
        %mul3A_337 = arith.muli %add3A_335, %mul3A_336 : i32
        %get3A_338 = arith.index_cast %mul3A_337 : i32 to index
        %get3A_339 = tpu.vector_load %arg8[%get3A_338] {strides = array<i32>} : memref<2560xi32, #tpu.memory_space<vmem>>, vector<16xi32>,
        %add3A_340 = arith.constant 2 : i32
        %add3A_341 = arith.addi %mul3A_328, %add3A_340 : i32
        %mul3A_342 = arith.constant 16 : i32
        %mul3A_343 = arith.muli %add3A_341, %mul3A_342 : i32
        %get3A_344 = arith.index_cast %mul3A_343 : i32 to index
        %get3A_345 = tpu.vector_load %arg8[%get3A_344] {strides = array<i32>} : memref<2560xi32, #tpu.memory_space<vmem>>, vector<16xi32>,
        %add3A_346 = arith.constant 3 : i32
        %add3A_347 = arith.addi %mul3A_328, %add3A_346 : i32
        %mul3A_348 = arith.constant 16 : i32
        %mul3A_349 = arith.muli %add3A_347, %mul3A_348 : i32
        %get3A_350 = arith.index_cast %mul3A_349 : i32 to index
        %get3A_351 = tpu.vector_load %arg8[%get3A_350] {strides = array<i32>} : memref<2560xi32, #tpu.memory_space<vmem>>, vector<16xi32>,
        %add3A_352 = arith.constant 0 : i32
        %add3A_353 = arith.addi %mul3A_328, %add3A_352 : i32
        %mul3A_354 = arith.constant 16 : i32
        %mul3A_355 = arith.muli %add3A_353, %mul3A_354 : i32
        %get3A_356 = arith.index_cast %mul3A_355 : i32 to index
        %get3A_357 = tpu.vector_load %arg7[%get3A_356] {strides = array<i32>} : memref<2560xi32, #tpu.memory_space<vmem>>, vector<16xi32>,
        %add3A_358 = arith.constant 1 : i32
        %add3A_359 = arith.addi %mul3A_328, %add3A_358 : i32
        %mul3A_360 = arith.constant 16 : i32
        %mul3A_361 = arith.muli %add3A_359, %mul3A_360 : i32
        %get3A_362 = arith.index_cast %mul3A_361 : i32 to index
        %get3A_363 = tpu.vector_load %arg7[%get3A_362] {strides = array<i32>} : memref<2560xi32, #tpu.memory_space<vmem>>, vector<16xi32>,
        %add3A_364 = arith.constant 2 : i32
        %add3A_365 = arith.addi %mul3A_328, %add3A_364 : i32
        %mul3A_366 = arith.constant 16 : i32
        %mul3A_367 = arith.muli %add3A_365, %mul3A_366 : i32
        %get3A_368 = arith.index_cast %mul3A_367 : i32 to index
        %get3A_369 = tpu.vector_load %arg7[%get3A_368] {strides = array<i32>} : memref<2560xi32, #tpu.memory_space<vmem>>, vector<16xi32>,
        %add3A_370 = arith.constant 3 : i32
        %add3A_371 = arith.addi %mul3A_328, %add3A_370 : i32
        %mul3A_372 = arith.constant 16 : i32
        %mul3A_373 = arith.muli %add3A_371, %mul3A_372 : i32
        %get3A_374 = arith.index_cast %mul3A_373 : i32 to index
        %get3A_375 = tpu.vector_load %arg7[%get3A_374] {strides = array<i32>} : memref<2560xi32, #tpu.memory_space<vmem>>, vector<16xi32>,
        %sub3A_376 = vector.broadcast %mul3A_2 : i32 to vector<16xi32>
        %sub3A_377 = arith.subi %get3A_333, %sub3A_376 : vector<16xi32>
        %sub3A_378 = vector.broadcast %mul3A_2 : i32 to vector<16xi32>
        %sub3A_379 = arith.subi %get3A_339, %sub3A_378 : vector<16xi32>
        %sub3A_380 = vector.broadcast %mul3A_2 : i32 to vector<16xi32>
        %sub3A_381 = arith.subi %get3A_345, %sub3A_380 : vector<16xi32>
        %sub3A_382 = vector.broadcast %mul3A_2 : i32 to vector<16xi32>
        %sub3A_383 = arith.subi %get3A_351, %sub3A_382 : vector<16xi32>
        %lt3A_384 = arith.constant 320 : i32
        %lt3A_385 = vector.broadcast %lt3A_384 : i32 to vector<16xi32>
        %lt3A_386 = arith.cmpi ult, %sub3A_377, %lt3A_385 : vector<16xi32>
        %lt3A_387 = arith.constant 320 : i32
        %lt3A_388 = vector.broadcast %lt3A_387 : i32 to vector<16xi32>
        %lt3A_389 = arith.cmpi ult, %sub3A_379, %lt3A_388 : vector<16xi32>
        %lt3A_390 = arith.constant 320 : i32
        %lt3A_391 = vector.broadcast %lt3A_390 : i32 to vector<16xi32>
        %lt3A_392 = arith.cmpi ult, %sub3A_381, %lt3A_391 : vector<16xi32>
        %lt3A_393 = arith.constant 320 : i32
        %lt3A_394 = vector.broadcast %lt3A_393 : i32 to vector<16xi32>
        %lt3A_395 = arith.cmpi ult, %sub3A_383, %lt3A_394 : vector<16xi32>
        %jit3A_396 = arith.constant 1 : i32
        %jit3A_397 = arith.constant 0 : i32
        %broadcast_in_dim3A_398 = vector.broadcast %jit3A_396 : i32 to vector<16xi32>
        %broadcast_in_dim3A_399 = vector.broadcast %jit3A_397 : i32 to vector<16xi32>
        %select_n3A_400 = arith.select %lt3A_386, %broadcast_in_dim3A_398, %broadcast_in_dim3A_399 : vector<16xi1>, vector<16xi32>
        %broadcast_in_dim3A_401 = arith.constant true
        %broadcast_in_dim3A_402 = vector.broadcast %broadcast_in_dim3A_401 : i1 to vector<16xi1>
        %masked_cumsum3A = tpu.scan <sum>, %select_n3A_400 masked %broadcast_in_dim3A_402 : vector<16xi32>, vector<16xi1> -> vector<16xi32>
        %jit3A_403 = arith.constant 1 : i32
        %jit3A_404 = arith.constant 0 : i32
        %broadcast_in_dim3A_405 = vector.broadcast %jit3A_403 : i32 to vector<16xi32>
        %broadcast_in_dim3A_406 = vector.broadcast %jit3A_404 : i32 to vector<16xi32>
        %select_n3A_407 = arith.select %lt3A_389, %broadcast_in_dim3A_405, %broadcast_in_dim3A_406 : vector<16xi1>, vector<16xi32>
        %broadcast_in_dim3A_408 = arith.constant true
        %broadcast_in_dim3A_409 = vector.broadcast %broadcast_in_dim3A_408 : i1 to vector<16xi1>
        %masked_cumsum3A_410 = tpu.scan <sum>, %select_n3A_407 masked %broadcast_in_dim3A_409 : vector<16xi32>, vector<16xi1> -> vector<16xi32>
        %jit3A_411 = arith.constant 1 : i32
        %jit3A_412 = arith.constant 0 : i32
        %broadcast_in_dim3A_413 = vector.broadcast %jit3A_411 : i32 to vector<16xi32>
        %broadcast_in_dim3A_414 = vector.broadcast %jit3A_412 : i32 to vector<16xi32>
        %select_n3A_415 = arith.select %lt3A_392, %broadcast_in_dim3A_413, %broadcast_in_dim3A_414 : vector<16xi1>, vector<16xi32>
        %broadcast_in_dim3A_416 = arith.constant true
        %broadcast_in_dim3A_417 = vector.broadcast %broadcast_in_dim3A_416 : i1 to vector<16xi1>
        %masked_cumsum3A_418 = tpu.scan <sum>, %select_n3A_415 masked %broadcast_in_dim3A_417 : vector<16xi32>, vector<16xi1> -> vector<16xi32>
        %jit3A_419 = arith.constant 1 : i32
        %jit3A_420 = arith.constant 0 : i32
        %broadcast_in_dim3A_421 = vector.broadcast %jit3A_419 : i32 to vector<16xi32>
        %broadcast_in_dim3A_422 = vector.broadcast %jit3A_420 : i32 to vector<16xi32>
        %select_n3A_423 = arith.select %lt3A_395, %broadcast_in_dim3A_421, %broadcast_in_dim3A_422 : vector<16xi1>, vector<16xi32>
        %broadcast_in_dim3A_424 = arith.constant true
        %broadcast_in_dim3A_425 = vector.broadcast %broadcast_in_dim3A_424 : i1 to vector<16xi1>
        %masked_cumsum3A_426 = tpu.scan <sum>, %select_n3A_423 masked %broadcast_in_dim3A_425 : vector<16xi32>, vector<16xi1> -> vector<16xi32>
        %all_reduce_population_count3A = tpu.all_reduce %lt3A_386 {dim = 0 : i64, kind = #tpu.reduction_kind<sum>} : vector<16xi1> -> vector<16xi32>
        %all_reduce_population_count3A_427 = tpu.all_reduce %lt3A_389 {dim = 0 : i64, kind = #tpu.reduction_kind<sum>} : vector<16xi1> -> vector<16xi32>
        %all_reduce_population_count3A_428 = tpu.all_reduce %lt3A_392 {dim = 0 : i64, kind = #tpu.reduction_kind<sum>} : vector<16xi1> -> vector<16xi32>
        %all_reduce_population_count3A_429 = tpu.all_reduce %lt3A_395 {dim = 0 : i64, kind = #tpu.reduction_kind<sum>} : vector<16xi1> -> vector<16xi32>
        %add3A_430 = arith.addi %scan3A_326, %masked_cumsum3A : vector<16xi32>
        %sub3A_431 = arith.constant 1 : i32
        %sub3A_432 = vector.broadcast %sub3A_431 : i32 to vector<16xi32>
        %sub3A_433 = arith.subi %add3A_430, %sub3A_432 : vector<16xi32>
        %add3A_434 = vector.broadcast %mul3A_228 : i32 to vector<16xi32>
        %add3A_435 = arith.addi %add3A_434, %sub3A_433 : vector<16xi32>
        tpu.vector_store_idx %arg9[%add3A_435], %get3A_357 masked %lt3A_386 : memref<5120xi32, #tpu.memory_space<vmem>>[vector<16xi32>], vector<16xi32>, vector<16xi1>
        tpu.vector_store_idx %arg10[%add3A_435], %sub3A_377 masked %lt3A_386 : memref<5120xi32, #tpu.memory_space<vmem>>[vector<16xi32>], vector<16xi32>, vector<16xi1>
        %add3A_436 = arith.addi %scan3A_326, %all_reduce_population_count3A : vector<16xi32>
        %add3A_437 = arith.addi %add3A_436, %masked_cumsum3A_410 : vector<16xi32>
        %sub3A_438 = arith.constant 1 : i32
        %sub3A_439 = vector.broadcast %sub3A_438 : i32 to vector<16xi32>
        %sub3A_440 = arith.subi %add3A_437, %sub3A_439 : vector<16xi32>
        %add3A_441 = vector.broadcast %mul3A_228 : i32 to vector<16xi32>
        %add3A_442 = arith.addi %add3A_441, %sub3A_440 : vector<16xi32>
        tpu.vector_store_idx %arg9[%add3A_442], %get3A_363 masked %lt3A_389 : memref<5120xi32, #tpu.memory_space<vmem>>[vector<16xi32>], vector<16xi32>, vector<16xi1>
        tpu.vector_store_idx %arg10[%add3A_442], %sub3A_379 masked %lt3A_389 : memref<5120xi32, #tpu.memory_space<vmem>>[vector<16xi32>], vector<16xi32>, vector<16xi1>
        %add3A_443 = arith.addi %add3A_436, %all_reduce_population_count3A_427 : vector<16xi32>
        %add3A_444 = arith.addi %add3A_443, %masked_cumsum3A_418 : vector<16xi32>
        %sub3A_445 = arith.constant 1 : i32
        %sub3A_446 = vector.broadcast %sub3A_445 : i32 to vector<16xi32>
        %sub3A_447 = arith.subi %add3A_444, %sub3A_446 : vector<16xi32>
        %add3A_448 = vector.broadcast %mul3A_228 : i32 to vector<16xi32>
        %add3A_449 = arith.addi %add3A_448, %sub3A_447 : vector<16xi32>
        tpu.vector_store_idx %arg9[%add3A_449], %get3A_369 masked %lt3A_392 : memref<5120xi32, #tpu.memory_space<vmem>>[vector<16xi32>], vector<16xi32>, vector<16xi1>
        tpu.vector_store_idx %arg10[%add3A_449], %sub3A_381 masked %lt3A_392 : memref<5120xi32, #tpu.memory_space<vmem>>[vector<16xi32>], vector<16xi32>, vector<16xi1>
        %add3A_450 = arith.addi %add3A_443, %all_reduce_population_count3A_428 : vector<16xi32>
        %add3A_451 = arith.addi %add3A_450, %masked_cumsum3A_426 : vector<16xi32>
        %sub3A_452 = arith.constant 1 : i32
        %sub3A_453 = vector.broadcast %sub3A_452 : i32 to vector<16xi32>
        %sub3A_454 = arith.subi %add3A_451, %sub3A_453 : vector<16xi32>
        %add3A_455 = vector.broadcast %mul3A_228 : i32 to vector<16xi32>
        %add3A_456 = arith.addi %add3A_455, %sub3A_454 : vector<16xi32>
        tpu.vector_store_idx %arg9[%add3A_456], %get3A_375 masked %lt3A_395 : memref<5120xi32, #tpu.memory_space<vmem>>[vector<16xi32>], vector<16xi32>, vector<16xi1>
        tpu.vector_store_idx %arg10[%add3A_456], %sub3A_383 masked %lt3A_395 : memref<5120xi32, #tpu.memory_space<vmem>>[vector<16xi32>], vector<16xi32>, vector<16xi1>
        %add3A_457 = arith.addi %add3A_450, %all_reduce_population_count3A_429 : vector<16xi32>
        scf.yield %add3A_457 : vector<16xi32>
      }
      %scan3A_242 = arith.constant 40 : i32
      %reduce_max3A_243 = arith.constant true
      %reduce_max3A_244 = vector.broadcast %reduce_max3A_243 : i1 to vector<16xi1>
      %reduce_max3A_245 = arith.constant -2147483648 : i32
      %reduce_max3A_246 = vector.broadcast %reduce_max3A_245 : i32 to vector<16xi32>
      %reduce_max3A_247 = arith.xori %scan3A_241, %reduce_max3A_246 : vector<16xi32>
      %reduce_max3A_248 = tpu.scan <max>, %reduce_max3A_247 masked %reduce_max3A_244 : vector<16xi32>, vector<16xi1> -> vector<16xi32>
      %reduce_max3A_249 = arith.xori %reduce_max3A_248, %reduce_max3A_246 : vector<16xi32>
      %reduce_max3A_250 = vector.extract %reduce_max3A_249[15] : i32 from vector<16xi32>
      %add3A_251 = arith.constant 2 : i32
      %add3A_252 = arith.addi %scan3A_217, %add3A_251 : i32
      %mul3A_253 = arith.constant 2560 : i32
      %mul3A_254 = arith.muli %add3A_252, %mul3A_253 : i32
      %dma_start3A_255 = tpu.memref_slice %arg2[%mul3A_254] : memref<320000xi32, #tpu.memory_space<hbm>> -> memref<2560xi32, #tpu.memory_space<hbm>>
      %dma_start3A_256 = tpu.memref_slice %arg2[%mul3A_254] : memref<320000xi32, #tpu.memory_space<hbm>> -> memref<2560xi32, #tpu.memory_space<hbm>>
      tpu.enqueue_dma source(%dma_start3A_256 : memref<2560xi32, #tpu.memory_space<hbm>>) target(%arg7 : memref<2560xi32, #tpu.memory_space<vmem>>) target_semaphore(%arg15 : memref<!tpu.dma_semaphore, #tpu.memory_space<semaphore_mem>>)
      %mul3A_257 = arith.constant 2560 : i32
      %mul3A_258 = arith.muli %add3A_252, %mul3A_257 : i32
      %dma_start3A_259 = tpu.memref_slice %arg3[%mul3A_258] : memref<320000xi32, #tpu.memory_space<hbm>> -> memref<2560xi32, #tpu.memory_space<hbm>>
      %dma_start3A_260 = tpu.memref_slice %arg3[%mul3A_258] : memref<320000xi32, #tpu.memory_space<hbm>> -> memref<2560xi32, #tpu.memory_space<hbm>>
      tpu.enqueue_dma source(%dma_start3A_260 : memref<2560xi32, #tpu.memory_space<hbm>>) target(%arg8 : memref<2560xi32, #tpu.memory_space<vmem>>) target_semaphore(%arg15 : memref<!tpu.dma_semaphore, #tpu.memory_space<semaphore_mem>>)
      %dma_wait3A_261 = arith.constant 0 : i32
      %dma_wait3A_262 = arith.constant 0 : i32
      %dma_wait3A_263 = tpu.memref_slice %arg4[%dma_wait3A_261, %dma_wait3A_262] : memref<10000x128xf32, #tpu.memory_space<hbm>> -> memref<96x128xf32, #tpu.memory_space<hbm>>
      %dma_wait3A_264 = arith.constant 0 : i32
      %dma_wait3A_265 = arith.constant 0 : i32
      %dma_wait3A_266 = tpu.memref_slice %arg4[%dma_wait3A_264, %dma_wait3A_265] : memref<10000x128xf32, #tpu.memory_space<hbm>> -> memref<96x128xf32, #tpu.memory_space<hbm>>
      tpu.wait_dma2 semaphore(%arg16 : memref<!tpu.dma_semaphore, #tpu.memory_space<semaphore_mem>>) src(%dma_wait3A_266 : memref<96x128xf32, #tpu.memory_space<hbm>>) dst(%arg11 : memref<96x128xf32, #tpu.memory_space<vmem>>)
      %min3A_267 = arith.constant 96 : i32
      %min3A_268 = arith.minsi %scan3A_218, %min3A_267 : i32
      %while3A_269 = arith.constant 0 : i32
      %while3A_270 = arith.constant 0 : i32
      %while3A_271 = arith.subi %min3A_268, %while3A_269 : i32
      %while3A_272 = arith.addi %while3A_269, %while3A_271 : i32
      %while3A_273 = arith.constant 1 : i32
      %while3A_274 = arith.divsi %while3A_271, %while3A_273 : i32
      %while3A_275 = arith.muli %while3A_274, %while3A_273 : i32
      %while3A_276 = arith.addi %while3A_269, %while3A_275 : i32
      %while3A_277 = arith.constant 1 : i32
      %while3A_278 = scf.for %while3A_325 = %while3A_269 to %while3A_276 step %while3A_277 iter_args(%while3A_326 = %while3A_270) -> (i32)  : i32 {
        %add3A_327 = arith.constant 0 : i32
        %add3A_328 = arith.addi %mul3A_222, %add3A_327 : i32
        %add3A_329 = arith.addi %add3A_328, %while3A_325 : i32
        %broadcast_in_dim3A_330 = vector.broadcast %add3A_329 : i32 to vector<16xi32>
        %gather3A = tpu.vector_load_idx %arg10[%broadcast_in_dim3A_330] : memref<5120xi32, #tpu.memory_space<vmem>>[vector<16xi32>], vector<16xi32>,
        %mul3A_331 = arith.constant 16 : i32
        %mul3A_332 = vector.broadcast %mul3A_331 : i32 to vector<16xi32>
        %mul3A_333 = arith.muli %gather3A, %mul3A_332 : vector<16xi32>
        %add3A_334 = arith.addi %mul3A_333, %iota3A : vector<16xi32>
        %gather3A_335 = tpu.vector_load_idx %arg12[%add3A_334] : memref<5120xf32, #tpu.memory_space<vmem>>[vector<16xi32>], vector<16xf32>,
        %get3A = arith.index_cast %while3A_325 : i32 to index
        %get3A_336 = arith.constant 64 : index
        %get3A_337 = tpu.vector_load %arg11[%get3A, %get3A_336] {strides = array<i32>} : memref<96x128xf32, #tpu.memory_space<vmem>>, vector<16xf32>,
        %add3A_338 = arith.addf %get3A_337, %gather3A_335 : vector<16xf32>
        %gt3A = arith.constant 0.000000e+00 : f32
        %gt3A_339 = vector.broadcast %gt3A : f32 to vector<16xf32>
        %gt3A_340 = arith.cmpf ogt, %add3A_338, %gt3A_339 : vector<16xf32>
        %mul3A_341 = arith.constant 2.000000e-01 : f32
        %mul3A_342 = vector.broadcast %mul3A_341 : f32 to vector<16xf32>
        %mul3A_343 = arith.mulf %mul3A_342, %add3A_338 : vector<16xf32>
        %select_n3A_344 = arith.select %gt3A_340, %add3A_338, %mul3A_343 : vector<16xi1>, vector<16xf32>
        %exp3A = math.exp %select_n3A_344 : vector<16xf32>
        tpu.vector_store_idx %arg14[%add3A_334], %exp3A masked %lt3A_4 {add = true} : memref<5136xf32, #tpu.memory_space<vmem>>[vector<16xi32>], vector<16xf32>, vector<16xi1>
        %mul3A_345 = arith.constant 128 : i32
        %mul3A_346 = vector.broadcast %mul3A_345 : i32 to vector<16xi32>
        %mul3A_347 = arith.muli %gather3A, %mul3A_346 : vector<16xi32>
        %get3A_348 = arith.index_cast %while3A_325 : i32 to index
        %get3A_349 = arith.constant 0 : index
        %get3A_350 = tpu.vector_load %arg11[%get3A_348, %get3A_349] {strides = array<i32>} : memref<96x128xf32, #tpu.memory_space<vmem>>, vector<16xf32>,
        %bitcast3A = vector.bitcast %get3A_350 : vector<16xf32> to vector<32xbf16>
        %get3A_351 = arith.index_cast %while3A_325 : i32 to index
        %get3A_352 = arith.constant 16 : index
        %get3A_353 = tpu.vector_load %arg11[%get3A_351, %get3A_352] {strides = array<i32>} : memref<96x128xf32, #tpu.memory_space<vmem>>, vector<16xf32>,
        %bitcast3A_354 = vector.bitcast %get3A_353 : vector<16xf32> to vector<32xbf16>
        %get3A_355 = arith.index_cast %while3A_325 : i32 to index
        %get3A_356 = arith.constant 32 : index
        %get3A_357 = tpu.vector_load %arg11[%get3A_355, %get3A_356] {strides = array<i32>} : memref<96x128xf32, #tpu.memory_space<vmem>>, vector<16xf32>,
        %bitcast3A_358 = vector.bitcast %get3A_357 : vector<16xf32> to vector<32xbf16>
        %get3A_359 = arith.index_cast %while3A_325 : i32 to index
        %get3A_360 = arith.constant 48 : index
        %get3A_361 = tpu.vector_load %arg11[%get3A_359, %get3A_360] {strides = array<i32>} : memref<96x128xf32, #tpu.memory_space<vmem>>, vector<16xf32>,
        %bitcast3A_362 = vector.bitcast %get3A_361 : vector<16xf32> to vector<32xbf16>
        %unpack3A = tpu.unpack_subelements %bitcast3A, 0 {pack_format = #tpu.pack_format<interleaved>} : vector<32xbf16> -> vector<16xf32>
        %unpack3A_363 = tpu.unpack_subelements %bitcast3A, 1 {pack_format = #tpu.pack_format<interleaved>} : vector<32xbf16> -> vector<16xf32>
        %unpack3A_364 = tpu.unpack_subelements %bitcast3A_354, 0 {pack_format = #tpu.pack_format<interleaved>} : vector<32xbf16> -> vector<16xf32>
        %unpack3A_365 = tpu.unpack_subelements %bitcast3A_354, 1 {pack_format = #tpu.pack_format<interleaved>} : vector<32xbf16> -> vector<16xf32>
        %unpack3A_366 = tpu.unpack_subelements %bitcast3A_358, 0 {pack_format = #tpu.pack_format<interleaved>} : vector<32xbf16> -> vector<16xf32>
        %unpack3A_367 = tpu.unpack_subelements %bitcast3A_358, 1 {pack_format = #tpu.pack_format<interleaved>} : vector<32xbf16> -> vector<16xf32>
        %unpack3A_368 = tpu.unpack_subelements %bitcast3A_362, 0 {pack_format = #tpu.pack_format<interleaved>} : vector<32xbf16> -> vector<16xf32>
        %unpack3A_369 = tpu.unpack_subelements %bitcast3A_362, 1 {pack_format = #tpu.pack_format<interleaved>} : vector<32xbf16> -> vector<16xf32>
        %add3A_370 = arith.constant 0 : i32
        %add3A_371 = vector.broadcast %add3A_370 : i32 to vector<16xi32>
        %add3A_372 = arith.addi %shift_right_arithmetic3A_9, %add3A_371 : vector<16xi32>
        %broadcast_in_dim3A_373 = vector.shape_cast %add3A_372 : vector<16xi32> to vector<16x1xi32>
        %gather3A_374 = vector.shape_cast %broadcast_in_dim3A_373 : vector<16x1xi32> to vector<16xi32>
        %gather3A_375 = tpu.dynamic_gather %exp3A[%gather3A_374] in [0] : vector<16xf32>, vector<16xi32> -> vector<16xf32>
        %add3A_376 = arith.constant 2 : i32
        %add3A_377 = vector.broadcast %add3A_376 : i32 to vector<16xi32>
        %add3A_378 = arith.addi %shift_right_arithmetic3A_9, %add3A_377 : vector<16xi32>
        %broadcast_in_dim3A_379 = vector.shape_cast %add3A_378 : vector<16xi32> to vector<16x1xi32>
        %gather3A_380 = vector.shape_cast %broadcast_in_dim3A_379 : vector<16x1xi32> to vector<16xi32>
        %gather3A_381 = tpu.dynamic_gather %exp3A[%gather3A_380] in [0] : vector<16xf32>, vector<16xi32> -> vector<16xf32>
        %add3A_382 = arith.constant 4 : i32
        %add3A_383 = vector.broadcast %add3A_382 : i32 to vector<16xi32>
        %add3A_384 = arith.addi %shift_right_arithmetic3A_9, %add3A_383 : vector<16xi32>
        %broadcast_in_dim3A_385 = vector.shape_cast %add3A_384 : vector<16xi32> to vector<16x1xi32>
        %gather3A_386 = vector.shape_cast %broadcast_in_dim3A_385 : vector<16x1xi32> to vector<16xi32>
        %gather3A_387 = tpu.dynamic_gather %exp3A[%gather3A_386] in [0] : vector<16xf32>, vector<16xi32> -> vector<16xf32>
        %add3A_388 = arith.constant 6 : i32
        %add3A_389 = vector.broadcast %add3A_388 : i32 to vector<16xi32>
        %add3A_390 = arith.addi %shift_right_arithmetic3A_9, %add3A_389 : vector<16xi32>
        %broadcast_in_dim3A_391 = vector.shape_cast %add3A_390 : vector<16xi32> to vector<16x1xi32>
        %gather3A_392 = vector.shape_cast %broadcast_in_dim3A_391 : vector<16x1xi32> to vector<16xi32>
        %gather3A_393 = tpu.dynamic_gather %exp3A[%gather3A_392] in [0] : vector<16xf32>, vector<16xi32> -> vector<16xf32>
        %add3A_394 = arith.constant 0 : i32
        %add3A_395 = vector.broadcast %add3A_394 : i32 to vector<16xi32>
        %add3A_396 = arith.addi %add3A_395, %add3A_21 : vector<16xi32>
        %add3A_397 = arith.addi %mul3A_347, %add3A_396 : vector<16xi32>
        %mul3A_398 = arith.mulf %unpack3A, %gather3A_375 : vector<16xf32>
        tpu.vector_store_idx %arg13[%add3A_397], %mul3A_398 {add = true} : memref<41088xf32, #tpu.memory_space<vmem>>[vector<16xi32>], vector<16xf32>,
        %add3A_399 = arith.constant 1 : i32
        %add3A_400 = vector.broadcast %add3A_399 : i32 to vector<16xi32>
        %add3A_401 = arith.addi %add3A_397, %add3A_400 : vector<16xi32>
        %mul3A_402 = arith.mulf %unpack3A_363, %gather3A_375 : vector<16xf32>
        tpu.vector_store_idx %arg13[%add3A_401], %mul3A_402 {add = true} : memref<41088xf32, #tpu.memory_space<vmem>>[vector<16xi32>], vector<16xf32>,
        %add3A_403 = arith.constant 32 : i32
        %add3A_404 = vector.broadcast %add3A_403 : i32 to vector<16xi32>
        %add3A_405 = arith.addi %add3A_404, %add3A_21 : vector<16xi32>
        %add3A_406 = arith.addi %mul3A_347, %add3A_405 : vector<16xi32>
        %mul3A_407 = arith.mulf %unpack3A_364, %gather3A_381 : vector<16xf32>
        tpu.vector_store_idx %arg13[%add3A_406], %mul3A_407 {add = true} : memref<41088xf32, #tpu.memory_space<vmem>>[vector<16xi32>], vector<16xf32>,
        %add3A_408 = arith.constant 1 : i32
        %add3A_409 = vector.broadcast %add3A_408 : i32 to vector<16xi32>
        %add3A_410 = arith.addi %add3A_406, %add3A_409 : vector<16xi32>
        %mul3A_411 = arith.mulf %unpack3A_365, %gather3A_381 : vector<16xf32>
        tpu.vector_store_idx %arg13[%add3A_410], %mul3A_411 {add = true} : memref<41088xf32, #tpu.memory_space<vmem>>[vector<16xi32>], vector<16xf32>,
        %add3A_412 = arith.constant 64 : i32
        %add3A_413 = vector.broadcast %add3A_412 : i32 to vector<16xi32>
        %add3A_414 = arith.addi %add3A_413, %add3A_21 : vector<16xi32>
        %add3A_415 = arith.addi %mul3A_347, %add3A_414 : vector<16xi32>
        %mul3A_416 = arith.mulf %unpack3A_366, %gather3A_387 : vector<16xf32>
        tpu.vector_store_idx %arg13[%add3A_415], %mul3A_416 {add = true} : memref<41088xf32, #tpu.memory_space<vmem>>[vector<16xi32>], vector<16xf32>,
        %add3A_417 = arith.constant 1 : i32
        %add3A_418 = vector.broadcast %add3A_417 : i32 to vector<16xi32>
        %add3A_419 = arith.addi %add3A_415, %add3A_418 : vector<16xi32>
        %mul3A_420 = arith.mulf %unpack3A_367, %gather3A_387 : vector<16xf32>
        tpu.vector_store_idx %arg13[%add3A_419], %mul3A_420 {add = true} : memref<41088xf32, #tpu.memory_space<vmem>>[vector<16xi32>], vector<16xf32>,
        %add3A_421 = arith.constant 96 : i32
        %add3A_422 = vector.broadcast %add3A_421 : i32 to vector<16xi32>
        %add3A_423 = arith.addi %add3A_422, %add3A_21 : vector<16xi32>
        %add3A_424 = arith.addi %mul3A_347, %add3A_423 : vector<16xi32>
        %mul3A_425 = arith.mulf %unpack3A_368, %gather3A_393 : vector<16xf32>
        tpu.vector_store_idx %arg13[%add3A_424], %mul3A_425 {add = true} : memref<41088xf32, #tpu.memory_space<vmem>>[vector<16xi32>], vector<16xf32>,
        %add3A_426 = arith.constant 1 : i32
        %add3A_427 = vector.broadcast %add3A_426 : i32 to vector<16xi32>
        %add3A_428 = arith.addi %add3A_424, %add3A_427 : vector<16xi32>
        %mul3A_429 = arith.mulf %unpack3A_369, %gather3A_393 : vector<16xf32>
        tpu.vector_store_idx %arg13[%add3A_428], %mul3A_429 {add = true} : memref<41088xf32, #tpu.memory_space<vmem>>[vector<16xi32>], vector<16xf32>,
        %while3A_430 = arith.constant 0 : i32
        scf.yield %while3A_430 : i32
      }
      %while3A_279 = arith.constant 1 : i32
      %while3A_280 = scf.for %while3A_325 = %while3A_276 to %while3A_272 step %while3A_279 iter_args(%while3A_326 = %while3A_278) -> (i32)  : i32 {
        %add3A_327 = arith.constant 0 : i32
        %add3A_328 = arith.addi %mul3A_222, %add3A_327 : i32
        %add3A_329 = arith.addi %add3A_328, %while3A_325 : i32
        %broadcast_in_dim3A_330 = vector.broadcast %add3A_329 : i32 to vector<16xi32>
        %gather3A = tpu.vector_load_idx %arg10[%broadcast_in_dim3A_330] : memref<5120xi32, #tpu.memory_space<vmem>>[vector<16xi32>], vector<16xi32>,
        %mul3A_331 = arith.constant 16 : i32
        %mul3A_332 = vector.broadcast %mul3A_331 : i32 to vector<16xi32>
        %mul3A_333 = arith.muli %gather3A, %mul3A_332 : vector<16xi32>
        %add3A_334 = arith.addi %mul3A_333, %iota3A : vector<16xi32>
        %gather3A_335 = tpu.vector_load_idx %arg12[%add3A_334] : memref<5120xf32, #tpu.memory_space<vmem>>[vector<16xi32>], vector<16xf32>,
        %get3A = arith.index_cast %while3A_325 : i32 to index
        %get3A_336 = arith.constant 64 : index
        %get3A_337 = tpu.vector_load %arg11[%get3A, %get3A_336] {strides = array<i32>} : memref<96x128xf32, #tpu.memory_space<vmem>>, vector<16xf32>,
        %add3A_338 = arith.addf %get3A_337, %gather3A_335 : vector<16xf32>
        %gt3A = arith.constant 0.000000e+00 : f32
        %gt3A_339 = vector.broadcast %gt3A : f32 to vector<16xf32>
        %gt3A_340 = arith.cmpf ogt, %add3A_338, %gt3A_339 : vector<16xf32>
        %mul3A_341 = arith.constant 2.000000e-01 : f32
        %mul3A_342 = vector.broadcast %mul3A_341 : f32 to vector<16xf32>
        %mul3A_343 = arith.mulf %mul3A_342, %add3A_338 : vector<16xf32>
        %select_n3A_344 = arith.select %gt3A_340, %add3A_338, %mul3A_343 : vector<16xi1>, vector<16xf32>
        %exp3A = math.exp %select_n3A_344 : vector<16xf32>
        tpu.vector_store_idx %arg14[%add3A_334], %exp3A masked %lt3A_4 {add = true} : memref<5136xf32, #tpu.memory_space<vmem>>[vector<16xi32>], vector<16xf32>, vector<16xi1>
        %mul3A_345 = arith.constant 128 : i32
        %mul3A_346 = vector.broadcast %mul3A_345 : i32 to vector<16xi32>
        %mul3A_347 = arith.muli %gather3A, %mul3A_346 : vector<16xi32>
        %get3A_348 = arith.index_cast %while3A_325 : i32 to index
        %get3A_349 = arith.constant 0 : index
        %get3A_350 = tpu.vector_load %arg11[%get3A_348, %get3A_349] {strides = array<i32>} : memref<96x128xf32, #tpu.memory_space<vmem>>, vector<16xf32>,
        %bitcast3A = vector.bitcast %get3A_350 : vector<16xf32> to vector<32xbf16>
        %get3A_351 = arith.index_cast %while3A_325 : i32 to index
        %get3A_352 = arith.constant 16 : index
        %get3A_353 = tpu.vector_load %arg11[%get3A_351, %get3A_352] {strides = array<i32>} : memref<96x128xf32, #tpu.memory_space<vmem>>, vector<16xf32>,
        %bitcast3A_354 = vector.bitcast %get3A_353 : vector<16xf32> to vector<32xbf16>
        %get3A_355 = arith.index_cast %while3A_325 : i32 to index
        %get3A_356 = arith.constant 32 : index
        %get3A_357 = tpu.vector_load %arg11[%get3A_355, %get3A_356] {strides = array<i32>} : memref<96x128xf32, #tpu.memory_space<vmem>>, vector<16xf32>,
        %bitcast3A_358 = vector.bitcast %get3A_357 : vector<16xf32> to vector<32xbf16>
        %get3A_359 = arith.index_cast %while3A_325 : i32 to index
        %get3A_360 = arith.constant 48 : index
        %get3A_361 = tpu.vector_load %arg11[%get3A_359, %get3A_360] {strides = array<i32>} : memref<96x128xf32, #tpu.memory_space<vmem>>, vector<16xf32>,
        %bitcast3A_362 = vector.bitcast %get3A_361 : vector<16xf32> to vector<32xbf16>
        %unpack3A = tpu.unpack_subelements %bitcast3A, 0 {pack_format = #tpu.pack_format<interleaved>} : vector<32xbf16> -> vector<16xf32>
        %unpack3A_363 = tpu.unpack_subelements %bitcast3A, 1 {pack_format = #tpu.pack_format<interleaved>} : vector<32xbf16> -> vector<16xf32>
        %unpack3A_364 = tpu.unpack_subelements %bitcast3A_354, 0 {pack_format = #tpu.pack_format<interleaved>} : vector<32xbf16> -> vector<16xf32>
        %unpack3A_365 = tpu.unpack_subelements %bitcast3A_354, 1 {pack_format = #tpu.pack_format<interleaved>} : vector<32xbf16> -> vector<16xf32>
        %unpack3A_366 = tpu.unpack_subelements %bitcast3A_358, 0 {pack_format = #tpu.pack_format<interleaved>} : vector<32xbf16> -> vector<16xf32>
        %unpack3A_367 = tpu.unpack_subelements %bitcast3A_358, 1 {pack_format = #tpu.pack_format<interleaved>} : vector<32xbf16> -> vector<16xf32>
        %unpack3A_368 = tpu.unpack_subelements %bitcast3A_362, 0 {pack_format = #tpu.pack_format<interleaved>} : vector<32xbf16> -> vector<16xf32>
        %unpack3A_369 = tpu.unpack_subelements %bitcast3A_362, 1 {pack_format = #tpu.pack_format<interleaved>} : vector<32xbf16> -> vector<16xf32>
        %add3A_370 = arith.constant 0 : i32
        %add3A_371 = vector.broadcast %add3A_370 : i32 to vector<16xi32>
        %add3A_372 = arith.addi %shift_right_arithmetic3A_9, %add3A_371 : vector<16xi32>
        %broadcast_in_dim3A_373 = vector.shape_cast %add3A_372 : vector<16xi32> to vector<16x1xi32>
        %gather3A_374 = vector.shape_cast %broadcast_in_dim3A_373 : vector<16x1xi32> to vector<16xi32>
        %gather3A_375 = tpu.dynamic_gather %exp3A[%gather3A_374] in [0] : vector<16xf32>, vector<16xi32> -> vector<16xf32>
        %add3A_376 = arith.constant 2 : i32
        %add3A_377 = vector.broadcast %add3A_376 : i32 to vector<16xi32>
        %add3A_378 = arith.addi %shift_right_arithmetic3A_9, %add3A_377 : vector<16xi32>
        %broadcast_in_dim3A_379 = vector.shape_cast %add3A_378 : vector<16xi32> to vector<16x1xi32>
        %gather3A_380 = vector.shape_cast %broadcast_in_dim3A_379 : vector<16x1xi32> to vector<16xi32>
        %gather3A_381 = tpu.dynamic_gather %exp3A[%gather3A_380] in [0] : vector<16xf32>, vector<16xi32> -> vector<16xf32>
        %add3A_382 = arith.constant 4 : i32
        %add3A_383 = vector.broadcast %add3A_382 : i32 to vector<16xi32>
        %add3A_384 = arith.addi %shift_right_arithmetic3A_9, %add3A_383 : vector<16xi32>
        %broadcast_in_dim3A_385 = vector.shape_cast %add3A_384 : vector<16xi32> to vector<16x1xi32>
        %gather3A_386 = vector.shape_cast %broadcast_in_dim3A_385 : vector<16x1xi32> to vector<16xi32>
        %gather3A_387 = tpu.dynamic_gather %exp3A[%gather3A_386] in [0] : vector<16xf32>, vector<16xi32> -> vector<16xf32>
        %add3A_388 = arith.constant 6 : i32
        %add3A_389 = vector.broadcast %add3A_388 : i32 to vector<16xi32>
        %add3A_390 = arith.addi %shift_right_arithmetic3A_9, %add3A_389 : vector<16xi32>
        %broadcast_in_dim3A_391 = vector.shape_cast %add3A_390 : vector<16xi32> to vector<16x1xi32>
        %gather3A_392 = vector.shape_cast %broadcast_in_dim3A_391 : vector<16x1xi32> to vector<16xi32>
        %gather3A_393 = tpu.dynamic_gather %exp3A[%gather3A_392] in [0] : vector<16xf32>, vector<16xi32> -> vector<16xf32>
        %add3A_394 = arith.constant 0 : i32
        %add3A_395 = vector.broadcast %add3A_394 : i32 to vector<16xi32>
        %add3A_396 = arith.addi %add3A_395, %add3A_21 : vector<16xi32>
        %add3A_397 = arith.addi %mul3A_347, %add3A_396 : vector<16xi32>
        %mul3A_398 = arith.mulf %unpack3A, %gather3A_375 : vector<16xf32>
        tpu.vector_store_idx %arg13[%add3A_397], %mul3A_398 {add = true} : memref<41088xf32, #tpu.memory_space<vmem>>[vector<16xi32>], vector<16xf32>,
        %add3A_399 = arith.constant 1 : i32
        %add3A_400 = vector.broadcast %add3A_399 : i32 to vector<16xi32>
        %add3A_401 = arith.addi %add3A_397, %add3A_400 : vector<16xi32>
        %mul3A_402 = arith.mulf %unpack3A_363, %gather3A_375 : vector<16xf32>
        tpu.vector_store_idx %arg13[%add3A_401], %mul3A_402 {add = true} : memref<41088xf32, #tpu.memory_space<vmem>>[vector<16xi32>], vector<16xf32>,
        %add3A_403 = arith.constant 32 : i32
        %add3A_404 = vector.broadcast %add3A_403 : i32 to vector<16xi32>
        %add3A_405 = arith.addi %add3A_404, %add3A_21 : vector<16xi32>
        %add3A_406 = arith.addi %mul3A_347, %add3A_405 : vector<16xi32>
        %mul3A_407 = arith.mulf %unpack3A_364, %gather3A_381 : vector<16xf32>
        tpu.vector_store_idx %arg13[%add3A_406], %mul3A_407 {add = true} : memref<41088xf32, #tpu.memory_space<vmem>>[vector<16xi32>], vector<16xf32>,
        %add3A_408 = arith.constant 1 : i32
        %add3A_409 = vector.broadcast %add3A_408 : i32 to vector<16xi32>
        %add3A_410 = arith.addi %add3A_406, %add3A_409 : vector<16xi32>
        %mul3A_411 = arith.mulf %unpack3A_365, %gather3A_381 : vector<16xf32>
        tpu.vector_store_idx %arg13[%add3A_410], %mul3A_411 {add = true} : memref<41088xf32, #tpu.memory_space<vmem>>[vector<16xi32>], vector<16xf32>,
        %add3A_412 = arith.constant 64 : i32
        %add3A_413 = vector.broadcast %add3A_412 : i32 to vector<16xi32>
        %add3A_414 = arith.addi %add3A_413, %add3A_21 : vector<16xi32>
        %add3A_415 = arith.addi %mul3A_347, %add3A_414 : vector<16xi32>
        %mul3A_416 = arith.mulf %unpack3A_366, %gather3A_387 : vector<16xf32>
        tpu.vector_store_idx %arg13[%add3A_415], %mul3A_416 {add = true} : memref<41088xf32, #tpu.memory_space<vmem>>[vector<16xi32>], vector<16xf32>,
        %add3A_417 = arith.constant 1 : i32
        %add3A_418 = vector.broadcast %add3A_417 : i32 to vector<16xi32>
        %add3A_419 = arith.addi %add3A_415, %add3A_418 : vector<16xi32>
        %mul3A_420 = arith.mulf %unpack3A_367, %gather3A_387 : vector<16xf32>
        tpu.vector_store_idx %arg13[%add3A_419], %mul3A_420 {add = true} : memref<41088xf32, #tpu.memory_space<vmem>>[vector<16xi32>], vector<16xf32>,
        %add3A_421 = arith.constant 96 : i32
        %add3A_422 = vector.broadcast %add3A_421 : i32 to vector<16xi32>
        %add3A_423 = arith.addi %add3A_422, %add3A_21 : vector<16xi32>
        %add3A_424 = arith.addi %mul3A_347, %add3A_423 : vector<16xi32>
        %mul3A_425 = arith.mulf %unpack3A_368, %gather3A_393 : vector<16xf32>
        tpu.vector_store_idx %arg13[%add3A_424], %mul3A_425 {add = true} : memref<41088xf32, #tpu.memory_space<vmem>>[vector<16xi32>], vector<16xf32>,
        %add3A_426 = arith.constant 1 : i32
        %add3A_427 = vector.broadcast %add3A_426 : i32 to vector<16xi32>
        %add3A_428 = arith.addi %add3A_424, %add3A_427 : vector<16xi32>
        %mul3A_429 = arith.mulf %unpack3A_369, %gather3A_393 : vector<16xf32>
        tpu.vector_store_idx %arg13[%add3A_428], %mul3A_429 {add = true} : memref<41088xf32, #tpu.memory_space<vmem>>[vector<16xi32>], vector<16xf32>,
        %while3A_430 = arith.constant 0 : i32
        scf.yield %while3A_430 : i32
      }
      %add3A_281 = arith.constant 96 : i32
      %add3A_282 = arith.addi %scan3A_218, %add3A_281 : i32
      %sub3A_283 = arith.constant 1 : i32
      %sub3A_284 = arith.subi %add3A_282, %sub3A_283 : i32
      %jit3A_285 = arith.constant 96 : i32
      %div3A_286 = arith.divsi %sub3A_284, %jit3A_285 : i32
      %sign3A_287 = arith.constant 0 : i32
      %sign3A_288 = arith.cmpi sgt, %sub3A_284, %sign3A_287 : i32
      %sign3A_289 = arith.extui %sign3A_288 : i1 to i32
      %sign3A_290 = arith.constant 0 : i32
      %sign3A_291 = arith.cmpi slt, %sub3A_284, %sign3A_290 : i32
      %sign3A_292 = arith.extui %sign3A_291 : i1 to i32
      %sign3A_293 = arith.subi %sign3A_289, %sign3A_292 : i32
      %sign3A_294 = arith.constant 0 : i32
      %sign3A_295 = arith.cmpi sgt, %jit3A_285, %sign3A_294 : i32
      %sign3A_296 = arith.extui %sign3A_295 : i1 to i32
      %sign3A_297 = arith.constant 0 : i32
      %sign3A_298 = arith.cmpi slt, %jit3A_285, %sign3A_297 : i32
      %sign3A_299 = arith.extui %sign3A_298 : i1 to i32
      %sign3A_300 = arith.subi %sign3A_296, %sign3A_299 : i32
      %ne3A_301 = arith.cmpi ne, %sign3A_293, %sign3A_300 : i32
      %rem3A_302 = arith.remsi %sub3A_284, %jit3A_285 : i32
      %ne3A_303 = arith.constant 0 : i32
      %ne3A_304 = arith.cmpi ne, %rem3A_302, %ne3A_303 : i32
      %and3A_305 = arith.andi %ne3A_301, %ne3A_304 : i1
      %sub3A_306 = arith.constant 1 : i32
      %sub3A_307 = arith.subi %div3A_286, %sub3A_306 : i32
      %select_n3A_308 = arith.select %and3A_305, %sub3A_307, %div3A_286 : i32
      %while3A_309 = arith.constant 1 : i32
      %while3A_310 = arith.constant 0 : i32
      %while3A_311 = arith.subi %select_n3A_308, %while3A_309 : i32
      %while3A_312 = arith.addi %while3A_309, %while3A_311 : i32
      %while3A_313 = arith.constant 1 : i32
      %while3A_314 = arith.divsi %while3A_311, %while3A_313 : i32
      %while3A_315 = arith.muli %while3A_314, %while3A_313 : i32
      %while3A_316 = arith.addi %while3A_309, %while3A_315 : i32
      %while3A_317 = arith.constant 1 : i32
      %while3A_318 = scf.for %while3A_325 = %while3A_309 to %while3A_316 step %while3A_317 iter_args(%while3A_326 = %while3A_310) -> (i32)  : i32 {
        %mul3A_327 = arith.constant 96 : i32
        %mul3A_328 = arith.muli %while3A_325, %mul3A_327 : i32
        %add3A_329 = arith.addi %mul3A_222, %mul3A_328 : i32
        %dma_start3A_330 = tpu.memref_slice %arg9[%add3A_329] : memref<5120xi32, #tpu.memory_space<vmem>> -> memref<96xi32, #tpu.memory_space<vmem>>
        %dma_start3A_331 = arith.constant 0 : i32
        %dma_start3A_332 = arith.constant 0 : i32
        %dma_start3A_333 = tpu.memref_slice %arg4[%dma_start3A_331, %dma_start3A_332] : memref<10000x128xf32, #tpu.memory_space<hbm>> -> memref<10000x128xf32, #tpu.memory_space<hbm>>
        tpu.enqueue_indirect_dma source(%dma_start3A_333 : memref<10000x128xf32, #tpu.memory_space<hbm>>) target(%arg11 : memref<96x128xf32, #tpu.memory_space<vmem>>) offsets(%dma_start3A_330 : memref<96xi32, #tpu.memory_space<vmem>>) semaphore(%arg16 : memref<!tpu.dma_semaphore, #tpu.memory_space<semaphore_mem>>)
        %dma_wait3A_334 = arith.constant 0 : i32
        %dma_wait3A_335 = arith.constant 0 : i32
        %dma_wait3A_336 = tpu.memref_slice %arg4[%dma_wait3A_334, %dma_wait3A_335] : memref<10000x128xf32, #tpu.memory_space<hbm>> -> memref<96x128xf32, #tpu.memory_space<hbm>>
        %dma_wait3A_337 = arith.constant 0 : i32
        %dma_wait3A_338 = arith.constant 0 : i32
        %dma_wait3A_339 = tpu.memref_slice %arg4[%dma_wait3A_337, %dma_wait3A_338] : memref<10000x128xf32, #tpu.memory_space<hbm>> -> memref<96x128xf32, #tpu.memory_space<hbm>>
        tpu.wait_dma2 semaphore(%arg16 : memref<!tpu.dma_semaphore, #tpu.memory_space<semaphore_mem>>) src(%dma_wait3A_339 : memref<96x128xf32, #tpu.memory_space<hbm>>) dst(%arg11 : memref<96x128xf32, #tpu.memory_space<vmem>>)
        %mul3A_340 = arith.constant 96 : i32
        %mul3A_341 = arith.muli %while3A_325, %mul3A_340 : i32
        %mul3A_342 = arith.constant 96 : i32
        %mul3A_343 = arith.muli %while3A_325, %mul3A_342 : i32
        %sub3A_344 = arith.subi %scan3A_218, %mul3A_343 : i32
        %min3A_345 = arith.constant 96 : i32
        %min3A_346 = arith.minsi %sub3A_344, %min3A_345 : i32
        %while3A_347 = arith.constant 0 : i32
        %while3A_348 = arith.constant 0 : i32
        %while3A_349 = arith.subi %min3A_346, %while3A_347 : i32
        %while3A_350 = arith.addi %while3A_347, %while3A_349 : i32
        %while3A_351 = arith.constant 1 : i32
        %while3A_352 = arith.divsi %while3A_349, %while3A_351 : i32
        %while3A_353 = arith.muli %while3A_352, %while3A_351 : i32
        %while3A_354 = arith.addi %while3A_347, %while3A_353 : i32
        %while3A_355 = arith.constant 1 : i32
        %while3A_356 = scf.for %while3A_360 = %while3A_347 to %while3A_354 step %while3A_355 iter_args(%while3A_361 = %while3A_348) -> (i32)  : i32 {
          %add3A_362 = arith.addi %mul3A_222, %mul3A_341 : i32
          %add3A_363 = arith.addi %add3A_362, %while3A_360 : i32
          %broadcast_in_dim3A_364 = vector.broadcast %add3A_363 : i32 to vector<16xi32>
          %gather3A = tpu.vector_load_idx %arg10[%broadcast_in_dim3A_364] : memref<5120xi32, #tpu.memory_space<vmem>>[vector<16xi32>], vector<16xi32>,
          %mul3A_365 = arith.constant 16 : i32
          %mul3A_366 = vector.broadcast %mul3A_365 : i32 to vector<16xi32>
          %mul3A_367 = arith.muli %gather3A, %mul3A_366 : vector<16xi32>
          %add3A_368 = arith.addi %mul3A_367, %iota3A : vector<16xi32>
          %gather3A_369 = tpu.vector_load_idx %arg12[%add3A_368] : memref<5120xf32, #tpu.memory_space<vmem>>[vector<16xi32>], vector<16xf32>,
          %get3A = arith.index_cast %while3A_360 : i32 to index
          %get3A_370 = arith.constant 64 : index
          %get3A_371 = tpu.vector_load %arg11[%get3A, %get3A_370] {strides = array<i32>} : memref<96x128xf32, #tpu.memory_space<vmem>>, vector<16xf32>,
          %add3A_372 = arith.addf %get3A_371, %gather3A_369 : vector<16xf32>
          %gt3A = arith.constant 0.000000e+00 : f32
          %gt3A_373 = vector.broadcast %gt3A : f32 to vector<16xf32>
          %gt3A_374 = arith.cmpf ogt, %add3A_372, %gt3A_373 : vector<16xf32>
          %mul3A_375 = arith.constant 2.000000e-01 : f32
          %mul3A_376 = vector.broadcast %mul3A_375 : f32 to vector<16xf32>
          %mul3A_377 = arith.mulf %mul3A_376, %add3A_372 : vector<16xf32>
          %select_n3A_378 = arith.select %gt3A_374, %add3A_372, %mul3A_377 : vector<16xi1>, vector<16xf32>
          %exp3A = math.exp %select_n3A_378 : vector<16xf32>
          tpu.vector_store_idx %arg14[%add3A_368], %exp3A masked %lt3A_4 {add = true} : memref<5136xf32, #tpu.memory_space<vmem>>[vector<16xi32>], vector<16xf32>, vector<16xi1>
          %mul3A_379 = arith.constant 128 : i32
          %mul3A_380 = vector.broadcast %mul3A_379 : i32 to vector<16xi32>
          %mul3A_381 = arith.muli %gather3A, %mul3A_380 : vector<16xi32>
          %get3A_382 = arith.index_cast %while3A_360 : i32 to index
          %get3A_383 = arith.constant 0 : index
          %get3A_384 = tpu.vector_load %arg11[%get3A_382, %get3A_383] {strides = array<i32>} : memref<96x128xf32, #tpu.memory_space<vmem>>, vector<16xf32>,
          %bitcast3A = vector.bitcast %get3A_384 : vector<16xf32> to vector<32xbf16>
          %get3A_385 = arith.index_cast %while3A_360 : i32 to index
          %get3A_386 = arith.constant 16 : index
          %get3A_387 = tpu.vector_load %arg11[%get3A_385, %get3A_386] {strides = array<i32>} : memref<96x128xf32, #tpu.memory_space<vmem>>, vector<16xf32>,
          %bitcast3A_388 = vector.bitcast %get3A_387 : vector<16xf32> to vector<32xbf16>
          %get3A_389 = arith.index_cast %while3A_360 : i32 to index
          %get3A_390 = arith.constant 32 : index
          %get3A_391 = tpu.vector_load %arg11[%get3A_389, %get3A_390] {strides = array<i32>} : memref<96x128xf32, #tpu.memory_space<vmem>>, vector<16xf32>,
          %bitcast3A_392 = vector.bitcast %get3A_391 : vector<16xf32> to vector<32xbf16>
          %get3A_393 = arith.index_cast %while3A_360 : i32 to index
          %get3A_394 = arith.constant 48 : index
          %get3A_395 = tpu.vector_load %arg11[%get3A_393, %get3A_394] {strides = array<i32>} : memref<96x128xf32, #tpu.memory_space<vmem>>, vector<16xf32>,
          %bitcast3A_396 = vector.bitcast %get3A_395 : vector<16xf32> to vector<32xbf16>
          %unpack3A = tpu.unpack_subelements %bitcast3A, 0 {pack_format = #tpu.pack_format<interleaved>} : vector<32xbf16> -> vector<16xf32>
          %unpack3A_397 = tpu.unpack_subelements %bitcast3A, 1 {pack_format = #tpu.pack_format<interleaved>} : vector<32xbf16> -> vector<16xf32>
          %unpack3A_398 = tpu.unpack_subelements %bitcast3A_388, 0 {pack_format = #tpu.pack_format<interleaved>} : vector<32xbf16> -> vector<16xf32>
          %unpack3A_399 = tpu.unpack_subelements %bitcast3A_388, 1 {pack_format = #tpu.pack_format<interleaved>} : vector<32xbf16> -> vector<16xf32>
          %unpack3A_400 = tpu.unpack_subelements %bitcast3A_392, 0 {pack_format = #tpu.pack_format<interleaved>} : vector<32xbf16> -> vector<16xf32>
          %unpack3A_401 = tpu.unpack_subelements %bitcast3A_392, 1 {pack_format = #tpu.pack_format<interleaved>} : vector<32xbf16> -> vector<16xf32>
          %unpack3A_402 = tpu.unpack_subelements %bitcast3A_396, 0 {pack_format = #tpu.pack_format<interleaved>} : vector<32xbf16> -> vector<16xf32>
          %unpack3A_403 = tpu.unpack_subelements %bitcast3A_396, 1 {pack_format = #tpu.pack_format<interleaved>} : vector<32xbf16> -> vector<16xf32>
          %add3A_404 = arith.constant 0 : i32
          %add3A_405 = vector.broadcast %add3A_404 : i32 to vector<16xi32>
          %add3A_406 = arith.addi %shift_right_arithmetic3A_9, %add3A_405 : vector<16xi32>
          %broadcast_in_dim3A_407 = vector.shape_cast %add3A_406 : vector<16xi32> to vector<16x1xi32>
          %gather3A_408 = vector.shape_cast %broadcast_in_dim3A_407 : vector<16x1xi32> to vector<16xi32>
          %gather3A_409 = tpu.dynamic_gather %exp3A[%gather3A_408] in [0] : vector<16xf32>, vector<16xi32> -> vector<16xf32>
          %add3A_410 = arith.constant 2 : i32
          %add3A_411 = vector.broadcast %add3A_410 : i32 to vector<16xi32>
          %add3A_412 = arith.addi %shift_right_arithmetic3A_9, %add3A_411 : vector<16xi32>
          %broadcast_in_dim3A_413 = vector.shape_cast %add3A_412 : vector<16xi32> to vector<16x1xi32>
          %gather3A_414 = vector.shape_cast %broadcast_in_dim3A_413 : vector<16x1xi32> to vector<16xi32>
          %gather3A_415 = tpu.dynamic_gather %exp3A[%gather3A_414] in [0] : vector<16xf32>, vector<16xi32> -> vector<16xf32>
          %add3A_416 = arith.constant 4 : i32
          %add3A_417 = vector.broadcast %add3A_416 : i32 to vector<16xi32>
          %add3A_418 = arith.addi %shift_right_arithmetic3A_9, %add3A_417 : vector<16xi32>
          %broadcast_in_dim3A_419 = vector.shape_cast %add3A_418 : vector<16xi32> to vector<16x1xi32>
          %gather3A_420 = vector.shape_cast %broadcast_in_dim3A_419 : vector<16x1xi32> to vector<16xi32>
          %gather3A_421 = tpu.dynamic_gather %exp3A[%gather3A_420] in [0] : vector<16xf32>, vector<16xi32> -> vector<16xf32>
          %add3A_422 = arith.constant 6 : i32
          %add3A_423 = vector.broadcast %add3A_422 : i32 to vector<16xi32>
          %add3A_424 = arith.addi %shift_right_arithmetic3A_9, %add3A_423 : vector<16xi32>
          %broadcast_in_dim3A_425 = vector.shape_cast %add3A_424 : vector<16xi32> to vector<16x1xi32>
          %gather3A_426 = vector.shape_cast %broadcast_in_dim3A_425 : vector<16x1xi32> to vector<16xi32>
          %gather3A_427 = tpu.dynamic_gather %exp3A[%gather3A_426] in [0] : vector<16xf32>, vector<16xi32> -> vector<16xf32>
          %add3A_428 = arith.constant 0 : i32
          %add3A_429 = vector.broadcast %add3A_428 : i32 to vector<16xi32>
          %add3A_430 = arith.addi %add3A_429, %add3A_21 : vector<16xi32>
          %add3A_431 = arith.addi %mul3A_381, %add3A_430 : vector<16xi32>
          %mul3A_432 = arith.mulf %unpack3A, %gather3A_409 : vector<16xf32>
          tpu.vector_store_idx %arg13[%add3A_431], %mul3A_432 {add = true} : memref<41088xf32, #tpu.memory_space<vmem>>[vector<16xi32>], vector<16xf32>,
          %add3A_433 = arith.constant 1 : i32
          %add3A_434 = vector.broadcast %add3A_433 : i32 to vector<16xi32>
          %add3A_435 = arith.addi %add3A_431, %add3A_434 : vector<16xi32>
          %mul3A_436 = arith.mulf %unpack3A_397, %gather3A_409 : vector<16xf32>
          tpu.vector_store_idx %arg13[%add3A_435], %mul3A_436 {add = true} : memref<41088xf32, #tpu.memory_space<vmem>>[vector<16xi32>], vector<16xf32>,
          %add3A_437 = arith.constant 32 : i32
          %add3A_438 = vector.broadcast %add3A_437 : i32 to vector<16xi32>
          %add3A_439 = arith.addi %add3A_438, %add3A_21 : vector<16xi32>
          %add3A_440 = arith.addi %mul3A_381, %add3A_439 : vector<16xi32>
          %mul3A_441 = arith.mulf %unpack3A_398, %gather3A_415 : vector<16xf32>
          tpu.vector_store_idx %arg13[%add3A_440], %mul3A_441 {add = true} : memref<41088xf32, #tpu.memory_space<vmem>>[vector<16xi32>], vector<16xf32>,
          %add3A_442 = arith.constant 1 : i32
          %add3A_443 = vector.broadcast %add3A_442 : i32 to vector<16xi32>
          %add3A_444 = arith.addi %add3A_440, %add3A_443 : vector<16xi32>
          %mul3A_445 = arith.mulf %unpack3A_399, %gather3A_415 : vector<16xf32>
          tpu.vector_store_idx %arg13[%add3A_444], %mul3A_445 {add = true} : memref<41088xf32, #tpu.memory_space<vmem>>[vector<16xi32>], vector<16xf32>,
          %add3A_446 = arith.constant 64 : i32
          %add3A_447 = vector.broadcast %add3A_446 : i32 to vector<16xi32>
          %add3A_448 = arith.addi %add3A_447, %add3A_21 : vector<16xi32>
          %add3A_449 = arith.addi %mul3A_381, %add3A_448 : vector<16xi32>
          %mul3A_450 = arith.mulf %unpack3A_400, %gather3A_421 : vector<16xf32>
          tpu.vector_store_idx %arg13[%add3A_449], %mul3A_450 {add = true} : memref<41088xf32, #tpu.memory_space<vmem>>[vector<16xi32>], vector<16xf32>,
          %add3A_451 = arith.constant 1 : i32
          %add3A_452 = vector.broadcast %add3A_451 : i32 to vector<16xi32>
          %add3A_453 = arith.addi %add3A_449, %add3A_452 : vector<16xi32>
          %mul3A_454 = arith.mulf %unpack3A_401, %gather3A_421 : vector<16xf32>
          tpu.vector_store_idx %arg13[%add3A_453], %mul3A_454 {add = true} : memref<41088xf32, #tpu.memory_space<vmem>>[vector<16xi32>], vector<16xf32>,
          %add3A_455 = arith.constant 96 : i32
          %add3A_456 = vector.broadcast %add3A_455 : i32 to vector<16xi32>
          %add3A_457 = arith.addi %add3A_456, %add3A_21 : vector<16xi32>
          %add3A_458 = arith.addi %mul3A_381, %add3A_457 : vector<16xi32>
          %mul3A_459 = arith.mulf %unpack3A_402, %gather3A_427 : vector<16xf32>
          tpu.vector_store_idx %arg13[%add3A_458], %mul3A_459 {add = true} : memref<41088xf32, #tpu.memory_space<vmem>>[vector<16xi32>], vector<16xf32>,
          %add3A_460 = arith.constant 1 : i32
          %add3A_461 = vector.broadcast %add3A_460 : i32 to vector<16xi32>
          %add3A_462 = arith.addi %add3A_458, %add3A_461 : vector<16xi32>
          %mul3A_463 = arith.mulf %unpack3A_403, %gather3A_427 : vector<16xf32>
          tpu.vector_store_idx %arg13[%add3A_462], %mul3A_463 {add = true} : memref<41088xf32, #tpu.memory_space<vmem>>[vector<16xi32>], vector<16xf32>,
          %while3A_464 = arith.constant 0 : i32
          scf.yield %while3A_464 : i32
        }
        %while3A_357 = arith.constant 1 : i32
        %while3A_358 = scf.for %while3A_360 = %while3A_354 to %while3A_350 step %while3A_357 iter_args(%while3A_361 = %while3A_356) -> (i32)  : i32 {
          %add3A_362 = arith.addi %mul3A_222, %mul3A_341 : i32
          %add3A_363 = arith.addi %add3A_362, %while3A_360 : i32
          %broadcast_in_dim3A_364 = vector.broadcast %add3A_363 : i32 to vector<16xi32>
          %gather3A = tpu.vector_load_idx %arg10[%broadcast_in_dim3A_364] : memref<5120xi32, #tpu.memory_space<vmem>>[vector<16xi32>], vector<16xi32>,
          %mul3A_365 = arith.constant 16 : i32
          %mul3A_366 = vector.broadcast %mul3A_365 : i32 to vector<16xi32>
          %mul3A_367 = arith.muli %gather3A, %mul3A_366 : vector<16xi32>
          %add3A_368 = arith.addi %mul3A_367, %iota3A : vector<16xi32>
          %gather3A_369 = tpu.vector_load_idx %arg12[%add3A_368] : memref<5120xf32, #tpu.memory_space<vmem>>[vector<16xi32>], vector<16xf32>,
          %get3A = arith.index_cast %while3A_360 : i32 to index
          %get3A_370 = arith.constant 64 : index
          %get3A_371 = tpu.vector_load %arg11[%get3A, %get3A_370] {strides = array<i32>} : memref<96x128xf32, #tpu.memory_space<vmem>>, vector<16xf32>,
          %add3A_372 = arith.addf %get3A_371, %gather3A_369 : vector<16xf32>
          %gt3A = arith.constant 0.000000e+00 : f32
          %gt3A_373 = vector.broadcast %gt3A : f32 to vector<16xf32>
          %gt3A_374 = arith.cmpf ogt, %add3A_372, %gt3A_373 : vector<16xf32>
          %mul3A_375 = arith.constant 2.000000e-01 : f32
          %mul3A_376 = vector.broadcast %mul3A_375 : f32 to vector<16xf32>
          %mul3A_377 = arith.mulf %mul3A_376, %add3A_372 : vector<16xf32>
          %select_n3A_378 = arith.select %gt3A_374, %add3A_372, %mul3A_377 : vector<16xi1>, vector<16xf32>
          %exp3A = math.exp %select_n3A_378 : vector<16xf32>
          tpu.vector_store_idx %arg14[%add3A_368], %exp3A masked %lt3A_4 {add = true} : memref<5136xf32, #tpu.memory_space<vmem>>[vector<16xi32>], vector<16xf32>, vector<16xi1>
          %mul3A_379 = arith.constant 128 : i32
          %mul3A_380 = vector.broadcast %mul3A_379 : i32 to vector<16xi32>
          %mul3A_381 = arith.muli %gather3A, %mul3A_380 : vector<16xi32>
          %get3A_382 = arith.index_cast %while3A_360 : i32 to index
          %get3A_383 = arith.constant 0 : index
          %get3A_384 = tpu.vector_load %arg11[%get3A_382, %get3A_383] {strides = array<i32>} : memref<96x128xf32, #tpu.memory_space<vmem>>, vector<16xf32>,
          %bitcast3A = vector.bitcast %get3A_384 : vector<16xf32> to vector<32xbf16>
          %get3A_385 = arith.index_cast %while3A_360 : i32 to index
          %get3A_386 = arith.constant 16 : index
          %get3A_387 = tpu.vector_load %arg11[%get3A_385, %get3A_386] {strides = array<i32>} : memref<96x128xf32, #tpu.memory_space<vmem>>, vector<16xf32>,
          %bitcast3A_388 = vector.bitcast %get3A_387 : vector<16xf32> to vector<32xbf16>
          %get3A_389 = arith.index_cast %while3A_360 : i32 to index
          %get3A_390 = arith.constant 32 : index
          %get3A_391 = tpu.vector_load %arg11[%get3A_389, %get3A_390] {strides = array<i32>} : memref<96x128xf32, #tpu.memory_space<vmem>>, vector<16xf32>,
          %bitcast3A_392 = vector.bitcast %get3A_391 : vector<16xf32> to vector<32xbf16>
          %get3A_393 = arith.index_cast %while3A_360 : i32 to index
          %get3A_394 = arith.constant 48 : index
          %get3A_395 = tpu.vector_load %arg11[%get3A_393, %get3A_394] {strides = array<i32>} : memref<96x128xf32, #tpu.memory_space<vmem>>, vector<16xf32>,
          %bitcast3A_396 = vector.bitcast %get3A_395 : vector<16xf32> to vector<32xbf16>
          %unpack3A = tpu.unpack_subelements %bitcast3A, 0 {pack_format = #tpu.pack_format<interleaved>} : vector<32xbf16> -> vector<16xf32>
          %unpack3A_397 = tpu.unpack_subelements %bitcast3A, 1 {pack_format = #tpu.pack_format<interleaved>} : vector<32xbf16> -> vector<16xf32>
          %unpack3A_398 = tpu.unpack_subelements %bitcast3A_388, 0 {pack_format = #tpu.pack_format<interleaved>} : vector<32xbf16> -> vector<16xf32>
          %unpack3A_399 = tpu.unpack_subelements %bitcast3A_388, 1 {pack_format = #tpu.pack_format<interleaved>} : vector<32xbf16> -> vector<16xf32>
          %unpack3A_400 = tpu.unpack_subelements %bitcast3A_392, 0 {pack_format = #tpu.pack_format<interleaved>} : vector<32xbf16> -> vector<16xf32>
          %unpack3A_401 = tpu.unpack_subelements %bitcast3A_392, 1 {pack_format = #tpu.pack_format<interleaved>} : vector<32xbf16> -> vector<16xf32>
          %unpack3A_402 = tpu.unpack_subelements %bitcast3A_396, 0 {pack_format = #tpu.pack_format<interleaved>} : vector<32xbf16> -> vector<16xf32>
          %unpack3A_403 = tpu.unpack_subelements %bitcast3A_396, 1 {pack_format = #tpu.pack_format<interleaved>} : vector<32xbf16> -> vector<16xf32>
          %add3A_404 = arith.constant 0 : i32
          %add3A_405 = vector.broadcast %add3A_404 : i32 to vector<16xi32>
          %add3A_406 = arith.addi %shift_right_arithmetic3A_9, %add3A_405 : vector<16xi32>
          %broadcast_in_dim3A_407 = vector.shape_cast %add3A_406 : vector<16xi32> to vector<16x1xi32>
          %gather3A_408 = vector.shape_cast %broadcast_in_dim3A_407 : vector<16x1xi32> to vector<16xi32>
          %gather3A_409 = tpu.dynamic_gather %exp3A[%gather3A_408] in [0] : vector<16xf32>, vector<16xi32> -> vector<16xf32>
          %add3A_410 = arith.constant 2 : i32
          %add3A_411 = vector.broadcast %add3A_410 : i32 to vector<16xi32>
          %add3A_412 = arith.addi %shift_right_arithmetic3A_9, %add3A_411 : vector<16xi32>
          %broadcast_in_dim3A_413 = vector.shape_cast %add3A_412 : vector<16xi32> to vector<16x1xi32>
          %gather3A_414 = vector.shape_cast %broadcast_in_dim3A_413 : vector<16x1xi32> to vector<16xi32>
          %gather3A_415 = tpu.dynamic_gather %exp3A[%gather3A_414] in [0] : vector<16xf32>, vector<16xi32> -> vector<16xf32>
          %add3A_416 = arith.constant 4 : i32
          %add3A_417 = vector.broadcast %add3A_416 : i32 to vector<16xi32>
          %add3A_418 = arith.addi %shift_right_arithmetic3A_9, %add3A_417 : vector<16xi32>
          %broadcast_in_dim3A_419 = vector.shape_cast %add3A_418 : vector<16xi32> to vector<16x1xi32>
          %gather3A_420 = vector.shape_cast %broadcast_in_dim3A_419 : vector<16x1xi32> to vector<16xi32>
          %gather3A_421 = tpu.dynamic_gather %exp3A[%gather3A_420] in [0] : vector<16xf32>, vector<16xi32> -> vector<16xf32>
          %add3A_422 = arith.constant 6 : i32
          %add3A_423 = vector.broadcast %add3A_422 : i32 to vector<16xi32>
          %add3A_424 = arith.addi %shift_right_arithmetic3A_9, %add3A_423 : vector<16xi32>
          %broadcast_in_dim3A_425 = vector.shape_cast %add3A_424 : vector<16xi32> to vector<16x1xi32>
          %gather3A_426 = vector.shape_cast %broadcast_in_dim3A_425 : vector<16x1xi32> to vector<16xi32>
          %gather3A_427 = tpu.dynamic_gather %exp3A[%gather3A_426] in [0] : vector<16xf32>, vector<16xi32> -> vector<16xf32>
          %add3A_428 = arith.constant 0 : i32
          %add3A_429 = vector.broadcast %add3A_428 : i32 to vector<16xi32>
          %add3A_430 = arith.addi %add3A_429, %add3A_21 : vector<16xi32>
          %add3A_431 = arith.addi %mul3A_381, %add3A_430 : vector<16xi32>
          %mul3A_432 = arith.mulf %unpack3A, %gather3A_409 : vector<16xf32>
          tpu.vector_store_idx %arg13[%add3A_431], %mul3A_432 {add = true} : memref<41088xf32, #tpu.memory_space<vmem>>[vector<16xi32>], vector<16xf32>,
          %add3A_433 = arith.constant 1 : i32
          %add3A_434 = vector.broadcast %add3A_433 : i32 to vector<16xi32>
          %add3A_435 = arith.addi %add3A_431, %add3A_434 : vector<16xi32>
          %mul3A_436 = arith.mulf %unpack3A_397, %gather3A_409 : vector<16xf32>
          tpu.vector_store_idx %arg13[%add3A_435], %mul3A_436 {add = true} : memref<41088xf32, #tpu.memory_space<vmem>>[vector<16xi32>], vector<16xf32>,
          %add3A_437 = arith.constant 32 : i32
          %add3A_438 = vector.broadcast %add3A_437 : i32 to vector<16xi32>
          %add3A_439 = arith.addi %add3A_438, %add3A_21 : vector<16xi32>
          %add3A_440 = arith.addi %mul3A_381, %add3A_439 : vector<16xi32>
          %mul3A_441 = arith.mulf %unpack3A_398, %gather3A_415 : vector<16xf32>
          tpu.vector_store_idx %arg13[%add3A_440], %mul3A_441 {add = true} : memref<41088xf32, #tpu.memory_space<vmem>>[vector<16xi32>], vector<16xf32>,
          %add3A_442 = arith.constant 1 : i32
          %add3A_443 = vector.broadcast %add3A_442 : i32 to vector<16xi32>
          %add3A_444 = arith.addi %add3A_440, %add3A_443 : vector<16xi32>
          %mul3A_445 = arith.mulf %unpack3A_399, %gather3A_415 : vector<16xf32>
          tpu.vector_store_idx %arg13[%add3A_444], %mul3A_445 {add = true} : memref<41088xf32, #tpu.memory_space<vmem>>[vector<16xi32>], vector<16xf32>,
          %add3A_446 = arith.constant 64 : i32
          %add3A_447 = vector.broadcast %add3A_446 : i32 to vector<16xi32>
          %add3A_448 = arith.addi %add3A_447, %add3A_21 : vector<16xi32>
          %add3A_449 = arith.addi %mul3A_381, %add3A_448 : vector<16xi32>
          %mul3A_450 = arith.mulf %unpack3A_400, %gather3A_421 : vector<16xf32>
          tpu.vector_store_idx %arg13[%add3A_449], %mul3A_450 {add = true} : memref<41088xf32, #tpu.memory_space<vmem>>[vector<16xi32>], vector<16xf32>,
          %add3A_451 = arith.constant 1 : i32
          %add3A_452 = vector.broadcast %add3A_451 : i32 to vector<16xi32>
          %add3A_453 = arith.addi %add3A_449, %add3A_452 : vector<16xi32>
          %mul3A_454 = arith.mulf %unpack3A_401, %gather3A_421 : vector<16xf32>
          tpu.vector_store_idx %arg13[%add3A_453], %mul3A_454 {add = true} : memref<41088xf32, #tpu.memory_space<vmem>>[vector<16xi32>], vector<16xf32>,
          %add3A_455 = arith.constant 96 : i32
          %add3A_456 = vector.broadcast %add3A_455 : i32 to vector<16xi32>
          %add3A_457 = arith.addi %add3A_456, %add3A_21 : vector<16xi32>
          %add3A_458 = arith.addi %mul3A_381, %add3A_457 : vector<16xi32>
          %mul3A_459 = arith.mulf %unpack3A_402, %gather3A_427 : vector<16xf32>
          tpu.vector_store_idx %arg13[%add3A_458], %mul3A_459 {add = true} : memref<41088xf32, #tpu.memory_space<vmem>>[vector<16xi32>], vector<16xf32>,
          %add3A_460 = arith.constant 1 : i32
          %add3A_461 = vector.broadcast %add3A_460 : i32 to vector<16xi32>
          %add3A_462 = arith.addi %add3A_458, %add3A_461 : vector<16xi32>
          %mul3A_463 = arith.mulf %unpack3A_403, %gather3A_427 : vector<16xf32>
          tpu.vector_store_idx %arg13[%add3A_462], %mul3A_463 {add = true} : memref<41088xf32, #tpu.memory_space<vmem>>[vector<16xi32>], vector<16xf32>,
          %while3A_464 = arith.constant 0 : i32
          scf.yield %while3A_464 : i32
        }
        %while3A_359 = arith.constant 0 : i32
        scf.yield %while3A_359 : i32
      }
      %while3A_319 = arith.constant 1 : i32
      %while3A_320 = scf.for %while3A_325 = %while3A_316 to %while3A_312 step %while3A_319 iter_args(%while3A_326 = %while3A_318) -> (i32)  : i32 {
        %mul3A_327 = arith.constant 96 : i32
        %mul3A_328 = arith.muli %while3A_325, %mul3A_327 : i32
        %add3A_329 = arith.addi %mul3A_222, %mul3A_328 : i32
        %dma_start3A_330 = tpu.memref_slice %arg9[%add3A_329] : memref<5120xi32, #tpu.memory_space<vmem>> -> memref<96xi32, #tpu.memory_space<vmem>>
        %dma_start3A_331 = arith.constant 0 : i32
        %dma_start3A_332 = arith.constant 0 : i32
        %dma_start3A_333 = tpu.memref_slice %arg4[%dma_start3A_331, %dma_start3A_332] : memref<10000x128xf32, #tpu.memory_space<hbm>> -> memref<10000x128xf32, #tpu.memory_space<hbm>>
        tpu.enqueue_indirect_dma source(%dma_start3A_333 : memref<10000x128xf32, #tpu.memory_space<hbm>>) target(%arg11 : memref<96x128xf32, #tpu.memory_space<vmem>>) offsets(%dma_start3A_330 : memref<96xi32, #tpu.memory_space<vmem>>) semaphore(%arg16 : memref<!tpu.dma_semaphore, #tpu.memory_space<semaphore_mem>>)
        %dma_wait3A_334 = arith.constant 0 : i32
        %dma_wait3A_335 = arith.constant 0 : i32
        %dma_wait3A_336 = tpu.memref_slice %arg4[%dma_wait3A_334, %dma_wait3A_335] : memref<10000x128xf32, #tpu.memory_space<hbm>> -> memref<96x128xf32, #tpu.memory_space<hbm>>
        %dma_wait3A_337 = arith.constant 0 : i32
        %dma_wait3A_338 = arith.constant 0 : i32
        %dma_wait3A_339 = tpu.memref_slice %arg4[%dma_wait3A_337, %dma_wait3A_338] : memref<10000x128xf32, #tpu.memory_space<hbm>> -> memref<96x128xf32, #tpu.memory_space<hbm>>
        tpu.wait_dma2 semaphore(%arg16 : memref<!tpu.dma_semaphore, #tpu.memory_space<semaphore_mem>>) src(%dma_wait3A_339 : memref<96x128xf32, #tpu.memory_space<hbm>>) dst(%arg11 : memref<96x128xf32, #tpu.memory_space<vmem>>)
        %mul3A_340 = arith.constant 96 : i32
        %mul3A_341 = arith.muli %while3A_325, %mul3A_340 : i32
        %mul3A_342 = arith.constant 96 : i32
        %mul3A_343 = arith.muli %while3A_325, %mul3A_342 : i32
        %sub3A_344 = arith.subi %scan3A_218, %mul3A_343 : i32
        %min3A_345 = arith.constant 96 : i32
        %min3A_346 = arith.minsi %sub3A_344, %min3A_345 : i32
        %while3A_347 = arith.constant 0 : i32
        %while3A_348 = arith.constant 0 : i32
        %while3A_349 = arith.subi %min3A_346, %while3A_347 : i32
        %while3A_350 = arith.addi %while3A_347, %while3A_349 : i32
        %while3A_351 = arith.constant 1 : i32
        %while3A_352 = arith.divsi %while3A_349, %while3A_351 : i32
        %while3A_353 = arith.muli %while3A_352, %while3A_351 : i32
        %while3A_354 = arith.addi %while3A_347, %while3A_353 : i32
        %while3A_355 = arith.constant 1 : i32
        %while3A_356 = scf.for %while3A_360 = %while3A_347 to %while3A_354 step %while3A_355 iter_args(%while3A_361 = %while3A_348) -> (i32)  : i32 {
          %add3A_362 = arith.addi %mul3A_222, %mul3A_341 : i32
          %add3A_363 = arith.addi %add3A_362, %while3A_360 : i32
          %broadcast_in_dim3A_364 = vector.broadcast %add3A_363 : i32 to vector<16xi32>
          %gather3A = tpu.vector_load_idx %arg10[%broadcast_in_dim3A_364] : memref<5120xi32, #tpu.memory_space<vmem>>[vector<16xi32>], vector<16xi32>,
          %mul3A_365 = arith.constant 16 : i32
          %mul3A_366 = vector.broadcast %mul3A_365 : i32 to vector<16xi32>
          %mul3A_367 = arith.muli %gather3A, %mul3A_366 : vector<16xi32>
          %add3A_368 = arith.addi %mul3A_367, %iota3A : vector<16xi32>
          %gather3A_369 = tpu.vector_load_idx %arg12[%add3A_368] : memref<5120xf32, #tpu.memory_space<vmem>>[vector<16xi32>], vector<16xf32>,
          %get3A = arith.index_cast %while3A_360 : i32 to index
          %get3A_370 = arith.constant 64 : index
          %get3A_371 = tpu.vector_load %arg11[%get3A, %get3A_370] {strides = array<i32>} : memref<96x128xf32, #tpu.memory_space<vmem>>, vector<16xf32>,
          %add3A_372 = arith.addf %get3A_371, %gather3A_369 : vector<16xf32>
          %gt3A = arith.constant 0.000000e+00 : f32
          %gt3A_373 = vector.broadcast %gt3A : f32 to vector<16xf32>
          %gt3A_374 = arith.cmpf ogt, %add3A_372, %gt3A_373 : vector<16xf32>
          %mul3A_375 = arith.constant 2.000000e-01 : f32
          %mul3A_376 = vector.broadcast %mul3A_375 : f32 to vector<16xf32>
          %mul3A_377 = arith.mulf %mul3A_376, %add3A_372 : vector<16xf32>
          %select_n3A_378 = arith.select %gt3A_374, %add3A_372, %mul3A_377 : vector<16xi1>, vector<16xf32>
          %exp3A = math.exp %select_n3A_378 : vector<16xf32>
          tpu.vector_store_idx %arg14[%add3A_368], %exp3A masked %lt3A_4 {add = true} : memref<5136xf32, #tpu.memory_space<vmem>>[vector<16xi32>], vector<16xf32>, vector<16xi1>
          %mul3A_379 = arith.constant 128 : i32
          %mul3A_380 = vector.broadcast %mul3A_379 : i32 to vector<16xi32>
          %mul3A_381 = arith.muli %gather3A, %mul3A_380 : vector<16xi32>
          %get3A_382 = arith.index_cast %while3A_360 : i32 to index
          %get3A_383 = arith.constant 0 : index
          %get3A_384 = tpu.vector_load %arg11[%get3A_382, %get3A_383] {strides = array<i32>} : memref<96x128xf32, #tpu.memory_space<vmem>>, vector<16xf32>,
          %bitcast3A = vector.bitcast %get3A_384 : vector<16xf32> to vector<32xbf16>
          %get3A_385 = arith.index_cast %while3A_360 : i32 to index
          %get3A_386 = arith.constant 16 : index
          %get3A_387 = tpu.vector_load %arg11[%get3A_385, %get3A_386] {strides = array<i32>} : memref<96x128xf32, #tpu.memory_space<vmem>>, vector<16xf32>,
          %bitcast3A_388 = vector.bitcast %get3A_387 : vector<16xf32> to vector<32xbf16>
          %get3A_389 = arith.index_cast %while3A_360 : i32 to index
          %get3A_390 = arith.constant 32 : index
          %get3A_391 = tpu.vector_load %arg11[%get3A_389, %get3A_390] {strides = array<i32>} : memref<96x128xf32, #tpu.memory_space<vmem>>, vector<16xf32>,
          %bitcast3A_392 = vector.bitcast %get3A_391 : vector<16xf32> to vector<32xbf16>
          %get3A_393 = arith.index_cast %while3A_360 : i32 to index
          %get3A_394 = arith.constant 48 : index
          %get3A_395 = tpu.vector_load %arg11[%get3A_393, %get3A_394] {strides = array<i32>} : memref<96x128xf32, #tpu.memory_space<vmem>>, vector<16xf32>,
          %bitcast3A_396 = vector.bitcast %get3A_395 : vector<16xf32> to vector<32xbf16>
          %unpack3A = tpu.unpack_subelements %bitcast3A, 0 {pack_format = #tpu.pack_format<interleaved>} : vector<32xbf16> -> vector<16xf32>
          %unpack3A_397 = tpu.unpack_subelements %bitcast3A, 1 {pack_format = #tpu.pack_format<interleaved>} : vector<32xbf16> -> vector<16xf32>
          %unpack3A_398 = tpu.unpack_subelements %bitcast3A_388, 0 {pack_format = #tpu.pack_format<interleaved>} : vector<32xbf16> -> vector<16xf32>
          %unpack3A_399 = tpu.unpack_subelements %bitcast3A_388, 1 {pack_format = #tpu.pack_format<interleaved>} : vector<32xbf16> -> vector<16xf32>
          %unpack3A_400 = tpu.unpack_subelements %bitcast3A_392, 0 {pack_format = #tpu.pack_format<interleaved>} : vector<32xbf16> -> vector<16xf32>
          %unpack3A_401 = tpu.unpack_subelements %bitcast3A_392, 1 {pack_format = #tpu.pack_format<interleaved>} : vector<32xbf16> -> vector<16xf32>
          %unpack3A_402 = tpu.unpack_subelements %bitcast3A_396, 0 {pack_format = #tpu.pack_format<interleaved>} : vector<32xbf16> -> vector<16xf32>
          %unpack3A_403 = tpu.unpack_subelements %bitcast3A_396, 1 {pack_format = #tpu.pack_format<interleaved>} : vector<32xbf16> -> vector<16xf32>
          %add3A_404 = arith.constant 0 : i32
          %add3A_405 = vector.broadcast %add3A_404 : i32 to vector<16xi32>
          %add3A_406 = arith.addi %shift_right_arithmetic3A_9, %add3A_405 : vector<16xi32>
          %broadcast_in_dim3A_407 = vector.shape_cast %add3A_406 : vector<16xi32> to vector<16x1xi32>
          %gather3A_408 = vector.shape_cast %broadcast_in_dim3A_407 : vector<16x1xi32> to vector<16xi32>
          %gather3A_409 = tpu.dynamic_gather %exp3A[%gather3A_408] in [0] : vector<16xf32>, vector<16xi32> -> vector<16xf32>
          %add3A_410 = arith.constant 2 : i32
          %add3A_411 = vector.broadcast %add3A_410 : i32 to vector<16xi32>
          %add3A_412 = arith.addi %shift_right_arithmetic3A_9, %add3A_411 : vector<16xi32>
          %broadcast_in_dim3A_413 = vector.shape_cast %add3A_412 : vector<16xi32> to vector<16x1xi32>
          %gather3A_414 = vector.shape_cast %broadcast_in_dim3A_413 : vector<16x1xi32> to vector<16xi32>
          %gather3A_415 = tpu.dynamic_gather %exp3A[%gather3A_414] in [0] : vector<16xf32>, vector<16xi32> -> vector<16xf32>
          %add3A_416 = arith.constant 4 : i32
          %add3A_417 = vector.broadcast %add3A_416 : i32 to vector<16xi32>
          %add3A_418 = arith.addi %shift_right_arithmetic3A_9, %add3A_417 : vector<16xi32>
          %broadcast_in_dim3A_419 = vector.shape_cast %add3A_418 : vector<16xi32> to vector<16x1xi32>
          %gather3A_420 = vector.shape_cast %broadcast_in_dim3A_419 : vector<16x1xi32> to vector<16xi32>
          %gather3A_421 = tpu.dynamic_gather %exp3A[%gather3A_420] in [0] : vector<16xf32>, vector<16xi32> -> vector<16xf32>
          %add3A_422 = arith.constant 6 : i32
          %add3A_423 = vector.broadcast %add3A_422 : i32 to vector<16xi32>
          %add3A_424 = arith.addi %shift_right_arithmetic3A_9, %add3A_423 : vector<16xi32>
          %broadcast_in_dim3A_425 = vector.shape_cast %add3A_424 : vector<16xi32> to vector<16x1xi32>
          %gather3A_426 = vector.shape_cast %broadcast_in_dim3A_425 : vector<16x1xi32> to vector<16xi32>
          %gather3A_427 = tpu.dynamic_gather %exp3A[%gather3A_426] in [0] : vector<16xf32>, vector<16xi32> -> vector<16xf32>
          %add3A_428 = arith.constant 0 : i32
          %add3A_429 = vector.broadcast %add3A_428 : i32 to vector<16xi32>
          %add3A_430 = arith.addi %add3A_429, %add3A_21 : vector<16xi32>
          %add3A_431 = arith.addi %mul3A_381, %add3A_430 : vector<16xi32>
          %mul3A_432 = arith.mulf %unpack3A, %gather3A_409 : vector<16xf32>
          tpu.vector_store_idx %arg13[%add3A_431], %mul3A_432 {add = true} : memref<41088xf32, #tpu.memory_space<vmem>>[vector<16xi32>], vector<16xf32>,
          %add3A_433 = arith.constant 1 : i32
          %add3A_434 = vector.broadcast %add3A_433 : i32 to vector<16xi32>
          %add3A_435 = arith.addi %add3A_431, %add3A_434 : vector<16xi32>
          %mul3A_436 = arith.mulf %unpack3A_397, %gather3A_409 : vector<16xf32>
          tpu.vector_store_idx %arg13[%add3A_435], %mul3A_436 {add = true} : memref<41088xf32, #tpu.memory_space<vmem>>[vector<16xi32>], vector<16xf32>,
          %add3A_437 = arith.constant 32 : i32
          %add3A_438 = vector.broadcast %add3A_437 : i32 to vector<16xi32>
          %add3A_439 = arith.addi %add3A_438, %add3A_21 : vector<16xi32>
          %add3A_440 = arith.addi %mul3A_381, %add3A_439 : vector<16xi32>
          %mul3A_441 = arith.mulf %unpack3A_398, %gather3A_415 : vector<16xf32>
          tpu.vector_store_idx %arg13[%add3A_440], %mul3A_441 {add = true} : memref<41088xf32, #tpu.memory_space<vmem>>[vector<16xi32>], vector<16xf32>,
          %add3A_442 = arith.constant 1 : i32
          %add3A_443 = vector.broadcast %add3A_442 : i32 to vector<16xi32>
          %add3A_444 = arith.addi %add3A_440, %add3A_443 : vector<16xi32>
          %mul3A_445 = arith.mulf %unpack3A_399, %gather3A_415 : vector<16xf32>
          tpu.vector_store_idx %arg13[%add3A_444], %mul3A_445 {add = true} : memref<41088xf32, #tpu.memory_space<vmem>>[vector<16xi32>], vector<16xf32>,
          %add3A_446 = arith.constant 64 : i32
          %add3A_447 = vector.broadcast %add3A_446 : i32 to vector<16xi32>
          %add3A_448 = arith.addi %add3A_447, %add3A_21 : vector<16xi32>
          %add3A_449 = arith.addi %mul3A_381, %add3A_448 : vector<16xi32>
          %mul3A_450 = arith.mulf %unpack3A_400, %gather3A_421 : vector<16xf32>
          tpu.vector_store_idx %arg13[%add3A_449], %mul3A_450 {add = true} : memref<41088xf32, #tpu.memory_space<vmem>>[vector<16xi32>], vector<16xf32>,
          %add3A_451 = arith.constant 1 : i32
          %add3A_452 = vector.broadcast %add3A_451 : i32 to vector<16xi32>
          %add3A_453 = arith.addi %add3A_449, %add3A_452 : vector<16xi32>
          %mul3A_454 = arith.mulf %unpack3A_401, %gather3A_421 : vector<16xf32>
          tpu.vector_store_idx %arg13[%add3A_453], %mul3A_454 {add = true} : memref<41088xf32, #tpu.memory_space<vmem>>[vector<16xi32>], vector<16xf32>,
          %add3A_455 = arith.constant 96 : i32
          %add3A_456 = vector.broadcast %add3A_455 : i32 to vector<16xi32>
          %add3A_457 = arith.addi %add3A_456, %add3A_21 : vector<16xi32>
          %add3A_458 = arith.addi %mul3A_381, %add3A_457 : vector<16xi32>
          %mul3A_459 = arith.mulf %unpack3A_402, %gather3A_427 : vector<16xf32>
          tpu.vector_store_idx %arg13[%add3A_458], %mul3A_459 {add = true} : memref<41088xf32, #tpu.memory_space<vmem>>[vector<16xi32>], vector<16xf32>,
          %add3A_460 = arith.constant 1 : i32
          %add3A_461 = vector.broadcast %add3A_460 : i32 to vector<16xi32>
          %add3A_462 = arith.addi %add3A_458, %add3A_461 : vector<16xi32>
          %mul3A_463 = arith.mulf %unpack3A_403, %gather3A_427 : vector<16xf32>
          tpu.vector_store_idx %arg13[%add3A_462], %mul3A_463 {add = true} : memref<41088xf32, #tpu.memory_space<vmem>>[vector<16xi32>], vector<16xf32>,
          %while3A_464 = arith.constant 0 : i32
          scf.yield %while3A_464 : i32
        }
        %while3A_357 = arith.constant 1 : i32
        %while3A_358 = scf.for %while3A_360 = %while3A_354 to %while3A_350 step %while3A_357 iter_args(%while3A_361 = %while3A_356) -> (i32)  : i32 {
          %add3A_362 = arith.addi %mul3A_222, %mul3A_341 : i32
          %add3A_363 = arith.addi %add3A_362, %while3A_360 : i32
          %broadcast_in_dim3A_364 = vector.broadcast %add3A_363 : i32 to vector<16xi32>
          %gather3A = tpu.vector_load_idx %arg10[%broadcast_in_dim3A_364] : memref<5120xi32, #tpu.memory_space<vmem>>[vector<16xi32>], vector<16xi32>,
          %mul3A_365 = arith.constant 16 : i32
          %mul3A_366 = vector.broadcast %mul3A_365 : i32 to vector<16xi32>
          %mul3A_367 = arith.muli %gather3A, %mul3A_366 : vector<16xi32>
          %add3A_368 = arith.addi %mul3A_367, %iota3A : vector<16xi32>
          %gather3A_369 = tpu.vector_load_idx %arg12[%add3A_368] : memref<5120xf32, #tpu.memory_space<vmem>>[vector<16xi32>], vector<16xf32>,
          %get3A = arith.index_cast %while3A_360 : i32 to index
          %get3A_370 = arith.constant 64 : index
          %get3A_371 = tpu.vector_load %arg11[%get3A, %get3A_370] {strides = array<i32>} : memref<96x128xf32, #tpu.memory_space<vmem>>, vector<16xf32>,
          %add3A_372 = arith.addf %get3A_371, %gather3A_369 : vector<16xf32>
          %gt3A = arith.constant 0.000000e+00 : f32
          %gt3A_373 = vector.broadcast %gt3A : f32 to vector<16xf32>
          %gt3A_374 = arith.cmpf ogt, %add3A_372, %gt3A_373 : vector<16xf32>
          %mul3A_375 = arith.constant 2.000000e-01 : f32
          %mul3A_376 = vector.broadcast %mul3A_375 : f32 to vector<16xf32>
          %mul3A_377 = arith.mulf %mul3A_376, %add3A_372 : vector<16xf32>
          %select_n3A_378 = arith.select %gt3A_374, %add3A_372, %mul3A_377 : vector<16xi1>, vector<16xf32>
          %exp3A = math.exp %select_n3A_378 : vector<16xf32>
          tpu.vector_store_idx %arg14[%add3A_368], %exp3A masked %lt3A_4 {add = true} : memref<5136xf32, #tpu.memory_space<vmem>>[vector<16xi32>], vector<16xf32>, vector<16xi1>
          %mul3A_379 = arith.constant 128 : i32
          %mul3A_380 = vector.broadcast %mul3A_379 : i32 to vector<16xi32>
          %mul3A_381 = arith.muli %gather3A, %mul3A_380 : vector<16xi32>
          %get3A_382 = arith.index_cast %while3A_360 : i32 to index
          %get3A_383 = arith.constant 0 : index
          %get3A_384 = tpu.vector_load %arg11[%get3A_382, %get3A_383] {strides = array<i32>} : memref<96x128xf32, #tpu.memory_space<vmem>>, vector<16xf32>,
          %bitcast3A = vector.bitcast %get3A_384 : vector<16xf32> to vector<32xbf16>
          %get3A_385 = arith.index_cast %while3A_360 : i32 to index
          %get3A_386 = arith.constant 16 : index
          %get3A_387 = tpu.vector_load %arg11[%get3A_385, %get3A_386] {strides = array<i32>} : memref<96x128xf32, #tpu.memory_space<vmem>>, vector<16xf32>,
          %bitcast3A_388 = vector.bitcast %get3A_387 : vector<16xf32> to vector<32xbf16>
          %get3A_389 = arith.index_cast %while3A_360 : i32 to index
          %get3A_390 = arith.constant 32 : index
          %get3A_391 = tpu.vector_load %arg11[%get3A_389, %get3A_390] {strides = array<i32>} : memref<96x128xf32, #tpu.memory_space<vmem>>, vector<16xf32>,
          %bitcast3A_392 = vector.bitcast %get3A_391 : vector<16xf32> to vector<32xbf16>
          %get3A_393 = arith.index_cast %while3A_360 : i32 to index
          %get3A_394 = arith.constant 48 : index
          %get3A_395 = tpu.vector_load %arg11[%get3A_393, %get3A_394] {strides = array<i32>} : memref<96x128xf32, #tpu.memory_space<vmem>>, vector<16xf32>,
          %bitcast3A_396 = vector.bitcast %get3A_395 : vector<16xf32> to vector<32xbf16>
          %unpack3A = tpu.unpack_subelements %bitcast3A, 0 {pack_format = #tpu.pack_format<interleaved>} : vector<32xbf16> -> vector<16xf32>
          %unpack3A_397 = tpu.unpack_subelements %bitcast3A, 1 {pack_format = #tpu.pack_format<interleaved>} : vector<32xbf16> -> vector<16xf32>
          %unpack3A_398 = tpu.unpack_subelements %bitcast3A_388, 0 {pack_format = #tpu.pack_format<interleaved>} : vector<32xbf16> -> vector<16xf32>
          %unpack3A_399 = tpu.unpack_subelements %bitcast3A_388, 1 {pack_format = #tpu.pack_format<interleaved>} : vector<32xbf16> -> vector<16xf32>
          %unpack3A_400 = tpu.unpack_subelements %bitcast3A_392, 0 {pack_format = #tpu.pack_format<interleaved>} : vector<32xbf16> -> vector<16xf32>
          %unpack3A_401 = tpu.unpack_subelements %bitcast3A_392, 1 {pack_format = #tpu.pack_format<interleaved>} : vector<32xbf16> -> vector<16xf32>
          %unpack3A_402 = tpu.unpack_subelements %bitcast3A_396, 0 {pack_format = #tpu.pack_format<interleaved>} : vector<32xbf16> -> vector<16xf32>
          %unpack3A_403 = tpu.unpack_subelements %bitcast3A_396, 1 {pack_format = #tpu.pack_format<interleaved>} : vector<32xbf16> -> vector<16xf32>
          %add3A_404 = arith.constant 0 : i32
          %add3A_405 = vector.broadcast %add3A_404 : i32 to vector<16xi32>
          %add3A_406 = arith.addi %shift_right_arithmetic3A_9, %add3A_405 : vector<16xi32>
          %broadcast_in_dim3A_407 = vector.shape_cast %add3A_406 : vector<16xi32> to vector<16x1xi32>
          %gather3A_408 = vector.shape_cast %broadcast_in_dim3A_407 : vector<16x1xi32> to vector<16xi32>
          %gather3A_409 = tpu.dynamic_gather %exp3A[%gather3A_408] in [0] : vector<16xf32>, vector<16xi32> -> vector<16xf32>
          %add3A_410 = arith.constant 2 : i32
          %add3A_411 = vector.broadcast %add3A_410 : i32 to vector<16xi32>
          %add3A_412 = arith.addi %shift_right_arithmetic3A_9, %add3A_411 : vector<16xi32>
          %broadcast_in_dim3A_413 = vector.shape_cast %add3A_412 : vector<16xi32> to vector<16x1xi32>
          %gather3A_414 = vector.shape_cast %broadcast_in_dim3A_413 : vector<16x1xi32> to vector<16xi32>
          %gather3A_415 = tpu.dynamic_gather %exp3A[%gather3A_414] in [0] : vector<16xf32>, vector<16xi32> -> vector<16xf32>
          %add3A_416 = arith.constant 4 : i32
          %add3A_417 = vector.broadcast %add3A_416 : i32 to vector<16xi32>
          %add3A_418 = arith.addi %shift_right_arithmetic3A_9, %add3A_417 : vector<16xi32>
          %broadcast_in_dim3A_419 = vector.shape_cast %add3A_418 : vector<16xi32> to vector<16x1xi32>
          %gather3A_420 = vector.shape_cast %broadcast_in_dim3A_419 : vector<16x1xi32> to vector<16xi32>
          %gather3A_421 = tpu.dynamic_gather %exp3A[%gather3A_420] in [0] : vector<16xf32>, vector<16xi32> -> vector<16xf32>
          %add3A_422 = arith.constant 6 : i32
          %add3A_423 = vector.broadcast %add3A_422 : i32 to vector<16xi32>
          %add3A_424 = arith.addi %shift_right_arithmetic3A_9, %add3A_423 : vector<16xi32>
          %broadcast_in_dim3A_425 = vector.shape_cast %add3A_424 : vector<16xi32> to vector<16x1xi32>
          %gather3A_426 = vector.shape_cast %broadcast_in_dim3A_425 : vector<16x1xi32> to vector<16xi32>
          %gather3A_427 = tpu.dynamic_gather %exp3A[%gather3A_426] in [0] : vector<16xf32>, vector<16xi32> -> vector<16xf32>
          %add3A_428 = arith.constant 0 : i32
          %add3A_429 = vector.broadcast %add3A_428 : i32 to vector<16xi32>
          %add3A_430 = arith.addi %add3A_429, %add3A_21 : vector<16xi32>
          %add3A_431 = arith.addi %mul3A_381, %add3A_430 : vector<16xi32>
          %mul3A_432 = arith.mulf %unpack3A, %gather3A_409 : vector<16xf32>
          tpu.vector_store_idx %arg13[%add3A_431], %mul3A_432 {add = true} : memref<41088xf32, #tpu.memory_space<vmem>>[vector<16xi32>], vector<16xf32>,
          %add3A_433 = arith.constant 1 : i32
          %add3A_434 = vector.broadcast %add3A_433 : i32 to vector<16xi32>
          %add3A_435 = arith.addi %add3A_431, %add3A_434 : vector<16xi32>
          %mul3A_436 = arith.mulf %unpack3A_397, %gather3A_409 : vector<16xf32>
          tpu.vector_store_idx %arg13[%add3A_435], %mul3A_436 {add = true} : memref<41088xf32, #tpu.memory_space<vmem>>[vector<16xi32>], vector<16xf32>,
          %add3A_437 = arith.constant 32 : i32
          %add3A_438 = vector.broadcast %add3A_437 : i32 to vector<16xi32>
          %add3A_439 = arith.addi %add3A_438, %add3A_21 : vector<16xi32>
          %add3A_440 = arith.addi %mul3A_381, %add3A_439 : vector<16xi32>
          %mul3A_441 = arith.mulf %unpack3A_398, %gather3A_415 : vector<16xf32>
          tpu.vector_store_idx %arg13[%add3A_440], %mul3A_441 {add = true} : memref<41088xf32, #tpu.memory_space<vmem>>[vector<16xi32>], vector<16xf32>,
          %add3A_442 = arith.constant 1 : i32
          %add3A_443 = vector.broadcast %add3A_442 : i32 to vector<16xi32>
          %add3A_444 = arith.addi %add3A_440, %add3A_443 : vector<16xi32>
          %mul3A_445 = arith.mulf %unpack3A_399, %gather3A_415 : vector<16xf32>
          tpu.vector_store_idx %arg13[%add3A_444], %mul3A_445 {add = true} : memref<41088xf32, #tpu.memory_space<vmem>>[vector<16xi32>], vector<16xf32>,
          %add3A_446 = arith.constant 64 : i32
          %add3A_447 = vector.broadcast %add3A_446 : i32 to vector<16xi32>
          %add3A_448 = arith.addi %add3A_447, %add3A_21 : vector<16xi32>
          %add3A_449 = arith.addi %mul3A_381, %add3A_448 : vector<16xi32>
          %mul3A_450 = arith.mulf %unpack3A_400, %gather3A_421 : vector<16xf32>
          tpu.vector_store_idx %arg13[%add3A_449], %mul3A_450 {add = true} : memref<41088xf32, #tpu.memory_space<vmem>>[vector<16xi32>], vector<16xf32>,
          %add3A_451 = arith.constant 1 : i32
          %add3A_452 = vector.broadcast %add3A_451 : i32 to vector<16xi32>
          %add3A_453 = arith.addi %add3A_449, %add3A_452 : vector<16xi32>
          %mul3A_454 = arith.mulf %unpack3A_401, %gather3A_421 : vector<16xf32>
          tpu.vector_store_idx %arg13[%add3A_453], %mul3A_454 {add = true} : memref<41088xf32, #tpu.memory_space<vmem>>[vector<16xi32>], vector<16xf32>,
          %add3A_455 = arith.constant 96 : i32
          %add3A_456 = vector.broadcast %add3A_455 : i32 to vector<16xi32>
          %add3A_457 = arith.addi %add3A_456, %add3A_21 : vector<16xi32>
          %add3A_458 = arith.addi %mul3A_381, %add3A_457 : vector<16xi32>
          %mul3A_459 = arith.mulf %unpack3A_402, %gather3A_427 : vector<16xf32>
          tpu.vector_store_idx %arg13[%add3A_458], %mul3A_459 {add = true} : memref<41088xf32, #tpu.memory_space<vmem>>[vector<16xi32>], vector<16xf32>,
          %add3A_460 = arith.constant 1 : i32
          %add3A_461 = vector.broadcast %add3A_460 : i32 to vector<16xi32>
          %add3A_462 = arith.addi %add3A_458, %add3A_461 : vector<16xi32>
          %mul3A_463 = arith.mulf %unpack3A_403, %gather3A_427 : vector<16xf32>
          tpu.vector_store_idx %arg13[%add3A_462], %mul3A_463 {add = true} : memref<41088xf32, #tpu.memory_space<vmem>>[vector<16xi32>], vector<16xf32>,
          %while3A_464 = arith.constant 0 : i32
          scf.yield %while3A_464 : i32
        }
        %while3A_359 = arith.constant 0 : i32
        scf.yield %while3A_359 : i32
      }
      %dma_start3A_321 = tpu.memref_slice %arg9[%mul3A_228] : memref<5120xi32, #tpu.memory_space<vmem>> -> memref<96xi32, #tpu.memory_space<vmem>>
      %dma_start3A_322 = arith.constant 0 : i32
      %dma_start3A_323 = arith.constant 0 : i32
      %dma_start3A_324 = tpu.memref_slice %arg4[%dma_start3A_322, %dma_start3A_323] : memref<10000x128xf32, #tpu.memory_space<hbm>> -> memref<10000x128xf32, #tpu.memory_space<hbm>>
      tpu.enqueue_indirect_dma source(%dma_start3A_324 : memref<10000x128xf32, #tpu.memory_space<hbm>>) target(%arg11 : memref<96x128xf32, #tpu.memory_space<vmem>>) offsets(%dma_start3A_321 : memref<96xi32, #tpu.memory_space<vmem>>) semaphore(%arg16 : memref<!tpu.dma_semaphore, #tpu.memory_space<semaphore_mem>>)
      scf.yield %reduce_max3A_250 : i32
    }
    %scan3A_70 = arith.constant 123 : i32
    %dma_wait3A = arith.constant 0 : i32
    %dma_wait3A_71 = tpu.memref_slice %arg2[%dma_wait3A] : memref<320000xi32, #tpu.memory_space<hbm>> -> memref<2560xi32, #tpu.memory_space<hbm>>
    %dma_wait3A_72 = arith.constant 0 : i32
    %dma_wait3A_73 = tpu.memref_slice %arg2[%dma_wait3A_72] : memref<320000xi32, #tpu.memory_space<hbm>> -> memref<2560xi32, #tpu.memory_space<hbm>>
    tpu.wait_dma2 semaphore(%arg15 : memref<!tpu.dma_semaphore, #tpu.memory_space<semaphore_mem>>) src(%dma_wait3A_73 : memref<2560xi32, #tpu.memory_space<hbm>>) dst(%arg7 : memref<2560xi32, #tpu.memory_space<vmem>>)
    %dma_wait3A_74 = arith.constant 0 : i32
    %dma_wait3A_75 = tpu.memref_slice %arg3[%dma_wait3A_74] : memref<320000xi32, #tpu.memory_space<hbm>> -> memref<2560xi32, #tpu.memory_space<hbm>>
    %dma_wait3A_76 = arith.constant 0 : i32
    %dma_wait3A_77 = tpu.memref_slice %arg3[%dma_wait3A_76] : memref<320000xi32, #tpu.memory_space<hbm>> -> memref<2560xi32, #tpu.memory_space<hbm>>
    tpu.wait_dma2 semaphore(%arg15 : memref<!tpu.dma_semaphore, #tpu.memory_space<semaphore_mem>>) src(%dma_wait3A_77 : memref<2560xi32, #tpu.memory_space<hbm>>) dst(%arg8 : memref<2560xi32, #tpu.memory_space<vmem>>)
    %scan3A_78 = arith.constant 0 : i32
    %scan3A_79 = arith.constant 40 : i32
    %scan3A_80 = arith.addi %scan3A_78, %scan3A_79 : i32
    %scan3A_81 = arith.constant 1 : i32
    %scan3A_82 = scf.for %scan3A_217 = %scan3A_78 to %scan3A_80 step %scan3A_81 iter_args(%scan3A_218 = %broadcast_in_dim3A_24) -> (vector<16xi32>)  : i32 {
      %mul3A_219 = arith.constant 4 : i32
      %mul3A_220 = arith.muli %mul3A_219, %scan3A_217 : i32
      %add3A_221 = arith.constant 0 : i32
      %add3A_222 = arith.addi %mul3A_220, %add3A_221 : i32
      %mul3A_223 = arith.constant 16 : i32
      %mul3A_224 = arith.muli %add3A_222, %mul3A_223 : i32
      %get3A = arith.index_cast %mul3A_224 : i32 to index
      %get3A_225 = tpu.vector_load %arg8[%get3A] {strides = array<i32>} : memref<2560xi32, #tpu.memory_space<vmem>>, vector<16xi32>,
      %add3A_226 = arith.constant 1 : i32
      %add3A_227 = arith.addi %mul3A_220, %add3A_226 : i32
      %mul3A_228 = arith.constant 16 : i32
      %mul3A_229 = arith.muli %add3A_227, %mul3A_228 : i32
      %get3A_230 = arith.index_cast %mul3A_229 : i32 to index
      %get3A_231 = tpu.vector_load %arg8[%get3A_230] {strides = array<i32>} : memref<2560xi32, #tpu.memory_space<vmem>>, vector<16xi32>,
      %add3A_232 = arith.constant 2 : i32
      %add3A_233 = arith.addi %mul3A_220, %add3A_232 : i32
      %mul3A_234 = arith.constant 16 : i32
      %mul3A_235 = arith.muli %add3A_233, %mul3A_234 : i32
      %get3A_236 = arith.index_cast %mul3A_235 : i32 to index
      %get3A_237 = tpu.vector_load %arg8[%get3A_236] {strides = array<i32>} : memref<2560xi32, #tpu.memory_space<vmem>>, vector<16xi32>,
      %add3A_238 = arith.constant 3 : i32
      %add3A_239 = arith.addi %mul3A_220, %add3A_238 : i32
      %mul3A_240 = arith.constant 16 : i32
      %mul3A_241 = arith.muli %add3A_239, %mul3A_240 : i32
      %get3A_242 = arith.index_cast %mul3A_241 : i32 to index
      %get3A_243 = tpu.vector_load %arg8[%get3A_242] {strides = array<i32>} : memref<2560xi32, #tpu.memory_space<vmem>>, vector<16xi32>,
      %add3A_244 = arith.constant 0 : i32
      %add3A_245 = arith.addi %mul3A_220, %add3A_244 : i32
      %mul3A_246 = arith.constant 16 : i32
      %mul3A_247 = arith.muli %add3A_245, %mul3A_246 : i32
      %get3A_248 = arith.index_cast %mul3A_247 : i32 to index
      %get3A_249 = tpu.vector_load %arg7[%get3A_248] {strides = array<i32>} : memref<2560xi32, #tpu.memory_space<vmem>>, vector<16xi32>,
      %add3A_250 = arith.constant 1 : i32
      %add3A_251 = arith.addi %mul3A_220, %add3A_250 : i32
      %mul3A_252 = arith.constant 16 : i32
      %mul3A_253 = arith.muli %add3A_251, %mul3A_252 : i32
      %get3A_254 = arith.index_cast %mul3A_253 : i32 to index
      %get3A_255 = tpu.vector_load %arg7[%get3A_254] {strides = array<i32>} : memref<2560xi32, #tpu.memory_space<vmem>>, vector<16xi32>,
      %add3A_256 = arith.constant 2 : i32
      %add3A_257 = arith.addi %mul3A_220, %add3A_256 : i32
      %mul3A_258 = arith.constant 16 : i32
      %mul3A_259 = arith.muli %add3A_257, %mul3A_258 : i32
      %get3A_260 = arith.index_cast %mul3A_259 : i32 to index
      %get3A_261 = tpu.vector_load %arg7[%get3A_260] {strides = array<i32>} : memref<2560xi32, #tpu.memory_space<vmem>>, vector<16xi32>,
      %add3A_262 = arith.constant 3 : i32
      %add3A_263 = arith.addi %mul3A_220, %add3A_262 : i32
      %mul3A_264 = arith.constant 16 : i32
      %mul3A_265 = arith.muli %add3A_263, %mul3A_264 : i32
      %get3A_266 = arith.index_cast %mul3A_265 : i32 to index
      %get3A_267 = tpu.vector_load %arg7[%get3A_266] {strides = array<i32>} : memref<2560xi32, #tpu.memory_space<vmem>>, vector<16xi32>,
      %sub3A_268 = vector.broadcast %mul3A_2 : i32 to vector<16xi32>
      %sub3A_269 = arith.subi %get3A_225, %sub3A_268 : vector<16xi32>
      %sub3A_270 = vector.broadcast %mul3A_2 : i32 to vector<16xi32>
      %sub3A_271 = arith.subi %get3A_231, %sub3A_270 : vector<16xi32>
      %sub3A_272 = vector.broadcast %mul3A_2 : i32 to vector<16xi32>
      %sub3A_273 = arith.subi %get3A_237, %sub3A_272 : vector<16xi32>
      %sub3A_274 = vector.broadcast %mul3A_2 : i32 to vector<16xi32>
      %sub3A_275 = arith.subi %get3A_243, %sub3A_274 : vector<16xi32>
      %lt3A_276 = arith.constant 320 : i32
      %lt3A_277 = vector.broadcast %lt3A_276 : i32 to vector<16xi32>
      %lt3A_278 = arith.cmpi ult, %sub3A_269, %lt3A_277 : vector<16xi32>
      %lt3A_279 = arith.constant 320 : i32
      %lt3A_280 = vector.broadcast %lt3A_279 : i32 to vector<16xi32>
      %lt3A_281 = arith.cmpi ult, %sub3A_271, %lt3A_280 : vector<16xi32>
      %lt3A_282 = arith.constant 320 : i32
      %lt3A_283 = vector.broadcast %lt3A_282 : i32 to vector<16xi32>
      %lt3A_284 = arith.cmpi ult, %sub3A_273, %lt3A_283 : vector<16xi32>
      %lt3A_285 = arith.constant 320 : i32
      %lt3A_286 = vector.broadcast %lt3A_285 : i32 to vector<16xi32>
      %lt3A_287 = arith.cmpi ult, %sub3A_275, %lt3A_286 : vector<16xi32>
      %jit3A_288 = arith.constant 1 : i32
      %jit3A_289 = arith.constant 0 : i32
      %broadcast_in_dim3A_290 = vector.broadcast %jit3A_288 : i32 to vector<16xi32>
      %broadcast_in_dim3A_291 = vector.broadcast %jit3A_289 : i32 to vector<16xi32>
      %select_n3A_292 = arith.select %lt3A_278, %broadcast_in_dim3A_290, %broadcast_in_dim3A_291 : vector<16xi1>, vector<16xi32>
      %broadcast_in_dim3A_293 = arith.constant true
      %broadcast_in_dim3A_294 = vector.broadcast %broadcast_in_dim3A_293 : i1 to vector<16xi1>
      %masked_cumsum3A = tpu.scan <sum>, %select_n3A_292 masked %broadcast_in_dim3A_294 : vector<16xi32>, vector<16xi1> -> vector<16xi32>
      %jit3A_295 = arith.constant 1 : i32
      %jit3A_296 = arith.constant 0 : i32
      %broadcast_in_dim3A_297 = vector.broadcast %jit3A_295 : i32 to vector<16xi32>
      %broadcast_in_dim3A_298 = vector.broadcast %jit3A_296 : i32 to vector<16xi32>
      %select_n3A_299 = arith.select %lt3A_281, %broadcast_in_dim3A_297, %broadcast_in_dim3A_298 : vector<16xi1>, vector<16xi32>
      %broadcast_in_dim3A_300 = arith.constant true
      %broadcast_in_dim3A_301 = vector.broadcast %broadcast_in_dim3A_300 : i1 to vector<16xi1>
      %masked_cumsum3A_302 = tpu.scan <sum>, %select_n3A_299 masked %broadcast_in_dim3A_301 : vector<16xi32>, vector<16xi1> -> vector<16xi32>
      %jit3A_303 = arith.constant 1 : i32
      %jit3A_304 = arith.constant 0 : i32
      %broadcast_in_dim3A_305 = vector.broadcast %jit3A_303 : i32 to vector<16xi32>
      %broadcast_in_dim3A_306 = vector.broadcast %jit3A_304 : i32 to vector<16xi32>
      %select_n3A_307 = arith.select %lt3A_284, %broadcast_in_dim3A_305, %broadcast_in_dim3A_306 : vector<16xi1>, vector<16xi32>
      %broadcast_in_dim3A_308 = arith.constant true
      %broadcast_in_dim3A_309 = vector.broadcast %broadcast_in_dim3A_308 : i1 to vector<16xi1>
      %masked_cumsum3A_310 = tpu.scan <sum>, %select_n3A_307 masked %broadcast_in_dim3A_309 : vector<16xi32>, vector<16xi1> -> vector<16xi32>
      %jit3A_311 = arith.constant 1 : i32
      %jit3A_312 = arith.constant 0 : i32
      %broadcast_in_dim3A_313 = vector.broadcast %jit3A_311 : i32 to vector<16xi32>
      %broadcast_in_dim3A_314 = vector.broadcast %jit3A_312 : i32 to vector<16xi32>
      %select_n3A_315 = arith.select %lt3A_287, %broadcast_in_dim3A_313, %broadcast_in_dim3A_314 : vector<16xi1>, vector<16xi32>
      %broadcast_in_dim3A_316 = arith.constant true
      %broadcast_in_dim3A_317 = vector.broadcast %broadcast_in_dim3A_316 : i1 to vector<16xi1>
      %masked_cumsum3A_318 = tpu.scan <sum>, %select_n3A_315 masked %broadcast_in_dim3A_317 : vector<16xi32>, vector<16xi1> -> vector<16xi32>
      %all_reduce_population_count3A = tpu.all_reduce %lt3A_278 {dim = 0 : i64, kind = #tpu.reduction_kind<sum>} : vector<16xi1> -> vector<16xi32>
      %all_reduce_population_count3A_319 = tpu.all_reduce %lt3A_281 {dim = 0 : i64, kind = #tpu.reduction_kind<sum>} : vector<16xi1> -> vector<16xi32>
      %all_reduce_population_count3A_320 = tpu.all_reduce %lt3A_284 {dim = 0 : i64, kind = #tpu.reduction_kind<sum>} : vector<16xi1> -> vector<16xi32>
      %all_reduce_population_count3A_321 = tpu.all_reduce %lt3A_287 {dim = 0 : i64, kind = #tpu.reduction_kind<sum>} : vector<16xi1> -> vector<16xi32>
      %add3A_322 = arith.addi %scan3A_218, %masked_cumsum3A : vector<16xi32>
      %sub3A_323 = arith.constant 1 : i32
      %sub3A_324 = vector.broadcast %sub3A_323 : i32 to vector<16xi32>
      %sub3A_325 = arith.subi %add3A_322, %sub3A_324 : vector<16xi32>
      %add3A_326 = arith.constant 0 : i32
      %add3A_327 = vector.broadcast %add3A_326 : i32 to vector<16xi32>
      %add3A_328 = arith.addi %add3A_327, %sub3A_325 : vector<16xi32>
      tpu.vector_store_idx %arg9[%add3A_328], %get3A_249 masked %lt3A_278 : memref<5120xi32, #tpu.memory_space<vmem>>[vector<16xi32>], vector<16xi32>, vector<16xi1>
      tpu.vector_store_idx %arg10[%add3A_328], %sub3A_269 masked %lt3A_278 : memref<5120xi32, #tpu.memory_space<vmem>>[vector<16xi32>], vector<16xi32>, vector<16xi1>
      %add3A_329 = arith.addi %scan3A_218, %all_reduce_population_count3A : vector<16xi32>
      %add3A_330 = arith.addi %add3A_329, %masked_cumsum3A_302 : vector<16xi32>
      %sub3A_331 = arith.constant 1 : i32
      %sub3A_332 = vector.broadcast %sub3A_331 : i32 to vector<16xi32>
      %sub3A_333 = arith.subi %add3A_330, %sub3A_332 : vector<16xi32>
      %add3A_334 = arith.constant 0 : i32
      %add3A_335 = vector.broadcast %add3A_334 : i32 to vector<16xi32>
      %add3A_336 = arith.addi %add3A_335, %sub3A_333 : vector<16xi32>
      tpu.vector_store_idx %arg9[%add3A_336], %get3A_255 masked %lt3A_281 : memref<5120xi32, #tpu.memory_space<vmem>>[vector<16xi32>], vector<16xi32>, vector<16xi1>
      tpu.vector_store_idx %arg10[%add3A_336], %sub3A_271 masked %lt3A_281 : memref<5120xi32, #tpu.memory_space<vmem>>[vector<16xi32>], vector<16xi32>, vector<16xi1>
      %add3A_337 = arith.addi %add3A_329, %all_reduce_population_count3A_319 : vector<16xi32>
      %add3A_338 = arith.addi %add3A_337, %masked_cumsum3A_310 : vector<16xi32>
      %sub3A_339 = arith.constant 1 : i32
      %sub3A_340 = vector.broadcast %sub3A_339 : i32 to vector<16xi32>
      %sub3A_341 = arith.subi %add3A_338, %sub3A_340 : vector<16xi32>
      %add3A_342 = arith.constant 0 : i32
      %add3A_343 = vector.broadcast %add3A_342 : i32 to vector<16xi32>
      %add3A_344 = arith.addi %add3A_343, %sub3A_341 : vector<16xi32>
      tpu.vector_store_idx %arg9[%add3A_344], %get3A_261 masked %lt3A_284 : memref<5120xi32, #tpu.memory_space<vmem>>[vector<16xi32>], vector<16xi32>, vector<16xi1>
      tpu.vector_store_idx %arg10[%add3A_344], %sub3A_273 masked %lt3A_284 : memref<5120xi32, #tpu.memory_space<vmem>>[vector<16xi32>], vector<16xi32>, vector<16xi1>
      %add3A_345 = arith.addi %add3A_337, %all_reduce_population_count3A_320 : vector<16xi32>
      %add3A_346 = arith.addi %add3A_345, %masked_cumsum3A_318 : vector<16xi32>
      %sub3A_347 = arith.constant 1 : i32
      %sub3A_348 = vector.broadcast %sub3A_347 : i32 to vector<16xi32>
      %sub3A_349 = arith.subi %add3A_346, %sub3A_348 : vector<16xi32>
      %add3A_350 = arith.constant 0 : i32
      %add3A_351 = vector.broadcast %add3A_350 : i32 to vector<16xi32>
      %add3A_352 = arith.addi %add3A_351, %sub3A_349 : vector<16xi32>
      tpu.vector_store_idx %arg9[%add3A_352], %get3A_267 masked %lt3A_287 : memref<5120xi32, #tpu.memory_space<vmem>>[vector<16xi32>], vector<16xi32>, vector<16xi1>
      tpu.vector_store_idx %arg10[%add3A_352], %sub3A_275 masked %lt3A_287 : memref<5120xi32, #tpu.memory_space<vmem>>[vector<16xi32>], vector<16xi32>, vector<16xi1>
      %add3A_353 = arith.addi %add3A_345, %all_reduce_population_count3A_321 : vector<16xi32>
      scf.yield %add3A_353 : vector<16xi32>
    }
    %scan3A_83 = arith.constant 40 : i32
    %reduce_max3A_84 = arith.constant true
    %reduce_max3A_85 = vector.broadcast %reduce_max3A_84 : i1 to vector<16xi1>
    %reduce_max3A_86 = arith.constant -2147483648 : i32
    %reduce_max3A_87 = vector.broadcast %reduce_max3A_86 : i32 to vector<16xi32>
    %reduce_max3A_88 = arith.xori %scan3A_82, %reduce_max3A_87 : vector<16xi32>
    %reduce_max3A_89 = tpu.scan <max>, %reduce_max3A_88 masked %reduce_max3A_85 : vector<16xi32>, vector<16xi1> -> vector<16xi32>
    %reduce_max3A_90 = arith.xori %reduce_max3A_89, %reduce_max3A_87 : vector<16xi32>
    %reduce_max3A_91 = vector.extract %reduce_max3A_90[15] : i32 from vector<16xi32>
    %dma_wait3A_92 = arith.constant 0 : i32
    %dma_wait3A_93 = arith.constant 0 : i32
    %dma_wait3A_94 = tpu.memref_slice %arg4[%dma_wait3A_92, %dma_wait3A_93] : memref<10000x128xf32, #tpu.memory_space<hbm>> -> memref<96x128xf32, #tpu.memory_space<hbm>>
    %dma_wait3A_95 = arith.constant 0 : i32
    %dma_wait3A_96 = arith.constant 0 : i32
    %dma_wait3A_97 = tpu.memref_slice %arg4[%dma_wait3A_95, %dma_wait3A_96] : memref<10000x128xf32, #tpu.memory_space<hbm>> -> memref<96x128xf32, #tpu.memory_space<hbm>>
    tpu.wait_dma2 semaphore(%arg16 : memref<!tpu.dma_semaphore, #tpu.memory_space<semaphore_mem>>) src(%dma_wait3A_97 : memref<96x128xf32, #tpu.memory_space<hbm>>) dst(%arg11 : memref<96x128xf32, #tpu.memory_space<vmem>>)
    %min3A = arith.constant 96 : i32
    %min3A_98 = arith.minsi %scan3A_69, %min3A : i32
    %while3A = arith.constant 0 : i32
    %while3A_99 = arith.constant 0 : i32
    %while3A_100 = arith.subi %min3A_98, %while3A : i32
    %while3A_101 = arith.addi %while3A, %while3A_100 : i32
    %while3A_102 = arith.constant 1 : i32
    %while3A_103 = arith.divsi %while3A_100, %while3A_102 : i32
    %while3A_104 = arith.muli %while3A_103, %while3A_102 : i32
    %while3A_105 = arith.addi %while3A, %while3A_104 : i32
    %while3A_106 = arith.constant 1 : i32
    %while3A_107 = scf.for %while3A_217 = %while3A to %while3A_105 step %while3A_106 iter_args(%while3A_218 = %while3A_99) -> (i32)  : i32 {
      %add3A_219 = arith.constant 2560 : i32
      %add3A_220 = arith.addi %add3A_219, %while3A_217 : i32
      %broadcast_in_dim3A_221 = vector.broadcast %add3A_220 : i32 to vector<16xi32>
      %gather3A = tpu.vector_load_idx %arg10[%broadcast_in_dim3A_221] : memref<5120xi32, #tpu.memory_space<vmem>>[vector<16xi32>], vector<16xi32>,
      %mul3A_222 = arith.constant 16 : i32
      %mul3A_223 = vector.broadcast %mul3A_222 : i32 to vector<16xi32>
      %mul3A_224 = arith.muli %gather3A, %mul3A_223 : vector<16xi32>
      %add3A_225 = arith.addi %mul3A_224, %iota3A : vector<16xi32>
      %gather3A_226 = tpu.vector_load_idx %arg12[%add3A_225] : memref<5120xf32, #tpu.memory_space<vmem>>[vector<16xi32>], vector<16xf32>,
      %get3A = arith.index_cast %while3A_217 : i32 to index
      %get3A_227 = arith.constant 64 : index
      %get3A_228 = tpu.vector_load %arg11[%get3A, %get3A_227] {strides = array<i32>} : memref<96x128xf32, #tpu.memory_space<vmem>>, vector<16xf32>,
      %add3A_229 = arith.addf %get3A_228, %gather3A_226 : vector<16xf32>
      %gt3A = arith.constant 0.000000e+00 : f32
      %gt3A_230 = vector.broadcast %gt3A : f32 to vector<16xf32>
      %gt3A_231 = arith.cmpf ogt, %add3A_229, %gt3A_230 : vector<16xf32>
      %mul3A_232 = arith.constant 2.000000e-01 : f32
      %mul3A_233 = vector.broadcast %mul3A_232 : f32 to vector<16xf32>
      %mul3A_234 = arith.mulf %mul3A_233, %add3A_229 : vector<16xf32>
      %select_n3A_235 = arith.select %gt3A_231, %add3A_229, %mul3A_234 : vector<16xi1>, vector<16xf32>
      %exp3A = math.exp %select_n3A_235 : vector<16xf32>
      tpu.vector_store_idx %arg14[%add3A_225], %exp3A masked %lt3A_4 {add = true} : memref<5136xf32, #tpu.memory_space<vmem>>[vector<16xi32>], vector<16xf32>, vector<16xi1>
      %mul3A_236 = arith.constant 128 : i32
      %mul3A_237 = vector.broadcast %mul3A_236 : i32 to vector<16xi32>
      %mul3A_238 = arith.muli %gather3A, %mul3A_237 : vector<16xi32>
      %get3A_239 = arith.index_cast %while3A_217 : i32 to index
      %get3A_240 = arith.constant 0 : index
      %get3A_241 = tpu.vector_load %arg11[%get3A_239, %get3A_240] {strides = array<i32>} : memref<96x128xf32, #tpu.memory_space<vmem>>, vector<16xf32>,
      %bitcast3A = vector.bitcast %get3A_241 : vector<16xf32> to vector<32xbf16>
      %get3A_242 = arith.index_cast %while3A_217 : i32 to index
      %get3A_243 = arith.constant 16 : index
      %get3A_244 = tpu.vector_load %arg11[%get3A_242, %get3A_243] {strides = array<i32>} : memref<96x128xf32, #tpu.memory_space<vmem>>, vector<16xf32>,
      %bitcast3A_245 = vector.bitcast %get3A_244 : vector<16xf32> to vector<32xbf16>
      %get3A_246 = arith.index_cast %while3A_217 : i32 to index
      %get3A_247 = arith.constant 32 : index
      %get3A_248 = tpu.vector_load %arg11[%get3A_246, %get3A_247] {strides = array<i32>} : memref<96x128xf32, #tpu.memory_space<vmem>>, vector<16xf32>,
      %bitcast3A_249 = vector.bitcast %get3A_248 : vector<16xf32> to vector<32xbf16>
      %get3A_250 = arith.index_cast %while3A_217 : i32 to index
      %get3A_251 = arith.constant 48 : index
      %get3A_252 = tpu.vector_load %arg11[%get3A_250, %get3A_251] {strides = array<i32>} : memref<96x128xf32, #tpu.memory_space<vmem>>, vector<16xf32>,
      %bitcast3A_253 = vector.bitcast %get3A_252 : vector<16xf32> to vector<32xbf16>
      %unpack3A = tpu.unpack_subelements %bitcast3A, 0 {pack_format = #tpu.pack_format<interleaved>} : vector<32xbf16> -> vector<16xf32>
      %unpack3A_254 = tpu.unpack_subelements %bitcast3A, 1 {pack_format = #tpu.pack_format<interleaved>} : vector<32xbf16> -> vector<16xf32>
      %unpack3A_255 = tpu.unpack_subelements %bitcast3A_245, 0 {pack_format = #tpu.pack_format<interleaved>} : vector<32xbf16> -> vector<16xf32>
      %unpack3A_256 = tpu.unpack_subelements %bitcast3A_245, 1 {pack_format = #tpu.pack_format<interleaved>} : vector<32xbf16> -> vector<16xf32>
      %unpack3A_257 = tpu.unpack_subelements %bitcast3A_249, 0 {pack_format = #tpu.pack_format<interleaved>} : vector<32xbf16> -> vector<16xf32>
      %unpack3A_258 = tpu.unpack_subelements %bitcast3A_249, 1 {pack_format = #tpu.pack_format<interleaved>} : vector<32xbf16> -> vector<16xf32>
      %unpack3A_259 = tpu.unpack_subelements %bitcast3A_253, 0 {pack_format = #tpu.pack_format<interleaved>} : vector<32xbf16> -> vector<16xf32>
      %unpack3A_260 = tpu.unpack_subelements %bitcast3A_253, 1 {pack_format = #tpu.pack_format<interleaved>} : vector<32xbf16> -> vector<16xf32>
      %add3A_261 = arith.constant 0 : i32
      %add3A_262 = vector.broadcast %add3A_261 : i32 to vector<16xi32>
      %add3A_263 = arith.addi %shift_right_arithmetic3A_9, %add3A_262 : vector<16xi32>
      %broadcast_in_dim3A_264 = vector.shape_cast %add3A_263 : vector<16xi32> to vector<16x1xi32>
      %gather3A_265 = vector.shape_cast %broadcast_in_dim3A_264 : vector<16x1xi32> to vector<16xi32>
      %gather3A_266 = tpu.dynamic_gather %exp3A[%gather3A_265] in [0] : vector<16xf32>, vector<16xi32> -> vector<16xf32>
      %add3A_267 = arith.constant 2 : i32
      %add3A_268 = vector.broadcast %add3A_267 : i32 to vector<16xi32>
      %add3A_269 = arith.addi %shift_right_arithmetic3A_9, %add3A_268 : vector<16xi32>
      %broadcast_in_dim3A_270 = vector.shape_cast %add3A_269 : vector<16xi32> to vector<16x1xi32>
      %gather3A_271 = vector.shape_cast %broadcast_in_dim3A_270 : vector<16x1xi32> to vector<16xi32>
      %gather3A_272 = tpu.dynamic_gather %exp3A[%gather3A_271] in [0] : vector<16xf32>, vector<16xi32> -> vector<16xf32>
      %add3A_273 = arith.constant 4 : i32
      %add3A_274 = vector.broadcast %add3A_273 : i32 to vector<16xi32>
      %add3A_275 = arith.addi %shift_right_arithmetic3A_9, %add3A_274 : vector<16xi32>
      %broadcast_in_dim3A_276 = vector.shape_cast %add3A_275 : vector<16xi32> to vector<16x1xi32>
      %gather3A_277 = vector.shape_cast %broadcast_in_dim3A_276 : vector<16x1xi32> to vector<16xi32>
      %gather3A_278 = tpu.dynamic_gather %exp3A[%gather3A_277] in [0] : vector<16xf32>, vector<16xi32> -> vector<16xf32>
      %add3A_279 = arith.constant 6 : i32
      %add3A_280 = vector.broadcast %add3A_279 : i32 to vector<16xi32>
      %add3A_281 = arith.addi %shift_right_arithmetic3A_9, %add3A_280 : vector<16xi32>
      %broadcast_in_dim3A_282 = vector.shape_cast %add3A_281 : vector<16xi32> to vector<16x1xi32>
      %gather3A_283 = vector.shape_cast %broadcast_in_dim3A_282 : vector<16x1xi32> to vector<16xi32>
      %gather3A_284 = tpu.dynamic_gather %exp3A[%gather3A_283] in [0] : vector<16xf32>, vector<16xi32> -> vector<16xf32>
      %add3A_285 = arith.constant 0 : i32
      %add3A_286 = vector.broadcast %add3A_285 : i32 to vector<16xi32>
      %add3A_287 = arith.addi %add3A_286, %add3A_21 : vector<16xi32>
      %add3A_288 = arith.addi %mul3A_238, %add3A_287 : vector<16xi32>
      %mul3A_289 = arith.mulf %unpack3A, %gather3A_266 : vector<16xf32>
      tpu.vector_store_idx %arg13[%add3A_288], %mul3A_289 {add = true} : memref<41088xf32, #tpu.memory_space<vmem>>[vector<16xi32>], vector<16xf32>,
      %add3A_290 = arith.constant 1 : i32
      %add3A_291 = vector.broadcast %add3A_290 : i32 to vector<16xi32>
      %add3A_292 = arith.addi %add3A_288, %add3A_291 : vector<16xi32>
      %mul3A_293 = arith.mulf %unpack3A_254, %gather3A_266 : vector<16xf32>
      tpu.vector_store_idx %arg13[%add3A_292], %mul3A_293 {add = true} : memref<41088xf32, #tpu.memory_space<vmem>>[vector<16xi32>], vector<16xf32>,
      %add3A_294 = arith.constant 32 : i32
      %add3A_295 = vector.broadcast %add3A_294 : i32 to vector<16xi32>
      %add3A_296 = arith.addi %add3A_295, %add3A_21 : vector<16xi32>
      %add3A_297 = arith.addi %mul3A_238, %add3A_296 : vector<16xi32>
      %mul3A_298 = arith.mulf %unpack3A_255, %gather3A_272 : vector<16xf32>
      tpu.vector_store_idx %arg13[%add3A_297], %mul3A_298 {add = true} : memref<41088xf32, #tpu.memory_space<vmem>>[vector<16xi32>], vector<16xf32>,
      %add3A_299 = arith.constant 1 : i32
      %add3A_300 = vector.broadcast %add3A_299 : i32 to vector<16xi32>
      %add3A_301 = arith.addi %add3A_297, %add3A_300 : vector<16xi32>
      %mul3A_302 = arith.mulf %unpack3A_256, %gather3A_272 : vector<16xf32>
      tpu.vector_store_idx %arg13[%add3A_301], %mul3A_302 {add = true} : memref<41088xf32, #tpu.memory_space<vmem>>[vector<16xi32>], vector<16xf32>,
      %add3A_303 = arith.constant 64 : i32
      %add3A_304 = vector.broadcast %add3A_303 : i32 to vector<16xi32>
      %add3A_305 = arith.addi %add3A_304, %add3A_21 : vector<16xi32>
      %add3A_306 = arith.addi %mul3A_238, %add3A_305 : vector<16xi32>
      %mul3A_307 = arith.mulf %unpack3A_257, %gather3A_278 : vector<16xf32>
      tpu.vector_store_idx %arg13[%add3A_306], %mul3A_307 {add = true} : memref<41088xf32, #tpu.memory_space<vmem>>[vector<16xi32>], vector<16xf32>,
      %add3A_308 = arith.constant 1 : i32
      %add3A_309 = vector.broadcast %add3A_308 : i32 to vector<16xi32>
      %add3A_310 = arith.addi %add3A_306, %add3A_309 : vector<16xi32>
      %mul3A_311 = arith.mulf %unpack3A_258, %gather3A_278 : vector<16xf32>
      tpu.vector_store_idx %arg13[%add3A_310], %mul3A_311 {add = true} : memref<41088xf32, #tpu.memory_space<vmem>>[vector<16xi32>], vector<16xf32>,
      %add3A_312 = arith.constant 96 : i32
      %add3A_313 = vector.broadcast %add3A_312 : i32 to vector<16xi32>
      %add3A_314 = arith.addi %add3A_313, %add3A_21 : vector<16xi32>
      %add3A_315 = arith.addi %mul3A_238, %add3A_314 : vector<16xi32>
      %mul3A_316 = arith.mulf %unpack3A_259, %gather3A_284 : vector<16xf32>
      tpu.vector_store_idx %arg13[%add3A_315], %mul3A_316 {add = true} : memref<41088xf32, #tpu.memory_space<vmem>>[vector<16xi32>], vector<16xf32>,
      %add3A_317 = arith.constant 1 : i32
      %add3A_318 = vector.broadcast %add3A_317 : i32 to vector<16xi32>
      %add3A_319 = arith.addi %add3A_315, %add3A_318 : vector<16xi32>
      %mul3A_320 = arith.mulf %unpack3A_260, %gather3A_284 : vector<16xf32>
      tpu.vector_store_idx %arg13[%add3A_319], %mul3A_320 {add = true} : memref<41088xf32, #tpu.memory_space<vmem>>[vector<16xi32>], vector<16xf32>,
      %while3A_321 = arith.constant 0 : i32
      scf.yield %while3A_321 : i32
    }
    %while3A_108 = arith.constant 1 : i32
    %while3A_109 = scf.for %while3A_217 = %while3A_105 to %while3A_101 step %while3A_108 iter_args(%while3A_218 = %while3A_107) -> (i32)  : i32 {
      %add3A_219 = arith.constant 2560 : i32
      %add3A_220 = arith.addi %add3A_219, %while3A_217 : i32
      %broadcast_in_dim3A_221 = vector.broadcast %add3A_220 : i32 to vector<16xi32>
      %gather3A = tpu.vector_load_idx %arg10[%broadcast_in_dim3A_221] : memref<5120xi32, #tpu.memory_space<vmem>>[vector<16xi32>], vector<16xi32>,
      %mul3A_222 = arith.constant 16 : i32
      %mul3A_223 = vector.broadcast %mul3A_222 : i32 to vector<16xi32>
      %mul3A_224 = arith.muli %gather3A, %mul3A_223 : vector<16xi32>
      %add3A_225 = arith.addi %mul3A_224, %iota3A : vector<16xi32>
      %gather3A_226 = tpu.vector_load_idx %arg12[%add3A_225] : memref<5120xf32, #tpu.memory_space<vmem>>[vector<16xi32>], vector<16xf32>,
      %get3A = arith.index_cast %while3A_217 : i32 to index
      %get3A_227 = arith.constant 64 : index
      %get3A_228 = tpu.vector_load %arg11[%get3A, %get3A_227] {strides = array<i32>} : memref<96x128xf32, #tpu.memory_space<vmem>>, vector<16xf32>,
      %add3A_229 = arith.addf %get3A_228, %gather3A_226 : vector<16xf32>
      %gt3A = arith.constant 0.000000e+00 : f32
      %gt3A_230 = vector.broadcast %gt3A : f32 to vector<16xf32>
      %gt3A_231 = arith.cmpf ogt, %add3A_229, %gt3A_230 : vector<16xf32>
      %mul3A_232 = arith.constant 2.000000e-01 : f32
      %mul3A_233 = vector.broadcast %mul3A_232 : f32 to vector<16xf32>
      %mul3A_234 = arith.mulf %mul3A_233, %add3A_229 : vector<16xf32>
      %select_n3A_235 = arith.select %gt3A_231, %add3A_229, %mul3A_234 : vector<16xi1>, vector<16xf32>
      %exp3A = math.exp %select_n3A_235 : vector<16xf32>
      tpu.vector_store_idx %arg14[%add3A_225], %exp3A masked %lt3A_4 {add = true} : memref<5136xf32, #tpu.memory_space<vmem>>[vector<16xi32>], vector<16xf32>, vector<16xi1>
      %mul3A_236 = arith.constant 128 : i32
      %mul3A_237 = vector.broadcast %mul3A_236 : i32 to vector<16xi32>
      %mul3A_238 = arith.muli %gather3A, %mul3A_237 : vector<16xi32>
      %get3A_239 = arith.index_cast %while3A_217 : i32 to index
      %get3A_240 = arith.constant 0 : index
      %get3A_241 = tpu.vector_load %arg11[%get3A_239, %get3A_240] {strides = array<i32>} : memref<96x128xf32, #tpu.memory_space<vmem>>, vector<16xf32>,
      %bitcast3A = vector.bitcast %get3A_241 : vector<16xf32> to vector<32xbf16>
      %get3A_242 = arith.index_cast %while3A_217 : i32 to index
      %get3A_243 = arith.constant 16 : index
      %get3A_244 = tpu.vector_load %arg11[%get3A_242, %get3A_243] {strides = array<i32>} : memref<96x128xf32, #tpu.memory_space<vmem>>, vector<16xf32>,
      %bitcast3A_245 = vector.bitcast %get3A_244 : vector<16xf32> to vector<32xbf16>
      %get3A_246 = arith.index_cast %while3A_217 : i32 to index
      %get3A_247 = arith.constant 32 : index
      %get3A_248 = tpu.vector_load %arg11[%get3A_246, %get3A_247] {strides = array<i32>} : memref<96x128xf32, #tpu.memory_space<vmem>>, vector<16xf32>,
      %bitcast3A_249 = vector.bitcast %get3A_248 : vector<16xf32> to vector<32xbf16>
      %get3A_250 = arith.index_cast %while3A_217 : i32 to index
      %get3A_251 = arith.constant 48 : index
      %get3A_252 = tpu.vector_load %arg11[%get3A_250, %get3A_251] {strides = array<i32>} : memref<96x128xf32, #tpu.memory_space<vmem>>, vector<16xf32>,
      %bitcast3A_253 = vector.bitcast %get3A_252 : vector<16xf32> to vector<32xbf16>
      %unpack3A = tpu.unpack_subelements %bitcast3A, 0 {pack_format = #tpu.pack_format<interleaved>} : vector<32xbf16> -> vector<16xf32>
      %unpack3A_254 = tpu.unpack_subelements %bitcast3A, 1 {pack_format = #tpu.pack_format<interleaved>} : vector<32xbf16> -> vector<16xf32>
      %unpack3A_255 = tpu.unpack_subelements %bitcast3A_245, 0 {pack_format = #tpu.pack_format<interleaved>} : vector<32xbf16> -> vector<16xf32>
      %unpack3A_256 = tpu.unpack_subelements %bitcast3A_245, 1 {pack_format = #tpu.pack_format<interleaved>} : vector<32xbf16> -> vector<16xf32>
      %unpack3A_257 = tpu.unpack_subelements %bitcast3A_249, 0 {pack_format = #tpu.pack_format<interleaved>} : vector<32xbf16> -> vector<16xf32>
      %unpack3A_258 = tpu.unpack_subelements %bitcast3A_249, 1 {pack_format = #tpu.pack_format<interleaved>} : vector<32xbf16> -> vector<16xf32>
      %unpack3A_259 = tpu.unpack_subelements %bitcast3A_253, 0 {pack_format = #tpu.pack_format<interleaved>} : vector<32xbf16> -> vector<16xf32>
      %unpack3A_260 = tpu.unpack_subelements %bitcast3A_253, 1 {pack_format = #tpu.pack_format<interleaved>} : vector<32xbf16> -> vector<16xf32>
      %add3A_261 = arith.constant 0 : i32
      %add3A_262 = vector.broadcast %add3A_261 : i32 to vector<16xi32>
      %add3A_263 = arith.addi %shift_right_arithmetic3A_9, %add3A_262 : vector<16xi32>
      %broadcast_in_dim3A_264 = vector.shape_cast %add3A_263 : vector<16xi32> to vector<16x1xi32>
      %gather3A_265 = vector.shape_cast %broadcast_in_dim3A_264 : vector<16x1xi32> to vector<16xi32>
      %gather3A_266 = tpu.dynamic_gather %exp3A[%gather3A_265] in [0] : vector<16xf32>, vector<16xi32> -> vector<16xf32>
      %add3A_267 = arith.constant 2 : i32
      %add3A_268 = vector.broadcast %add3A_267 : i32 to vector<16xi32>
      %add3A_269 = arith.addi %shift_right_arithmetic3A_9, %add3A_268 : vector<16xi32>
      %broadcast_in_dim3A_270 = vector.shape_cast %add3A_269 : vector<16xi32> to vector<16x1xi32>
      %gather3A_271 = vector.shape_cast %broadcast_in_dim3A_270 : vector<16x1xi32> to vector<16xi32>
      %gather3A_272 = tpu.dynamic_gather %exp3A[%gather3A_271] in [0] : vector<16xf32>, vector<16xi32> -> vector<16xf32>
      %add3A_273 = arith.constant 4 : i32
      %add3A_274 = vector.broadcast %add3A_273 : i32 to vector<16xi32>
      %add3A_275 = arith.addi %shift_right_arithmetic3A_9, %add3A_274 : vector<16xi32>
      %broadcast_in_dim3A_276 = vector.shape_cast %add3A_275 : vector<16xi32> to vector<16x1xi32>
      %gather3A_277 = vector.shape_cast %broadcast_in_dim3A_276 : vector<16x1xi32> to vector<16xi32>
      %gather3A_278 = tpu.dynamic_gather %exp3A[%gather3A_277] in [0] : vector<16xf32>, vector<16xi32> -> vector<16xf32>
      %add3A_279 = arith.constant 6 : i32
      %add3A_280 = vector.broadcast %add3A_279 : i32 to vector<16xi32>
      %add3A_281 = arith.addi %shift_right_arithmetic3A_9, %add3A_280 : vector<16xi32>
      %broadcast_in_dim3A_282 = vector.shape_cast %add3A_281 : vector<16xi32> to vector<16x1xi32>
      %gather3A_283 = vector.shape_cast %broadcast_in_dim3A_282 : vector<16x1xi32> to vector<16xi32>
      %gather3A_284 = tpu.dynamic_gather %exp3A[%gather3A_283] in [0] : vector<16xf32>, vector<16xi32> -> vector<16xf32>
      %add3A_285 = arith.constant 0 : i32
      %add3A_286 = vector.broadcast %add3A_285 : i32 to vector<16xi32>
      %add3A_287 = arith.addi %add3A_286, %add3A_21 : vector<16xi32>
      %add3A_288 = arith.addi %mul3A_238, %add3A_287 : vector<16xi32>
      %mul3A_289 = arith.mulf %unpack3A, %gather3A_266 : vector<16xf32>
      tpu.vector_store_idx %arg13[%add3A_288], %mul3A_289 {add = true} : memref<41088xf32, #tpu.memory_space<vmem>>[vector<16xi32>], vector<16xf32>,
      %add3A_290 = arith.constant 1 : i32
      %add3A_291 = vector.broadcast %add3A_290 : i32 to vector<16xi32>
      %add3A_292 = arith.addi %add3A_288, %add3A_291 : vector<16xi32>
      %mul3A_293 = arith.mulf %unpack3A_254, %gather3A_266 : vector<16xf32>
      tpu.vector_store_idx %arg13[%add3A_292], %mul3A_293 {add = true} : memref<41088xf32, #tpu.memory_space<vmem>>[vector<16xi32>], vector<16xf32>,
      %add3A_294 = arith.constant 32 : i32
      %add3A_295 = vector.broadcast %add3A_294 : i32 to vector<16xi32>
      %add3A_296 = arith.addi %add3A_295, %add3A_21 : vector<16xi32>
      %add3A_297 = arith.addi %mul3A_238, %add3A_296 : vector<16xi32>
      %mul3A_298 = arith.mulf %unpack3A_255, %gather3A_272 : vector<16xf32>
      tpu.vector_store_idx %arg13[%add3A_297], %mul3A_298 {add = true} : memref<41088xf32, #tpu.memory_space<vmem>>[vector<16xi32>], vector<16xf32>,
      %add3A_299 = arith.constant 1 : i32
      %add3A_300 = vector.broadcast %add3A_299 : i32 to vector<16xi32>
      %add3A_301 = arith.addi %add3A_297, %add3A_300 : vector<16xi32>
      %mul3A_302 = arith.mulf %unpack3A_256, %gather3A_272 : vector<16xf32>
      tpu.vector_store_idx %arg13[%add3A_301], %mul3A_302 {add = true} : memref<41088xf32, #tpu.memory_space<vmem>>[vector<16xi32>], vector<16xf32>,
      %add3A_303 = arith.constant 64 : i32
      %add3A_304 = vector.broadcast %add3A_303 : i32 to vector<16xi32>
      %add3A_305 = arith.addi %add3A_304, %add3A_21 : vector<16xi32>
      %add3A_306 = arith.addi %mul3A_238, %add3A_305 : vector<16xi32>
      %mul3A_307 = arith.mulf %unpack3A_257, %gather3A_278 : vector<16xf32>
      tpu.vector_store_idx %arg13[%add3A_306], %mul3A_307 {add = true} : memref<41088xf32, #tpu.memory_space<vmem>>[vector<16xi32>], vector<16xf32>,
      %add3A_308 = arith.constant 1 : i32
      %add3A_309 = vector.broadcast %add3A_308 : i32 to vector<16xi32>
      %add3A_310 = arith.addi %add3A_306, %add3A_309 : vector<16xi32>
      %mul3A_311 = arith.mulf %unpack3A_258, %gather3A_278 : vector<16xf32>
      tpu.vector_store_idx %arg13[%add3A_310], %mul3A_311 {add = true} : memref<41088xf32, #tpu.memory_space<vmem>>[vector<16xi32>], vector<16xf32>,
      %add3A_312 = arith.constant 96 : i32
      %add3A_313 = vector.broadcast %add3A_312 : i32 to vector<16xi32>
      %add3A_314 = arith.addi %add3A_313, %add3A_21 : vector<16xi32>
      %add3A_315 = arith.addi %mul3A_238, %add3A_314 : vector<16xi32>
      %mul3A_316 = arith.mulf %unpack3A_259, %gather3A_284 : vector<16xf32>
      tpu.vector_store_idx %arg13[%add3A_315], %mul3A_316 {add = true} : memref<41088xf32, #tpu.memory_space<vmem>>[vector<16xi32>], vector<16xf32>,
      %add3A_317 = arith.constant 1 : i32
      %add3A_318 = vector.broadcast %add3A_317 : i32 to vector<16xi32>
      %add3A_319 = arith.addi %add3A_315, %add3A_318 : vector<16xi32>
      %mul3A_320 = arith.mulf %unpack3A_260, %gather3A_284 : vector<16xf32>
      tpu.vector_store_idx %arg13[%add3A_319], %mul3A_320 {add = true} : memref<41088xf32, #tpu.memory_space<vmem>>[vector<16xi32>], vector<16xf32>,
      %while3A_321 = arith.constant 0 : i32
      scf.yield %while3A_321 : i32
    }
    %add3A_110 = arith.constant 96 : i32
    %add3A_111 = arith.addi %scan3A_69, %add3A_110 : i32
    %sub3A = arith.constant 1 : i32
    %sub3A_112 = arith.subi %add3A_111, %sub3A : i32
    %jit3A = arith.constant 96 : i32
    %div3A = arith.divsi %sub3A_112, %jit3A : i32
    %sign3A = arith.constant 0 : i32
    %sign3A_113 = arith.cmpi sgt, %sub3A_112, %sign3A : i32
    %sign3A_114 = arith.extui %sign3A_113 : i1 to i32
    %sign3A_115 = arith.constant 0 : i32
    %sign3A_116 = arith.cmpi slt, %sub3A_112, %sign3A_115 : i32
    %sign3A_117 = arith.extui %sign3A_116 : i1 to i32
    %sign3A_118 = arith.subi %sign3A_114, %sign3A_117 : i32
    %sign3A_119 = arith.constant 0 : i32
    %sign3A_120 = arith.cmpi sgt, %jit3A, %sign3A_119 : i32
    %sign3A_121 = arith.extui %sign3A_120 : i1 to i32
    %sign3A_122 = arith.constant 0 : i32
    %sign3A_123 = arith.cmpi slt, %jit3A, %sign3A_122 : i32
    %sign3A_124 = arith.extui %sign3A_123 : i1 to i32
    %sign3A_125 = arith.subi %sign3A_121, %sign3A_124 : i32
    %ne3A = arith.cmpi ne, %sign3A_118, %sign3A_125 : i32
    %rem3A = arith.remsi %sub3A_112, %jit3A : i32
    %ne3A_126 = arith.constant 0 : i32
    %ne3A_127 = arith.cmpi ne, %rem3A, %ne3A_126 : i32
    %and3A_128 = arith.andi %ne3A, %ne3A_127 : i1
    %sub3A_129 = arith.constant 1 : i32
    %sub3A_130 = arith.subi %div3A, %sub3A_129 : i32
    %select_n3A = arith.select %and3A_128, %sub3A_130, %div3A : i32
    %while3A_131 = arith.constant 1 : i32
    %while3A_132 = arith.constant 0 : i32
    %while3A_133 = arith.subi %select_n3A, %while3A_131 : i32
    %while3A_134 = arith.addi %while3A_131, %while3A_133 : i32
    %while3A_135 = arith.constant 1 : i32
    %while3A_136 = arith.divsi %while3A_133, %while3A_135 : i32
    %while3A_137 = arith.muli %while3A_136, %while3A_135 : i32
    %while3A_138 = arith.addi %while3A_131, %while3A_137 : i32
    %while3A_139 = arith.constant 1 : i32
    %while3A_140 = scf.for %while3A_217 = %while3A_131 to %while3A_138 step %while3A_139 iter_args(%while3A_218 = %while3A_132) -> (i32)  : i32 {
      %mul3A_219 = arith.constant 96 : i32
      %mul3A_220 = arith.muli %while3A_217, %mul3A_219 : i32
      %add3A_221 = arith.constant 2560 : i32
      %add3A_222 = arith.addi %add3A_221, %mul3A_220 : i32
      %dma_start3A_223 = tpu.memref_slice %arg9[%add3A_222] : memref<5120xi32, #tpu.memory_space<vmem>> -> memref<96xi32, #tpu.memory_space<vmem>>
      %dma_start3A_224 = arith.constant 0 : i32
      %dma_start3A_225 = arith.constant 0 : i32
      %dma_start3A_226 = tpu.memref_slice %arg4[%dma_start3A_224, %dma_start3A_225] : memref<10000x128xf32, #tpu.memory_space<hbm>> -> memref<10000x128xf32, #tpu.memory_space<hbm>>
      tpu.enqueue_indirect_dma source(%dma_start3A_226 : memref<10000x128xf32, #tpu.memory_space<hbm>>) target(%arg11 : memref<96x128xf32, #tpu.memory_space<vmem>>) offsets(%dma_start3A_223 : memref<96xi32, #tpu.memory_space<vmem>>) semaphore(%arg16 : memref<!tpu.dma_semaphore, #tpu.memory_space<semaphore_mem>>)
      %dma_wait3A_227 = arith.constant 0 : i32
      %dma_wait3A_228 = arith.constant 0 : i32
      %dma_wait3A_229 = tpu.memref_slice %arg4[%dma_wait3A_227, %dma_wait3A_228] : memref<10000x128xf32, #tpu.memory_space<hbm>> -> memref<96x128xf32, #tpu.memory_space<hbm>>
      %dma_wait3A_230 = arith.constant 0 : i32
      %dma_wait3A_231 = arith.constant 0 : i32
      %dma_wait3A_232 = tpu.memref_slice %arg4[%dma_wait3A_230, %dma_wait3A_231] : memref<10000x128xf32, #tpu.memory_space<hbm>> -> memref<96x128xf32, #tpu.memory_space<hbm>>
      tpu.wait_dma2 semaphore(%arg16 : memref<!tpu.dma_semaphore, #tpu.memory_space<semaphore_mem>>) src(%dma_wait3A_232 : memref<96x128xf32, #tpu.memory_space<hbm>>) dst(%arg11 : memref<96x128xf32, #tpu.memory_space<vmem>>)
      %mul3A_233 = arith.constant 96 : i32
      %mul3A_234 = arith.muli %while3A_217, %mul3A_233 : i32
      %mul3A_235 = arith.constant 96 : i32
      %mul3A_236 = arith.muli %while3A_217, %mul3A_235 : i32
      %sub3A_237 = arith.subi %scan3A_69, %mul3A_236 : i32
      %min3A_238 = arith.constant 96 : i32
      %min3A_239 = arith.minsi %sub3A_237, %min3A_238 : i32
      %while3A_240 = arith.constant 0 : i32
      %while3A_241 = arith.constant 0 : i32
      %while3A_242 = arith.subi %min3A_239, %while3A_240 : i32
      %while3A_243 = arith.addi %while3A_240, %while3A_242 : i32
      %while3A_244 = arith.constant 1 : i32
      %while3A_245 = arith.divsi %while3A_242, %while3A_244 : i32
      %while3A_246 = arith.muli %while3A_245, %while3A_244 : i32
      %while3A_247 = arith.addi %while3A_240, %while3A_246 : i32
      %while3A_248 = arith.constant 1 : i32
      %while3A_249 = scf.for %while3A_253 = %while3A_240 to %while3A_247 step %while3A_248 iter_args(%while3A_254 = %while3A_241) -> (i32)  : i32 {
        %add3A_255 = arith.constant 2560 : i32
        %add3A_256 = arith.addi %add3A_255, %mul3A_234 : i32
        %add3A_257 = arith.addi %add3A_256, %while3A_253 : i32
        %broadcast_in_dim3A_258 = vector.broadcast %add3A_257 : i32 to vector<16xi32>
        %gather3A = tpu.vector_load_idx %arg10[%broadcast_in_dim3A_258] : memref<5120xi32, #tpu.memory_space<vmem>>[vector<16xi32>], vector<16xi32>,
        %mul3A_259 = arith.constant 16 : i32
        %mul3A_260 = vector.broadcast %mul3A_259 : i32 to vector<16xi32>
        %mul3A_261 = arith.muli %gather3A, %mul3A_260 : vector<16xi32>
        %add3A_262 = arith.addi %mul3A_261, %iota3A : vector<16xi32>
        %gather3A_263 = tpu.vector_load_idx %arg12[%add3A_262] : memref<5120xf32, #tpu.memory_space<vmem>>[vector<16xi32>], vector<16xf32>,
        %get3A = arith.index_cast %while3A_253 : i32 to index
        %get3A_264 = arith.constant 64 : index
        %get3A_265 = tpu.vector_load %arg11[%get3A, %get3A_264] {strides = array<i32>} : memref<96x128xf32, #tpu.memory_space<vmem>>, vector<16xf32>,
        %add3A_266 = arith.addf %get3A_265, %gather3A_263 : vector<16xf32>
        %gt3A = arith.constant 0.000000e+00 : f32
        %gt3A_267 = vector.broadcast %gt3A : f32 to vector<16xf32>
        %gt3A_268 = arith.cmpf ogt, %add3A_266, %gt3A_267 : vector<16xf32>
        %mul3A_269 = arith.constant 2.000000e-01 : f32
        %mul3A_270 = vector.broadcast %mul3A_269 : f32 to vector<16xf32>
        %mul3A_271 = arith.mulf %mul3A_270, %add3A_266 : vector<16xf32>
        %select_n3A_272 = arith.select %gt3A_268, %add3A_266, %mul3A_271 : vector<16xi1>, vector<16xf32>
        %exp3A = math.exp %select_n3A_272 : vector<16xf32>
        tpu.vector_store_idx %arg14[%add3A_262], %exp3A masked %lt3A_4 {add = true} : memref<5136xf32, #tpu.memory_space<vmem>>[vector<16xi32>], vector<16xf32>, vector<16xi1>
        %mul3A_273 = arith.constant 128 : i32
        %mul3A_274 = vector.broadcast %mul3A_273 : i32 to vector<16xi32>
        %mul3A_275 = arith.muli %gather3A, %mul3A_274 : vector<16xi32>
        %get3A_276 = arith.index_cast %while3A_253 : i32 to index
        %get3A_277 = arith.constant 0 : index
        %get3A_278 = tpu.vector_load %arg11[%get3A_276, %get3A_277] {strides = array<i32>} : memref<96x128xf32, #tpu.memory_space<vmem>>, vector<16xf32>,
        %bitcast3A = vector.bitcast %get3A_278 : vector<16xf32> to vector<32xbf16>
        %get3A_279 = arith.index_cast %while3A_253 : i32 to index
        %get3A_280 = arith.constant 16 : index
        %get3A_281 = tpu.vector_load %arg11[%get3A_279, %get3A_280] {strides = array<i32>} : memref<96x128xf32, #tpu.memory_space<vmem>>, vector<16xf32>,
        %bitcast3A_282 = vector.bitcast %get3A_281 : vector<16xf32> to vector<32xbf16>
        %get3A_283 = arith.index_cast %while3A_253 : i32 to index
        %get3A_284 = arith.constant 32 : index
        %get3A_285 = tpu.vector_load %arg11[%get3A_283, %get3A_284] {strides = array<i32>} : memref<96x128xf32, #tpu.memory_space<vmem>>, vector<16xf32>,
        %bitcast3A_286 = vector.bitcast %get3A_285 : vector<16xf32> to vector<32xbf16>
        %get3A_287 = arith.index_cast %while3A_253 : i32 to index
        %get3A_288 = arith.constant 48 : index
        %get3A_289 = tpu.vector_load %arg11[%get3A_287, %get3A_288] {strides = array<i32>} : memref<96x128xf32, #tpu.memory_space<vmem>>, vector<16xf32>,
        %bitcast3A_290 = vector.bitcast %get3A_289 : vector<16xf32> to vector<32xbf16>
        %unpack3A = tpu.unpack_subelements %bitcast3A, 0 {pack_format = #tpu.pack_format<interleaved>} : vector<32xbf16> -> vector<16xf32>
        %unpack3A_291 = tpu.unpack_subelements %bitcast3A, 1 {pack_format = #tpu.pack_format<interleaved>} : vector<32xbf16> -> vector<16xf32>
        %unpack3A_292 = tpu.unpack_subelements %bitcast3A_282, 0 {pack_format = #tpu.pack_format<interleaved>} : vector<32xbf16> -> vector<16xf32>
        %unpack3A_293 = tpu.unpack_subelements %bitcast3A_282, 1 {pack_format = #tpu.pack_format<interleaved>} : vector<32xbf16> -> vector<16xf32>
        %unpack3A_294 = tpu.unpack_subelements %bitcast3A_286, 0 {pack_format = #tpu.pack_format<interleaved>} : vector<32xbf16> -> vector<16xf32>
        %unpack3A_295 = tpu.unpack_subelements %bitcast3A_286, 1 {pack_format = #tpu.pack_format<interleaved>} : vector<32xbf16> -> vector<16xf32>
        %unpack3A_296 = tpu.unpack_subelements %bitcast3A_290, 0 {pack_format = #tpu.pack_format<interleaved>} : vector<32xbf16> -> vector<16xf32>
        %unpack3A_297 = tpu.unpack_subelements %bitcast3A_290, 1 {pack_format = #tpu.pack_format<interleaved>} : vector<32xbf16> -> vector<16xf32>
        %add3A_298 = arith.constant 0 : i32
        %add3A_299 = vector.broadcast %add3A_298 : i32 to vector<16xi32>
        %add3A_300 = arith.addi %shift_right_arithmetic3A_9, %add3A_299 : vector<16xi32>
        %broadcast_in_dim3A_301 = vector.shape_cast %add3A_300 : vector<16xi32> to vector<16x1xi32>
        %gather3A_302 = vector.shape_cast %broadcast_in_dim3A_301 : vector<16x1xi32> to vector<16xi32>
        %gather3A_303 = tpu.dynamic_gather %exp3A[%gather3A_302] in [0] : vector<16xf32>, vector<16xi32> -> vector<16xf32>
        %add3A_304 = arith.constant 2 : i32
        %add3A_305 = vector.broadcast %add3A_304 : i32 to vector<16xi32>
        %add3A_306 = arith.addi %shift_right_arithmetic3A_9, %add3A_305 : vector<16xi32>
        %broadcast_in_dim3A_307 = vector.shape_cast %add3A_306 : vector<16xi32> to vector<16x1xi32>
        %gather3A_308 = vector.shape_cast %broadcast_in_dim3A_307 : vector<16x1xi32> to vector<16xi32>
        %gather3A_309 = tpu.dynamic_gather %exp3A[%gather3A_308] in [0] : vector<16xf32>, vector<16xi32> -> vector<16xf32>
        %add3A_310 = arith.constant 4 : i32
        %add3A_311 = vector.broadcast %add3A_310 : i32 to vector<16xi32>
        %add3A_312 = arith.addi %shift_right_arithmetic3A_9, %add3A_311 : vector<16xi32>
        %broadcast_in_dim3A_313 = vector.shape_cast %add3A_312 : vector<16xi32> to vector<16x1xi32>
        %gather3A_314 = vector.shape_cast %broadcast_in_dim3A_313 : vector<16x1xi32> to vector<16xi32>
        %gather3A_315 = tpu.dynamic_gather %exp3A[%gather3A_314] in [0] : vector<16xf32>, vector<16xi32> -> vector<16xf32>
        %add3A_316 = arith.constant 6 : i32
        %add3A_317 = vector.broadcast %add3A_316 : i32 to vector<16xi32>
        %add3A_318 = arith.addi %shift_right_arithmetic3A_9, %add3A_317 : vector<16xi32>
        %broadcast_in_dim3A_319 = vector.shape_cast %add3A_318 : vector<16xi32> to vector<16x1xi32>
        %gather3A_320 = vector.shape_cast %broadcast_in_dim3A_319 : vector<16x1xi32> to vector<16xi32>
        %gather3A_321 = tpu.dynamic_gather %exp3A[%gather3A_320] in [0] : vector<16xf32>, vector<16xi32> -> vector<16xf32>
        %add3A_322 = arith.constant 0 : i32
        %add3A_323 = vector.broadcast %add3A_322 : i32 to vector<16xi32>
        %add3A_324 = arith.addi %add3A_323, %add3A_21 : vector<16xi32>
        %add3A_325 = arith.addi %mul3A_275, %add3A_324 : vector<16xi32>
        %mul3A_326 = arith.mulf %unpack3A, %gather3A_303 : vector<16xf32>
        tpu.vector_store_idx %arg13[%add3A_325], %mul3A_326 {add = true} : memref<41088xf32, #tpu.memory_space<vmem>>[vector<16xi32>], vector<16xf32>,
        %add3A_327 = arith.constant 1 : i32
        %add3A_328 = vector.broadcast %add3A_327 : i32 to vector<16xi32>
        %add3A_329 = arith.addi %add3A_325, %add3A_328 : vector<16xi32>
        %mul3A_330 = arith.mulf %unpack3A_291, %gather3A_303 : vector<16xf32>
        tpu.vector_store_idx %arg13[%add3A_329], %mul3A_330 {add = true} : memref<41088xf32, #tpu.memory_space<vmem>>[vector<16xi32>], vector<16xf32>,
        %add3A_331 = arith.constant 32 : i32
        %add3A_332 = vector.broadcast %add3A_331 : i32 to vector<16xi32>
        %add3A_333 = arith.addi %add3A_332, %add3A_21 : vector<16xi32>
        %add3A_334 = arith.addi %mul3A_275, %add3A_333 : vector<16xi32>
        %mul3A_335 = arith.mulf %unpack3A_292, %gather3A_309 : vector<16xf32>
        tpu.vector_store_idx %arg13[%add3A_334], %mul3A_335 {add = true} : memref<41088xf32, #tpu.memory_space<vmem>>[vector<16xi32>], vector<16xf32>,
        %add3A_336 = arith.constant 1 : i32
        %add3A_337 = vector.broadcast %add3A_336 : i32 to vector<16xi32>
        %add3A_338 = arith.addi %add3A_334, %add3A_337 : vector<16xi32>
        %mul3A_339 = arith.mulf %unpack3A_293, %gather3A_309 : vector<16xf32>
        tpu.vector_store_idx %arg13[%add3A_338], %mul3A_339 {add = true} : memref<41088xf32, #tpu.memory_space<vmem>>[vector<16xi32>], vector<16xf32>,
        %add3A_340 = arith.constant 64 : i32
        %add3A_341 = vector.broadcast %add3A_340 : i32 to vector<16xi32>
        %add3A_342 = arith.addi %add3A_341, %add3A_21 : vector<16xi32>
        %add3A_343 = arith.addi %mul3A_275, %add3A_342 : vector<16xi32>
        %mul3A_344 = arith.mulf %unpack3A_294, %gather3A_315 : vector<16xf32>
        tpu.vector_store_idx %arg13[%add3A_343], %mul3A_344 {add = true} : memref<41088xf32, #tpu.memory_space<vmem>>[vector<16xi32>], vector<16xf32>,
        %add3A_345 = arith.constant 1 : i32
        %add3A_346 = vector.broadcast %add3A_345 : i32 to vector<16xi32>
        %add3A_347 = arith.addi %add3A_343, %add3A_346 : vector<16xi32>
        %mul3A_348 = arith.mulf %unpack3A_295, %gather3A_315 : vector<16xf32>
        tpu.vector_store_idx %arg13[%add3A_347], %mul3A_348 {add = true} : memref<41088xf32, #tpu.memory_space<vmem>>[vector<16xi32>], vector<16xf32>,
        %add3A_349 = arith.constant 96 : i32
        %add3A_350 = vector.broadcast %add3A_349 : i32 to vector<16xi32>
        %add3A_351 = arith.addi %add3A_350, %add3A_21 : vector<16xi32>
        %add3A_352 = arith.addi %mul3A_275, %add3A_351 : vector<16xi32>
        %mul3A_353 = arith.mulf %unpack3A_296, %gather3A_321 : vector<16xf32>
        tpu.vector_store_idx %arg13[%add3A_352], %mul3A_353 {add = true} : memref<41088xf32, #tpu.memory_space<vmem>>[vector<16xi32>], vector<16xf32>,
        %add3A_354 = arith.constant 1 : i32
        %add3A_355 = vector.broadcast %add3A_354 : i32 to vector<16xi32>
        %add3A_356 = arith.addi %add3A_352, %add3A_355 : vector<16xi32>
        %mul3A_357 = arith.mulf %unpack3A_297, %gather3A_321 : vector<16xf32>
        tpu.vector_store_idx %arg13[%add3A_356], %mul3A_357 {add = true} : memref<41088xf32, #tpu.memory_space<vmem>>[vector<16xi32>], vector<16xf32>,
        %while3A_358 = arith.constant 0 : i32
        scf.yield %while3A_358 : i32
      }
      %while3A_250 = arith.constant 1 : i32
      %while3A_251 = scf.for %while3A_253 = %while3A_247 to %while3A_243 step %while3A_250 iter_args(%while3A_254 = %while3A_249) -> (i32)  : i32 {
        %add3A_255 = arith.constant 2560 : i32
        %add3A_256 = arith.addi %add3A_255, %mul3A_234 : i32
        %add3A_257 = arith.addi %add3A_256, %while3A_253 : i32
        %broadcast_in_dim3A_258 = vector.broadcast %add3A_257 : i32 to vector<16xi32>
        %gather3A = tpu.vector_load_idx %arg10[%broadcast_in_dim3A_258] : memref<5120xi32, #tpu.memory_space<vmem>>[vector<16xi32>], vector<16xi32>,
        %mul3A_259 = arith.constant 16 : i32
        %mul3A_260 = vector.broadcast %mul3A_259 : i32 to vector<16xi32>
        %mul3A_261 = arith.muli %gather3A, %mul3A_260 : vector<16xi32>
        %add3A_262 = arith.addi %mul3A_261, %iota3A : vector<16xi32>
        %gather3A_263 = tpu.vector_load_idx %arg12[%add3A_262] : memref<5120xf32, #tpu.memory_space<vmem>>[vector<16xi32>], vector<16xf32>,
        %get3A = arith.index_cast %while3A_253 : i32 to index
        %get3A_264 = arith.constant 64 : index
        %get3A_265 = tpu.vector_load %arg11[%get3A, %get3A_264] {strides = array<i32>} : memref<96x128xf32, #tpu.memory_space<vmem>>, vector<16xf32>,
        %add3A_266 = arith.addf %get3A_265, %gather3A_263 : vector<16xf32>
        %gt3A = arith.constant 0.000000e+00 : f32
        %gt3A_267 = vector.broadcast %gt3A : f32 to vector<16xf32>
        %gt3A_268 = arith.cmpf ogt, %add3A_266, %gt3A_267 : vector<16xf32>
        %mul3A_269 = arith.constant 2.000000e-01 : f32
        %mul3A_270 = vector.broadcast %mul3A_269 : f32 to vector<16xf32>
        %mul3A_271 = arith.mulf %mul3A_270, %add3A_266 : vector<16xf32>
        %select_n3A_272 = arith.select %gt3A_268, %add3A_266, %mul3A_271 : vector<16xi1>, vector<16xf32>
        %exp3A = math.exp %select_n3A_272 : vector<16xf32>
        tpu.vector_store_idx %arg14[%add3A_262], %exp3A masked %lt3A_4 {add = true} : memref<5136xf32, #tpu.memory_space<vmem>>[vector<16xi32>], vector<16xf32>, vector<16xi1>
        %mul3A_273 = arith.constant 128 : i32
        %mul3A_274 = vector.broadcast %mul3A_273 : i32 to vector<16xi32>
        %mul3A_275 = arith.muli %gather3A, %mul3A_274 : vector<16xi32>
        %get3A_276 = arith.index_cast %while3A_253 : i32 to index
        %get3A_277 = arith.constant 0 : index
        %get3A_278 = tpu.vector_load %arg11[%get3A_276, %get3A_277] {strides = array<i32>} : memref<96x128xf32, #tpu.memory_space<vmem>>, vector<16xf32>,
        %bitcast3A = vector.bitcast %get3A_278 : vector<16xf32> to vector<32xbf16>
        %get3A_279 = arith.index_cast %while3A_253 : i32 to index
        %get3A_280 = arith.constant 16 : index
        %get3A_281 = tpu.vector_load %arg11[%get3A_279, %get3A_280] {strides = array<i32>} : memref<96x128xf32, #tpu.memory_space<vmem>>, vector<16xf32>,
        %bitcast3A_282 = vector.bitcast %get3A_281 : vector<16xf32> to vector<32xbf16>
        %get3A_283 = arith.index_cast %while3A_253 : i32 to index
        %get3A_284 = arith.constant 32 : index
        %get3A_285 = tpu.vector_load %arg11[%get3A_283, %get3A_284] {strides = array<i32>} : memref<96x128xf32, #tpu.memory_space<vmem>>, vector<16xf32>,
        %bitcast3A_286 = vector.bitcast %get3A_285 : vector<16xf32> to vector<32xbf16>
        %get3A_287 = arith.index_cast %while3A_253 : i32 to index
        %get3A_288 = arith.constant 48 : index
        %get3A_289 = tpu.vector_load %arg11[%get3A_287, %get3A_288] {strides = array<i32>} : memref<96x128xf32, #tpu.memory_space<vmem>>, vector<16xf32>,
        %bitcast3A_290 = vector.bitcast %get3A_289 : vector<16xf32> to vector<32xbf16>
        %unpack3A = tpu.unpack_subelements %bitcast3A, 0 {pack_format = #tpu.pack_format<interleaved>} : vector<32xbf16> -> vector<16xf32>
        %unpack3A_291 = tpu.unpack_subelements %bitcast3A, 1 {pack_format = #tpu.pack_format<interleaved>} : vector<32xbf16> -> vector<16xf32>
        %unpack3A_292 = tpu.unpack_subelements %bitcast3A_282, 0 {pack_format = #tpu.pack_format<interleaved>} : vector<32xbf16> -> vector<16xf32>
        %unpack3A_293 = tpu.unpack_subelements %bitcast3A_282, 1 {pack_format = #tpu.pack_format<interleaved>} : vector<32xbf16> -> vector<16xf32>
        %unpack3A_294 = tpu.unpack_subelements %bitcast3A_286, 0 {pack_format = #tpu.pack_format<interleaved>} : vector<32xbf16> -> vector<16xf32>
        %unpack3A_295 = tpu.unpack_subelements %bitcast3A_286, 1 {pack_format = #tpu.pack_format<interleaved>} : vector<32xbf16> -> vector<16xf32>
        %unpack3A_296 = tpu.unpack_subelements %bitcast3A_290, 0 {pack_format = #tpu.pack_format<interleaved>} : vector<32xbf16> -> vector<16xf32>
        %unpack3A_297 = tpu.unpack_subelements %bitcast3A_290, 1 {pack_format = #tpu.pack_format<interleaved>} : vector<32xbf16> -> vector<16xf32>
        %add3A_298 = arith.constant 0 : i32
        %add3A_299 = vector.broadcast %add3A_298 : i32 to vector<16xi32>
        %add3A_300 = arith.addi %shift_right_arithmetic3A_9, %add3A_299 : vector<16xi32>
        %broadcast_in_dim3A_301 = vector.shape_cast %add3A_300 : vector<16xi32> to vector<16x1xi32>
        %gather3A_302 = vector.shape_cast %broadcast_in_dim3A_301 : vector<16x1xi32> to vector<16xi32>
        %gather3A_303 = tpu.dynamic_gather %exp3A[%gather3A_302] in [0] : vector<16xf32>, vector<16xi32> -> vector<16xf32>
        %add3A_304 = arith.constant 2 : i32
        %add3A_305 = vector.broadcast %add3A_304 : i32 to vector<16xi32>
        %add3A_306 = arith.addi %shift_right_arithmetic3A_9, %add3A_305 : vector<16xi32>
        %broadcast_in_dim3A_307 = vector.shape_cast %add3A_306 : vector<16xi32> to vector<16x1xi32>
        %gather3A_308 = vector.shape_cast %broadcast_in_dim3A_307 : vector<16x1xi32> to vector<16xi32>
        %gather3A_309 = tpu.dynamic_gather %exp3A[%gather3A_308] in [0] : vector<16xf32>, vector<16xi32> -> vector<16xf32>
        %add3A_310 = arith.constant 4 : i32
        %add3A_311 = vector.broadcast %add3A_310 : i32 to vector<16xi32>
        %add3A_312 = arith.addi %shift_right_arithmetic3A_9, %add3A_311 : vector<16xi32>
        %broadcast_in_dim3A_313 = vector.shape_cast %add3A_312 : vector<16xi32> to vector<16x1xi32>
        %gather3A_314 = vector.shape_cast %broadcast_in_dim3A_313 : vector<16x1xi32> to vector<16xi32>
        %gather3A_315 = tpu.dynamic_gather %exp3A[%gather3A_314] in [0] : vector<16xf32>, vector<16xi32> -> vector<16xf32>
        %add3A_316 = arith.constant 6 : i32
        %add3A_317 = vector.broadcast %add3A_316 : i32 to vector<16xi32>
        %add3A_318 = arith.addi %shift_right_arithmetic3A_9, %add3A_317 : vector<16xi32>
        %broadcast_in_dim3A_319 = vector.shape_cast %add3A_318 : vector<16xi32> to vector<16x1xi32>
        %gather3A_320 = vector.shape_cast %broadcast_in_dim3A_319 : vector<16x1xi32> to vector<16xi32>
        %gather3A_321 = tpu.dynamic_gather %exp3A[%gather3A_320] in [0] : vector<16xf32>, vector<16xi32> -> vector<16xf32>
        %add3A_322 = arith.constant 0 : i32
        %add3A_323 = vector.broadcast %add3A_322 : i32 to vector<16xi32>
        %add3A_324 = arith.addi %add3A_323, %add3A_21 : vector<16xi32>
        %add3A_325 = arith.addi %mul3A_275, %add3A_324 : vector<16xi32>
        %mul3A_326 = arith.mulf %unpack3A, %gather3A_303 : vector<16xf32>
        tpu.vector_store_idx %arg13[%add3A_325], %mul3A_326 {add = true} : memref<41088xf32, #tpu.memory_space<vmem>>[vector<16xi32>], vector<16xf32>,
        %add3A_327 = arith.constant 1 : i32
        %add3A_328 = vector.broadcast %add3A_327 : i32 to vector<16xi32>
        %add3A_329 = arith.addi %add3A_325, %add3A_328 : vector<16xi32>
        %mul3A_330 = arith.mulf %unpack3A_291, %gather3A_303 : vector<16xf32>
        tpu.vector_store_idx %arg13[%add3A_329], %mul3A_330 {add = true} : memref<41088xf32, #tpu.memory_space<vmem>>[vector<16xi32>], vector<16xf32>,
        %add3A_331 = arith.constant 32 : i32
        %add3A_332 = vector.broadcast %add3A_331 : i32 to vector<16xi32>
        %add3A_333 = arith.addi %add3A_332, %add3A_21 : vector<16xi32>
        %add3A_334 = arith.addi %mul3A_275, %add3A_333 : vector<16xi32>
        %mul3A_335 = arith.mulf %unpack3A_292, %gather3A_309 : vector<16xf32>
        tpu.vector_store_idx %arg13[%add3A_334], %mul3A_335 {add = true} : memref<41088xf32, #tpu.memory_space<vmem>>[vector<16xi32>], vector<16xf32>,
        %add3A_336 = arith.constant 1 : i32
        %add3A_337 = vector.broadcast %add3A_336 : i32 to vector<16xi32>
        %add3A_338 = arith.addi %add3A_334, %add3A_337 : vector<16xi32>
        %mul3A_339 = arith.mulf %unpack3A_293, %gather3A_309 : vector<16xf32>
        tpu.vector_store_idx %arg13[%add3A_338], %mul3A_339 {add = true} : memref<41088xf32, #tpu.memory_space<vmem>>[vector<16xi32>], vector<16xf32>,
        %add3A_340 = arith.constant 64 : i32
        %add3A_341 = vector.broadcast %add3A_340 : i32 to vector<16xi32>
        %add3A_342 = arith.addi %add3A_341, %add3A_21 : vector<16xi32>
        %add3A_343 = arith.addi %mul3A_275, %add3A_342 : vector<16xi32>
        %mul3A_344 = arith.mulf %unpack3A_294, %gather3A_315 : vector<16xf32>
        tpu.vector_store_idx %arg13[%add3A_343], %mul3A_344 {add = true} : memref<41088xf32, #tpu.memory_space<vmem>>[vector<16xi32>], vector<16xf32>,
        %add3A_345 = arith.constant 1 : i32
        %add3A_346 = vector.broadcast %add3A_345 : i32 to vector<16xi32>
        %add3A_347 = arith.addi %add3A_343, %add3A_346 : vector<16xi32>
        %mul3A_348 = arith.mulf %unpack3A_295, %gather3A_315 : vector<16xf32>
        tpu.vector_store_idx %arg13[%add3A_347], %mul3A_348 {add = true} : memref<41088xf32, #tpu.memory_space<vmem>>[vector<16xi32>], vector<16xf32>,
        %add3A_349 = arith.constant 96 : i32
        %add3A_350 = vector.broadcast %add3A_349 : i32 to vector<16xi32>
        %add3A_351 = arith.addi %add3A_350, %add3A_21 : vector<16xi32>
        %add3A_352 = arith.addi %mul3A_275, %add3A_351 : vector<16xi32>
        %mul3A_353 = arith.mulf %unpack3A_296, %gather3A_321 : vector<16xf32>
        tpu.vector_store_idx %arg13[%add3A_352], %mul3A_353 {add = true} : memref<41088xf32, #tpu.memory_space<vmem>>[vector<16xi32>], vector<16xf32>,
        %add3A_354 = arith.constant 1 : i32
        %add3A_355 = vector.broadcast %add3A_354 : i32 to vector<16xi32>
        %add3A_356 = arith.addi %add3A_352, %add3A_355 : vector<16xi32>
        %mul3A_357 = arith.mulf %unpack3A_297, %gather3A_321 : vector<16xf32>
        tpu.vector_store_idx %arg13[%add3A_356], %mul3A_357 {add = true} : memref<41088xf32, #tpu.memory_space<vmem>>[vector<16xi32>], vector<16xf32>,
        %while3A_358 = arith.constant 0 : i32
        scf.yield %while3A_358 : i32
      }
      %while3A_252 = arith.constant 0 : i32
      scf.yield %while3A_252 : i32
    }
    %while3A_141 = arith.constant 1 : i32
    %while3A_142 = scf.for %while3A_217 = %while3A_138 to %while3A_134 step %while3A_141 iter_args(%while3A_218 = %while3A_140) -> (i32)  : i32 {
      %mul3A_219 = arith.constant 96 : i32
      %mul3A_220 = arith.muli %while3A_217, %mul3A_219 : i32
      %add3A_221 = arith.constant 2560 : i32
      %add3A_222 = arith.addi %add3A_221, %mul3A_220 : i32
      %dma_start3A_223 = tpu.memref_slice %arg9[%add3A_222] : memref<5120xi32, #tpu.memory_space<vmem>> -> memref<96xi32, #tpu.memory_space<vmem>>
      %dma_start3A_224 = arith.constant 0 : i32
      %dma_start3A_225 = arith.constant 0 : i32
      %dma_start3A_226 = tpu.memref_slice %arg4[%dma_start3A_224, %dma_start3A_225] : memref<10000x128xf32, #tpu.memory_space<hbm>> -> memref<10000x128xf32, #tpu.memory_space<hbm>>
      tpu.enqueue_indirect_dma source(%dma_start3A_226 : memref<10000x128xf32, #tpu.memory_space<hbm>>) target(%arg11 : memref<96x128xf32, #tpu.memory_space<vmem>>) offsets(%dma_start3A_223 : memref<96xi32, #tpu.memory_space<vmem>>) semaphore(%arg16 : memref<!tpu.dma_semaphore, #tpu.memory_space<semaphore_mem>>)
      %dma_wait3A_227 = arith.constant 0 : i32
      %dma_wait3A_228 = arith.constant 0 : i32
      %dma_wait3A_229 = tpu.memref_slice %arg4[%dma_wait3A_227, %dma_wait3A_228] : memref<10000x128xf32, #tpu.memory_space<hbm>> -> memref<96x128xf32, #tpu.memory_space<hbm>>
      %dma_wait3A_230 = arith.constant 0 : i32
      %dma_wait3A_231 = arith.constant 0 : i32
      %dma_wait3A_232 = tpu.memref_slice %arg4[%dma_wait3A_230, %dma_wait3A_231] : memref<10000x128xf32, #tpu.memory_space<hbm>> -> memref<96x128xf32, #tpu.memory_space<hbm>>
      tpu.wait_dma2 semaphore(%arg16 : memref<!tpu.dma_semaphore, #tpu.memory_space<semaphore_mem>>) src(%dma_wait3A_232 : memref<96x128xf32, #tpu.memory_space<hbm>>) dst(%arg11 : memref<96x128xf32, #tpu.memory_space<vmem>>)
      %mul3A_233 = arith.constant 96 : i32
      %mul3A_234 = arith.muli %while3A_217, %mul3A_233 : i32
      %mul3A_235 = arith.constant 96 : i32
      %mul3A_236 = arith.muli %while3A_217, %mul3A_235 : i32
      %sub3A_237 = arith.subi %scan3A_69, %mul3A_236 : i32
      %min3A_238 = arith.constant 96 : i32
      %min3A_239 = arith.minsi %sub3A_237, %min3A_238 : i32
      %while3A_240 = arith.constant 0 : i32
      %while3A_241 = arith.constant 0 : i32
      %while3A_242 = arith.subi %min3A_239, %while3A_240 : i32
      %while3A_243 = arith.addi %while3A_240, %while3A_242 : i32
      %while3A_244 = arith.constant 1 : i32
      %while3A_245 = arith.divsi %while3A_242, %while3A_244 : i32
      %while3A_246 = arith.muli %while3A_245, %while3A_244 : i32
      %while3A_247 = arith.addi %while3A_240, %while3A_246 : i32
      %while3A_248 = arith.constant 1 : i32
      %while3A_249 = scf.for %while3A_253 = %while3A_240 to %while3A_247 step %while3A_248 iter_args(%while3A_254 = %while3A_241) -> (i32)  : i32 {
        %add3A_255 = arith.constant 2560 : i32
        %add3A_256 = arith.addi %add3A_255, %mul3A_234 : i32
        %add3A_257 = arith.addi %add3A_256, %while3A_253 : i32
        %broadcast_in_dim3A_258 = vector.broadcast %add3A_257 : i32 to vector<16xi32>
        %gather3A = tpu.vector_load_idx %arg10[%broadcast_in_dim3A_258] : memref<5120xi32, #tpu.memory_space<vmem>>[vector<16xi32>], vector<16xi32>,
        %mul3A_259 = arith.constant 16 : i32
        %mul3A_260 = vector.broadcast %mul3A_259 : i32 to vector<16xi32>
        %mul3A_261 = arith.muli %gather3A, %mul3A_260 : vector<16xi32>
        %add3A_262 = arith.addi %mul3A_261, %iota3A : vector<16xi32>
        %gather3A_263 = tpu.vector_load_idx %arg12[%add3A_262] : memref<5120xf32, #tpu.memory_space<vmem>>[vector<16xi32>], vector<16xf32>,
        %get3A = arith.index_cast %while3A_253 : i32 to index
        %get3A_264 = arith.constant 64 : index
        %get3A_265 = tpu.vector_load %arg11[%get3A, %get3A_264] {strides = array<i32>} : memref<96x128xf32, #tpu.memory_space<vmem>>, vector<16xf32>,
        %add3A_266 = arith.addf %get3A_265, %gather3A_263 : vector<16xf32>
        %gt3A = arith.constant 0.000000e+00 : f32
        %gt3A_267 = vector.broadcast %gt3A : f32 to vector<16xf32>
        %gt3A_268 = arith.cmpf ogt, %add3A_266, %gt3A_267 : vector<16xf32>
        %mul3A_269 = arith.constant 2.000000e-01 : f32
        %mul3A_270 = vector.broadcast %mul3A_269 : f32 to vector<16xf32>
        %mul3A_271 = arith.mulf %mul3A_270, %add3A_266 : vector<16xf32>
        %select_n3A_272 = arith.select %gt3A_268, %add3A_266, %mul3A_271 : vector<16xi1>, vector<16xf32>
        %exp3A = math.exp %select_n3A_272 : vector<16xf32>
        tpu.vector_store_idx %arg14[%add3A_262], %exp3A masked %lt3A_4 {add = true} : memref<5136xf32, #tpu.memory_space<vmem>>[vector<16xi32>], vector<16xf32>, vector<16xi1>
        %mul3A_273 = arith.constant 128 : i32
        %mul3A_274 = vector.broadcast %mul3A_273 : i32 to vector<16xi32>
        %mul3A_275 = arith.muli %gather3A, %mul3A_274 : vector<16xi32>
        %get3A_276 = arith.index_cast %while3A_253 : i32 to index
        %get3A_277 = arith.constant 0 : index
        %get3A_278 = tpu.vector_load %arg11[%get3A_276, %get3A_277] {strides = array<i32>} : memref<96x128xf32, #tpu.memory_space<vmem>>, vector<16xf32>,
        %bitcast3A = vector.bitcast %get3A_278 : vector<16xf32> to vector<32xbf16>
        %get3A_279 = arith.index_cast %while3A_253 : i32 to index
        %get3A_280 = arith.constant 16 : index
        %get3A_281 = tpu.vector_load %arg11[%get3A_279, %get3A_280] {strides = array<i32>} : memref<96x128xf32, #tpu.memory_space<vmem>>, vector<16xf32>,
        %bitcast3A_282 = vector.bitcast %get3A_281 : vector<16xf32> to vector<32xbf16>
        %get3A_283 = arith.index_cast %while3A_253 : i32 to index
        %get3A_284 = arith.constant 32 : index
        %get3A_285 = tpu.vector_load %arg11[%get3A_283, %get3A_284] {strides = array<i32>} : memref<96x128xf32, #tpu.memory_space<vmem>>, vector<16xf32>,
        %bitcast3A_286 = vector.bitcast %get3A_285 : vector<16xf32> to vector<32xbf16>
        %get3A_287 = arith.index_cast %while3A_253 : i32 to index
        %get3A_288 = arith.constant 48 : index
        %get3A_289 = tpu.vector_load %arg11[%get3A_287, %get3A_288] {strides = array<i32>} : memref<96x128xf32, #tpu.memory_space<vmem>>, vector<16xf32>,
        %bitcast3A_290 = vector.bitcast %get3A_289 : vector<16xf32> to vector<32xbf16>
        %unpack3A = tpu.unpack_subelements %bitcast3A, 0 {pack_format = #tpu.pack_format<interleaved>} : vector<32xbf16> -> vector<16xf32>
        %unpack3A_291 = tpu.unpack_subelements %bitcast3A, 1 {pack_format = #tpu.pack_format<interleaved>} : vector<32xbf16> -> vector<16xf32>
        %unpack3A_292 = tpu.unpack_subelements %bitcast3A_282, 0 {pack_format = #tpu.pack_format<interleaved>} : vector<32xbf16> -> vector<16xf32>
        %unpack3A_293 = tpu.unpack_subelements %bitcast3A_282, 1 {pack_format = #tpu.pack_format<interleaved>} : vector<32xbf16> -> vector<16xf32>
        %unpack3A_294 = tpu.unpack_subelements %bitcast3A_286, 0 {pack_format = #tpu.pack_format<interleaved>} : vector<32xbf16> -> vector<16xf32>
        %unpack3A_295 = tpu.unpack_subelements %bitcast3A_286, 1 {pack_format = #tpu.pack_format<interleaved>} : vector<32xbf16> -> vector<16xf32>
        %unpack3A_296 = tpu.unpack_subelements %bitcast3A_290, 0 {pack_format = #tpu.pack_format<interleaved>} : vector<32xbf16> -> vector<16xf32>
        %unpack3A_297 = tpu.unpack_subelements %bitcast3A_290, 1 {pack_format = #tpu.pack_format<interleaved>} : vector<32xbf16> -> vector<16xf32>
        %add3A_298 = arith.constant 0 : i32
        %add3A_299 = vector.broadcast %add3A_298 : i32 to vector<16xi32>
        %add3A_300 = arith.addi %shift_right_arithmetic3A_9, %add3A_299 : vector<16xi32>
        %broadcast_in_dim3A_301 = vector.shape_cast %add3A_300 : vector<16xi32> to vector<16x1xi32>
        %gather3A_302 = vector.shape_cast %broadcast_in_dim3A_301 : vector<16x1xi32> to vector<16xi32>
        %gather3A_303 = tpu.dynamic_gather %exp3A[%gather3A_302] in [0] : vector<16xf32>, vector<16xi32> -> vector<16xf32>
        %add3A_304 = arith.constant 2 : i32
        %add3A_305 = vector.broadcast %add3A_304 : i32 to vector<16xi32>
        %add3A_306 = arith.addi %shift_right_arithmetic3A_9, %add3A_305 : vector<16xi32>
        %broadcast_in_dim3A_307 = vector.shape_cast %add3A_306 : vector<16xi32> to vector<16x1xi32>
        %gather3A_308 = vector.shape_cast %broadcast_in_dim3A_307 : vector<16x1xi32> to vector<16xi32>
        %gather3A_309 = tpu.dynamic_gather %exp3A[%gather3A_308] in [0] : vector<16xf32>, vector<16xi32> -> vector<16xf32>
        %add3A_310 = arith.constant 4 : i32
        %add3A_311 = vector.broadcast %add3A_310 : i32 to vector<16xi32>
        %add3A_312 = arith.addi %shift_right_arithmetic3A_9, %add3A_311 : vector<16xi32>
        %broadcast_in_dim3A_313 = vector.shape_cast %add3A_312 : vector<16xi32> to vector<16x1xi32>
        %gather3A_314 = vector.shape_cast %broadcast_in_dim3A_313 : vector<16x1xi32> to vector<16xi32>
        %gather3A_315 = tpu.dynamic_gather %exp3A[%gather3A_314] in [0] : vector<16xf32>, vector<16xi32> -> vector<16xf32>
        %add3A_316 = arith.constant 6 : i32
        %add3A_317 = vector.broadcast %add3A_316 : i32 to vector<16xi32>
        %add3A_318 = arith.addi %shift_right_arithmetic3A_9, %add3A_317 : vector<16xi32>
        %broadcast_in_dim3A_319 = vector.shape_cast %add3A_318 : vector<16xi32> to vector<16x1xi32>
        %gather3A_320 = vector.shape_cast %broadcast_in_dim3A_319 : vector<16x1xi32> to vector<16xi32>
        %gather3A_321 = tpu.dynamic_gather %exp3A[%gather3A_320] in [0] : vector<16xf32>, vector<16xi32> -> vector<16xf32>
        %add3A_322 = arith.constant 0 : i32
        %add3A_323 = vector.broadcast %add3A_322 : i32 to vector<16xi32>
        %add3A_324 = arith.addi %add3A_323, %add3A_21 : vector<16xi32>
        %add3A_325 = arith.addi %mul3A_275, %add3A_324 : vector<16xi32>
        %mul3A_326 = arith.mulf %unpack3A, %gather3A_303 : vector<16xf32>
        tpu.vector_store_idx %arg13[%add3A_325], %mul3A_326 {add = true} : memref<41088xf32, #tpu.memory_space<vmem>>[vector<16xi32>], vector<16xf32>,
        %add3A_327 = arith.constant 1 : i32
        %add3A_328 = vector.broadcast %add3A_327 : i32 to vector<16xi32>
        %add3A_329 = arith.addi %add3A_325, %add3A_328 : vector<16xi32>
        %mul3A_330 = arith.mulf %unpack3A_291, %gather3A_303 : vector<16xf32>
        tpu.vector_store_idx %arg13[%add3A_329], %mul3A_330 {add = true} : memref<41088xf32, #tpu.memory_space<vmem>>[vector<16xi32>], vector<16xf32>,
        %add3A_331 = arith.constant 32 : i32
        %add3A_332 = vector.broadcast %add3A_331 : i32 to vector<16xi32>
        %add3A_333 = arith.addi %add3A_332, %add3A_21 : vector<16xi32>
        %add3A_334 = arith.addi %mul3A_275, %add3A_333 : vector<16xi32>
        %mul3A_335 = arith.mulf %unpack3A_292, %gather3A_309 : vector<16xf32>
        tpu.vector_store_idx %arg13[%add3A_334], %mul3A_335 {add = true} : memref<41088xf32, #tpu.memory_space<vmem>>[vector<16xi32>], vector<16xf32>,
        %add3A_336 = arith.constant 1 : i32
        %add3A_337 = vector.broadcast %add3A_336 : i32 to vector<16xi32>
        %add3A_338 = arith.addi %add3A_334, %add3A_337 : vector<16xi32>
        %mul3A_339 = arith.mulf %unpack3A_293, %gather3A_309 : vector<16xf32>
        tpu.vector_store_idx %arg13[%add3A_338], %mul3A_339 {add = true} : memref<41088xf32, #tpu.memory_space<vmem>>[vector<16xi32>], vector<16xf32>,
        %add3A_340 = arith.constant 64 : i32
        %add3A_341 = vector.broadcast %add3A_340 : i32 to vector<16xi32>
        %add3A_342 = arith.addi %add3A_341, %add3A_21 : vector<16xi32>
        %add3A_343 = arith.addi %mul3A_275, %add3A_342 : vector<16xi32>
        %mul3A_344 = arith.mulf %unpack3A_294, %gather3A_315 : vector<16xf32>
        tpu.vector_store_idx %arg13[%add3A_343], %mul3A_344 {add = true} : memref<41088xf32, #tpu.memory_space<vmem>>[vector<16xi32>], vector<16xf32>,
        %add3A_345 = arith.constant 1 : i32
        %add3A_346 = vector.broadcast %add3A_345 : i32 to vector<16xi32>
        %add3A_347 = arith.addi %add3A_343, %add3A_346 : vector<16xi32>
        %mul3A_348 = arith.mulf %unpack3A_295, %gather3A_315 : vector<16xf32>
        tpu.vector_store_idx %arg13[%add3A_347], %mul3A_348 {add = true} : memref<41088xf32, #tpu.memory_space<vmem>>[vector<16xi32>], vector<16xf32>,
        %add3A_349 = arith.constant 96 : i32
        %add3A_350 = vector.broadcast %add3A_349 : i32 to vector<16xi32>
        %add3A_351 = arith.addi %add3A_350, %add3A_21 : vector<16xi32>
        %add3A_352 = arith.addi %mul3A_275, %add3A_351 : vector<16xi32>
        %mul3A_353 = arith.mulf %unpack3A_296, %gather3A_321 : vector<16xf32>
        tpu.vector_store_idx %arg13[%add3A_352], %mul3A_353 {add = true} : memref<41088xf32, #tpu.memory_space<vmem>>[vector<16xi32>], vector<16xf32>,
        %add3A_354 = arith.constant 1 : i32
        %add3A_355 = vector.broadcast %add3A_354 : i32 to vector<16xi32>
        %add3A_356 = arith.addi %add3A_352, %add3A_355 : vector<16xi32>
        %mul3A_357 = arith.mulf %unpack3A_297, %gather3A_321 : vector<16xf32>
        tpu.vector_store_idx %arg13[%add3A_356], %mul3A_357 {add = true} : memref<41088xf32, #tpu.memory_space<vmem>>[vector<16xi32>], vector<16xf32>,
        %while3A_358 = arith.constant 0 : i32
        scf.yield %while3A_358 : i32
      }
      %while3A_250 = arith.constant 1 : i32
      %while3A_251 = scf.for %while3A_253 = %while3A_247 to %while3A_243 step %while3A_250 iter_args(%while3A_254 = %while3A_249) -> (i32)  : i32 {
        %add3A_255 = arith.constant 2560 : i32
        %add3A_256 = arith.addi %add3A_255, %mul3A_234 : i32
        %add3A_257 = arith.addi %add3A_256, %while3A_253 : i32
        %broadcast_in_dim3A_258 = vector.broadcast %add3A_257 : i32 to vector<16xi32>
        %gather3A = tpu.vector_load_idx %arg10[%broadcast_in_dim3A_258] : memref<5120xi32, #tpu.memory_space<vmem>>[vector<16xi32>], vector<16xi32>,
        %mul3A_259 = arith.constant 16 : i32
        %mul3A_260 = vector.broadcast %mul3A_259 : i32 to vector<16xi32>
        %mul3A_261 = arith.muli %gather3A, %mul3A_260 : vector<16xi32>
        %add3A_262 = arith.addi %mul3A_261, %iota3A : vector<16xi32>
        %gather3A_263 = tpu.vector_load_idx %arg12[%add3A_262] : memref<5120xf32, #tpu.memory_space<vmem>>[vector<16xi32>], vector<16xf32>,
        %get3A = arith.index_cast %while3A_253 : i32 to index
        %get3A_264 = arith.constant 64 : index
        %get3A_265 = tpu.vector_load %arg11[%get3A, %get3A_264] {strides = array<i32>} : memref<96x128xf32, #tpu.memory_space<vmem>>, vector<16xf32>,
        %add3A_266 = arith.addf %get3A_265, %gather3A_263 : vector<16xf32>
        %gt3A = arith.constant 0.000000e+00 : f32
        %gt3A_267 = vector.broadcast %gt3A : f32 to vector<16xf32>
        %gt3A_268 = arith.cmpf ogt, %add3A_266, %gt3A_267 : vector<16xf32>
        %mul3A_269 = arith.constant 2.000000e-01 : f32
        %mul3A_270 = vector.broadcast %mul3A_269 : f32 to vector<16xf32>
        %mul3A_271 = arith.mulf %mul3A_270, %add3A_266 : vector<16xf32>
        %select_n3A_272 = arith.select %gt3A_268, %add3A_266, %mul3A_271 : vector<16xi1>, vector<16xf32>
        %exp3A = math.exp %select_n3A_272 : vector<16xf32>
        tpu.vector_store_idx %arg14[%add3A_262], %exp3A masked %lt3A_4 {add = true} : memref<5136xf32, #tpu.memory_space<vmem>>[vector<16xi32>], vector<16xf32>, vector<16xi1>
        %mul3A_273 = arith.constant 128 : i32
        %mul3A_274 = vector.broadcast %mul3A_273 : i32 to vector<16xi32>
        %mul3A_275 = arith.muli %gather3A, %mul3A_274 : vector<16xi32>
        %get3A_276 = arith.index_cast %while3A_253 : i32 to index
        %get3A_277 = arith.constant 0 : index
        %get3A_278 = tpu.vector_load %arg11[%get3A_276, %get3A_277] {strides = array<i32>} : memref<96x128xf32, #tpu.memory_space<vmem>>, vector<16xf32>,
        %bitcast3A = vector.bitcast %get3A_278 : vector<16xf32> to vector<32xbf16>
        %get3A_279 = arith.index_cast %while3A_253 : i32 to index
        %get3A_280 = arith.constant 16 : index
        %get3A_281 = tpu.vector_load %arg11[%get3A_279, %get3A_280] {strides = array<i32>} : memref<96x128xf32, #tpu.memory_space<vmem>>, vector<16xf32>,
        %bitcast3A_282 = vector.bitcast %get3A_281 : vector<16xf32> to vector<32xbf16>
        %get3A_283 = arith.index_cast %while3A_253 : i32 to index
        %get3A_284 = arith.constant 32 : index
        %get3A_285 = tpu.vector_load %arg11[%get3A_283, %get3A_284] {strides = array<i32>} : memref<96x128xf32, #tpu.memory_space<vmem>>, vector<16xf32>,
        %bitcast3A_286 = vector.bitcast %get3A_285 : vector<16xf32> to vector<32xbf16>
        %get3A_287 = arith.index_cast %while3A_253 : i32 to index
        %get3A_288 = arith.constant 48 : index
        %get3A_289 = tpu.vector_load %arg11[%get3A_287, %get3A_288] {strides = array<i32>} : memref<96x128xf32, #tpu.memory_space<vmem>>, vector<16xf32>,
        %bitcast3A_290 = vector.bitcast %get3A_289 : vector<16xf32> to vector<32xbf16>
        %unpack3A = tpu.unpack_subelements %bitcast3A, 0 {pack_format = #tpu.pack_format<interleaved>} : vector<32xbf16> -> vector<16xf32>
        %unpack3A_291 = tpu.unpack_subelements %bitcast3A, 1 {pack_format = #tpu.pack_format<interleaved>} : vector<32xbf16> -> vector<16xf32>
        %unpack3A_292 = tpu.unpack_subelements %bitcast3A_282, 0 {pack_format = #tpu.pack_format<interleaved>} : vector<32xbf16> -> vector<16xf32>
        %unpack3A_293 = tpu.unpack_subelements %bitcast3A_282, 1 {pack_format = #tpu.pack_format<interleaved>} : vector<32xbf16> -> vector<16xf32>
        %unpack3A_294 = tpu.unpack_subelements %bitcast3A_286, 0 {pack_format = #tpu.pack_format<interleaved>} : vector<32xbf16> -> vector<16xf32>
        %unpack3A_295 = tpu.unpack_subelements %bitcast3A_286, 1 {pack_format = #tpu.pack_format<interleaved>} : vector<32xbf16> -> vector<16xf32>
        %unpack3A_296 = tpu.unpack_subelements %bitcast3A_290, 0 {pack_format = #tpu.pack_format<interleaved>} : vector<32xbf16> -> vector<16xf32>
        %unpack3A_297 = tpu.unpack_subelements %bitcast3A_290, 1 {pack_format = #tpu.pack_format<interleaved>} : vector<32xbf16> -> vector<16xf32>
        %add3A_298 = arith.constant 0 : i32
        %add3A_299 = vector.broadcast %add3A_298 : i32 to vector<16xi32>
        %add3A_300 = arith.addi %shift_right_arithmetic3A_9, %add3A_299 : vector<16xi32>
        %broadcast_in_dim3A_301 = vector.shape_cast %add3A_300 : vector<16xi32> to vector<16x1xi32>
        %gather3A_302 = vector.shape_cast %broadcast_in_dim3A_301 : vector<16x1xi32> to vector<16xi32>
        %gather3A_303 = tpu.dynamic_gather %exp3A[%gather3A_302] in [0] : vector<16xf32>, vector<16xi32> -> vector<16xf32>
        %add3A_304 = arith.constant 2 : i32
        %add3A_305 = vector.broadcast %add3A_304 : i32 to vector<16xi32>
        %add3A_306 = arith.addi %shift_right_arithmetic3A_9, %add3A_305 : vector<16xi32>
        %broadcast_in_dim3A_307 = vector.shape_cast %add3A_306 : vector<16xi32> to vector<16x1xi32>
        %gather3A_308 = vector.shape_cast %broadcast_in_dim3A_307 : vector<16x1xi32> to vector<16xi32>
        %gather3A_309 = tpu.dynamic_gather %exp3A[%gather3A_308] in [0] : vector<16xf32>, vector<16xi32> -> vector<16xf32>
        %add3A_310 = arith.constant 4 : i32
        %add3A_311 = vector.broadcast %add3A_310 : i32 to vector<16xi32>
        %add3A_312 = arith.addi %shift_right_arithmetic3A_9, %add3A_311 : vector<16xi32>
        %broadcast_in_dim3A_313 = vector.shape_cast %add3A_312 : vector<16xi32> to vector<16x1xi32>
        %gather3A_314 = vector.shape_cast %broadcast_in_dim3A_313 : vector<16x1xi32> to vector<16xi32>
        %gather3A_315 = tpu.dynamic_gather %exp3A[%gather3A_314] in [0] : vector<16xf32>, vector<16xi32> -> vector<16xf32>
        %add3A_316 = arith.constant 6 : i32
        %add3A_317 = vector.broadcast %add3A_316 : i32 to vector<16xi32>
        %add3A_318 = arith.addi %shift_right_arithmetic3A_9, %add3A_317 : vector<16xi32>
        %broadcast_in_dim3A_319 = vector.shape_cast %add3A_318 : vector<16xi32> to vector<16x1xi32>
        %gather3A_320 = vector.shape_cast %broadcast_in_dim3A_319 : vector<16x1xi32> to vector<16xi32>
        %gather3A_321 = tpu.dynamic_gather %exp3A[%gather3A_320] in [0] : vector<16xf32>, vector<16xi32> -> vector<16xf32>
        %add3A_322 = arith.constant 0 : i32
        %add3A_323 = vector.broadcast %add3A_322 : i32 to vector<16xi32>
        %add3A_324 = arith.addi %add3A_323, %add3A_21 : vector<16xi32>
        %add3A_325 = arith.addi %mul3A_275, %add3A_324 : vector<16xi32>
        %mul3A_326 = arith.mulf %unpack3A, %gather3A_303 : vector<16xf32>
        tpu.vector_store_idx %arg13[%add3A_325], %mul3A_326 {add = true} : memref<41088xf32, #tpu.memory_space<vmem>>[vector<16xi32>], vector<16xf32>,
        %add3A_327 = arith.constant 1 : i32
        %add3A_328 = vector.broadcast %add3A_327 : i32 to vector<16xi32>
        %add3A_329 = arith.addi %add3A_325, %add3A_328 : vector<16xi32>
        %mul3A_330 = arith.mulf %unpack3A_291, %gather3A_303 : vector<16xf32>
        tpu.vector_store_idx %arg13[%add3A_329], %mul3A_330 {add = true} : memref<41088xf32, #tpu.memory_space<vmem>>[vector<16xi32>], vector<16xf32>,
        %add3A_331 = arith.constant 32 : i32
        %add3A_332 = vector.broadcast %add3A_331 : i32 to vector<16xi32>
        %add3A_333 = arith.addi %add3A_332, %add3A_21 : vector<16xi32>
        %add3A_334 = arith.addi %mul3A_275, %add3A_333 : vector<16xi32>
        %mul3A_335 = arith.mulf %unpack3A_292, %gather3A_309 : vector<16xf32>
        tpu.vector_store_idx %arg13[%add3A_334], %mul3A_335 {add = true} : memref<41088xf32, #tpu.memory_space<vmem>>[vector<16xi32>], vector<16xf32>,
        %add3A_336 = arith.constant 1 : i32
        %add3A_337 = vector.broadcast %add3A_336 : i32 to vector<16xi32>
        %add3A_338 = arith.addi %add3A_334, %add3A_337 : vector<16xi32>
        %mul3A_339 = arith.mulf %unpack3A_293, %gather3A_309 : vector<16xf32>
        tpu.vector_store_idx %arg13[%add3A_338], %mul3A_339 {add = true} : memref<41088xf32, #tpu.memory_space<vmem>>[vector<16xi32>], vector<16xf32>,
        %add3A_340 = arith.constant 64 : i32
        %add3A_341 = vector.broadcast %add3A_340 : i32 to vector<16xi32>
        %add3A_342 = arith.addi %add3A_341, %add3A_21 : vector<16xi32>
        %add3A_343 = arith.addi %mul3A_275, %add3A_342 : vector<16xi32>
        %mul3A_344 = arith.mulf %unpack3A_294, %gather3A_315 : vector<16xf32>
        tpu.vector_store_idx %arg13[%add3A_343], %mul3A_344 {add = true} : memref<41088xf32, #tpu.memory_space<vmem>>[vector<16xi32>], vector<16xf32>,
        %add3A_345 = arith.constant 1 : i32
        %add3A_346 = vector.broadcast %add3A_345 : i32 to vector<16xi32>
        %add3A_347 = arith.addi %add3A_343, %add3A_346 : vector<16xi32>
        %mul3A_348 = arith.mulf %unpack3A_295, %gather3A_315 : vector<16xf32>
        tpu.vector_store_idx %arg13[%add3A_347], %mul3A_348 {add = true} : memref<41088xf32, #tpu.memory_space<vmem>>[vector<16xi32>], vector<16xf32>,
        %add3A_349 = arith.constant 96 : i32
        %add3A_350 = vector.broadcast %add3A_349 : i32 to vector<16xi32>
        %add3A_351 = arith.addi %add3A_350, %add3A_21 : vector<16xi32>
        %add3A_352 = arith.addi %mul3A_275, %add3A_351 : vector<16xi32>
        %mul3A_353 = arith.mulf %unpack3A_296, %gather3A_321 : vector<16xf32>
        tpu.vector_store_idx %arg13[%add3A_352], %mul3A_353 {add = true} : memref<41088xf32, #tpu.memory_space<vmem>>[vector<16xi32>], vector<16xf32>,
        %add3A_354 = arith.constant 1 : i32
        %add3A_355 = vector.broadcast %add3A_354 : i32 to vector<16xi32>
        %add3A_356 = arith.addi %add3A_352, %add3A_355 : vector<16xi32>
        %mul3A_357 = arith.mulf %unpack3A_297, %gather3A_321 : vector<16xf32>
        tpu.vector_store_idx %arg13[%add3A_356], %mul3A_357 {add = true} : memref<41088xf32, #tpu.memory_space<vmem>>[vector<16xi32>], vector<16xf32>,
        %while3A_358 = arith.constant 0 : i32
        scf.yield %while3A_358 : i32
      }
      %while3A_252 = arith.constant 0 : i32
      scf.yield %while3A_252 : i32
    }
    %dma_start3A_143 = arith.constant 0 : i32
    %dma_start3A_144 = tpu.memref_slice %arg9[%dma_start3A_143] : memref<5120xi32, #tpu.memory_space<vmem>> -> memref<96xi32, #tpu.memory_space<vmem>>
    %dma_start3A_145 = arith.constant 0 : i32
    %dma_start3A_146 = arith.constant 0 : i32
    %dma_start3A_147 = tpu.memref_slice %arg4[%dma_start3A_145, %dma_start3A_146] : memref<10000x128xf32, #tpu.memory_space<hbm>> -> memref<10000x128xf32, #tpu.memory_space<hbm>>
    tpu.enqueue_indirect_dma source(%dma_start3A_147 : memref<10000x128xf32, #tpu.memory_space<hbm>>) target(%arg11 : memref<96x128xf32, #tpu.memory_space<vmem>>) offsets(%dma_start3A_144 : memref<96xi32, #tpu.memory_space<vmem>>) semaphore(%arg16 : memref<!tpu.dma_semaphore, #tpu.memory_space<semaphore_mem>>)
    %dma_wait3A_148 = arith.constant 0 : i32
    %dma_wait3A_149 = arith.constant 0 : i32
    %dma_wait3A_150 = tpu.memref_slice %arg4[%dma_wait3A_148, %dma_wait3A_149] : memref<10000x128xf32, #tpu.memory_space<hbm>> -> memref<96x128xf32, #tpu.memory_space<hbm>>
    %dma_wait3A_151 = arith.constant 0 : i32
    %dma_wait3A_152 = arith.constant 0 : i32
    %dma_wait3A_153 = tpu.memref_slice %arg4[%dma_wait3A_151, %dma_wait3A_152] : memref<10000x128xf32, #tpu.memory_space<hbm>> -> memref<96x128xf32, #tpu.memory_space<hbm>>
    tpu.wait_dma2 semaphore(%arg16 : memref<!tpu.dma_semaphore, #tpu.memory_space<semaphore_mem>>) src(%dma_wait3A_153 : memref<96x128xf32, #tpu.memory_space<hbm>>) dst(%arg11 : memref<96x128xf32, #tpu.memory_space<vmem>>)
    %min3A_154 = arith.constant 96 : i32
    %min3A_155 = arith.minsi %reduce_max3A_91, %min3A_154 : i32
    %while3A_156 = arith.constant 0 : i32
    %while3A_157 = arith.constant 0 : i32
    %while3A_158 = arith.subi %min3A_155, %while3A_156 : i32
    %while3A_159 = arith.addi %while3A_156, %while3A_158 : i32
    %while3A_160 = arith.constant 1 : i32
    %while3A_161 = arith.divsi %while3A_158, %while3A_160 : i32
    %while3A_162 = arith.muli %while3A_161, %while3A_160 : i32
    %while3A_163 = arith.addi %while3A_156, %while3A_162 : i32
    %while3A_164 = arith.constant 1 : i32
    %while3A_165 = scf.for %while3A_217 = %while3A_156 to %while3A_163 step %while3A_164 iter_args(%while3A_218 = %while3A_157) -> (i32)  : i32 {
      %add3A_219 = arith.constant 0 : i32
      %add3A_220 = arith.addi %add3A_219, %while3A_217 : i32
      %broadcast_in_dim3A_221 = vector.broadcast %add3A_220 : i32 to vector<16xi32>
      %gather3A = tpu.vector_load_idx %arg10[%broadcast_in_dim3A_221] : memref<5120xi32, #tpu.memory_space<vmem>>[vector<16xi32>], vector<16xi32>,
      %mul3A_222 = arith.constant 16 : i32
      %mul3A_223 = vector.broadcast %mul3A_222 : i32 to vector<16xi32>
      %mul3A_224 = arith.muli %gather3A, %mul3A_223 : vector<16xi32>
      %add3A_225 = arith.addi %mul3A_224, %iota3A : vector<16xi32>
      %gather3A_226 = tpu.vector_load_idx %arg12[%add3A_225] : memref<5120xf32, #tpu.memory_space<vmem>>[vector<16xi32>], vector<16xf32>,
      %get3A = arith.index_cast %while3A_217 : i32 to index
      %get3A_227 = arith.constant 64 : index
      %get3A_228 = tpu.vector_load %arg11[%get3A, %get3A_227] {strides = array<i32>} : memref<96x128xf32, #tpu.memory_space<vmem>>, vector<16xf32>,
      %add3A_229 = arith.addf %get3A_228, %gather3A_226 : vector<16xf32>
      %gt3A = arith.constant 0.000000e+00 : f32
      %gt3A_230 = vector.broadcast %gt3A : f32 to vector<16xf32>
      %gt3A_231 = arith.cmpf ogt, %add3A_229, %gt3A_230 : vector<16xf32>
      %mul3A_232 = arith.constant 2.000000e-01 : f32
      %mul3A_233 = vector.broadcast %mul3A_232 : f32 to vector<16xf32>
      %mul3A_234 = arith.mulf %mul3A_233, %add3A_229 : vector<16xf32>
      %select_n3A_235 = arith.select %gt3A_231, %add3A_229, %mul3A_234 : vector<16xi1>, vector<16xf32>
      %exp3A = math.exp %select_n3A_235 : vector<16xf32>
      tpu.vector_store_idx %arg14[%add3A_225], %exp3A masked %lt3A_4 {add = true} : memref<5136xf32, #tpu.memory_space<vmem>>[vector<16xi32>], vector<16xf32>, vector<16xi1>
      %mul3A_236 = arith.constant 128 : i32
      %mul3A_237 = vector.broadcast %mul3A_236 : i32 to vector<16xi32>
      %mul3A_238 = arith.muli %gather3A, %mul3A_237 : vector<16xi32>
      %get3A_239 = arith.index_cast %while3A_217 : i32 to index
      %get3A_240 = arith.constant 0 : index
      %get3A_241 = tpu.vector_load %arg11[%get3A_239, %get3A_240] {strides = array<i32>} : memref<96x128xf32, #tpu.memory_space<vmem>>, vector<16xf32>,
      %bitcast3A = vector.bitcast %get3A_241 : vector<16xf32> to vector<32xbf16>
      %get3A_242 = arith.index_cast %while3A_217 : i32 to index
      %get3A_243 = arith.constant 16 : index
      %get3A_244 = tpu.vector_load %arg11[%get3A_242, %get3A_243] {strides = array<i32>} : memref<96x128xf32, #tpu.memory_space<vmem>>, vector<16xf32>,
      %bitcast3A_245 = vector.bitcast %get3A_244 : vector<16xf32> to vector<32xbf16>
      %get3A_246 = arith.index_cast %while3A_217 : i32 to index
      %get3A_247 = arith.constant 32 : index
      %get3A_248 = tpu.vector_load %arg11[%get3A_246, %get3A_247] {strides = array<i32>} : memref<96x128xf32, #tpu.memory_space<vmem>>, vector<16xf32>,
      %bitcast3A_249 = vector.bitcast %get3A_248 : vector<16xf32> to vector<32xbf16>
      %get3A_250 = arith.index_cast %while3A_217 : i32 to index
      %get3A_251 = arith.constant 48 : index
      %get3A_252 = tpu.vector_load %arg11[%get3A_250, %get3A_251] {strides = array<i32>} : memref<96x128xf32, #tpu.memory_space<vmem>>, vector<16xf32>,
      %bitcast3A_253 = vector.bitcast %get3A_252 : vector<16xf32> to vector<32xbf16>
      %unpack3A = tpu.unpack_subelements %bitcast3A, 0 {pack_format = #tpu.pack_format<interleaved>} : vector<32xbf16> -> vector<16xf32>
      %unpack3A_254 = tpu.unpack_subelements %bitcast3A, 1 {pack_format = #tpu.pack_format<interleaved>} : vector<32xbf16> -> vector<16xf32>
      %unpack3A_255 = tpu.unpack_subelements %bitcast3A_245, 0 {pack_format = #tpu.pack_format<interleaved>} : vector<32xbf16> -> vector<16xf32>
      %unpack3A_256 = tpu.unpack_subelements %bitcast3A_245, 1 {pack_format = #tpu.pack_format<interleaved>} : vector<32xbf16> -> vector<16xf32>
      %unpack3A_257 = tpu.unpack_subelements %bitcast3A_249, 0 {pack_format = #tpu.pack_format<interleaved>} : vector<32xbf16> -> vector<16xf32>
      %unpack3A_258 = tpu.unpack_subelements %bitcast3A_249, 1 {pack_format = #tpu.pack_format<interleaved>} : vector<32xbf16> -> vector<16xf32>
      %unpack3A_259 = tpu.unpack_subelements %bitcast3A_253, 0 {pack_format = #tpu.pack_format<interleaved>} : vector<32xbf16> -> vector<16xf32>
      %unpack3A_260 = tpu.unpack_subelements %bitcast3A_253, 1 {pack_format = #tpu.pack_format<interleaved>} : vector<32xbf16> -> vector<16xf32>
      %add3A_261 = arith.constant 0 : i32
      %add3A_262 = vector.broadcast %add3A_261 : i32 to vector<16xi32>
      %add3A_263 = arith.addi %shift_right_arithmetic3A_9, %add3A_262 : vector<16xi32>
      %broadcast_in_dim3A_264 = vector.shape_cast %add3A_263 : vector<16xi32> to vector<16x1xi32>
      %gather3A_265 = vector.shape_cast %broadcast_in_dim3A_264 : vector<16x1xi32> to vector<16xi32>
      %gather3A_266 = tpu.dynamic_gather %exp3A[%gather3A_265] in [0] : vector<16xf32>, vector<16xi32> -> vector<16xf32>
      %add3A_267 = arith.constant 2 : i32
      %add3A_268 = vector.broadcast %add3A_267 : i32 to vector<16xi32>
      %add3A_269 = arith.addi %shift_right_arithmetic3A_9, %add3A_268 : vector<16xi32>
      %broadcast_in_dim3A_270 = vector.shape_cast %add3A_269 : vector<16xi32> to vector<16x1xi32>
      %gather3A_271 = vector.shape_cast %broadcast_in_dim3A_270 : vector<16x1xi32> to vector<16xi32>
      %gather3A_272 = tpu.dynamic_gather %exp3A[%gather3A_271] in [0] : vector<16xf32>, vector<16xi32> -> vector<16xf32>
      %add3A_273 = arith.constant 4 : i32
      %add3A_274 = vector.broadcast %add3A_273 : i32 to vector<16xi32>
      %add3A_275 = arith.addi %shift_right_arithmetic3A_9, %add3A_274 : vector<16xi32>
      %broadcast_in_dim3A_276 = vector.shape_cast %add3A_275 : vector<16xi32> to vector<16x1xi32>
      %gather3A_277 = vector.shape_cast %broadcast_in_dim3A_276 : vector<16x1xi32> to vector<16xi32>
      %gather3A_278 = tpu.dynamic_gather %exp3A[%gather3A_277] in [0] : vector<16xf32>, vector<16xi32> -> vector<16xf32>
      %add3A_279 = arith.constant 6 : i32
      %add3A_280 = vector.broadcast %add3A_279 : i32 to vector<16xi32>
      %add3A_281 = arith.addi %shift_right_arithmetic3A_9, %add3A_280 : vector<16xi32>
      %broadcast_in_dim3A_282 = vector.shape_cast %add3A_281 : vector<16xi32> to vector<16x1xi32>
      %gather3A_283 = vector.shape_cast %broadcast_in_dim3A_282 : vector<16x1xi32> to vector<16xi32>
      %gather3A_284 = tpu.dynamic_gather %exp3A[%gather3A_283] in [0] : vector<16xf32>, vector<16xi32> -> vector<16xf32>
      %add3A_285 = arith.constant 0 : i32
      %add3A_286 = vector.broadcast %add3A_285 : i32 to vector<16xi32>
      %add3A_287 = arith.addi %add3A_286, %add3A_21 : vector<16xi32>
      %add3A_288 = arith.addi %mul3A_238, %add3A_287 : vector<16xi32>
      %mul3A_289 = arith.mulf %unpack3A, %gather3A_266 : vector<16xf32>
      tpu.vector_store_idx %arg13[%add3A_288], %mul3A_289 {add = true} : memref<41088xf32, #tpu.memory_space<vmem>>[vector<16xi32>], vector<16xf32>,
      %add3A_290 = arith.constant 1 : i32
      %add3A_291 = vector.broadcast %add3A_290 : i32 to vector<16xi32>
      %add3A_292 = arith.addi %add3A_288, %add3A_291 : vector<16xi32>
      %mul3A_293 = arith.mulf %unpack3A_254, %gather3A_266 : vector<16xf32>
      tpu.vector_store_idx %arg13[%add3A_292], %mul3A_293 {add = true} : memref<41088xf32, #tpu.memory_space<vmem>>[vector<16xi32>], vector<16xf32>,
      %add3A_294 = arith.constant 32 : i32
      %add3A_295 = vector.broadcast %add3A_294 : i32 to vector<16xi32>
      %add3A_296 = arith.addi %add3A_295, %add3A_21 : vector<16xi32>
      %add3A_297 = arith.addi %mul3A_238, %add3A_296 : vector<16xi32>
      %mul3A_298 = arith.mulf %unpack3A_255, %gather3A_272 : vector<16xf32>
      tpu.vector_store_idx %arg13[%add3A_297], %mul3A_298 {add = true} : memref<41088xf32, #tpu.memory_space<vmem>>[vector<16xi32>], vector<16xf32>,
      %add3A_299 = arith.constant 1 : i32
      %add3A_300 = vector.broadcast %add3A_299 : i32 to vector<16xi32>
      %add3A_301 = arith.addi %add3A_297, %add3A_300 : vector<16xi32>
      %mul3A_302 = arith.mulf %unpack3A_256, %gather3A_272 : vector<16xf32>
      tpu.vector_store_idx %arg13[%add3A_301], %mul3A_302 {add = true} : memref<41088xf32, #tpu.memory_space<vmem>>[vector<16xi32>], vector<16xf32>,
      %add3A_303 = arith.constant 64 : i32
      %add3A_304 = vector.broadcast %add3A_303 : i32 to vector<16xi32>
      %add3A_305 = arith.addi %add3A_304, %add3A_21 : vector<16xi32>
      %add3A_306 = arith.addi %mul3A_238, %add3A_305 : vector<16xi32>
      %mul3A_307 = arith.mulf %unpack3A_257, %gather3A_278 : vector<16xf32>
      tpu.vector_store_idx %arg13[%add3A_306], %mul3A_307 {add = true} : memref<41088xf32, #tpu.memory_space<vmem>>[vector<16xi32>], vector<16xf32>,
      %add3A_308 = arith.constant 1 : i32
      %add3A_309 = vector.broadcast %add3A_308 : i32 to vector<16xi32>
      %add3A_310 = arith.addi %add3A_306, %add3A_309 : vector<16xi32>
      %mul3A_311 = arith.mulf %unpack3A_258, %gather3A_278 : vector<16xf32>
      tpu.vector_store_idx %arg13[%add3A_310], %mul3A_311 {add = true} : memref<41088xf32, #tpu.memory_space<vmem>>[vector<16xi32>], vector<16xf32>,
      %add3A_312 = arith.constant 96 : i32
      %add3A_313 = vector.broadcast %add3A_312 : i32 to vector<16xi32>
      %add3A_314 = arith.addi %add3A_313, %add3A_21 : vector<16xi32>
      %add3A_315 = arith.addi %mul3A_238, %add3A_314 : vector<16xi32>
      %mul3A_316 = arith.mulf %unpack3A_259, %gather3A_284 : vector<16xf32>
      tpu.vector_store_idx %arg13[%add3A_315], %mul3A_316 {add = true} : memref<41088xf32, #tpu.memory_space<vmem>>[vector<16xi32>], vector<16xf32>,
      %add3A_317 = arith.constant 1 : i32
      %add3A_318 = vector.broadcast %add3A_317 : i32 to vector<16xi32>
      %add3A_319 = arith.addi %add3A_315, %add3A_318 : vector<16xi32>
      %mul3A_320 = arith.mulf %unpack3A_260, %gather3A_284 : vector<16xf32>
      tpu.vector_store_idx %arg13[%add3A_319], %mul3A_320 {add = true} : memref<41088xf32, #tpu.memory_space<vmem>>[vector<16xi32>], vector<16xf32>,
      %while3A_321 = arith.constant 0 : i32
      scf.yield %while3A_321 : i32
    }
    %while3A_166 = arith.constant 1 : i32
    %while3A_167 = scf.for %while3A_217 = %while3A_163 to %while3A_159 step %while3A_166 iter_args(%while3A_218 = %while3A_165) -> (i32)  : i32 {
      %add3A_219 = arith.constant 0 : i32
      %add3A_220 = arith.addi %add3A_219, %while3A_217 : i32
      %broadcast_in_dim3A_221 = vector.broadcast %add3A_220 : i32 to vector<16xi32>
      %gather3A = tpu.vector_load_idx %arg10[%broadcast_in_dim3A_221] : memref<5120xi32, #tpu.memory_space<vmem>>[vector<16xi32>], vector<16xi32>,
      %mul3A_222 = arith.constant 16 : i32
      %mul3A_223 = vector.broadcast %mul3A_222 : i32 to vector<16xi32>
      %mul3A_224 = arith.muli %gather3A, %mul3A_223 : vector<16xi32>
      %add3A_225 = arith.addi %mul3A_224, %iota3A : vector<16xi32>
      %gather3A_226 = tpu.vector_load_idx %arg12[%add3A_225] : memref<5120xf32, #tpu.memory_space<vmem>>[vector<16xi32>], vector<16xf32>,
      %get3A = arith.index_cast %while3A_217 : i32 to index
      %get3A_227 = arith.constant 64 : index
      %get3A_228 = tpu.vector_load %arg11[%get3A, %get3A_227] {strides = array<i32>} : memref<96x128xf32, #tpu.memory_space<vmem>>, vector<16xf32>,
      %add3A_229 = arith.addf %get3A_228, %gather3A_226 : vector<16xf32>
      %gt3A = arith.constant 0.000000e+00 : f32
      %gt3A_230 = vector.broadcast %gt3A : f32 to vector<16xf32>
      %gt3A_231 = arith.cmpf ogt, %add3A_229, %gt3A_230 : vector<16xf32>
      %mul3A_232 = arith.constant 2.000000e-01 : f32
      %mul3A_233 = vector.broadcast %mul3A_232 : f32 to vector<16xf32>
      %mul3A_234 = arith.mulf %mul3A_233, %add3A_229 : vector<16xf32>
      %select_n3A_235 = arith.select %gt3A_231, %add3A_229, %mul3A_234 : vector<16xi1>, vector<16xf32>
      %exp3A = math.exp %select_n3A_235 : vector<16xf32>
      tpu.vector_store_idx %arg14[%add3A_225], %exp3A masked %lt3A_4 {add = true} : memref<5136xf32, #tpu.memory_space<vmem>>[vector<16xi32>], vector<16xf32>, vector<16xi1>
      %mul3A_236 = arith.constant 128 : i32
      %mul3A_237 = vector.broadcast %mul3A_236 : i32 to vector<16xi32>
      %mul3A_238 = arith.muli %gather3A, %mul3A_237 : vector<16xi32>
      %get3A_239 = arith.index_cast %while3A_217 : i32 to index
      %get3A_240 = arith.constant 0 : index
      %get3A_241 = tpu.vector_load %arg11[%get3A_239, %get3A_240] {strides = array<i32>} : memref<96x128xf32, #tpu.memory_space<vmem>>, vector<16xf32>,
      %bitcast3A = vector.bitcast %get3A_241 : vector<16xf32> to vector<32xbf16>
      %get3A_242 = arith.index_cast %while3A_217 : i32 to index
      %get3A_243 = arith.constant 16 : index
      %get3A_244 = tpu.vector_load %arg11[%get3A_242, %get3A_243] {strides = array<i32>} : memref<96x128xf32, #tpu.memory_space<vmem>>, vector<16xf32>,
      %bitcast3A_245 = vector.bitcast %get3A_244 : vector<16xf32> to vector<32xbf16>
      %get3A_246 = arith.index_cast %while3A_217 : i32 to index
      %get3A_247 = arith.constant 32 : index
      %get3A_248 = tpu.vector_load %arg11[%get3A_246, %get3A_247] {strides = array<i32>} : memref<96x128xf32, #tpu.memory_space<vmem>>, vector<16xf32>,
      %bitcast3A_249 = vector.bitcast %get3A_248 : vector<16xf32> to vector<32xbf16>
      %get3A_250 = arith.index_cast %while3A_217 : i32 to index
      %get3A_251 = arith.constant 48 : index
      %get3A_252 = tpu.vector_load %arg11[%get3A_250, %get3A_251] {strides = array<i32>} : memref<96x128xf32, #tpu.memory_space<vmem>>, vector<16xf32>,
      %bitcast3A_253 = vector.bitcast %get3A_252 : vector<16xf32> to vector<32xbf16>
      %unpack3A = tpu.unpack_subelements %bitcast3A, 0 {pack_format = #tpu.pack_format<interleaved>} : vector<32xbf16> -> vector<16xf32>
      %unpack3A_254 = tpu.unpack_subelements %bitcast3A, 1 {pack_format = #tpu.pack_format<interleaved>} : vector<32xbf16> -> vector<16xf32>
      %unpack3A_255 = tpu.unpack_subelements %bitcast3A_245, 0 {pack_format = #tpu.pack_format<interleaved>} : vector<32xbf16> -> vector<16xf32>
      %unpack3A_256 = tpu.unpack_subelements %bitcast3A_245, 1 {pack_format = #tpu.pack_format<interleaved>} : vector<32xbf16> -> vector<16xf32>
      %unpack3A_257 = tpu.unpack_subelements %bitcast3A_249, 0 {pack_format = #tpu.pack_format<interleaved>} : vector<32xbf16> -> vector<16xf32>
      %unpack3A_258 = tpu.unpack_subelements %bitcast3A_249, 1 {pack_format = #tpu.pack_format<interleaved>} : vector<32xbf16> -> vector<16xf32>
      %unpack3A_259 = tpu.unpack_subelements %bitcast3A_253, 0 {pack_format = #tpu.pack_format<interleaved>} : vector<32xbf16> -> vector<16xf32>
      %unpack3A_260 = tpu.unpack_subelements %bitcast3A_253, 1 {pack_format = #tpu.pack_format<interleaved>} : vector<32xbf16> -> vector<16xf32>
      %add3A_261 = arith.constant 0 : i32
      %add3A_262 = vector.broadcast %add3A_261 : i32 to vector<16xi32>
      %add3A_263 = arith.addi %shift_right_arithmetic3A_9, %add3A_262 : vector<16xi32>
      %broadcast_in_dim3A_264 = vector.shape_cast %add3A_263 : vector<16xi32> to vector<16x1xi32>
      %gather3A_265 = vector.shape_cast %broadcast_in_dim3A_264 : vector<16x1xi32> to vector<16xi32>
      %gather3A_266 = tpu.dynamic_gather %exp3A[%gather3A_265] in [0] : vector<16xf32>, vector<16xi32> -> vector<16xf32>
      %add3A_267 = arith.constant 2 : i32
      %add3A_268 = vector.broadcast %add3A_267 : i32 to vector<16xi32>
      %add3A_269 = arith.addi %shift_right_arithmetic3A_9, %add3A_268 : vector<16xi32>
      %broadcast_in_dim3A_270 = vector.shape_cast %add3A_269 : vector<16xi32> to vector<16x1xi32>
      %gather3A_271 = vector.shape_cast %broadcast_in_dim3A_270 : vector<16x1xi32> to vector<16xi32>
      %gather3A_272 = tpu.dynamic_gather %exp3A[%gather3A_271] in [0] : vector<16xf32>, vector<16xi32> -> vector<16xf32>
      %add3A_273 = arith.constant 4 : i32
      %add3A_274 = vector.broadcast %add3A_273 : i32 to vector<16xi32>
      %add3A_275 = arith.addi %shift_right_arithmetic3A_9, %add3A_274 : vector<16xi32>
      %broadcast_in_dim3A_276 = vector.shape_cast %add3A_275 : vector<16xi32> to vector<16x1xi32>
      %gather3A_277 = vector.shape_cast %broadcast_in_dim3A_276 : vector<16x1xi32> to vector<16xi32>
      %gather3A_278 = tpu.dynamic_gather %exp3A[%gather3A_277] in [0] : vector<16xf32>, vector<16xi32> -> vector<16xf32>
      %add3A_279 = arith.constant 6 : i32
      %add3A_280 = vector.broadcast %add3A_279 : i32 to vector<16xi32>
      %add3A_281 = arith.addi %shift_right_arithmetic3A_9, %add3A_280 : vector<16xi32>
      %broadcast_in_dim3A_282 = vector.shape_cast %add3A_281 : vector<16xi32> to vector<16x1xi32>
      %gather3A_283 = vector.shape_cast %broadcast_in_dim3A_282 : vector<16x1xi32> to vector<16xi32>
      %gather3A_284 = tpu.dynamic_gather %exp3A[%gather3A_283] in [0] : vector<16xf32>, vector<16xi32> -> vector<16xf32>
      %add3A_285 = arith.constant 0 : i32
      %add3A_286 = vector.broadcast %add3A_285 : i32 to vector<16xi32>
      %add3A_287 = arith.addi %add3A_286, %add3A_21 : vector<16xi32>
      %add3A_288 = arith.addi %mul3A_238, %add3A_287 : vector<16xi32>
      %mul3A_289 = arith.mulf %unpack3A, %gather3A_266 : vector<16xf32>
      tpu.vector_store_idx %arg13[%add3A_288], %mul3A_289 {add = true} : memref<41088xf32, #tpu.memory_space<vmem>>[vector<16xi32>], vector<16xf32>,
      %add3A_290 = arith.constant 1 : i32
      %add3A_291 = vector.broadcast %add3A_290 : i32 to vector<16xi32>
      %add3A_292 = arith.addi %add3A_288, %add3A_291 : vector<16xi32>
      %mul3A_293 = arith.mulf %unpack3A_254, %gather3A_266 : vector<16xf32>
      tpu.vector_store_idx %arg13[%add3A_292], %mul3A_293 {add = true} : memref<41088xf32, #tpu.memory_space<vmem>>[vector<16xi32>], vector<16xf32>,
      %add3A_294 = arith.constant 32 : i32
      %add3A_295 = vector.broadcast %add3A_294 : i32 to vector<16xi32>
      %add3A_296 = arith.addi %add3A_295, %add3A_21 : vector<16xi32>
      %add3A_297 = arith.addi %mul3A_238, %add3A_296 : vector<16xi32>
      %mul3A_298 = arith.mulf %unpack3A_255, %gather3A_272 : vector<16xf32>
      tpu.vector_store_idx %arg13[%add3A_297], %mul3A_298 {add = true} : memref<41088xf32, #tpu.memory_space<vmem>>[vector<16xi32>], vector<16xf32>,
      %add3A_299 = arith.constant 1 : i32
      %add3A_300 = vector.broadcast %add3A_299 : i32 to vector<16xi32>
      %add3A_301 = arith.addi %add3A_297, %add3A_300 : vector<16xi32>
      %mul3A_302 = arith.mulf %unpack3A_256, %gather3A_272 : vector<16xf32>
      tpu.vector_store_idx %arg13[%add3A_301], %mul3A_302 {add = true} : memref<41088xf32, #tpu.memory_space<vmem>>[vector<16xi32>], vector<16xf32>,
      %add3A_303 = arith.constant 64 : i32
      %add3A_304 = vector.broadcast %add3A_303 : i32 to vector<16xi32>
      %add3A_305 = arith.addi %add3A_304, %add3A_21 : vector<16xi32>
      %add3A_306 = arith.addi %mul3A_238, %add3A_305 : vector<16xi32>
      %mul3A_307 = arith.mulf %unpack3A_257, %gather3A_278 : vector<16xf32>
      tpu.vector_store_idx %arg13[%add3A_306], %mul3A_307 {add = true} : memref<41088xf32, #tpu.memory_space<vmem>>[vector<16xi32>], vector<16xf32>,
      %add3A_308 = arith.constant 1 : i32
      %add3A_309 = vector.broadcast %add3A_308 : i32 to vector<16xi32>
      %add3A_310 = arith.addi %add3A_306, %add3A_309 : vector<16xi32>
      %mul3A_311 = arith.mulf %unpack3A_258, %gather3A_278 : vector<16xf32>
      tpu.vector_store_idx %arg13[%add3A_310], %mul3A_311 {add = true} : memref<41088xf32, #tpu.memory_space<vmem>>[vector<16xi32>], vector<16xf32>,
      %add3A_312 = arith.constant 96 : i32
      %add3A_313 = vector.broadcast %add3A_312 : i32 to vector<16xi32>
      %add3A_314 = arith.addi %add3A_313, %add3A_21 : vector<16xi32>
      %add3A_315 = arith.addi %mul3A_238, %add3A_314 : vector<16xi32>
      %mul3A_316 = arith.mulf %unpack3A_259, %gather3A_284 : vector<16xf32>
      tpu.vector_store_idx %arg13[%add3A_315], %mul3A_316 {add = true} : memref<41088xf32, #tpu.memory_space<vmem>>[vector<16xi32>], vector<16xf32>,
      %add3A_317 = arith.constant 1 : i32
      %add3A_318 = vector.broadcast %add3A_317 : i32 to vector<16xi32>
      %add3A_319 = arith.addi %add3A_315, %add3A_318 : vector<16xi32>
      %mul3A_320 = arith.mulf %unpack3A_260, %gather3A_284 : vector<16xf32>
      tpu.vector_store_idx %arg13[%add3A_319], %mul3A_320 {add = true} : memref<41088xf32, #tpu.memory_space<vmem>>[vector<16xi32>], vector<16xf32>,
      %while3A_321 = arith.constant 0 : i32
      scf.yield %while3A_321 : i32
    }
    %add3A_168 = arith.constant 96 : i32
    %add3A_169 = arith.addi %reduce_max3A_91, %add3A_168 : i32
    %sub3A_170 = arith.constant 1 : i32
    %sub3A_171 = arith.subi %add3A_169, %sub3A_170 : i32
    %jit3A_172 = arith.constant 96 : i32
    %div3A_173 = arith.divsi %sub3A_171, %jit3A_172 : i32
    %sign3A_174 = arith.constant 0 : i32
    %sign3A_175 = arith.cmpi sgt, %sub3A_171, %sign3A_174 : i32
    %sign3A_176 = arith.extui %sign3A_175 : i1 to i32
    %sign3A_177 = arith.constant 0 : i32
    %sign3A_178 = arith.cmpi slt, %sub3A_171, %sign3A_177 : i32
    %sign3A_179 = arith.extui %sign3A_178 : i1 to i32
    %sign3A_180 = arith.subi %sign3A_176, %sign3A_179 : i32
    %sign3A_181 = arith.constant 0 : i32
    %sign3A_182 = arith.cmpi sgt, %jit3A_172, %sign3A_181 : i32
    %sign3A_183 = arith.extui %sign3A_182 : i1 to i32
    %sign3A_184 = arith.constant 0 : i32
    %sign3A_185 = arith.cmpi slt, %jit3A_172, %sign3A_184 : i32
    %sign3A_186 = arith.extui %sign3A_185 : i1 to i32
    %sign3A_187 = arith.subi %sign3A_183, %sign3A_186 : i32
    %ne3A_188 = arith.cmpi ne, %sign3A_180, %sign3A_187 : i32
    %rem3A_189 = arith.remsi %sub3A_171, %jit3A_172 : i32
    %ne3A_190 = arith.constant 0 : i32
    %ne3A_191 = arith.cmpi ne, %rem3A_189, %ne3A_190 : i32
    %and3A_192 = arith.andi %ne3A_188, %ne3A_191 : i1
    %sub3A_193 = arith.constant 1 : i32
    %sub3A_194 = arith.subi %div3A_173, %sub3A_193 : i32
    %select_n3A_195 = arith.select %and3A_192, %sub3A_194, %div3A_173 : i32
    %while3A_196 = arith.constant 1 : i32
    %while3A_197 = arith.constant 0 : i32
    %while3A_198 = arith.subi %select_n3A_195, %while3A_196 : i32
    %while3A_199 = arith.addi %while3A_196, %while3A_198 : i32
    %while3A_200 = arith.constant 1 : i32
    %while3A_201 = arith.divsi %while3A_198, %while3A_200 : i32
    %while3A_202 = arith.muli %while3A_201, %while3A_200 : i32
    %while3A_203 = arith.addi %while3A_196, %while3A_202 : i32
    %while3A_204 = arith.constant 1 : i32
    %while3A_205 = scf.for %while3A_217 = %while3A_196 to %while3A_203 step %while3A_204 iter_args(%while3A_218 = %while3A_197) -> (i32)  : i32 {
      %mul3A_219 = arith.constant 96 : i32
      %mul3A_220 = arith.muli %while3A_217, %mul3A_219 : i32
      %add3A_221 = arith.constant 0 : i32
      %add3A_222 = arith.addi %add3A_221, %mul3A_220 : i32
      %dma_start3A_223 = tpu.memref_slice %arg9[%add3A_222] : memref<5120xi32, #tpu.memory_space<vmem>> -> memref<96xi32, #tpu.memory_space<vmem>>
      %dma_start3A_224 = arith.constant 0 : i32
      %dma_start3A_225 = arith.constant 0 : i32
      %dma_start3A_226 = tpu.memref_slice %arg4[%dma_start3A_224, %dma_start3A_225] : memref<10000x128xf32, #tpu.memory_space<hbm>> -> memref<10000x128xf32, #tpu.memory_space<hbm>>
      tpu.enqueue_indirect_dma source(%dma_start3A_226 : memref<10000x128xf32, #tpu.memory_space<hbm>>) target(%arg11 : memref<96x128xf32, #tpu.memory_space<vmem>>) offsets(%dma_start3A_223 : memref<96xi32, #tpu.memory_space<vmem>>) semaphore(%arg16 : memref<!tpu.dma_semaphore, #tpu.memory_space<semaphore_mem>>)
      %dma_wait3A_227 = arith.constant 0 : i32
      %dma_wait3A_228 = arith.constant 0 : i32
      %dma_wait3A_229 = tpu.memref_slice %arg4[%dma_wait3A_227, %dma_wait3A_228] : memref<10000x128xf32, #tpu.memory_space<hbm>> -> memref<96x128xf32, #tpu.memory_space<hbm>>
      %dma_wait3A_230 = arith.constant 0 : i32
      %dma_wait3A_231 = arith.constant 0 : i32
      %dma_wait3A_232 = tpu.memref_slice %arg4[%dma_wait3A_230, %dma_wait3A_231] : memref<10000x128xf32, #tpu.memory_space<hbm>> -> memref<96x128xf32, #tpu.memory_space<hbm>>
      tpu.wait_dma2 semaphore(%arg16 : memref<!tpu.dma_semaphore, #tpu.memory_space<semaphore_mem>>) src(%dma_wait3A_232 : memref<96x128xf32, #tpu.memory_space<hbm>>) dst(%arg11 : memref<96x128xf32, #tpu.memory_space<vmem>>)
      %mul3A_233 = arith.constant 96 : i32
      %mul3A_234 = arith.muli %while3A_217, %mul3A_233 : i32
      %mul3A_235 = arith.constant 96 : i32
      %mul3A_236 = arith.muli %while3A_217, %mul3A_235 : i32
      %sub3A_237 = arith.subi %reduce_max3A_91, %mul3A_236 : i32
      %min3A_238 = arith.constant 96 : i32
      %min3A_239 = arith.minsi %sub3A_237, %min3A_238 : i32
      %while3A_240 = arith.constant 0 : i32
      %while3A_241 = arith.constant 0 : i32
      %while3A_242 = arith.subi %min3A_239, %while3A_240 : i32
      %while3A_243 = arith.addi %while3A_240, %while3A_242 : i32
      %while3A_244 = arith.constant 1 : i32
      %while3A_245 = arith.divsi %while3A_242, %while3A_244 : i32
      %while3A_246 = arith.muli %while3A_245, %while3A_244 : i32
      %while3A_247 = arith.addi %while3A_240, %while3A_246 : i32
      %while3A_248 = arith.constant 1 : i32
      %while3A_249 = scf.for %while3A_253 = %while3A_240 to %while3A_247 step %while3A_248 iter_args(%while3A_254 = %while3A_241) -> (i32)  : i32 {
        %add3A_255 = arith.constant 0 : i32
        %add3A_256 = arith.addi %add3A_255, %mul3A_234 : i32
        %add3A_257 = arith.addi %add3A_256, %while3A_253 : i32
        %broadcast_in_dim3A_258 = vector.broadcast %add3A_257 : i32 to vector<16xi32>
        %gather3A = tpu.vector_load_idx %arg10[%broadcast_in_dim3A_258] : memref<5120xi32, #tpu.memory_space<vmem>>[vector<16xi32>], vector<16xi32>,
        %mul3A_259 = arith.constant 16 : i32
        %mul3A_260 = vector.broadcast %mul3A_259 : i32 to vector<16xi32>
        %mul3A_261 = arith.muli %gather3A, %mul3A_260 : vector<16xi32>
        %add3A_262 = arith.addi %mul3A_261, %iota3A : vector<16xi32>
        %gather3A_263 = tpu.vector_load_idx %arg12[%add3A_262] : memref<5120xf32, #tpu.memory_space<vmem>>[vector<16xi32>], vector<16xf32>,
        %get3A = arith.index_cast %while3A_253 : i32 to index
        %get3A_264 = arith.constant 64 : index
        %get3A_265 = tpu.vector_load %arg11[%get3A, %get3A_264] {strides = array<i32>} : memref<96x128xf32, #tpu.memory_space<vmem>>, vector<16xf32>,
        %add3A_266 = arith.addf %get3A_265, %gather3A_263 : vector<16xf32>
        %gt3A = arith.constant 0.000000e+00 : f32
        %gt3A_267 = vector.broadcast %gt3A : f32 to vector<16xf32>
        %gt3A_268 = arith.cmpf ogt, %add3A_266, %gt3A_267 : vector<16xf32>
        %mul3A_269 = arith.constant 2.000000e-01 : f32
        %mul3A_270 = vector.broadcast %mul3A_269 : f32 to vector<16xf32>
        %mul3A_271 = arith.mulf %mul3A_270, %add3A_266 : vector<16xf32>
        %select_n3A_272 = arith.select %gt3A_268, %add3A_266, %mul3A_271 : vector<16xi1>, vector<16xf32>
        %exp3A = math.exp %select_n3A_272 : vector<16xf32>
        tpu.vector_store_idx %arg14[%add3A_262], %exp3A masked %lt3A_4 {add = true} : memref<5136xf32, #tpu.memory_space<vmem>>[vector<16xi32>], vector<16xf32>, vector<16xi1>
        %mul3A_273 = arith.constant 128 : i32
        %mul3A_274 = vector.broadcast %mul3A_273 : i32 to vector<16xi32>
        %mul3A_275 = arith.muli %gather3A, %mul3A_274 : vector<16xi32>
        %get3A_276 = arith.index_cast %while3A_253 : i32 to index
        %get3A_277 = arith.constant 0 : index
        %get3A_278 = tpu.vector_load %arg11[%get3A_276, %get3A_277] {strides = array<i32>} : memref<96x128xf32, #tpu.memory_space<vmem>>, vector<16xf32>,
        %bitcast3A = vector.bitcast %get3A_278 : vector<16xf32> to vector<32xbf16>
        %get3A_279 = arith.index_cast %while3A_253 : i32 to index
        %get3A_280 = arith.constant 16 : index
        %get3A_281 = tpu.vector_load %arg11[%get3A_279, %get3A_280] {strides = array<i32>} : memref<96x128xf32, #tpu.memory_space<vmem>>, vector<16xf32>,
        %bitcast3A_282 = vector.bitcast %get3A_281 : vector<16xf32> to vector<32xbf16>
        %get3A_283 = arith.index_cast %while3A_253 : i32 to index
        %get3A_284 = arith.constant 32 : index
        %get3A_285 = tpu.vector_load %arg11[%get3A_283, %get3A_284] {strides = array<i32>} : memref<96x128xf32, #tpu.memory_space<vmem>>, vector<16xf32>,
        %bitcast3A_286 = vector.bitcast %get3A_285 : vector<16xf32> to vector<32xbf16>
        %get3A_287 = arith.index_cast %while3A_253 : i32 to index
        %get3A_288 = arith.constant 48 : index
        %get3A_289 = tpu.vector_load %arg11[%get3A_287, %get3A_288] {strides = array<i32>} : memref<96x128xf32, #tpu.memory_space<vmem>>, vector<16xf32>,
        %bitcast3A_290 = vector.bitcast %get3A_289 : vector<16xf32> to vector<32xbf16>
        %unpack3A = tpu.unpack_subelements %bitcast3A, 0 {pack_format = #tpu.pack_format<interleaved>} : vector<32xbf16> -> vector<16xf32>
        %unpack3A_291 = tpu.unpack_subelements %bitcast3A, 1 {pack_format = #tpu.pack_format<interleaved>} : vector<32xbf16> -> vector<16xf32>
        %unpack3A_292 = tpu.unpack_subelements %bitcast3A_282, 0 {pack_format = #tpu.pack_format<interleaved>} : vector<32xbf16> -> vector<16xf32>
        %unpack3A_293 = tpu.unpack_subelements %bitcast3A_282, 1 {pack_format = #tpu.pack_format<interleaved>} : vector<32xbf16> -> vector<16xf32>
        %unpack3A_294 = tpu.unpack_subelements %bitcast3A_286, 0 {pack_format = #tpu.pack_format<interleaved>} : vector<32xbf16> -> vector<16xf32>
        %unpack3A_295 = tpu.unpack_subelements %bitcast3A_286, 1 {pack_format = #tpu.pack_format<interleaved>} : vector<32xbf16> -> vector<16xf32>
        %unpack3A_296 = tpu.unpack_subelements %bitcast3A_290, 0 {pack_format = #tpu.pack_format<interleaved>} : vector<32xbf16> -> vector<16xf32>
        %unpack3A_297 = tpu.unpack_subelements %bitcast3A_290, 1 {pack_format = #tpu.pack_format<interleaved>} : vector<32xbf16> -> vector<16xf32>
        %add3A_298 = arith.constant 0 : i32
        %add3A_299 = vector.broadcast %add3A_298 : i32 to vector<16xi32>
        %add3A_300 = arith.addi %shift_right_arithmetic3A_9, %add3A_299 : vector<16xi32>
        %broadcast_in_dim3A_301 = vector.shape_cast %add3A_300 : vector<16xi32> to vector<16x1xi32>
        %gather3A_302 = vector.shape_cast %broadcast_in_dim3A_301 : vector<16x1xi32> to vector<16xi32>
        %gather3A_303 = tpu.dynamic_gather %exp3A[%gather3A_302] in [0] : vector<16xf32>, vector<16xi32> -> vector<16xf32>
        %add3A_304 = arith.constant 2 : i32
        %add3A_305 = vector.broadcast %add3A_304 : i32 to vector<16xi32>
        %add3A_306 = arith.addi %shift_right_arithmetic3A_9, %add3A_305 : vector<16xi32>
        %broadcast_in_dim3A_307 = vector.shape_cast %add3A_306 : vector<16xi32> to vector<16x1xi32>
        %gather3A_308 = vector.shape_cast %broadcast_in_dim3A_307 : vector<16x1xi32> to vector<16xi32>
        %gather3A_309 = tpu.dynamic_gather %exp3A[%gather3A_308] in [0] : vector<16xf32>, vector<16xi32> -> vector<16xf32>
        %add3A_310 = arith.constant 4 : i32
        %add3A_311 = vector.broadcast %add3A_310 : i32 to vector<16xi32>
        %add3A_312 = arith.addi %shift_right_arithmetic3A_9, %add3A_311 : vector<16xi32>
        %broadcast_in_dim3A_313 = vector.shape_cast %add3A_312 : vector<16xi32> to vector<16x1xi32>
        %gather3A_314 = vector.shape_cast %broadcast_in_dim3A_313 : vector<16x1xi32> to vector<16xi32>
        %gather3A_315 = tpu.dynamic_gather %exp3A[%gather3A_314] in [0] : vector<16xf32>, vector<16xi32> -> vector<16xf32>
        %add3A_316 = arith.constant 6 : i32
        %add3A_317 = vector.broadcast %add3A_316 : i32 to vector<16xi32>
        %add3A_318 = arith.addi %shift_right_arithmetic3A_9, %add3A_317 : vector<16xi32>
        %broadcast_in_dim3A_319 = vector.shape_cast %add3A_318 : vector<16xi32> to vector<16x1xi32>
        %gather3A_320 = vector.shape_cast %broadcast_in_dim3A_319 : vector<16x1xi32> to vector<16xi32>
        %gather3A_321 = tpu.dynamic_gather %exp3A[%gather3A_320] in [0] : vector<16xf32>, vector<16xi32> -> vector<16xf32>
        %add3A_322 = arith.constant 0 : i32
        %add3A_323 = vector.broadcast %add3A_322 : i32 to vector<16xi32>
        %add3A_324 = arith.addi %add3A_323, %add3A_21 : vector<16xi32>
        %add3A_325 = arith.addi %mul3A_275, %add3A_324 : vector<16xi32>
        %mul3A_326 = arith.mulf %unpack3A, %gather3A_303 : vector<16xf32>
        tpu.vector_store_idx %arg13[%add3A_325], %mul3A_326 {add = true} : memref<41088xf32, #tpu.memory_space<vmem>>[vector<16xi32>], vector<16xf32>,
        %add3A_327 = arith.constant 1 : i32
        %add3A_328 = vector.broadcast %add3A_327 : i32 to vector<16xi32>
        %add3A_329 = arith.addi %add3A_325, %add3A_328 : vector<16xi32>
        %mul3A_330 = arith.mulf %unpack3A_291, %gather3A_303 : vector<16xf32>
        tpu.vector_store_idx %arg13[%add3A_329], %mul3A_330 {add = true} : memref<41088xf32, #tpu.memory_space<vmem>>[vector<16xi32>], vector<16xf32>,
        %add3A_331 = arith.constant 32 : i32
        %add3A_332 = vector.broadcast %add3A_331 : i32 to vector<16xi32>
        %add3A_333 = arith.addi %add3A_332, %add3A_21 : vector<16xi32>
        %add3A_334 = arith.addi %mul3A_275, %add3A_333 : vector<16xi32>
        %mul3A_335 = arith.mulf %unpack3A_292, %gather3A_309 : vector<16xf32>
        tpu.vector_store_idx %arg13[%add3A_334], %mul3A_335 {add = true} : memref<41088xf32, #tpu.memory_space<vmem>>[vector<16xi32>], vector<16xf32>,
        %add3A_336 = arith.constant 1 : i32
        %add3A_337 = vector.broadcast %add3A_336 : i32 to vector<16xi32>
        %add3A_338 = arith.addi %add3A_334, %add3A_337 : vector<16xi32>
        %mul3A_339 = arith.mulf %unpack3A_293, %gather3A_309 : vector<16xf32>
        tpu.vector_store_idx %arg13[%add3A_338], %mul3A_339 {add = true} : memref<41088xf32, #tpu.memory_space<vmem>>[vector<16xi32>], vector<16xf32>,
        %add3A_340 = arith.constant 64 : i32
        %add3A_341 = vector.broadcast %add3A_340 : i32 to vector<16xi32>
        %add3A_342 = arith.addi %add3A_341, %add3A_21 : vector<16xi32>
        %add3A_343 = arith.addi %mul3A_275, %add3A_342 : vector<16xi32>
        %mul3A_344 = arith.mulf %unpack3A_294, %gather3A_315 : vector<16xf32>
        tpu.vector_store_idx %arg13[%add3A_343], %mul3A_344 {add = true} : memref<41088xf32, #tpu.memory_space<vmem>>[vector<16xi32>], vector<16xf32>,
        %add3A_345 = arith.constant 1 : i32
        %add3A_346 = vector.broadcast %add3A_345 : i32 to vector<16xi32>
        %add3A_347 = arith.addi %add3A_343, %add3A_346 : vector<16xi32>
        %mul3A_348 = arith.mulf %unpack3A_295, %gather3A_315 : vector<16xf32>
        tpu.vector_store_idx %arg13[%add3A_347], %mul3A_348 {add = true} : memref<41088xf32, #tpu.memory_space<vmem>>[vector<16xi32>], vector<16xf32>,
        %add3A_349 = arith.constant 96 : i32
        %add3A_350 = vector.broadcast %add3A_349 : i32 to vector<16xi32>
        %add3A_351 = arith.addi %add3A_350, %add3A_21 : vector<16xi32>
        %add3A_352 = arith.addi %mul3A_275, %add3A_351 : vector<16xi32>
        %mul3A_353 = arith.mulf %unpack3A_296, %gather3A_321 : vector<16xf32>
        tpu.vector_store_idx %arg13[%add3A_352], %mul3A_353 {add = true} : memref<41088xf32, #tpu.memory_space<vmem>>[vector<16xi32>], vector<16xf32>,
        %add3A_354 = arith.constant 1 : i32
        %add3A_355 = vector.broadcast %add3A_354 : i32 to vector<16xi32>
        %add3A_356 = arith.addi %add3A_352, %add3A_355 : vector<16xi32>
        %mul3A_357 = arith.mulf %unpack3A_297, %gather3A_321 : vector<16xf32>
        tpu.vector_store_idx %arg13[%add3A_356], %mul3A_357 {add = true} : memref<41088xf32, #tpu.memory_space<vmem>>[vector<16xi32>], vector<16xf32>,
        %while3A_358 = arith.constant 0 : i32
        scf.yield %while3A_358 : i32
      }
      %while3A_250 = arith.constant 1 : i32
      %while3A_251 = scf.for %while3A_253 = %while3A_247 to %while3A_243 step %while3A_250 iter_args(%while3A_254 = %while3A_249) -> (i32)  : i32 {
        %add3A_255 = arith.constant 0 : i32
        %add3A_256 = arith.addi %add3A_255, %mul3A_234 : i32
        %add3A_257 = arith.addi %add3A_256, %while3A_253 : i32
        %broadcast_in_dim3A_258 = vector.broadcast %add3A_257 : i32 to vector<16xi32>
        %gather3A = tpu.vector_load_idx %arg10[%broadcast_in_dim3A_258] : memref<5120xi32, #tpu.memory_space<vmem>>[vector<16xi32>], vector<16xi32>,
        %mul3A_259 = arith.constant 16 : i32
        %mul3A_260 = vector.broadcast %mul3A_259 : i32 to vector<16xi32>
        %mul3A_261 = arith.muli %gather3A, %mul3A_260 : vector<16xi32>
        %add3A_262 = arith.addi %mul3A_261, %iota3A : vector<16xi32>
        %gather3A_263 = tpu.vector_load_idx %arg12[%add3A_262] : memref<5120xf32, #tpu.memory_space<vmem>>[vector<16xi32>], vector<16xf32>,
        %get3A = arith.index_cast %while3A_253 : i32 to index
        %get3A_264 = arith.constant 64 : index
        %get3A_265 = tpu.vector_load %arg11[%get3A, %get3A_264] {strides = array<i32>} : memref<96x128xf32, #tpu.memory_space<vmem>>, vector<16xf32>,
        %add3A_266 = arith.addf %get3A_265, %gather3A_263 : vector<16xf32>
        %gt3A = arith.constant 0.000000e+00 : f32
        %gt3A_267 = vector.broadcast %gt3A : f32 to vector<16xf32>
        %gt3A_268 = arith.cmpf ogt, %add3A_266, %gt3A_267 : vector<16xf32>
        %mul3A_269 = arith.constant 2.000000e-01 : f32
        %mul3A_270 = vector.broadcast %mul3A_269 : f32 to vector<16xf32>
        %mul3A_271 = arith.mulf %mul3A_270, %add3A_266 : vector<16xf32>
        %select_n3A_272 = arith.select %gt3A_268, %add3A_266, %mul3A_271 : vector<16xi1>, vector<16xf32>
        %exp3A = math.exp %select_n3A_272 : vector<16xf32>
        tpu.vector_store_idx %arg14[%add3A_262], %exp3A masked %lt3A_4 {add = true} : memref<5136xf32, #tpu.memory_space<vmem>>[vector<16xi32>], vector<16xf32>, vector<16xi1>
        %mul3A_273 = arith.constant 128 : i32
        %mul3A_274 = vector.broadcast %mul3A_273 : i32 to vector<16xi32>
        %mul3A_275 = arith.muli %gather3A, %mul3A_274 : vector<16xi32>
        %get3A_276 = arith.index_cast %while3A_253 : i32 to index
        %get3A_277 = arith.constant 0 : index
        %get3A_278 = tpu.vector_load %arg11[%get3A_276, %get3A_277] {strides = array<i32>} : memref<96x128xf32, #tpu.memory_space<vmem>>, vector<16xf32>,
        %bitcast3A = vector.bitcast %get3A_278 : vector<16xf32> to vector<32xbf16>
        %get3A_279 = arith.index_cast %while3A_253 : i32 to index
        %get3A_280 = arith.constant 16 : index
        %get3A_281 = tpu.vector_load %arg11[%get3A_279, %get3A_280] {strides = array<i32>} : memref<96x128xf32, #tpu.memory_space<vmem>>, vector<16xf32>,
        %bitcast3A_282 = vector.bitcast %get3A_281 : vector<16xf32> to vector<32xbf16>
        %get3A_283 = arith.index_cast %while3A_253 : i32 to index
        %get3A_284 = arith.constant 32 : index
        %get3A_285 = tpu.vector_load %arg11[%get3A_283, %get3A_284] {strides = array<i32>} : memref<96x128xf32, #tpu.memory_space<vmem>>, vector<16xf32>,
        %bitcast3A_286 = vector.bitcast %get3A_285 : vector<16xf32> to vector<32xbf16>
        %get3A_287 = arith.index_cast %while3A_253 : i32 to index
        %get3A_288 = arith.constant 48 : index
        %get3A_289 = tpu.vector_load %arg11[%get3A_287, %get3A_288] {strides = array<i32>} : memref<96x128xf32, #tpu.memory_space<vmem>>, vector<16xf32>,
        %bitcast3A_290 = vector.bitcast %get3A_289 : vector<16xf32> to vector<32xbf16>
        %unpack3A = tpu.unpack_subelements %bitcast3A, 0 {pack_format = #tpu.pack_format<interleaved>} : vector<32xbf16> -> vector<16xf32>
        %unpack3A_291 = tpu.unpack_subelements %bitcast3A, 1 {pack_format = #tpu.pack_format<interleaved>} : vector<32xbf16> -> vector<16xf32>
        %unpack3A_292 = tpu.unpack_subelements %bitcast3A_282, 0 {pack_format = #tpu.pack_format<interleaved>} : vector<32xbf16> -> vector<16xf32>
        %unpack3A_293 = tpu.unpack_subelements %bitcast3A_282, 1 {pack_format = #tpu.pack_format<interleaved>} : vector<32xbf16> -> vector<16xf32>
        %unpack3A_294 = tpu.unpack_subelements %bitcast3A_286, 0 {pack_format = #tpu.pack_format<interleaved>} : vector<32xbf16> -> vector<16xf32>
        %unpack3A_295 = tpu.unpack_subelements %bitcast3A_286, 1 {pack_format = #tpu.pack_format<interleaved>} : vector<32xbf16> -> vector<16xf32>
        %unpack3A_296 = tpu.unpack_subelements %bitcast3A_290, 0 {pack_format = #tpu.pack_format<interleaved>} : vector<32xbf16> -> vector<16xf32>
        %unpack3A_297 = tpu.unpack_subelements %bitcast3A_290, 1 {pack_format = #tpu.pack_format<interleaved>} : vector<32xbf16> -> vector<16xf32>
        %add3A_298 = arith.constant 0 : i32
        %add3A_299 = vector.broadcast %add3A_298 : i32 to vector<16xi32>
        %add3A_300 = arith.addi %shift_right_arithmetic3A_9, %add3A_299 : vector<16xi32>
        %broadcast_in_dim3A_301 = vector.shape_cast %add3A_300 : vector<16xi32> to vector<16x1xi32>
        %gather3A_302 = vector.shape_cast %broadcast_in_dim3A_301 : vector<16x1xi32> to vector<16xi32>
        %gather3A_303 = tpu.dynamic_gather %exp3A[%gather3A_302] in [0] : vector<16xf32>, vector<16xi32> -> vector<16xf32>
        %add3A_304 = arith.constant 2 : i32
        %add3A_305 = vector.broadcast %add3A_304 : i32 to vector<16xi32>
        %add3A_306 = arith.addi %shift_right_arithmetic3A_9, %add3A_305 : vector<16xi32>
        %broadcast_in_dim3A_307 = vector.shape_cast %add3A_306 : vector<16xi32> to vector<16x1xi32>
        %gather3A_308 = vector.shape_cast %broadcast_in_dim3A_307 : vector<16x1xi32> to vector<16xi32>
        %gather3A_309 = tpu.dynamic_gather %exp3A[%gather3A_308] in [0] : vector<16xf32>, vector<16xi32> -> vector<16xf32>
        %add3A_310 = arith.constant 4 : i32
        %add3A_311 = vector.broadcast %add3A_310 : i32 to vector<16xi32>
        %add3A_312 = arith.addi %shift_right_arithmetic3A_9, %add3A_311 : vector<16xi32>
        %broadcast_in_dim3A_313 = vector.shape_cast %add3A_312 : vector<16xi32> to vector<16x1xi32>
        %gather3A_314 = vector.shape_cast %broadcast_in_dim3A_313 : vector<16x1xi32> to vector<16xi32>
        %gather3A_315 = tpu.dynamic_gather %exp3A[%gather3A_314] in [0] : vector<16xf32>, vector<16xi32> -> vector<16xf32>
        %add3A_316 = arith.constant 6 : i32
        %add3A_317 = vector.broadcast %add3A_316 : i32 to vector<16xi32>
        %add3A_318 = arith.addi %shift_right_arithmetic3A_9, %add3A_317 : vector<16xi32>
        %broadcast_in_dim3A_319 = vector.shape_cast %add3A_318 : vector<16xi32> to vector<16x1xi32>
        %gather3A_320 = vector.shape_cast %broadcast_in_dim3A_319 : vector<16x1xi32> to vector<16xi32>
        %gather3A_321 = tpu.dynamic_gather %exp3A[%gather3A_320] in [0] : vector<16xf32>, vector<16xi32> -> vector<16xf32>
        %add3A_322 = arith.constant 0 : i32
        %add3A_323 = vector.broadcast %add3A_322 : i32 to vector<16xi32>
        %add3A_324 = arith.addi %add3A_323, %add3A_21 : vector<16xi32>
        %add3A_325 = arith.addi %mul3A_275, %add3A_324 : vector<16xi32>
        %mul3A_326 = arith.mulf %unpack3A, %gather3A_303 : vector<16xf32>
        tpu.vector_store_idx %arg13[%add3A_325], %mul3A_326 {add = true} : memref<41088xf32, #tpu.memory_space<vmem>>[vector<16xi32>], vector<16xf32>,
        %add3A_327 = arith.constant 1 : i32
        %add3A_328 = vector.broadcast %add3A_327 : i32 to vector<16xi32>
        %add3A_329 = arith.addi %add3A_325, %add3A_328 : vector<16xi32>
        %mul3A_330 = arith.mulf %unpack3A_291, %gather3A_303 : vector<16xf32>
        tpu.vector_store_idx %arg13[%add3A_329], %mul3A_330 {add = true} : memref<41088xf32, #tpu.memory_space<vmem>>[vector<16xi32>], vector<16xf32>,
        %add3A_331 = arith.constant 32 : i32
        %add3A_332 = vector.broadcast %add3A_331 : i32 to vector<16xi32>
        %add3A_333 = arith.addi %add3A_332, %add3A_21 : vector<16xi32>
        %add3A_334 = arith.addi %mul3A_275, %add3A_333 : vector<16xi32>
        %mul3A_335 = arith.mulf %unpack3A_292, %gather3A_309 : vector<16xf32>
        tpu.vector_store_idx %arg13[%add3A_334], %mul3A_335 {add = true} : memref<41088xf32, #tpu.memory_space<vmem>>[vector<16xi32>], vector<16xf32>,
        %add3A_336 = arith.constant 1 : i32
        %add3A_337 = vector.broadcast %add3A_336 : i32 to vector<16xi32>
        %add3A_338 = arith.addi %add3A_334, %add3A_337 : vector<16xi32>
        %mul3A_339 = arith.mulf %unpack3A_293, %gather3A_309 : vector<16xf32>
        tpu.vector_store_idx %arg13[%add3A_338], %mul3A_339 {add = true} : memref<41088xf32, #tpu.memory_space<vmem>>[vector<16xi32>], vector<16xf32>,
        %add3A_340 = arith.constant 64 : i32
        %add3A_341 = vector.broadcast %add3A_340 : i32 to vector<16xi32>
        %add3A_342 = arith.addi %add3A_341, %add3A_21 : vector<16xi32>
        %add3A_343 = arith.addi %mul3A_275, %add3A_342 : vector<16xi32>
        %mul3A_344 = arith.mulf %unpack3A_294, %gather3A_315 : vector<16xf32>
        tpu.vector_store_idx %arg13[%add3A_343], %mul3A_344 {add = true} : memref<41088xf32, #tpu.memory_space<vmem>>[vector<16xi32>], vector<16xf32>,
        %add3A_345 = arith.constant 1 : i32
        %add3A_346 = vector.broadcast %add3A_345 : i32 to vector<16xi32>
        %add3A_347 = arith.addi %add3A_343, %add3A_346 : vector<16xi32>
        %mul3A_348 = arith.mulf %unpack3A_295, %gather3A_315 : vector<16xf32>
        tpu.vector_store_idx %arg13[%add3A_347], %mul3A_348 {add = true} : memref<41088xf32, #tpu.memory_space<vmem>>[vector<16xi32>], vector<16xf32>,
        %add3A_349 = arith.constant 96 : i32
        %add3A_350 = vector.broadcast %add3A_349 : i32 to vector<16xi32>
        %add3A_351 = arith.addi %add3A_350, %add3A_21 : vector<16xi32>
        %add3A_352 = arith.addi %mul3A_275, %add3A_351 : vector<16xi32>
        %mul3A_353 = arith.mulf %unpack3A_296, %gather3A_321 : vector<16xf32>
        tpu.vector_store_idx %arg13[%add3A_352], %mul3A_353 {add = true} : memref<41088xf32, #tpu.memory_space<vmem>>[vector<16xi32>], vector<16xf32>,
        %add3A_354 = arith.constant 1 : i32
        %add3A_355 = vector.broadcast %add3A_354 : i32 to vector<16xi32>
        %add3A_356 = arith.addi %add3A_352, %add3A_355 : vector<16xi32>
        %mul3A_357 = arith.mulf %unpack3A_297, %gather3A_321 : vector<16xf32>
        tpu.vector_store_idx %arg13[%add3A_356], %mul3A_357 {add = true} : memref<41088xf32, #tpu.memory_space<vmem>>[vector<16xi32>], vector<16xf32>,
        %while3A_358 = arith.constant 0 : i32
        scf.yield %while3A_358 : i32
      }
      %while3A_252 = arith.constant 0 : i32
      scf.yield %while3A_252 : i32
    }
    %while3A_206 = arith.constant 1 : i32
    %while3A_207 = scf.for %while3A_217 = %while3A_203 to %while3A_199 step %while3A_206 iter_args(%while3A_218 = %while3A_205) -> (i32)  : i32 {
      %mul3A_219 = arith.constant 96 : i32
      %mul3A_220 = arith.muli %while3A_217, %mul3A_219 : i32
      %add3A_221 = arith.constant 0 : i32
      %add3A_222 = arith.addi %add3A_221, %mul3A_220 : i32
      %dma_start3A_223 = tpu.memref_slice %arg9[%add3A_222] : memref<5120xi32, #tpu.memory_space<vmem>> -> memref<96xi32, #tpu.memory_space<vmem>>
      %dma_start3A_224 = arith.constant 0 : i32
      %dma_start3A_225 = arith.constant 0 : i32
      %dma_start3A_226 = tpu.memref_slice %arg4[%dma_start3A_224, %dma_start3A_225] : memref<10000x128xf32, #tpu.memory_space<hbm>> -> memref<10000x128xf32, #tpu.memory_space<hbm>>
      tpu.enqueue_indirect_dma source(%dma_start3A_226 : memref<10000x128xf32, #tpu.memory_space<hbm>>) target(%arg11 : memref<96x128xf32, #tpu.memory_space<vmem>>) offsets(%dma_start3A_223 : memref<96xi32, #tpu.memory_space<vmem>>) semaphore(%arg16 : memref<!tpu.dma_semaphore, #tpu.memory_space<semaphore_mem>>)
      %dma_wait3A_227 = arith.constant 0 : i32
      %dma_wait3A_228 = arith.constant 0 : i32
      %dma_wait3A_229 = tpu.memref_slice %arg4[%dma_wait3A_227, %dma_wait3A_228] : memref<10000x128xf32, #tpu.memory_space<hbm>> -> memref<96x128xf32, #tpu.memory_space<hbm>>
      %dma_wait3A_230 = arith.constant 0 : i32
      %dma_wait3A_231 = arith.constant 0 : i32
      %dma_wait3A_232 = tpu.memref_slice %arg4[%dma_wait3A_230, %dma_wait3A_231] : memref<10000x128xf32, #tpu.memory_space<hbm>> -> memref<96x128xf32, #tpu.memory_space<hbm>>
      tpu.wait_dma2 semaphore(%arg16 : memref<!tpu.dma_semaphore, #tpu.memory_space<semaphore_mem>>) src(%dma_wait3A_232 : memref<96x128xf32, #tpu.memory_space<hbm>>) dst(%arg11 : memref<96x128xf32, #tpu.memory_space<vmem>>)
      %mul3A_233 = arith.constant 96 : i32
      %mul3A_234 = arith.muli %while3A_217, %mul3A_233 : i32
      %mul3A_235 = arith.constant 96 : i32
      %mul3A_236 = arith.muli %while3A_217, %mul3A_235 : i32
      %sub3A_237 = arith.subi %reduce_max3A_91, %mul3A_236 : i32
      %min3A_238 = arith.constant 96 : i32
      %min3A_239 = arith.minsi %sub3A_237, %min3A_238 : i32
      %while3A_240 = arith.constant 0 : i32
      %while3A_241 = arith.constant 0 : i32
      %while3A_242 = arith.subi %min3A_239, %while3A_240 : i32
      %while3A_243 = arith.addi %while3A_240, %while3A_242 : i32
      %while3A_244 = arith.constant 1 : i32
      %while3A_245 = arith.divsi %while3A_242, %while3A_244 : i32
      %while3A_246 = arith.muli %while3A_245, %while3A_244 : i32
      %while3A_247 = arith.addi %while3A_240, %while3A_246 : i32
      %while3A_248 = arith.constant 1 : i32
      %while3A_249 = scf.for %while3A_253 = %while3A_240 to %while3A_247 step %while3A_248 iter_args(%while3A_254 = %while3A_241) -> (i32)  : i32 {
        %add3A_255 = arith.constant 0 : i32
        %add3A_256 = arith.addi %add3A_255, %mul3A_234 : i32
        %add3A_257 = arith.addi %add3A_256, %while3A_253 : i32
        %broadcast_in_dim3A_258 = vector.broadcast %add3A_257 : i32 to vector<16xi32>
        %gather3A = tpu.vector_load_idx %arg10[%broadcast_in_dim3A_258] : memref<5120xi32, #tpu.memory_space<vmem>>[vector<16xi32>], vector<16xi32>,
        %mul3A_259 = arith.constant 16 : i32
        %mul3A_260 = vector.broadcast %mul3A_259 : i32 to vector<16xi32>
        %mul3A_261 = arith.muli %gather3A, %mul3A_260 : vector<16xi32>
        %add3A_262 = arith.addi %mul3A_261, %iota3A : vector<16xi32>
        %gather3A_263 = tpu.vector_load_idx %arg12[%add3A_262] : memref<5120xf32, #tpu.memory_space<vmem>>[vector<16xi32>], vector<16xf32>,
        %get3A = arith.index_cast %while3A_253 : i32 to index
        %get3A_264 = arith.constant 64 : index
        %get3A_265 = tpu.vector_load %arg11[%get3A, %get3A_264] {strides = array<i32>} : memref<96x128xf32, #tpu.memory_space<vmem>>, vector<16xf32>,
        %add3A_266 = arith.addf %get3A_265, %gather3A_263 : vector<16xf32>
        %gt3A = arith.constant 0.000000e+00 : f32
        %gt3A_267 = vector.broadcast %gt3A : f32 to vector<16xf32>
        %gt3A_268 = arith.cmpf ogt, %add3A_266, %gt3A_267 : vector<16xf32>
        %mul3A_269 = arith.constant 2.000000e-01 : f32
        %mul3A_270 = vector.broadcast %mul3A_269 : f32 to vector<16xf32>
        %mul3A_271 = arith.mulf %mul3A_270, %add3A_266 : vector<16xf32>
        %select_n3A_272 = arith.select %gt3A_268, %add3A_266, %mul3A_271 : vector<16xi1>, vector<16xf32>
        %exp3A = math.exp %select_n3A_272 : vector<16xf32>
        tpu.vector_store_idx %arg14[%add3A_262], %exp3A masked %lt3A_4 {add = true} : memref<5136xf32, #tpu.memory_space<vmem>>[vector<16xi32>], vector<16xf32>, vector<16xi1>
        %mul3A_273 = arith.constant 128 : i32
        %mul3A_274 = vector.broadcast %mul3A_273 : i32 to vector<16xi32>
        %mul3A_275 = arith.muli %gather3A, %mul3A_274 : vector<16xi32>
        %get3A_276 = arith.index_cast %while3A_253 : i32 to index
        %get3A_277 = arith.constant 0 : index
        %get3A_278 = tpu.vector_load %arg11[%get3A_276, %get3A_277] {strides = array<i32>} : memref<96x128xf32, #tpu.memory_space<vmem>>, vector<16xf32>,
        %bitcast3A = vector.bitcast %get3A_278 : vector<16xf32> to vector<32xbf16>
        %get3A_279 = arith.index_cast %while3A_253 : i32 to index
        %get3A_280 = arith.constant 16 : index
        %get3A_281 = tpu.vector_load %arg11[%get3A_279, %get3A_280] {strides = array<i32>} : memref<96x128xf32, #tpu.memory_space<vmem>>, vector<16xf32>,
        %bitcast3A_282 = vector.bitcast %get3A_281 : vector<16xf32> to vector<32xbf16>
        %get3A_283 = arith.index_cast %while3A_253 : i32 to index
        %get3A_284 = arith.constant 32 : index
        %get3A_285 = tpu.vector_load %arg11[%get3A_283, %get3A_284] {strides = array<i32>} : memref<96x128xf32, #tpu.memory_space<vmem>>, vector<16xf32>,
        %bitcast3A_286 = vector.bitcast %get3A_285 : vector<16xf32> to vector<32xbf16>
        %get3A_287 = arith.index_cast %while3A_253 : i32 to index
        %get3A_288 = arith.constant 48 : index
        %get3A_289 = tpu.vector_load %arg11[%get3A_287, %get3A_288] {strides = array<i32>} : memref<96x128xf32, #tpu.memory_space<vmem>>, vector<16xf32>,
        %bitcast3A_290 = vector.bitcast %get3A_289 : vector<16xf32> to vector<32xbf16>
        %unpack3A = tpu.unpack_subelements %bitcast3A, 0 {pack_format = #tpu.pack_format<interleaved>} : vector<32xbf16> -> vector<16xf32>
        %unpack3A_291 = tpu.unpack_subelements %bitcast3A, 1 {pack_format = #tpu.pack_format<interleaved>} : vector<32xbf16> -> vector<16xf32>
        %unpack3A_292 = tpu.unpack_subelements %bitcast3A_282, 0 {pack_format = #tpu.pack_format<interleaved>} : vector<32xbf16> -> vector<16xf32>
        %unpack3A_293 = tpu.unpack_subelements %bitcast3A_282, 1 {pack_format = #tpu.pack_format<interleaved>} : vector<32xbf16> -> vector<16xf32>
        %unpack3A_294 = tpu.unpack_subelements %bitcast3A_286, 0 {pack_format = #tpu.pack_format<interleaved>} : vector<32xbf16> -> vector<16xf32>
        %unpack3A_295 = tpu.unpack_subelements %bitcast3A_286, 1 {pack_format = #tpu.pack_format<interleaved>} : vector<32xbf16> -> vector<16xf32>
        %unpack3A_296 = tpu.unpack_subelements %bitcast3A_290, 0 {pack_format = #tpu.pack_format<interleaved>} : vector<32xbf16> -> vector<16xf32>
        %unpack3A_297 = tpu.unpack_subelements %bitcast3A_290, 1 {pack_format = #tpu.pack_format<interleaved>} : vector<32xbf16> -> vector<16xf32>
        %add3A_298 = arith.constant 0 : i32
        %add3A_299 = vector.broadcast %add3A_298 : i32 to vector<16xi32>
        %add3A_300 = arith.addi %shift_right_arithmetic3A_9, %add3A_299 : vector<16xi32>
        %broadcast_in_dim3A_301 = vector.shape_cast %add3A_300 : vector<16xi32> to vector<16x1xi32>
        %gather3A_302 = vector.shape_cast %broadcast_in_dim3A_301 : vector<16x1xi32> to vector<16xi32>
        %gather3A_303 = tpu.dynamic_gather %exp3A[%gather3A_302] in [0] : vector<16xf32>, vector<16xi32> -> vector<16xf32>
        %add3A_304 = arith.constant 2 : i32
        %add3A_305 = vector.broadcast %add3A_304 : i32 to vector<16xi32>
        %add3A_306 = arith.addi %shift_right_arithmetic3A_9, %add3A_305 : vector<16xi32>
        %broadcast_in_dim3A_307 = vector.shape_cast %add3A_306 : vector<16xi32> to vector<16x1xi32>
        %gather3A_308 = vector.shape_cast %broadcast_in_dim3A_307 : vector<16x1xi32> to vector<16xi32>
        %gather3A_309 = tpu.dynamic_gather %exp3A[%gather3A_308] in [0] : vector<16xf32>, vector<16xi32> -> vector<16xf32>
        %add3A_310 = arith.constant 4 : i32
        %add3A_311 = vector.broadcast %add3A_310 : i32 to vector<16xi32>
        %add3A_312 = arith.addi %shift_right_arithmetic3A_9, %add3A_311 : vector<16xi32>
        %broadcast_in_dim3A_313 = vector.shape_cast %add3A_312 : vector<16xi32> to vector<16x1xi32>
        %gather3A_314 = vector.shape_cast %broadcast_in_dim3A_313 : vector<16x1xi32> to vector<16xi32>
        %gather3A_315 = tpu.dynamic_gather %exp3A[%gather3A_314] in [0] : vector<16xf32>, vector<16xi32> -> vector<16xf32>
        %add3A_316 = arith.constant 6 : i32
        %add3A_317 = vector.broadcast %add3A_316 : i32 to vector<16xi32>
        %add3A_318 = arith.addi %shift_right_arithmetic3A_9, %add3A_317 : vector<16xi32>
        %broadcast_in_dim3A_319 = vector.shape_cast %add3A_318 : vector<16xi32> to vector<16x1xi32>
        %gather3A_320 = vector.shape_cast %broadcast_in_dim3A_319 : vector<16x1xi32> to vector<16xi32>
        %gather3A_321 = tpu.dynamic_gather %exp3A[%gather3A_320] in [0] : vector<16xf32>, vector<16xi32> -> vector<16xf32>
        %add3A_322 = arith.constant 0 : i32
        %add3A_323 = vector.broadcast %add3A_322 : i32 to vector<16xi32>
        %add3A_324 = arith.addi %add3A_323, %add3A_21 : vector<16xi32>
        %add3A_325 = arith.addi %mul3A_275, %add3A_324 : vector<16xi32>
        %mul3A_326 = arith.mulf %unpack3A, %gather3A_303 : vector<16xf32>
        tpu.vector_store_idx %arg13[%add3A_325], %mul3A_326 {add = true} : memref<41088xf32, #tpu.memory_space<vmem>>[vector<16xi32>], vector<16xf32>,
        %add3A_327 = arith.constant 1 : i32
        %add3A_328 = vector.broadcast %add3A_327 : i32 to vector<16xi32>
        %add3A_329 = arith.addi %add3A_325, %add3A_328 : vector<16xi32>
        %mul3A_330 = arith.mulf %unpack3A_291, %gather3A_303 : vector<16xf32>
        tpu.vector_store_idx %arg13[%add3A_329], %mul3A_330 {add = true} : memref<41088xf32, #tpu.memory_space<vmem>>[vector<16xi32>], vector<16xf32>,
        %add3A_331 = arith.constant 32 : i32
        %add3A_332 = vector.broadcast %add3A_331 : i32 to vector<16xi32>
        %add3A_333 = arith.addi %add3A_332, %add3A_21 : vector<16xi32>
        %add3A_334 = arith.addi %mul3A_275, %add3A_333 : vector<16xi32>
        %mul3A_335 = arith.mulf %unpack3A_292, %gather3A_309 : vector<16xf32>
        tpu.vector_store_idx %arg13[%add3A_334], %mul3A_335 {add = true} : memref<41088xf32, #tpu.memory_space<vmem>>[vector<16xi32>], vector<16xf32>,
        %add3A_336 = arith.constant 1 : i32
        %add3A_337 = vector.broadcast %add3A_336 : i32 to vector<16xi32>
        %add3A_338 = arith.addi %add3A_334, %add3A_337 : vector<16xi32>
        %mul3A_339 = arith.mulf %unpack3A_293, %gather3A_309 : vector<16xf32>
        tpu.vector_store_idx %arg13[%add3A_338], %mul3A_339 {add = true} : memref<41088xf32, #tpu.memory_space<vmem>>[vector<16xi32>], vector<16xf32>,
        %add3A_340 = arith.constant 64 : i32
        %add3A_341 = vector.broadcast %add3A_340 : i32 to vector<16xi32>
        %add3A_342 = arith.addi %add3A_341, %add3A_21 : vector<16xi32>
        %add3A_343 = arith.addi %mul3A_275, %add3A_342 : vector<16xi32>
        %mul3A_344 = arith.mulf %unpack3A_294, %gather3A_315 : vector<16xf32>
        tpu.vector_store_idx %arg13[%add3A_343], %mul3A_344 {add = true} : memref<41088xf32, #tpu.memory_space<vmem>>[vector<16xi32>], vector<16xf32>,
        %add3A_345 = arith.constant 1 : i32
        %add3A_346 = vector.broadcast %add3A_345 : i32 to vector<16xi32>
        %add3A_347 = arith.addi %add3A_343, %add3A_346 : vector<16xi32>
        %mul3A_348 = arith.mulf %unpack3A_295, %gather3A_315 : vector<16xf32>
        tpu.vector_store_idx %arg13[%add3A_347], %mul3A_348 {add = true} : memref<41088xf32, #tpu.memory_space<vmem>>[vector<16xi32>], vector<16xf32>,
        %add3A_349 = arith.constant 96 : i32
        %add3A_350 = vector.broadcast %add3A_349 : i32 to vector<16xi32>
        %add3A_351 = arith.addi %add3A_350, %add3A_21 : vector<16xi32>
        %add3A_352 = arith.addi %mul3A_275, %add3A_351 : vector<16xi32>
        %mul3A_353 = arith.mulf %unpack3A_296, %gather3A_321 : vector<16xf32>
        tpu.vector_store_idx %arg13[%add3A_352], %mul3A_353 {add = true} : memref<41088xf32, #tpu.memory_space<vmem>>[vector<16xi32>], vector<16xf32>,
        %add3A_354 = arith.constant 1 : i32
        %add3A_355 = vector.broadcast %add3A_354 : i32 to vector<16xi32>
        %add3A_356 = arith.addi %add3A_352, %add3A_355 : vector<16xi32>
        %mul3A_357 = arith.mulf %unpack3A_297, %gather3A_321 : vector<16xf32>
        tpu.vector_store_idx %arg13[%add3A_356], %mul3A_357 {add = true} : memref<41088xf32, #tpu.memory_space<vmem>>[vector<16xi32>], vector<16xf32>,
        %while3A_358 = arith.constant 0 : i32
        scf.yield %while3A_358 : i32
      }
      %while3A_250 = arith.constant 1 : i32
      %while3A_251 = scf.for %while3A_253 = %while3A_247 to %while3A_243 step %while3A_250 iter_args(%while3A_254 = %while3A_249) -> (i32)  : i32 {
        %add3A_255 = arith.constant 0 : i32
        %add3A_256 = arith.addi %add3A_255, %mul3A_234 : i32
        %add3A_257 = arith.addi %add3A_256, %while3A_253 : i32
        %broadcast_in_dim3A_258 = vector.broadcast %add3A_257 : i32 to vector<16xi32>
        %gather3A = tpu.vector_load_idx %arg10[%broadcast_in_dim3A_258] : memref<5120xi32, #tpu.memory_space<vmem>>[vector<16xi32>], vector<16xi32>,
        %mul3A_259 = arith.constant 16 : i32
        %mul3A_260 = vector.broadcast %mul3A_259 : i32 to vector<16xi32>
        %mul3A_261 = arith.muli %gather3A, %mul3A_260 : vector<16xi32>
        %add3A_262 = arith.addi %mul3A_261, %iota3A : vector<16xi32>
        %gather3A_263 = tpu.vector_load_idx %arg12[%add3A_262] : memref<5120xf32, #tpu.memory_space<vmem>>[vector<16xi32>], vector<16xf32>,
        %get3A = arith.index_cast %while3A_253 : i32 to index
        %get3A_264 = arith.constant 64 : index
        %get3A_265 = tpu.vector_load %arg11[%get3A, %get3A_264] {strides = array<i32>} : memref<96x128xf32, #tpu.memory_space<vmem>>, vector<16xf32>,
        %add3A_266 = arith.addf %get3A_265, %gather3A_263 : vector<16xf32>
        %gt3A = arith.constant 0.000000e+00 : f32
        %gt3A_267 = vector.broadcast %gt3A : f32 to vector<16xf32>
        %gt3A_268 = arith.cmpf ogt, %add3A_266, %gt3A_267 : vector<16xf32>
        %mul3A_269 = arith.constant 2.000000e-01 : f32
        %mul3A_270 = vector.broadcast %mul3A_269 : f32 to vector<16xf32>
        %mul3A_271 = arith.mulf %mul3A_270, %add3A_266 : vector<16xf32>
        %select_n3A_272 = arith.select %gt3A_268, %add3A_266, %mul3A_271 : vector<16xi1>, vector<16xf32>
        %exp3A = math.exp %select_n3A_272 : vector<16xf32>
        tpu.vector_store_idx %arg14[%add3A_262], %exp3A masked %lt3A_4 {add = true} : memref<5136xf32, #tpu.memory_space<vmem>>[vector<16xi32>], vector<16xf32>, vector<16xi1>
        %mul3A_273 = arith.constant 128 : i32
        %mul3A_274 = vector.broadcast %mul3A_273 : i32 to vector<16xi32>
        %mul3A_275 = arith.muli %gather3A, %mul3A_274 : vector<16xi32>
        %get3A_276 = arith.index_cast %while3A_253 : i32 to index
        %get3A_277 = arith.constant 0 : index
        %get3A_278 = tpu.vector_load %arg11[%get3A_276, %get3A_277] {strides = array<i32>} : memref<96x128xf32, #tpu.memory_space<vmem>>, vector<16xf32>,
        %bitcast3A = vector.bitcast %get3A_278 : vector<16xf32> to vector<32xbf16>
        %get3A_279 = arith.index_cast %while3A_253 : i32 to index
        %get3A_280 = arith.constant 16 : index
        %get3A_281 = tpu.vector_load %arg11[%get3A_279, %get3A_280] {strides = array<i32>} : memref<96x128xf32, #tpu.memory_space<vmem>>, vector<16xf32>,
        %bitcast3A_282 = vector.bitcast %get3A_281 : vector<16xf32> to vector<32xbf16>
        %get3A_283 = arith.index_cast %while3A_253 : i32 to index
        %get3A_284 = arith.constant 32 : index
        %get3A_285 = tpu.vector_load %arg11[%get3A_283, %get3A_284] {strides = array<i32>} : memref<96x128xf32, #tpu.memory_space<vmem>>, vector<16xf32>,
        %bitcast3A_286 = vector.bitcast %get3A_285 : vector<16xf32> to vector<32xbf16>
        %get3A_287 = arith.index_cast %while3A_253 : i32 to index
        %get3A_288 = arith.constant 48 : index
        %get3A_289 = tpu.vector_load %arg11[%get3A_287, %get3A_288] {strides = array<i32>} : memref<96x128xf32, #tpu.memory_space<vmem>>, vector<16xf32>,
        %bitcast3A_290 = vector.bitcast %get3A_289 : vector<16xf32> to vector<32xbf16>
        %unpack3A = tpu.unpack_subelements %bitcast3A, 0 {pack_format = #tpu.pack_format<interleaved>} : vector<32xbf16> -> vector<16xf32>
        %unpack3A_291 = tpu.unpack_subelements %bitcast3A, 1 {pack_format = #tpu.pack_format<interleaved>} : vector<32xbf16> -> vector<16xf32>
        %unpack3A_292 = tpu.unpack_subelements %bitcast3A_282, 0 {pack_format = #tpu.pack_format<interleaved>} : vector<32xbf16> -> vector<16xf32>
        %unpack3A_293 = tpu.unpack_subelements %bitcast3A_282, 1 {pack_format = #tpu.pack_format<interleaved>} : vector<32xbf16> -> vector<16xf32>
        %unpack3A_294 = tpu.unpack_subelements %bitcast3A_286, 0 {pack_format = #tpu.pack_format<interleaved>} : vector<32xbf16> -> vector<16xf32>
        %unpack3A_295 = tpu.unpack_subelements %bitcast3A_286, 1 {pack_format = #tpu.pack_format<interleaved>} : vector<32xbf16> -> vector<16xf32>
        %unpack3A_296 = tpu.unpack_subelements %bitcast3A_290, 0 {pack_format = #tpu.pack_format<interleaved>} : vector<32xbf16> -> vector<16xf32>
        %unpack3A_297 = tpu.unpack_subelements %bitcast3A_290, 1 {pack_format = #tpu.pack_format<interleaved>} : vector<32xbf16> -> vector<16xf32>
        %add3A_298 = arith.constant 0 : i32
        %add3A_299 = vector.broadcast %add3A_298 : i32 to vector<16xi32>
        %add3A_300 = arith.addi %shift_right_arithmetic3A_9, %add3A_299 : vector<16xi32>
        %broadcast_in_dim3A_301 = vector.shape_cast %add3A_300 : vector<16xi32> to vector<16x1xi32>
        %gather3A_302 = vector.shape_cast %broadcast_in_dim3A_301 : vector<16x1xi32> to vector<16xi32>
        %gather3A_303 = tpu.dynamic_gather %exp3A[%gather3A_302] in [0] : vector<16xf32>, vector<16xi32> -> vector<16xf32>
        %add3A_304 = arith.constant 2 : i32
        %add3A_305 = vector.broadcast %add3A_304 : i32 to vector<16xi32>
        %add3A_306 = arith.addi %shift_right_arithmetic3A_9, %add3A_305 : vector<16xi32>
        %broadcast_in_dim3A_307 = vector.shape_cast %add3A_306 : vector<16xi32> to vector<16x1xi32>
        %gather3A_308 = vector.shape_cast %broadcast_in_dim3A_307 : vector<16x1xi32> to vector<16xi32>
        %gather3A_309 = tpu.dynamic_gather %exp3A[%gather3A_308] in [0] : vector<16xf32>, vector<16xi32> -> vector<16xf32>
        %add3A_310 = arith.constant 4 : i32
        %add3A_311 = vector.broadcast %add3A_310 : i32 to vector<16xi32>
        %add3A_312 = arith.addi %shift_right_arithmetic3A_9, %add3A_311 : vector<16xi32>
        %broadcast_in_dim3A_313 = vector.shape_cast %add3A_312 : vector<16xi32> to vector<16x1xi32>
        %gather3A_314 = vector.shape_cast %broadcast_in_dim3A_313 : vector<16x1xi32> to vector<16xi32>
        %gather3A_315 = tpu.dynamic_gather %exp3A[%gather3A_314] in [0] : vector<16xf32>, vector<16xi32> -> vector<16xf32>
        %add3A_316 = arith.constant 6 : i32
        %add3A_317 = vector.broadcast %add3A_316 : i32 to vector<16xi32>
        %add3A_318 = arith.addi %shift_right_arithmetic3A_9, %add3A_317 : vector<16xi32>
        %broadcast_in_dim3A_319 = vector.shape_cast %add3A_318 : vector<16xi32> to vector<16x1xi32>
        %gather3A_320 = vector.shape_cast %broadcast_in_dim3A_319 : vector<16x1xi32> to vector<16xi32>
        %gather3A_321 = tpu.dynamic_gather %exp3A[%gather3A_320] in [0] : vector<16xf32>, vector<16xi32> -> vector<16xf32>
        %add3A_322 = arith.constant 0 : i32
        %add3A_323 = vector.broadcast %add3A_322 : i32 to vector<16xi32>
        %add3A_324 = arith.addi %add3A_323, %add3A_21 : vector<16xi32>
        %add3A_325 = arith.addi %mul3A_275, %add3A_324 : vector<16xi32>
        %mul3A_326 = arith.mulf %unpack3A, %gather3A_303 : vector<16xf32>
        tpu.vector_store_idx %arg13[%add3A_325], %mul3A_326 {add = true} : memref<41088xf32, #tpu.memory_space<vmem>>[vector<16xi32>], vector<16xf32>,
        %add3A_327 = arith.constant 1 : i32
        %add3A_328 = vector.broadcast %add3A_327 : i32 to vector<16xi32>
        %add3A_329 = arith.addi %add3A_325, %add3A_328 : vector<16xi32>
        %mul3A_330 = arith.mulf %unpack3A_291, %gather3A_303 : vector<16xf32>
        tpu.vector_store_idx %arg13[%add3A_329], %mul3A_330 {add = true} : memref<41088xf32, #tpu.memory_space<vmem>>[vector<16xi32>], vector<16xf32>,
        %add3A_331 = arith.constant 32 : i32
        %add3A_332 = vector.broadcast %add3A_331 : i32 to vector<16xi32>
        %add3A_333 = arith.addi %add3A_332, %add3A_21 : vector<16xi32>
        %add3A_334 = arith.addi %mul3A_275, %add3A_333 : vector<16xi32>
        %mul3A_335 = arith.mulf %unpack3A_292, %gather3A_309 : vector<16xf32>
        tpu.vector_store_idx %arg13[%add3A_334], %mul3A_335 {add = true} : memref<41088xf32, #tpu.memory_space<vmem>>[vector<16xi32>], vector<16xf32>,
        %add3A_336 = arith.constant 1 : i32
        %add3A_337 = vector.broadcast %add3A_336 : i32 to vector<16xi32>
        %add3A_338 = arith.addi %add3A_334, %add3A_337 : vector<16xi32>
        %mul3A_339 = arith.mulf %unpack3A_293, %gather3A_309 : vector<16xf32>
        tpu.vector_store_idx %arg13[%add3A_338], %mul3A_339 {add = true} : memref<41088xf32, #tpu.memory_space<vmem>>[vector<16xi32>], vector<16xf32>,
        %add3A_340 = arith.constant 64 : i32
        %add3A_341 = vector.broadcast %add3A_340 : i32 to vector<16xi32>
        %add3A_342 = arith.addi %add3A_341, %add3A_21 : vector<16xi32>
        %add3A_343 = arith.addi %mul3A_275, %add3A_342 : vector<16xi32>
        %mul3A_344 = arith.mulf %unpack3A_294, %gather3A_315 : vector<16xf32>
        tpu.vector_store_idx %arg13[%add3A_343], %mul3A_344 {add = true} : memref<41088xf32, #tpu.memory_space<vmem>>[vector<16xi32>], vector<16xf32>,
        %add3A_345 = arith.constant 1 : i32
        %add3A_346 = vector.broadcast %add3A_345 : i32 to vector<16xi32>
        %add3A_347 = arith.addi %add3A_343, %add3A_346 : vector<16xi32>
        %mul3A_348 = arith.mulf %unpack3A_295, %gather3A_315 : vector<16xf32>
        tpu.vector_store_idx %arg13[%add3A_347], %mul3A_348 {add = true} : memref<41088xf32, #tpu.memory_space<vmem>>[vector<16xi32>], vector<16xf32>,
        %add3A_349 = arith.constant 96 : i32
        %add3A_350 = vector.broadcast %add3A_349 : i32 to vector<16xi32>
        %add3A_351 = arith.addi %add3A_350, %add3A_21 : vector<16xi32>
        %add3A_352 = arith.addi %mul3A_275, %add3A_351 : vector<16xi32>
        %mul3A_353 = arith.mulf %unpack3A_296, %gather3A_321 : vector<16xf32>
        tpu.vector_store_idx %arg13[%add3A_352], %mul3A_353 {add = true} : memref<41088xf32, #tpu.memory_space<vmem>>[vector<16xi32>], vector<16xf32>,
        %add3A_354 = arith.constant 1 : i32
        %add3A_355 = vector.broadcast %add3A_354 : i32 to vector<16xi32>
        %add3A_356 = arith.addi %add3A_352, %add3A_355 : vector<16xi32>
        %mul3A_357 = arith.mulf %unpack3A_297, %gather3A_321 : vector<16xf32>
        tpu.vector_store_idx %arg13[%add3A_356], %mul3A_357 {add = true} : memref<41088xf32, #tpu.memory_space<vmem>>[vector<16xi32>], vector<16xf32>,
        %while3A_358 = arith.constant 0 : i32
        scf.yield %while3A_358 : i32
      }
      %while3A_252 = arith.constant 0 : i32
      scf.yield %while3A_252 : i32
    }
    %scan3A_208 = arith.constant 0 : i32
    %scan3A_209 = arith.constant 0 : i32
    %scan3A_210 = arith.constant 320 : i32
    %scan3A_211 = arith.addi %scan3A_209, %scan3A_210 : i32
    %scan3A_212 = arith.constant 1 : i32
    %scan3A_213 = scf.for %scan3A_217 = %scan3A_209 to %scan3A_211 step %scan3A_212 iter_args(%scan3A_218 = %scan3A_208) -> (i32)  : i32 {
      %mul3A_219 = arith.constant 16 : i32
      %mul3A_220 = arith.muli %scan3A_217, %mul3A_219 : i32
      %get3A = arith.index_cast %mul3A_220 : i32 to index
      %get3A_221 = tpu.vector_load %arg14[%get3A] {strides = array<i32>} : memref<5136xf32, #tpu.memory_space<vmem>>, vector<16xf32>,
      %gt3A = arith.constant 0.000000e+00 : f32
      %gt3A_222 = vector.broadcast %gt3A : f32 to vector<16xf32>
      %gt3A_223 = arith.cmpf ogt, %get3A_221, %gt3A_222 : vector<16xf32>
      %div3A_224 = arith.constant 1.000000e+00 : f32
      %div3A_225 = vector.broadcast %div3A_224 : f32 to vector<16xf32>
      %div3A_226 = arith.divf %div3A_225, %get3A_221 : vector<16xf32>
      %jit3A_227 = arith.constant 0.000000e+00 : f32
      %broadcast_in_dim3A_228 = vector.broadcast %jit3A_227 : f32 to vector<16xf32>
      %select_n3A_229 = arith.select %gt3A_223, %div3A_226, %broadcast_in_dim3A_228 : vector<16xi1>, vector<16xf32>
      %broadcast_in_dim3A_230 = arith.constant 0 : i32
      %broadcast_in_dim3A_231 = vector.broadcast %broadcast_in_dim3A_230 : i32 to vector<16xi32>
      %broadcast_in_dim3A_232 = vector.shape_cast %broadcast_in_dim3A_231 : vector<16xi32> to vector<16x1xi32>
      %gather3A = vector.shape_cast %broadcast_in_dim3A_232 : vector<16x1xi32> to vector<16xi32>
      %gather3A_233 = tpu.dynamic_gather %select_n3A_229[%gather3A] in [0] : vector<16xf32>, vector<16xi32> -> vector<16xf32>
      %mul3A_234 = arith.constant 128 : i32
      %mul3A_235 = arith.muli %scan3A_217, %mul3A_234 : i32
      %add3A_236 = arith.constant 0 : i32
      %add3A_237 = arith.addi %mul3A_235, %add3A_236 : i32
      %get3A_238 = arith.index_cast %add3A_237 : i32 to index
      %get3A_239 = tpu.vector_load %arg13[%get3A_238] {strides = array<i32>} : memref<41088xf32, #tpu.memory_space<vmem>>, vector<16xf32>,
      %mul3A_240 = arith.mulf %get3A_239, %gather3A_233 : vector<16xf32>
      %swap3A = arith.index_cast %add3A_237 : i32 to index
      %swap3A_241 = tpu.vector_load %arg13[%swap3A] {strides = array<i32>} : memref<41088xf32, #tpu.memory_space<vmem>>, vector<16xf32>,
      tpu.vector_store %arg13[%swap3A], %mul3A_240 {strides = array<i32>} : memref<41088xf32, #tpu.memory_space<vmem>>, vector<16xf32>,
      %broadcast_in_dim3A_242 = arith.constant 1 : i32
      %broadcast_in_dim3A_243 = vector.broadcast %broadcast_in_dim3A_242 : i32 to vector<16xi32>
      %broadcast_in_dim3A_244 = vector.shape_cast %broadcast_in_dim3A_243 : vector<16xi32> to vector<16x1xi32>
      %gather3A_245 = vector.shape_cast %broadcast_in_dim3A_244 : vector<16x1xi32> to vector<16xi32>
      %gather3A_246 = tpu.dynamic_gather %select_n3A_229[%gather3A_245] in [0] : vector<16xf32>, vector<16xi32> -> vector<16xf32>
      %mul3A_247 = arith.constant 128 : i32
      %mul3A_248 = arith.muli %scan3A_217, %mul3A_247 : i32
      %add3A_249 = arith.constant 16 : i32
      %add3A_250 = arith.addi %mul3A_248, %add3A_249 : i32
      %get3A_251 = arith.index_cast %add3A_250 : i32 to index
      %get3A_252 = tpu.vector_load %arg13[%get3A_251] {strides = array<i32>} : memref<41088xf32, #tpu.memory_space<vmem>>, vector<16xf32>,
      %mul3A_253 = arith.mulf %get3A_252, %gather3A_246 : vector<16xf32>
      %swap3A_254 = arith.index_cast %add3A_250 : i32 to index
      %swap3A_255 = tpu.vector_load %arg13[%swap3A_254] {strides = array<i32>} : memref<41088xf32, #tpu.memory_space<vmem>>, vector<16xf32>,
      tpu.vector_store %arg13[%swap3A_254], %mul3A_253 {strides = array<i32>} : memref<41088xf32, #tpu.memory_space<vmem>>, vector<16xf32>,
      %broadcast_in_dim3A_256 = arith.constant 2 : i32
      %broadcast_in_dim3A_257 = vector.broadcast %broadcast_in_dim3A_256 : i32 to vector<16xi32>
      %broadcast_in_dim3A_258 = vector.shape_cast %broadcast_in_dim3A_257 : vector<16xi32> to vector<16x1xi32>
      %gather3A_259 = vector.shape_cast %broadcast_in_dim3A_258 : vector<16x1xi32> to vector<16xi32>
      %gather3A_260 = tpu.dynamic_gather %select_n3A_229[%gather3A_259] in [0] : vector<16xf32>, vector<16xi32> -> vector<16xf32>
      %mul3A_261 = arith.constant 128 : i32
      %mul3A_262 = arith.muli %scan3A_217, %mul3A_261 : i32
      %add3A_263 = arith.constant 32 : i32
      %add3A_264 = arith.addi %mul3A_262, %add3A_263 : i32
      %get3A_265 = arith.index_cast %add3A_264 : i32 to index
      %get3A_266 = tpu.vector_load %arg13[%get3A_265] {strides = array<i32>} : memref<41088xf32, #tpu.memory_space<vmem>>, vector<16xf32>,
      %mul3A_267 = arith.mulf %get3A_266, %gather3A_260 : vector<16xf32>
      %swap3A_268 = arith.index_cast %add3A_264 : i32 to index
      %swap3A_269 = tpu.vector_load %arg13[%swap3A_268] {strides = array<i32>} : memref<41088xf32, #tpu.memory_space<vmem>>, vector<16xf32>,
      tpu.vector_store %arg13[%swap3A_268], %mul3A_267 {strides = array<i32>} : memref<41088xf32, #tpu.memory_space<vmem>>, vector<16xf32>,
      %broadcast_in_dim3A_270 = arith.constant 3 : i32
      %broadcast_in_dim3A_271 = vector.broadcast %broadcast_in_dim3A_270 : i32 to vector<16xi32>
      %broadcast_in_dim3A_272 = vector.shape_cast %broadcast_in_dim3A_271 : vector<16xi32> to vector<16x1xi32>
      %gather3A_273 = vector.shape_cast %broadcast_in_dim3A_272 : vector<16x1xi32> to vector<16xi32>
      %gather3A_274 = tpu.dynamic_gather %select_n3A_229[%gather3A_273] in [0] : vector<16xf32>, vector<16xi32> -> vector<16xf32>
      %mul3A_275 = arith.constant 128 : i32
      %mul3A_276 = arith.muli %scan3A_217, %mul3A_275 : i32
      %add3A_277 = arith.constant 48 : i32
      %add3A_278 = arith.addi %mul3A_276, %add3A_277 : i32
      %get3A_279 = arith.index_cast %add3A_278 : i32 to index
      %get3A_280 = tpu.vector_load %arg13[%get3A_279] {strides = array<i32>} : memref<41088xf32, #tpu.memory_space<vmem>>, vector<16xf32>,
      %mul3A_281 = arith.mulf %get3A_280, %gather3A_274 : vector<16xf32>
      %swap3A_282 = arith.index_cast %add3A_278 : i32 to index
      %swap3A_283 = tpu.vector_load %arg13[%swap3A_282] {strides = array<i32>} : memref<41088xf32, #tpu.memory_space<vmem>>, vector<16xf32>,
      tpu.vector_store %arg13[%swap3A_282], %mul3A_281 {strides = array<i32>} : memref<41088xf32, #tpu.memory_space<vmem>>, vector<16xf32>,
      %broadcast_in_dim3A_284 = arith.constant 4 : i32
      %broadcast_in_dim3A_285 = vector.broadcast %broadcast_in_dim3A_284 : i32 to vector<16xi32>
      %broadcast_in_dim3A_286 = vector.shape_cast %broadcast_in_dim3A_285 : vector<16xi32> to vector<16x1xi32>
      %gather3A_287 = vector.shape_cast %broadcast_in_dim3A_286 : vector<16x1xi32> to vector<16xi32>
      %gather3A_288 = tpu.dynamic_gather %select_n3A_229[%gather3A_287] in [0] : vector<16xf32>, vector<16xi32> -> vector<16xf32>
      %mul3A_289 = arith.constant 128 : i32
      %mul3A_290 = arith.muli %scan3A_217, %mul3A_289 : i32
      %add3A_291 = arith.constant 64 : i32
      %add3A_292 = arith.addi %mul3A_290, %add3A_291 : i32
      %get3A_293 = arith.index_cast %add3A_292 : i32 to index
      %get3A_294 = tpu.vector_load %arg13[%get3A_293] {strides = array<i32>} : memref<41088xf32, #tpu.memory_space<vmem>>, vector<16xf32>,
      %mul3A_295 = arith.mulf %get3A_294, %gather3A_288 : vector<16xf32>
      %swap3A_296 = arith.index_cast %add3A_292 : i32 to index
      %swap3A_297 = tpu.vector_load %arg13[%swap3A_296] {strides = array<i32>} : memref<41088xf32, #tpu.memory_space<vmem>>, vector<16xf32>,
      tpu.vector_store %arg13[%swap3A_296], %mul3A_295 {strides = array<i32>} : memref<41088xf32, #tpu.memory_space<vmem>>, vector<16xf32>,
      %broadcast_in_dim3A_298 = arith.constant 5 : i32
      %broadcast_in_dim3A_299 = vector.broadcast %broadcast_in_dim3A_298 : i32 to vector<16xi32>
      %broadcast_in_dim3A_300 = vector.shape_cast %broadcast_in_dim3A_299 : vector<16xi32> to vector<16x1xi32>
      %gather3A_301 = vector.shape_cast %broadcast_in_dim3A_300 : vector<16x1xi32> to vector<16xi32>
      %gather3A_302 = tpu.dynamic_gather %select_n3A_229[%gather3A_301] in [0] : vector<16xf32>, vector<16xi32> -> vector<16xf32>
      %mul3A_303 = arith.constant 128 : i32
      %mul3A_304 = arith.muli %scan3A_217, %mul3A_303 : i32
      %add3A_305 = arith.constant 80 : i32
      %add3A_306 = arith.addi %mul3A_304, %add3A_305 : i32
      %get3A_307 = arith.index_cast %add3A_306 : i32 to index
      %get3A_308 = tpu.vector_load %arg13[%get3A_307] {strides = array<i32>} : memref<41088xf32, #tpu.memory_space<vmem>>, vector<16xf32>,
      %mul3A_309 = arith.mulf %get3A_308, %gather3A_302 : vector<16xf32>
      %swap3A_310 = arith.index_cast %add3A_306 : i32 to index
      %swap3A_311 = tpu.vector_load %arg13[%swap3A_310] {strides = array<i32>} : memref<41088xf32, #tpu.memory_space<vmem>>, vector<16xf32>,
      tpu.vector_store %arg13[%swap3A_310], %mul3A_309 {strides = array<i32>} : memref<41088xf32, #tpu.memory_space<vmem>>, vector<16xf32>,
      %broadcast_in_dim3A_312 = arith.constant 6 : i32
      %broadcast_in_dim3A_313 = vector.broadcast %broadcast_in_dim3A_312 : i32 to vector<16xi32>
      %broadcast_in_dim3A_314 = vector.shape_cast %broadcast_in_dim3A_313 : vector<16xi32> to vector<16x1xi32>
      %gather3A_315 = vector.shape_cast %broadcast_in_dim3A_314 : vector<16x1xi32> to vector<16xi32>
      %gather3A_316 = tpu.dynamic_gather %select_n3A_229[%gather3A_315] in [0] : vector<16xf32>, vector<16xi32> -> vector<16xf32>
      %mul3A_317 = arith.constant 128 : i32
      %mul3A_318 = arith.muli %scan3A_217, %mul3A_317 : i32
      %add3A_319 = arith.constant 96 : i32
      %add3A_320 = arith.addi %mul3A_318, %add3A_319 : i32
      %get3A_321 = arith.index_cast %add3A_320 : i32 to index
      %get3A_322 = tpu.vector_load %arg13[%get3A_321] {strides = array<i32>} : memref<41088xf32, #tpu.memory_space<vmem>>, vector<16xf32>,
      %mul3A_323 = arith.mulf %get3A_322, %gather3A_316 : vector<16xf32>
      %swap3A_324 = arith.index_cast %add3A_320 : i32 to index
      %swap3A_325 = tpu.vector_load %arg13[%swap3A_324] {strides = array<i32>} : memref<41088xf32, #tpu.memory_space<vmem>>, vector<16xf32>,
      tpu.vector_store %arg13[%swap3A_324], %mul3A_323 {strides = array<i32>} : memref<41088xf32, #tpu.memory_space<vmem>>, vector<16xf32>,
      %broadcast_in_dim3A_326 = arith.constant 7 : i32
      %broadcast_in_dim3A_327 = vector.broadcast %broadcast_in_dim3A_326 : i32 to vector<16xi32>
      %broadcast_in_dim3A_328 = vector.shape_cast %broadcast_in_dim3A_327 : vector<16xi32> to vector<16x1xi32>
      %gather3A_329 = vector.shape_cast %broadcast_in_dim3A_328 : vector<16x1xi32> to vector<16xi32>
      %gather3A_330 = tpu.dynamic_gather %select_n3A_229[%gather3A_329] in [0] : vector<16xf32>, vector<16xi32> -> vector<16xf32>
      %mul3A_331 = arith.constant 128 : i32
      %mul3A_332 = arith.muli %scan3A_217, %mul3A_331 : i32
      %add3A_333 = arith.constant 112 : i32
      %add3A_334 = arith.addi %mul3A_332, %add3A_333 : i32
      %get3A_335 = arith.index_cast %add3A_334 : i32 to index
      %get3A_336 = tpu.vector_load %arg13[%get3A_335] {strides = array<i32>} : memref<41088xf32, #tpu.memory_space<vmem>>, vector<16xf32>,
      %mul3A_337 = arith.mulf %get3A_336, %gather3A_330 : vector<16xf32>
      %swap3A_338 = arith.index_cast %add3A_334 : i32 to index
      %swap3A_339 = tpu.vector_load %arg13[%swap3A_338] {strides = array<i32>} : memref<41088xf32, #tpu.memory_space<vmem>>, vector<16xf32>,
      tpu.vector_store %arg13[%swap3A_338], %mul3A_337 {strides = array<i32>} : memref<41088xf32, #tpu.memory_space<vmem>>, vector<16xf32>,
      %scan3A_340 = arith.constant 0 : i32
      scf.yield %scan3A_340 : i32
    }
    %scan3A_214 = arith.constant 320 : i32
    %mul3A_215 = arith.constant 128 : i32
    %mul3A_216 = arith.muli %mul3A_2, %mul3A_215 : i32
    "tpu.region"() ({
      %run_scoped3A = tpu.sem_alloc : memref<!tpu.dma_semaphore, #tpu.memory_space<semaphore_mem>>
      %dma_start3A_217 = arith.constant 0 : i32
      %dma_start3A_218 = tpu.memref_slice %arg13[%dma_start3A_217] : memref<41088xf32, #tpu.memory_space<vmem>> -> memref<40960xf32, #tpu.memory_space<vmem>>
      %dma_start3A_219 = tpu.memref_slice %arg6[%mul3A_216] : memref<1310720xf32, #tpu.memory_space<hbm>> -> memref<40960xf32, #tpu.memory_space<hbm>>
      %dma_start3A_220 = tpu.memref_slice %arg6[%mul3A_216] : memref<1310720xf32, #tpu.memory_space<hbm>> -> memref<40960xf32, #tpu.memory_space<hbm>>
      %dma_start3A_221 = arith.constant 0 : i32
      %dma_start3A_222 = tpu.memref_slice %arg13[%dma_start3A_221] : memref<41088xf32, #tpu.memory_space<vmem>> -> memref<40960xf32, #tpu.memory_space<vmem>>
      tpu.enqueue_dma source(%dma_start3A_222 : memref<40960xf32, #tpu.memory_space<vmem>>) target(%dma_start3A_220 : memref<40960xf32, #tpu.memory_space<hbm>>) target_semaphore(%run_scoped3A : memref<!tpu.dma_semaphore, #tpu.memory_space<semaphore_mem>>)
      %dma_wait3A_223 = arith.constant 0 : i32
      %dma_wait3A_224 = tpu.memref_slice %arg13[%dma_wait3A_223] : memref<41088xf32, #tpu.memory_space<vmem>> -> memref<40960xf32, #tpu.memory_space<vmem>>
      %dma_wait3A_225 = tpu.memref_slice %arg6[%mul3A_216] : memref<1310720xf32, #tpu.memory_space<hbm>> -> memref<40960xf32, #tpu.memory_space<hbm>>
      %dma_wait3A_226 = tpu.memref_slice %arg6[%mul3A_216] : memref<1310720xf32, #tpu.memory_space<hbm>> -> memref<40960xf32, #tpu.memory_space<hbm>>
      %dma_wait3A_227 = arith.constant 0 : i32
      %dma_wait3A_228 = tpu.memref_slice %arg13[%dma_wait3A_227] : memref<41088xf32, #tpu.memory_space<vmem>> -> memref<40960xf32, #tpu.memory_space<vmem>>
      tpu.wait_dma2 semaphore(%run_scoped3A : memref<!tpu.dma_semaphore, #tpu.memory_space<semaphore_mem>>) src(%dma_wait3A_228 : memref<40960xf32, #tpu.memory_space<vmem>>) dst(%dma_wait3A_226 : memref<40960xf32, #tpu.memory_space<hbm>>)
      tpu.yield
    }) : () -> ()
    return
  }
}

module attributes {stable_mosaic.version = 14 : i64} {
  func.func @_proj_body(%arg0: i32, %arg1: memref<1000x128xf32, #tpu.memory_space<vmem>>, %arg2: memref<128x128xf32, #tpu.memory_space<vmem>>, %arg3: memref<128x16xf32, #tpu.memory_space<vmem>>, %arg4: memref<1000x128xbf16, #tpu.memory_space<vmem>>, %arg5: memref<1000x16xf32, #tpu.memory_space<vmem>>) attributes {dimension_semantics = [#tpu.dimension_semantics<arbitrary>], iteration_bounds = array<i64: 10>, scalar_prefetch = 0 : i64, scratch_operands = 0 : i64, tpu.core_type = #tpu.core_type<tc>, window_params = [{transform_indices = @transform_0, window_bounds = array<i64: 1000, 128>}, {pipeline_mode = #tpu.pipeline_mode<synchronous>, transform_indices = @transform_1, window_bounds = array<i64: 128, 128>}, {pipeline_mode = #tpu.pipeline_mode<synchronous>, transform_indices = @transform_2, window_bounds = array<i64: 128, 16>}, {transform_indices = @transform_3, window_bounds = array<i64: 1000, 128>}, {transform_indices = @transform_4, window_bounds = array<i64: 1000, 16>}]} {
    %get3A = arith.constant 0 : index
    %get3A_0 = arith.constant 0 : index
    %get3A_1 = vector.load %arg1[%get3A, %get3A_0] : memref<1000x128xf32, #tpu.memory_space<vmem>>, vector<1000x128xf32>
    %get3A_2 = arith.constant 0 : index
    %get3A_3 = arith.constant 0 : index
    %get3A_4 = vector.load %arg2[%get3A_2, %get3A_3] : memref<128x128xf32, #tpu.memory_space<vmem>>, vector<128x128xf32>
    %dot_general3A = arith.constant dense<0.000000e+00> : vector<1000x128xf32>
    %dot_general3A_5 = tpu.matmul %get3A_1, %get3A_4, %dot_general3A {dimension_numbers = #tpu.dot_dimension_numbers<[1], [0], [0], [1], [0, 0, 1, 1], [], []>, transpose_lhs_hint = false} : vector<1000x128xf32>, vector<128x128xf32>, vector<1000x128xf32> -> vector<1000x128xf32>
    %convert_element_type3A = arith.truncf %dot_general3A_5 : vector<1000x128xf32> to vector<1000x128xbf16>
    %swap3A = arith.constant 0 : index
    %swap3A_6 = arith.constant 0 : index
    %swap3A_7 = vector.load %arg4[%swap3A, %swap3A_6] : memref<1000x128xbf16, #tpu.memory_space<vmem>>, vector<1000x128xbf16>
    tpu.vector_store %arg4[%swap3A, %swap3A_6], %convert_element_type3A {strides = array<i32>} : memref<1000x128xbf16, #tpu.memory_space<vmem>>, vector<1000x128xbf16>,
    %get3A_8 = arith.constant 0 : index
    %get3A_9 = arith.constant 0 : index
    %get3A_10 = vector.load %arg3[%get3A_8, %get3A_9] : memref<128x16xf32, #tpu.memory_space<vmem>>, vector<128x16xf32>
    %dot_general3A_11 = arith.constant dense<0.000000e+00> : vector<1000x16xf32>
    %dot_general3A_12 = tpu.matmul %dot_general3A_5, %get3A_10, %dot_general3A_11 {dimension_numbers = #tpu.dot_dimension_numbers<[1], [0], [0], [1], [0, 0, 1, 1], [], []>, transpose_lhs_hint = false} : vector<1000x128xf32>, vector<128x16xf32>, vector<1000x16xf32> -> vector<1000x16xf32>
    %swap3A_13 = arith.constant 0 : index
    %swap3A_14 = arith.constant 0 : index
    %swap3A_15 = vector.load %arg5[%swap3A_13, %swap3A_14] : memref<1000x16xf32, #tpu.memory_space<vmem>>, vector<1000x16xf32>
    tpu.vector_store %arg5[%swap3A_13, %swap3A_14], %dot_general3A_12 {strides = array<i32>} : memref<1000x16xf32, #tpu.memory_space<vmem>>, vector<1000x16xf32>,
    return
  }
  func.func @transform_0(%arg0: i32) -> (i32, i32) {
    %c0_i32 = arith.constant 0 : i32
    %c0_i32_0 = arith.constant 0 : i32
    return %arg0, %c0_i32 : i32, i32
  }
  func.func @transform_1(%arg0: i32) -> (i32, i32) {
    %c0_i32 = arith.constant 0 : i32
    %c0_i32_0 = arith.constant 0 : i32
    %c0_i32_1 = arith.constant 0 : i32
    return %c0_i32, %c0_i32_0 : i32, i32
  }
  func.func @transform_2(%arg0: i32) -> (i32, i32) {
    %c0_i32 = arith.constant 0 : i32
    %c0_i32_0 = arith.constant 0 : i32
    %c0_i32_1 = arith.constant 0 : i32
    return %c0_i32, %c0_i32_0 : i32, i32
  }
  func.func @transform_3(%arg0: i32) -> (i32, i32) {
    %c0_i32 = arith.constant 0 : i32
    %c0_i32_0 = arith.constant 0 : i32
    return %arg0, %c0_i32 : i32, i32
  }
  func.func @transform_4(%arg0: i32) -> (i32, i32) {
    %c0_i32 = arith.constant 0 : i32
    %c0_i32_0 = arith.constant 0 : i32
    return %arg0, %c0_i32 : i32, i32
  }
}

</mosaic_0001>

<sc_bundles>
// kernel: kernel.4.cloned.1.call-start
scs
__scs_entry_jumppad:
0x0: {  	(pc) =	sbr.rel $0x88, $3  }
0x1: {  	(tag) =	ssettag $0x0;
	lr =	simm.s32 $0x1  }
0x2: {  	[smem:$0x3F9C] =	sst lr;
	_ =	strace $0xD0000000  }
0x3: {  	_ = 	snop  }
0x4: {  	_ = 	snop  }
0x5: {  	_ = 	snop  }
0x6: {  	_ = 	snop  }
0x7: {  	_ = 	snop  }
__scs_overlays_trampoline_lowered:
0x8: {  	[smem:$0x3FAB] =	sst s0  }
0x9: {  	[smem:$0x3FAC] =	sst s1  }
0xa: {  	[smem:$0x3FAD] =	sst s2  }
0xb: {  	[smem:$0x3FAE] =	sst s3  }
0xc: {  	[smem:$0x3FAF] =	sst s4  }
0xd: {  	[smem:$0x3FB0] =	sst s5  }
0xe: {  	[smem:$0x3FB1] =	sst s6  }
0xf: {  	[smem:$0x3FB2] =	sst s7  }
0x10: {  	[smem:$0x3FB3] =	sst s8  }
0x11: {  	[smem:$0x3FB4] =	sst s9;
	s0 =	simm.s32 @!p0 $0x0  }
0x12: {  	s1 =	sld [smem:$0x3F9A];
	s0 =	simm.s32 @p0 $0x1  }
0x13: {  	[smem:$0x3FB5] =	sst s0;
	s0 =	simm.s32 @!p1 $0x0  }
0x14: {  	s2 =	sld [smem:$0x3F99];
	s0 =	simm.s32 @p1 $0x1  }
0x15: {  	[smem:$0x3FB6] =	sst s0;
	s0 =	simm.s32 @!p2 $0x0  }
0x16: {  	s3 =	sld [smem:$0x3FDB];
	s0 =	simm.s32 @p2 $0x1  }
0x17: {  	s4 =	simm.s32 $0x1BF5;
	[smem:$0x3FB8] =	sst s0  }
0x18: {  	s0 =	sld [smem:$0x3F9B];
	_ =	swait.ge [sflag:s4], $0x0  }
0x19: {  	s7 =	sld [smem:$0x3F9C]  }
0x1a: {  	s8 =	sadd.s32 $0xFFFFE003, lr  }
0x1b: {  	s9 =	sadd.s32 $0xFFFFFEF7, lr;
	s5 =	simm.s32 $0xFFFFFFFF;
	p2 =	slt.u32 s8, $0xFFFFF086  }
0x1c: {  	p1 =	slt.u32 s9, $0xF7A;
	s5 =	simm.s32 @!p2 $0x0  }
0x1d: {  	s5 =	simm.s32 @p1 $0x1;
	p0 =	seq.s32 s7, s2  }
0x1e: {  	s7 =	smul.u32 @!p0 $0xF7A, s2;
	p2 =	seq.s32 @!p0 s5, $0x0  }
0x1f: {  	s9 =	smul.u32 $0xF7A, s1;
	s8 =	simm.s32 @!p0 $0x1BF5;
	p2 =	por !p2, p0  }
0x20: {  	[sflag:s8] =	ssyncset.s32 @!p0 $0xFFFFF086;
	s6 =	sadd.s32 @!p0 s3, s7;
	s7 =	simm.s32 @!p0 $0x108  }
0x21: {  	s3 =	sadd.s32 s3, s9;
	s6 =	sadd.s32 @!p0 $0x88, s6;
	s7 =	simm.s32 @p2 $0x1082  }
0x22: {  	[simem:s7], [sflag:s8] =	dma.local @!p0 [hbm:s6], $0xF7A  }
0x23: {  	s9 =	sor.u32 $0xD0000000, s2;
	s6 =	simm.s32 $0x108;
	_ =	swait.ge @!p0 [sflag:s8], $0x0  }
0x24: {  	s3 =	sadd.s32 $0x88, s3;
	s6 =	simm.s32 @!p1 $0x1082;
	[sflag:s4] =	ssyncset.s32 $0xFFFFF086  }
0x25: {  	[simem:s6], [sflag:s4] =	dma.local [hbm:s3], $0xF7A  }
0x26: {  	[smem:$0x3F9C] =	sst s1;
	(tag) =	ssettag s2;
	_ =	strace s9  }
0x27: {  	s1 =	sld [smem:$0x3FAC]  }
0x28: {  	s2 =	sld [smem:$0x3FAD]  }
0x29: {  	s4 =	sld [smem:$0x3FAF]  }
0x2a: {  	p0 =	seq.s32 s5, $0x0;
	s5 =	sld [smem:$0x3FB0]  }
0x2b: {  	s6 =	sld [smem:$0x3FB1]  }
0x2c: {  	s7 =	sld [smem:$0x3FB2]  }
0x2d: {  	s3 =	simm.s32 $0x108;
	s8 =	sld [smem:$0x3FB3]  }
0x2e: {  	s3 =	simm.s32 @!p0 $0x1082;
	s9 =	sld [smem:$0x3FB4]  }
0x2f: {  	lr =	sadd.s32 s0, s3;
	s0 =	sld [smem:$0x3FAB]  }
0x30: {  	s3 =	sld [smem:$0x3FAE]  }
0x31: {  	[smem:$0x3FB7] =	sst s10  }
0x32: {  	s10 =	sld [smem:$0x3FB5];
	_ =	sdelay $0x3  }
0x33: {  	p0 =	seq.s32 s10, $0x1;
	s10 =	sld [smem:$0x3FB7];
	_ =	sdelay $0x3  }
0x34: {  	[smem:$0x3FB7] =	sst s10  }
0x35: {  	s10 =	sld [smem:$0x3FB6];
	_ =	sdelay $0x3  }
0x36: {  	p1 =	seq.s32 s10, $0x1;
	s10 =	sld [smem:$0x3FB7];
	_ =	sdelay $0x3  }
0x37: {  	[smem:$0x3FB7] =	sst s10  }
0x38: {  	s10 =	sld [smem:$0x3FB8]  }
0x39: {  	_ = 	snop;
	(pc) =	sbr.ind lr, $3  }
0x3a: {  	_ = 	snop  }
0x3b: {  	_ = 	snop  }
0x3c: {  	p2 =	seq.s32 s10, $0x1;
	s10 =	sld [smem:$0x3FB7]  }
0x3d: {  	_ =	shalt  }
0x3e: {  	_ =	shalt  }
0x3f: {  	_ =	shalt  }
0x40: {  	_ =	shalt  }
0x41: {  	_ =	shalt  }
0x42: {  	_ =	shalt  }
0x43: {  	_ =	shalt  }
0x44: {  	_ =	shalt  }
0x45: {  	_ =	shalt  }
0x46: {  	_ =	shalt  }
0x47: {  	_ =	shalt  }
0x48: {  	_ =	shalt  }
0x49: {  	_ =	shalt  }
0x4a: {  	_ =	shalt  }
0x4b: {  	_ =	shalt  }
0x4c: {  	_ =	shalt  }
0x4d: {  	_ =	shalt  }
0x4e: {  	_ =	shalt  }
0x4f: {  	_ =	shalt  }
0x50: {  	_ =	shalt  }
0x51: {  	_ =	shalt  }
0x52: {  	_ =	shalt  }
0x53: {  	_ =	shalt  }
0x54: {  	_ =	shalt  }
0x55: {  	_ =	shalt  }
0x56: {  	_ =	shalt  }
0x57: {  	_ =	shalt  }
0x58: {  	_ =	shalt  }
0x59: {  	_ =	shalt  }
0x5a: {  	_ =	shalt  }
0x5b: {  	_ =	shalt  }
0x5c: {  	_ =	shalt  }
0x5d: {  	_ =	shalt  }
0x5e: {  	_ =	shalt  }
0x5f: {  	_ =	shalt  }
0x60: {  	_ =	shalt  }
0x61: {  	_ =	shalt  }
0x62: {  	_ =	shalt  }
0x63: {  	_ =	shalt  }
0x64: {  	_ =	shalt  }
0x65: {  	_ =	shalt  }
0x66: {  	_ =	shalt  }
0x67: {  	_ =	shalt  }
0x68: {  	_ =	shalt  }
0x69: {  	_ =	shalt  }
0x6a: {  	_ =	shalt  }
0x6b: {  	_ =	shalt  }
0x6c: {  	_ =	shalt  }
0x6d: {  	_ =	shalt  }
0x6e: {  	_ =	shalt  }
0x6f: {  	_ =	shalt  }
0x70: {  	_ =	shalt  }
0x71: {  	_ =	shalt  }
0x72: {  	_ =	shalt  }
0x73: {  	_ =	shalt  }
0x74: {  	_ =	shalt  }
0x75: {  	_ =	shalt  }
0x76: {  	_ =	shalt  }
0x77: {  	_ =	shalt  }
0x78: {  	_ =	shalt  }
0x79: {  	_ =	shalt  }
0x7a: {  	_ =	shalt  }
0x7b: {  	_ =	shalt  }
0x7c: {  	_ =	shalt  }
0x7d: {  	_ =	shalt  }
0x7e: {  	_ =	shalt  }
0x7f: {  	_ =	shalt  }
0x80: {  	_ =	shalt  }
0x81: {  	_ =	shalt  }
0x82: {  	_ =	shalt  }
0x83: {  	_ =	shalt  }
0x84: {  	_ =	shalt  }
0x85: {  	_ =	shalt  }
0x86: {  	_ =	shalt  }
0x87: {  	_ =	shalt  }
.Lfunc_end0:
.L_simem_size_0:
called_computation_lowered:
.L_overlay_start_0:
0x88: {  	s2 =	sld [smem:$0x3FD9]  }
0x89: {  	s3 =	sld [smem:$0x3FFE];
	_ =	sdelay $0x1  }
0x8a: {  	s1 =	srdreg.scid  }
0x8b: {  	s0 =	sand.u32 $0x1, s1  }
0x8c: {  	s17 =	sshll.u32 s0, $0xA;
	s2 =	sadd.s32 s3, s2  }
0x8d: {  	s2 =	sadd.s32 s2, s17  }
0x8e: {  	[smem:$0x3FC3] =	sst s2  }
0x8f: {  	_ = 	snop  }
0x90: {  	s2 =	sld [smem:$0x3FD0];
	(tm) =	ssettm $0x1  }
0x91: {  	s18 =	sld [smem:$0x3FFB];
	_ =	sdelay $0x3  }
0x92: {  	_ =	strace s18  }
0x93: {  	s3 =	sld [smem:$0x3FFC];
	_ =	sdelay $0x3  }
0x94: {  	_ =	strace s3  }
0x95: {  	s3 =	sld [smem:$0x3FFD];
	_ =	sdelay $0x3  }
0x96: {  	_ =	strace s3  }
0x97: {  	_ =	strace $0x8FFFFFFF  }
0x98: {  	s19 =	sld [smem:$0x3FDB];
	_ =	sdelay $0x1  }
0x99: {  	s4 =	simm.s32 $_scs_section_size  }
0x9a: {  	s5 =	simm.s32 $_size__tile_overlayer_lowered;
	s6 =	simm.s32 $_tile_overlayer_lowered  }
0x9b: {  	s22 =	simm.s32 $0x1BFF;
	s21 =	sshll.u32 s6, $0x1;
	s3 =	sadd.s32 s4, s19  }
0x9c: {  	s7 =	simm.s32 $0x0;
	s20 =	sshll.u32 s5, $0x1;
	s5 =	sadd.s32 s21, s3  }
0x9d: {  	[timem:s7], [sflag:s22] =	dma.local [hbm:s5], s20  }
0x9e: {  	_ =	swait.ge [sflag:s22], s20  }
0x9f: {  	s4 =	ssub.s32 $0x0, s20;
	[sflag:s22] =	ssyncset.done $0x0  }
0xa0: {  	[sflag:s22] =	ssyncadd.s32 s4;
	_ =	sdelay $0x1  }
0xa1: {  	s23 =	simm.s32 $0x1B8B  }
0xa2: {  	_ =	swait.ge [sflag:s23], $0x1  }
0xa3: {  	[sflag:s23] =	ssyncset.done $0x0  }
0xa4: {  	s25 =	simm.s32 $0x1B8E;
	s24 =	sld [smem:$0x3FFE];
	[sflag:s23] =	ssyncadd.s32 $0xFFFFFFFF  }
0xa5: {  	s26 =	simm.s32 $execute0_lowered;
	[smem:$0x3FD2] =	sst s25  }
0xa6: {  	s5 =	sshll.u32 s26, $0x1;
	_ =	strace $0x80000046;
	[dreg:$0x1] =	wrdreg $0xFFFFFFFF  }
0xa7: {  	s28 =	simm.s32 $_size_execute0_lowered;
	s3 =	sadd.s32 s3, s5;
	[dreg:$0x0] =	wrdreg $0x0  }
0xa8: {  	s5 =	sshll.u32 s28, $0x1;
	[dreg:$0x2] =	wrdreg s3  }
0xa9: {  	[dreg:$0x3] =	wrdreg s5  }
0xaa: {  	[dreg:$0x4] =	wrdreg $0xC0  }
0xab: {  	_ =	task [dreg:s7], $0x5FFFF  }
0xac: {  	[dreg:$0x1] =	wrdreg $0xFFFFFFFF  }
0xad: {  	[dreg:$0x0] =	wrdreg $0x60  }
0xae: {  	[dreg:$0x2] =	wrdreg s24  }
0xaf: {  	[dreg:$0x3] =	wrdreg s2  }
0xb0: {  	[dreg:$0x4] =	wrdreg $0x9  }
0xb1: {  	_ =	task.clear_ibuf [dreg:s7], $0x5FFFF;
	_ =	strace $0x90000046  }
0xb2: {  	s29 =	simm.s32 $0x9;
	_ =	strace $0x80000048  }
0xb3: {  	_ =	swait.ge [sflag:s29], $0x1  }
0xb4: {  	[sflag:s29] =	ssyncadd.s32 $0xFFFFFFFF  }
0xb5: {  	_ =	strace $0x90000048  }
0xb6: {  	_ =	sfence  }
0xb7: {  	s30 =	sld [smem:$0x0];
	_ =	sdelay $0x2  }
0xb8: {  	s31 =	sshll.u32 s1, $0xD;
	s1 =	sshrl.u32 s1, $0x2  }
0xb9: {  	s3 =	sand.u32 $0x4000, s31;
	s1 =	sadd.s32 s1, s30  }
0xba: {  	s0 =	sor.u32 s3, s0;
	s1 =	sshll.u32 s1, $0x11  }
0xbb: {  	s0 =	sor.u32 s1, s0  }
0xbc: {  	s0 =	sadd.s32 $0x8F2B, s0  }
0xbd: {  	[sflag:s0] =	ssyncadd.remote.s32 $0x1  }
0xbe: {  	_ =	sfence.sel $0xFFFF  }
0xbf: {  	[dreg:$0x0] =	wrdreg $0xFFFFFFFF;
	(pc) =	sbr.abs _section_cstart, $3  }
0xc0: {  	[dreg:$0x1] =	wrdreg $0xFFFFFFFF  }
0xc1: {  	_ =	task.clear_ibuf [dreg:s7], $0x2FFFF;
	_ =	strace $0x9FFFFFFF  }
0xc2: {  	(tm) =	ssettm $0x7FFFFFFF  }
0xc3: {  	_ =	shalt  }
tec
execute0_lowered:
.L_overlay_start_1:
0x0: {  	(tag) =	ssettag $0x1  }
0x1: {  	s0 =	srdreg.scid  }
0x2: {  	s1 =	stileid.u32;
	s2 =	rddreg [dreg:$0x0]  }
0x3: {  	s3 =	rddreg [dreg:$0x1];
	s4 =	simm.s32 $0x0;
	s11 =	simm.s32 $0x6C00  }
0x4: {  	s12 =	simm.s32 $0x3;
	s13 =	simm.s32 $0xA00;
	s14 =	simm.s32 $0x1400  }
0x5: {  	s15 =	simm.s32 $0x2800;
	s16 =	simm.s32 $0x60;
	s17 =	simm.s32 $0x3C00  }
0x6: {  	s18 =	simm.s32 $0x1;
	s19 =	simm.s32 $0x2;
	s20 =	simm.s32 $0x12080  }
0x7: {  	v1 =	vlaneseq.u32;
	v2 =	vimm.f32 $0.0e+00;
	s21 =	simm.s32 $0x8000;
	s0 =	sand.u32 $0x1, s0;
	s1 =	sshll.u32 s1, $0x1  }
0x8: {  	v5 =	vimm.s32 $0x0;
	v16 =	vimm.s32 $0x1;
	v17 =	vimm.s32 $0x2;
	s22 =	simm.s32 $0x0;
	[smem:$0x7FF] =	sst s4;
	s1 =	sor.u32 s0, s1  }
0x9: {  	v18 =	vimm.s32 $0x3;
	v19 =	vimm.s32 $0x4;
	v20 =	vimm.s32 $0x5;
	s5 =	sadd.s32 $0x9E00, s2;
	s30 =	sadd.s32 $0x9F40, s2;
	s6 =	smul.u32 $0x280, s1  }
0xa: {  	v21 =	vimm.s32 $0x6;
	v3 =	vshrl.u32 v1, $0x3;
	v4 =	vmul.u32 $0x2, v1;
	s31 =	sadd.s32 $0x140, s2;
	_ =	strace $0x80000047;
	s7 =	smul.u32 $0x140, s1  }
0xb: {  	v22 =	vimm.s32 $0x7;
	s0 =	ssub.s32 $0x2, s0;
	[dreg:$0x4] =	wrdreg s30;
	v6 =	vor.u32 $0x2, v3;
	v7 =	vor.u32 $0x4, v3;
	s1 =	smul.u32 $0x1400, s1  }
0xc: {  	[dreg:$0x5] =	wrdreg s31;
	v8 =	vor.u32 $0x6, v3;
	s29 =	sshrl.u32 s0, $0x1;
	v9 =	vor.u32 $0x1, v4;
	v10 =	vor.u32 $0x20, v4;
	s6 =	sadd.s32 s6, s2  }
0xd: {  	v11 =	vor.u32 $0x21, v4;
	v12 =	vor.u32 $0x40, v4;
	v13 =	vor.u32 $0x41, v4;
	s0 =	ssub.s32 s0, s29;
	s1 =	sadd.s32 s1, s2;
	s6 =	sadd.s32 $0x13C00, s6  }
0xe: {  	v14 =	vor.u32 $0x60, v4;
	v15 =	vor.u32 $0x61, v4;
	v0 =	vmov s7;
	s10 =	smax.u32 s0, $0x1;
	s9 =	sadd.s32 $0x18C00, s1;
	[dreg:$0x3] =	wrdreg s6  }
.LBB2_1:
0xf: {  	s0 =	simm.s32 $0x8040  }
0x10: {  	[tilespmem:s0+$0xFFFFFFD0] =	vst v2  }
0x11: {  	[tilespmem:s0+$0xFFFFFFE0] =	vst v2  }
0x12: {  	[tilespmem:s0+$0xFFFFFFF0] =	vst v2  }
0x13: {  	[tilespmem:s0+$0x0] =	vst v2  }
0x14: {  	[tilespmem:s0+$0x10] =	vst v2  }
0x15: {  	[tilespmem:s0+$0x20] =	vst v2  }
0x16: {  	[tilespmem:s0+$0x30] =	vst v2  }
0x17: {  	s6 =	simm.s32 $0x0;
	s1 =	simm.s32 $0x40;
	[tilespmem:s0+$0xFFFFFFC0] =	vst v2  }
.LBB2_2:
0x18: {  	p0 =	sne.s32 s1, $0x5000;
	[tilespmem:s6+$0x12080] =	vst v2;
	s0 =	sadd.s32 $0x80, s0  }
0x19: {  	[tilespmem:s0+$0xFFFFFFD0] =	vst v2  }
0x1a: {  	[tilespmem:s0+$0xFFFFFFE0] =	vst v2  }
0x1b: {  	[tilespmem:s0+$0xFFFFFFF0] =	vst v2  }
.Ltmp0:
0x1c: {  	[tilespmem:s0+$0x0] =	vst v2;
	(pc) =	sbr.rel @p0 .LBB2_2-.Ltmp0, $4  }
0x1d: {  	[tilespmem:s0+$0x10] =	vst v2  }
0x1e: {  	[tilespmem:s0+$0x20] =	vst v2  }
0x1f: {  	[tilespmem:s0+$0x30] =	vst v2  }
0x20: {  	s6 =	sshra.s32 s1, $0x2;
	s1 =	sadd.s32 $0x40, s1;
	[tilespmem:s0+$0xFFFFFFC0] =	vst v2  }
0x21: {  	[tilespmem:s6+$0x12080] =	vst v2;
	s0 =	simm.s32 $0x40;
	s1 =	simm.s32 $0x0  }
.LBB2_4:
0x22: {  	p0 =	sne.s32 s0, $0x4FC0;
	[tilespmem:s1+$0x1400] =	vst v5;
	s6 =	smov.u32 s0;
	s0 =	sadd.s32 $0x40, s0  }
.Ltmp1:
0x23: {  	[tilespmem:s1+$0x2800] =	vst v5;
	(pc) =	sbr.rel @p0 .LBB2_4-.Ltmp1, $2  }
0x24: {  	_ =	sdelay $0x2  }
0x25: {  	s1 =	sshra.s32 s6, $0x2  }
0x26: {  	[tilespmem:s1+$0x1400] =	vst v5  }
0x27: {  	[tilespmem:s1+$0x2800] =	vst v5;
	s0 =	simm.s32 $0x0;
	s30 =	rddreg [dreg:$0x3]  }
0x28: {  	[tilespmem:s11], [sflag:$0x3] =	stream.linear.gather [hbm4b:s30+s0], $0x1400, $0x38;
	[tilespmem:$0x13500] =	vst v63  }
0x29: {  	_ =	swait.ge [sflag:s12], $0x1400  }
0x2a: {  	[sflag:s12] =	ssyncset.done $0x0  }
0x2b: {  	[sflag:s12] =	ssyncadd.s32 $0xFFFFEC00  }
0x2c: {  	[tilespmem:s0], [sflag:$0x3] =	stream.linear.gather [hbm4b:s5+s0], $0xA00, $0x38;
	[tilespmem:$0x13500] =	vst v63  }
0x2d: {  	_ =	swait.ge [sflag:s12], $0xA00  }
0x2e: {  	[sflag:s12] =	ssyncset.done $0x0  }
0x2f: {  	[sflag:s12] =	ssyncadd.s32 $0xFFFFF600  }
0x30: {  	[tilespmem:s13], [sflag:$0x3] =	stream.linear.gather [hbm4b:s2+s0], $0xA00, $0x38;
	[tilespmem:$0x13500] =	vst v63  }
0x31: {  	_ =	swait.ge [sflag:s12], $0xA00  }
0x32: {  	[sflag:s12] =	ssyncset.done $0x0  }
0x33: {  	s31 =	simm.s32 $0x0;
	[sflag:s12] =	ssyncadd.s32 $0xFFFFF600  }
0x34: {  	v23 =	vld [tilespmem:s31+$0xA00];
	_ =	sdelay $0x1  }
0x35: {  	v24 =	vld [tilespmem:s31+$0xA10];
	_ =	sdelay $0x1  }
0x36: {  	v25 =	vld [tilespmem:s31+$0xA20]  }
0x37: {  	v23 =	vsub.s32 v23, v0  }
0x38: {  	v26 =	vld [tilespmem:s31+$0xA30];
	vm1 =	vlt.u32 v23, $0x140  }
0x39: {  	v27 =	vsub.s32 v24, v0;
	v24 =	vsel vm1, $0x1, v5  }
0x3a: {  	vm2 =	vlt.u32 v27, $0x140;
	(xrf0) =	vadd.scan.msk.s32 $0xffff, v24  }
0x3b: {  	v28 =	vsub.s32 v25, v0;
	v24 =	vsel vm2, $0x1, v5  }
0x3c: {  	vm3 =	vlt.u32 v28, $0x140;
	(xrf0) =	vadd.scan.msk.s32 $0xffff, v24  }
0x3d: {  	v25 =	vsel vm3, $0x1, v5;
	v24 =	vsub.s32 v26, v0  }
0x3e: {  	vm0 =	vlt.u32 v24, $0x140;
	(xrf0) =	vadd.scan.msk.s32 $0xffff, v25  }
0x3f: {  	v25 =	vsel vm0, $0x1, v5  }
0x40: {  	v29 =	vmpcnt.ones.xlane vm1;
	v26 =	vimm.s32 $0x0;
	v30, _, _ =	vpop (xrf0);
	(xrf0) =	vadd.scan.msk.s32 $0xffff, v25  }
0x41: {  	v25 =	vadd.s32 v30, v26  }
0x42: {  	v31 =	vld [tilespmem:s31+$0x0];
	v59 =	vmpcnt.ones.xlane vm2;
	v26 =	vadd.s32 v26, v29;
	v60, _, _ =	vpop (xrf0);
	v25 =	vadd.s32 $0xFFFFFFFF, v25  }
0x43: {  	v29 =	vadd.s32 v26, v60  }
0x44: {  	v61 =	vld [tilespmem:s31+$0x10];
	v32 =	vmpcnt.ones.xlane vm3;
	v26 =	vadd.s32 v59, v26;
	v33, _, _ =	vpop (xrf0);
	v29 =	vadd.s32 $0xFFFFFFFF, v29  }
0x45: {  	v33 =	vadd.s32 v26, v33  }
0x46: {  	v35 =	vld [tilespmem:s31+$0x20];
	v26 =	vadd.s32 v32, v26;
	v33 =	vadd.s32 $0xFFFFFFFF, v33;
	v62, _, _ =	vpop (xrf0)  }
0x47: {  	v34 =	vld [tilespmem:s31+$0x30];
	[tilespmem:v25+s14+$0x0] =	vst.idx.msk vm1, v31;
	v63 =	vadd.s32 v26, v62  }
0x48: {  	[tilespmem:v25+s15+$0x0] =	vst.idx.msk vm1, v23;
	v25 =	vadd.s32 $0xFFFFFFFF, v63  }
0x49: {  	[tilespmem:v29+s14+$0x0] =	vst.idx.msk vm2, v61  }
0x4a: {  	[tilespmem:v29+s15+$0x0] =	vst.idx.msk vm2, v27  }
0x4b: {  	v23 =	vmpcnt.ones.xlane vm0;
	[tilespmem:v33+s14+$0x0] =	vst.idx.msk vm3, v35  }
0x4c: {  	[tilespmem:v33+s15+$0x0] =	vst.idx.msk vm3, v28  }
0x4d: {  	s1 =	simm.s32 $0x200;
	s0 =	simm.s32 $0x100;
	v23 =	vadd.s32 v23, v26;
	[tilespmem:v25+s14+$0x0] =	vst.idx.msk vm0, v34  }
.LBB2_6:
0x4e: {  	p0 =	sne.s32 s1, $0x2700  }
0x4f: {  	s6 =	sshra.s32 s0, $0x2;
	[tilespmem:v25+s15+$0x0] =	vst.idx.msk vm0, v24;
	s0 =	smov.u32 s1;
	s1 =	sadd.s32 $0x100, s1  }
0x50: {  	v24 =	vld [tilespmem:s6+$0xA00];
	_ =	sdelay $0x1  }
0x51: {  	v25 =	vld [tilespmem:s6+$0xA10];
	_ =	sdelay $0x1  }
0x52: {  	v26 =	vld [tilespmem:s6+$0xA20]  }
0x53: {  	v27 =	vsub.s32 v24, v0  }
0x54: {  	v24 =	vld [tilespmem:s6+$0xA30];
	vm1 =	vlt.u32 v27, $0x140  }
0x55: {  	v28 =	vsub.s32 v25, v0;
	v25 =	vsel vm1, $0x1, v5;
	v29 =	vmpcnt.ones.xlane vm1  }
0x56: {  	vm2 =	vlt.u32 v28, $0x140;
	(xrf0) =	vadd.scan.msk.s32 $0xffff, v25  }
0x57: {  	v26 =	vsub.s32 v26, v0;
	v25 =	vsel vm2, $0x1, v5;
	v30 =	vmpcnt.ones.xlane vm2  }
0x58: {  	vm3 =	vlt.u32 v26, $0x140;
	(xrf0) =	vadd.scan.msk.s32 $0xffff, v25  }
0x59: {  	v24 =	vsub.s32 v24, v0;
	v25 =	vsel vm3, $0x1, v5  }
0x5a: {  	vm0 =	vlt.u32 v24, $0x140;
	(xrf0) =	vadd.scan.msk.s32 $0xffff, v25  }
0x5b: {  	v25 =	vsel vm0, $0x1, v5  }
0x5c: {  	v31, _, _ =	vpop (xrf0);
	(xrf0) =	vadd.scan.msk.s32 $0xffff, v25  }
0x5d: {  	v25 =	vadd.s32 v31, v23  }
0x5e: {  	v23 =	vadd.s32 v23, v29;
	v31 =	vld [tilespmem:s6+$0x0];
	v25 =	vadd.s32 $0xFFFFFFFF, v25;
	v29, _, _ =	vpop (xrf0)  }
0x5f: {  	v29 =	vadd.s32 v23, v29;
	v23 =	vadd.s32 v30, v23  }
0x60: {  	v37 =	vmpcnt.ones.xlane vm3;
	v30 =	vld [tilespmem:s6+$0x10];
	v29 =	vadd.s32 $0xFFFFFFFF, v29;
	v33, _, _ =	vpop (xrf0)  }
0x61: {  	v35 =	vmpcnt.ones.xlane vm0;
	v34 =	vld [tilespmem:s6+$0x30];
	v33 =	vadd.s32 v23, v33  }
0x62: {  	v23 =	vadd.s32 v37, v23;
	v36 =	vld [tilespmem:s6+$0x20];
	v33 =	vadd.s32 $0xFFFFFFFF, v33;
	v32, _, _ =	vpop (xrf0)  }
0x63: {  	[tilespmem:v25+s14+$0x0] =	vst.idx.msk vm1, v31;
	v31 =	vadd.s32 v23, v32;
	v23 =	vadd.s32 v35, v23  }
0x64: {  	[tilespmem:v25+s15+$0x0] =	vst.idx.msk vm1, v27;
	v25 =	vadd.s32 $0xFFFFFFFF, v31  }
.Ltmp2:
0x65: {  	[tilespmem:v29+s14+$0x0] =	vst.idx.msk vm2, v30;
	(pc) =	sbr.rel @p0 .LBB2_6-.Ltmp2, $4  }
0x66: {  	[tilespmem:v29+s15+$0x0] =	vst.idx.msk vm2, v28  }
0x67: {  	[tilespmem:v33+s14+$0x0] =	vst.idx.msk vm3, v36  }
0x68: {  	[tilespmem:v33+s15+$0x0] =	vst.idx.msk vm3, v26  }
0x69: {  	[tilespmem:v25+s14+$0x0] =	vst.idx.msk vm0, v34  }
0x6a: {  	_ =	sdelay $0x4  }
0x6b: {  	s0 =	sshra.s32 s0, $0x2;
	[tilespmem:v25+s15+$0x0] =	vst.idx.msk vm0, v24  }
0x6c: {  	v24 =	vld [tilespmem:s0+$0xA00]  }
0x6d: {  	v25 =	vld [tilespmem:s0+$0xA10]  }
0x6e: {  	v26 =	vld [tilespmem:s0+$0xA20]  }
0x6f: {  	v27 =	vld [tilespmem:s0+$0xA30];
	_ =	sdelay $0x2  }
0x70: {  	v24 =	vsub.s32 v24, v0  }
0x71: {  	v25 =	vsub.s32 v25, v0;
	v26 =	vsub.s32 v26, v0;
	vm15 =	vlt.u32 v24, $0x140  }
0x72: {  	v27 =	vsub.s32 v27, v0;
	vm1 =	vlt.u32 v25, $0x140;
	v29 =	vmpcnt.ones.xlane vm15  }
0x73: {  	vm2 =	vlt.u32 v26, $0x140;
	v28 =	vsel vm15, $0x1, v5;
	v30 =	vmpcnt.ones.xlane vm1  }
0x74: {  	vm3 =	vlt.u32 v27, $0x140;
	v31 =	vmpcnt.ones.xlane vm2;
	(xrf0) =	vadd.scan.msk.s32 $0xffff, v28;
	v29 =	vadd.s32 v23, v29  }
0x75: {  	v54 =	vsel vm1, $0x1, v5;
	v32 =	vmpcnt.ones.xlane vm3;
	v30 =	vadd.s32 v30, v29  }
0x76: {  	v55 =	vsel vm2, $0x1, v5;
	(xrf0) =	vadd.scan.msk.s32 $0xffff, v54;
	v31 =	vadd.s32 v31, v30  }
0x77: {  	v56 =	vsel vm3, $0x1, v5;
	(xrf0) =	vadd.scan.msk.s32 $0xffff, v55;
	v32 =	vadd.s32 v32, v31  }
0x78: {  	(xrf0) =	vadd.scan.msk.s32 $0xffff, v56;
	v57 =	vxor.u32 $0x80000000, v32  }
0x79: {  	(xrf0) =	vmax.scan.msk.u32 $0xffff, v57  }
0x7a: {  	v58, _, _ =	vpop (xrf0)  }
0x7b: {  	v23 =	vadd.s32 v58, v23  }
0x7c: {  	v60 =	vld [tilespmem:s0+$0x0];
	v59, _, _ =	vpop (xrf0);
	v23 =	vadd.s32 $0xFFFFFFFF, v23  }
0x7d: {  	v33, _, _ =	vpop (xrf0);
	v29 =	vadd.s32 v29, v59  }
0x7e: {  	v34 =	vld [tilespmem:s0+$0x10];
	v61, _, _ =	vpop (xrf0);
	v29 =	vadd.s32 $0xFFFFFFFF, v29  }
0x7f: {  	v30 =	vadd.s32 v30, v33;
	v35, _, _ =	vpop (xrf0)  }
0x80: {  	v62 =	vld [tilespmem:s0+$0x20];
	v30 =	vadd.s32 $0xFFFFFFFF, v30;
	(v2sf) =	vpush v35, $0xF  }
0x81: {  	v36 =	vld [tilespmem:s0+$0x30];
	v63 =	vadd.s32 v31, v61;
	[tilespmem:v23+s14+$0x0] =	vst.idx.msk vm15, v60  }
0x82: {  	[tilespmem:v23+s15+$0x0] =	vst.idx.msk vm15, v24;
	v23 =	vadd.s32 $0xFFFFFFFF, v63  }
0x83: {  	[tilespmem:v29+s14+$0x0] =	vst.idx.msk vm1, v34  }
0x84: {  	[tilespmem:v29+s15+$0x0] =	vst.idx.msk vm1, v25  }
0x85: {  	[tilespmem:v30+s14+$0x0] =	vst.idx.msk vm2, v62  }
0x86: {  	[tilespmem:v30+s15+$0x0] =	vst.idx.msk vm2, v26  }
0x87: {  	[tilespmem:v23+s14+$0x0] =	vst.idx.msk vm3, v36  }
0x88: {  	s25 =	simm.s32 $0x0;
	s30 =	rddreg [dreg:$0x4];
	[tilespmem:v23+s15+$0x0] =	vst.idx.msk vm3, v27  }
0x89: {  	[tilespmem:s25], [sflag:$0x1] =	stream.linear.gather [hbm4b:s30+s25], $0xA00, $0x38;
	[tilespmem:$0x13500] =	vst v63  }
0x8a: {  	s31 =	rddreg [dreg:$0x5]  }
0x8b: {  	[tilespmem:s13], [sflag:$0x1] =	stream.linear.gather [hbm4b:s31+s25], $0xA00, $0x38;
	[tilespmem:$0x13500] =	vst v63  }
.Ltmp3:
0x8c: {  	_ = 	snop;
	(pc) =	sbr.rel .LBB2_8-.Ltmp3, $4  }
0x8d: {  	_ = 	snop  }
0x8e: {  	[tilespmem:s17], [sflag:$0x2] =	stream.indirect.gather [hbm4b:s3+s16], $0x80, s14, s16, $0xb8;
	[tilespmem:$0x13500] =	vst v63  }
0x8f: {  	s24 =	spop (v2sf)  }
0x90: {  	s23 =	sxor.u32 $0x80000000, s24  }
.LBB2_27:
0x91: {  	p0 =	sne.s32 s25, $0x7B  }
.Ltmp4:
0x92: {  	_ = 	snop;
	(pc) =	sbr.rel @!p0 .LBB2_28-.Ltmp4, $3  }
0x93: {  	_ =	sdelay $0x1  }
0x94: {  	s0 =	sadd.s32 $0x1400, s26;
	s23 =	sxor.u32 $0x80000000, s24  }
0x95: {  	[tilespmem:s17], [sflag:$0x2] =	stream.indirect.gather [hbm4b:s3+s16], $0x80, s0, s16, $0xb8;
	[tilespmem:$0x13500] =	vst v63  }
.LBB2_8:
0x96: {  	_ =	swait.ge [sflag:s18], $0xA00  }
0x97: {  	[sflag:s18] =	ssyncset.done $0x0  }
0x98: {  	[sflag:s18] =	ssyncadd.s32 $0xFFFFF600  }
0x99: {  	_ =	swait.ge [sflag:s18], $0xA00  }
0x9a: {  	[sflag:s18] =	ssyncset.done $0x0  }
0x9b: {  	s1 =	simm.s32 $0x0;
	[sflag:s18] =	ssyncadd.s32 $0xFFFFF600  }
0x9c: {  	v23 =	vld [tilespmem:s1+$0xA00]  }
0x9d: {  	v24 =	vld [tilespmem:s1+$0xA10];
	_ =	sdelay $0x1  }
0x9e: {  	v25 =	vld [tilespmem:s1+$0xA20];
	_ =	sdelay $0x1  }
0x9f: {  	v26 =	vld [tilespmem:s1+$0xA30];
	v27 =	vsub.s32 v23, v0  }
0xa0: {  	s0 =	smov.u32 s25;
	s25 =	sadd.s32 $0x1, s25;
	v24 =	vsub.s32 v24, v0;
	vm2 =	vlt.u32 v27, $0x140  }
0xa1: {  	s6 =	sand.u32 $0x1, s25;
	vm1 =	vlt.u32 v24, $0x140;
	v23 =	vsel vm2, $0x1, v5  }
0xa2: {  	s26 =	simm.s32 $0xA00;
	p0 =	seq.s32 s6, $0x1;
	v28 =	vsub.s32 v25, v0;
	v25 =	vsel vm1, $0x1, v5;
	(xrf0) =	vadd.scan.msk.s32 $0xffff, v23  }
0xa3: {  	s26 =	simm.s32 @!p0 $0x0;
	vm3 =	vlt.u32 v28, $0x140;
	(xrf0) =	vadd.scan.msk.s32 $0xffff, v25  }
0xa4: {  	v23 =	vmov s26;
	v25 =	vsub.s32 v26, v0;
	v26 =	vsel vm3, $0x1, v5  }
0xa5: {  	v23 =	vadd.s32 $0xFFFFFFFF, v23;
	vm0 =	vlt.u32 v25, $0x140;
	(xrf0) =	vadd.scan.msk.s32 $0xffff, v26  }
0xa6: {  	v23 =	vbroadcast v23, $0x0;
	v26 =	vsel vm0, $0x1, v5  }
0xa7: {  	v29 =	vimm.s32 $0x0;
	(xrf0) =	vadd.scan.msk.s32 $0xffff, v26  }
0xa8: {  	v26 =	vmpcnt.ones.xlane vm2;
	v30 =	vadd.s32 v29, v23;
	v31, _, _ =	vpop (xrf0)  }
0xa9: {  	v32 =	vld [tilespmem:s1+$0x0];
	v30 =	vadd.s32 v31, v30;
	v59, _, _ =	vpop (xrf0)  }
0xaa: {  	v33 =	vmpcnt.ones.xlane vm1;
	v26 =	vadd.s32 v29, v26;
	v60 =	vadd.s32 v59, v23  }
0xab: {  	v61 =	vld [tilespmem:s1+$0x10];
	v34, _, _ =	vpop (xrf0);
	v29 =	vadd.s32 v26, v60  }
0xac: {  	v35 =	vmpcnt.ones.xlane vm3;
	v26 =	vadd.s32 v33, v26;
	v34 =	vadd.s32 v34, v23  }
0xad: {  	v36 =	vld [tilespmem:s1+$0x20];
	v34 =	vadd.s32 v26, v34;
	v37, _, _ =	vpop (xrf0)  }
0xae: {  	v62 =	vld [tilespmem:s1+$0x30];
	v63 =	vadd.s32 v35, v26;
	v26 =	vadd.s32 v37, v23;
	[tilespmem:v30+s14+$0x0] =	vst.idx.msk vm2, v32  }
0xaf: {  	v26 =	vadd.s32 v63, v26;
	[tilespmem:v30+s15+$0x0] =	vst.idx.msk vm2, v27  }
0xb0: {  	[tilespmem:v29+s14+$0x0] =	vst.idx.msk vm1, v61  }
0xb1: {  	[tilespmem:v29+s15+$0x0] =	vst.idx.msk vm1, v24  }
0xb2: {  	v24 =	vmpcnt.ones.xlane vm0;
	[tilespmem:v34+s14+$0x0] =	vst.idx.msk vm3, v36  }
0xb3: {  	[tilespmem:v34+s15+$0x0] =	vst.idx.msk vm3, v28  }
0xb4: {  	s29 =	smov.u32 s24;
	s6 =	simm.s32 $0x200;
	s1 =	simm.s32 $0x100;
	v24 =	vadd.s32 v24, v63;
	[tilespmem:v26+s14+$0x0] =	vst.idx.msk vm0, v62  }
.LBB2_9:
0xb5: {  	p0 =	sne.s32 s6, $0x2700  }
0xb6: {  	s7 =	sshra.s32 s1, $0x2;
	[tilespmem:v26+s15+$0x0] =	vst.idx.msk vm0, v25;
	s1 =	smov.u32 s6;
	s6 =	sadd.s32 $0x100, s6  }
0xb7: {  	v25 =	vld [tilespmem:s7+$0xA00]  }
0xb8: {  	v26 =	vld [tilespmem:s7+$0xA10];
	_ =	sdelay $0x1  }
0xb9: {  	v27 =	vld [tilespmem:s7+$0xA20];
	_ =	sdelay $0x1  }
0xba: {  	v28 =	vld [tilespmem:s7+$0xA30];
	v29 =	vsub.s32 v25, v0  }
0xbb: {  	v30 =	vsub.s32 v26, v0;
	vm2 =	vlt.u32 v29, $0x140  }
0xbc: {  	vm1 =	vlt.u32 v30, $0x140;
	v25 =	vsel vm2, $0x1, v5;
	v26 =	vmpcnt.ones.xlane vm2  }
0xbd: {  	v27 =	vsub.s32 v27, v0;
	v31 =	vsel vm1, $0x1, v5;
	v32 =	vmpcnt.ones.xlane vm1;
	(xrf0) =	vadd.scan.msk.s32 $0xffff, v25  }
0xbe: {  	vm3 =	vlt.u32 v27, $0x140;
	(xrf0) =	vadd.scan.msk.s32 $0xffff, v31  }
0xbf: {  	v25 =	vsub.s32 v28, v0;
	v28 =	vsel vm3, $0x1, v5  }
0xc0: {  	vm0 =	vlt.u32 v25, $0x140;
	(xrf0) =	vadd.scan.msk.s32 $0xffff, v28  }
0xc1: {  	v28 =	vsel vm0, $0x1, v5  }
0xc2: {  	(xrf0) =	vadd.scan.msk.s32 $0xffff, v28  }
0xc3: {  	v28 =	vadd.s32 v24, v23;
	v31, _, _ =	vpop (xrf0)  }
0xc4: {  	v33 =	vld [tilespmem:s7+$0x0];
	v28 =	vadd.s32 v31, v28;
	v31, _, _ =	vpop (xrf0)  }
0xc5: {  	v24 =	vadd.s32 v24, v26;
	v35 =	vadd.s32 v31, v23  }
0xc6: {  	v31 =	vld [tilespmem:s7+$0x10];
	v34 =	vadd.s32 v24, v35;
	v24 =	vadd.s32 v32, v24;
	v26, _, _ =	vpop (xrf0)  }
0xc7: {  	v35 =	vmpcnt.ones.xlane vm3;
	v32 =	vld [tilespmem:s7+$0x30];
	v39 =	vadd.s32 v26, v23  }
0xc8: {  	v37 =	vmpcnt.ones.xlane vm0;
	v36 =	vld [tilespmem:s7+$0x20];
	v38 =	vadd.s32 v24, v39;
	v26, _, _ =	vpop (xrf0)  }
0xc9: {  	v24 =	vadd.s32 v35, v24;
	[tilespmem:v28+s14+$0x0] =	vst.idx.msk vm2, v33;
	v26 =	vadd.s32 v26, v23  }
0xca: {  	[tilespmem:v28+s15+$0x0] =	vst.idx.msk vm2, v29;
	v26 =	vadd.s32 v24, v26;
	v24 =	vadd.s32 v37, v24  }
.Ltmp5:
0xcb: {  	[tilespmem:v34+s14+$0x0] =	vst.idx.msk vm1, v31;
	(pc) =	sbr.rel @p0 .LBB2_9-.Ltmp5, $4  }
0xcc: {  	[tilespmem:v34+s15+$0x0] =	vst.idx.msk vm1, v30  }
0xcd: {  	[tilespmem:v38+s14+$0x0] =	vst.idx.msk vm3, v36  }
0xce: {  	[tilespmem:v38+s15+$0x0] =	vst.idx.msk vm3, v27  }
0xcf: {  	[tilespmem:v26+s14+$0x0] =	vst.idx.msk vm0, v32  }
0xd0: {  	_ =	sdelay $0x4  }
0xd1: {  	s1 =	sshra.s32 s1, $0x2;
	[tilespmem:v26+s15+$0x0] =	vst.idx.msk vm0, v25  }
0xd2: {  	v25 =	vld [tilespmem:s1+$0xA00]  }
0xd3: {  	v26 =	vld [tilespmem:s1+$0xA10]  }
0xd4: {  	v27 =	vld [tilespmem:s1+$0xA20]  }
0xd5: {  	v28 =	vld [tilespmem:s1+$0xA30];
	_ =	sdelay $0x2  }
0xd6: {  	v25 =	vsub.s32 v25, v0  }
0xd7: {  	v26 =	vsub.s32 v26, v0;
	v27 =	vsub.s32 v27, v0;
	vm2 =	vlt.u32 v25, $0x140  }
0xd8: {  	v28 =	vsub.s32 v28, v0;
	vm15 =	vlt.u32 v26, $0x140;
	v30 =	vmpcnt.ones.xlane vm2  }
0xd9: {  	vm3 =	vlt.u32 v27, $0x140;
	vm1 =	vlt.u32 v28, $0x140;
	v31 =	vmpcnt.ones.xlane vm15  }
0xda: {  	v29 =	vsel vm2, $0x1, v5;
	v32 =	vmpcnt.ones.xlane vm3;
	v30 =	vadd.s32 v24, v30  }
0xdb: {  	v33 =	vsel vm15, $0x1, v5;
	v54 =	vmpcnt.ones.xlane vm1;
	(xrf0) =	vadd.scan.msk.s32 $0xffff, v29;
	v53 =	vadd.s32 v31, v30  }
0xdc: {  	v55 =	vsel vm3, $0x1, v5;
	(xrf0) =	vadd.scan.msk.s32 $0xffff, v33;
	v32 =	vadd.s32 v32, v53  }
0xdd: {  	v56 =	vsel vm1, $0x1, v5;
	(xrf0) =	vadd.scan.msk.s32 $0xffff, v55;
	v31 =	vadd.s32 v54, v32  }
0xde: {  	(xrf0) =	vadd.scan.msk.s32 $0xffff, v56;
	v31 =	vxor.u32 $0x80000000, v31  }
0xdf: {  	(xrf0) =	vmax.scan.msk.u32 $0xffff, v31;
	_ =	sdelay $0x1  }
0xe0: {  	v57, _, _ =	vpop (xrf0)  }
0xe1: {  	v58, _, _ =	vpop (xrf0)  }
0xe2: {  	v59 =	vadd.s32 v24, v23;
	v34, _, _ =	vpop (xrf0)  }
0xe3: {  	v60 =	vld [tilespmem:s1+$0x0];
	v24 =	vadd.s32 v57, v59;
	v35, _, _ =	vpop (xrf0)  }
0xe4: {  	v61 =	vadd.s32 v58, v23;
	v36, _, _ =	vpop (xrf0)  }
0xe5: {  	v62 =	vld [tilespmem:s1+$0x10];
	v30 =	vadd.s32 v30, v61;
	(v2sf) =	vpush v36, $0xF  }
0xe6: {  	v34 =	vadd.s32 v34, v23  }
0xe7: {  	v37 =	vld [tilespmem:s1+$0x20];
	v29 =	vadd.s32 v53, v34  }
0xe8: {  	v63 =	vld [tilespmem:s1+$0x30];
	v23 =	vadd.s32 v35, v23;
	[tilespmem:v24+s14+$0x0] =	vst.idx.msk vm2, v60  }
0xe9: {  	v23 =	vadd.s32 v32, v23;
	[tilespmem:v24+s15+$0x0] =	vst.idx.msk vm2, v25  }
0xea: {  	[tilespmem:v30+s14+$0x0] =	vst.idx.msk vm15, v62  }
0xeb: {  	s30 =	smul.u32 $0xA00, s0;
	[tilespmem:v30+s15+$0x0] =	vst.idx.msk vm15, v26  }
0xec: {  	[tilespmem:v29+s14+$0x0] =	vst.idx.msk vm3, v37  }
0xed: {  	s1 =	sshrl.u32 s30, $0x3;
	[tilespmem:v29+s15+$0x0] =	vst.idx.msk vm3, v27  }
0xee: {  	s1 =	sadd.s32 $0x280, s1;
	[tilespmem:v23+s14+$0x0] =	vst.idx.msk vm1, v63  }
0xef: {  	s6 =	sadd.s32 s5, s1;
	[tilespmem:v23+s15+$0x0] =	vst.idx.msk vm1, v28  }
0xf0: {  	[tilespmem:s4], [sflag:$0x1] =	stream.linear.gather [hbm4b:s6+s4], $0xA00, $0x38;
	[tilespmem:$0x13500] =	vst v63  }
0xf1: {  	p1 =	slt.s32 s23, $0x1;
	s1 =	sadd.s32 s2, s1  }
0xf2: {  	[tilespmem:s13], [sflag:$0x1] =	stream.linear.gather [hbm4b:s1+s4], $0xA00, $0x38;
	[tilespmem:$0x13500] =	vst v63  }
.Ltmp6:
0xf3: {  	_ = 	snop;
	(pc) =	sbr.rel @p1 .LBB2_17-.Ltmp6, $4  }
0xf4: {  	s24 =	spop (v2sf)  }
0xf5: {  	s31 =	sand.u32 $0x1, s0;
	_ =	swait.ge [sflag:s19], $0x3000  }
0xf6: {  	s28 =	simm.s32 $0xA00;
	p0 =	seq.s32 s31, $0x1;
	[sflag:s19] =	ssyncset.done $0x0  }
0xf7: {  	s28 =	simm.s32 @!p0 $0x0;
	[sflag:s19] =	ssyncadd.s32 $0xFFFFD000  }
0xf8: {  	p0 =	slt.s32 s23, $0x60;
	s0 =	smov.u32 s23  }
0xf9: {  	s0 =	simm.s32 @!p0 $0x60  }
0xfa: {  	p1 =	sne.s32 s0, $0x1  }
.Ltmp7:
0xfb: {  	_ = 	snop;
	(pc) =	sbr.rel @!p1 .LBB2_12-.Ltmp7, $2  }
0xfc: {  	_ =	sdelay $0x2  }
0xfd: {  	s1 =	simm.s32 $0x3C20;
	v24 =	vmov s28;
	p0 =	por $0x0, $0x0;
	s0 =	sadd.s32 $0xFFFFFFFF, s0  }
0xfe: {  	_ =	sdelay $0x3  }
0xff: {  	v23 =	vld.idx.msk [tilespmem:v24+s15+$0x0], $0xffff;
	_ =	sdelay $0x4  }
0x100: {  	v24 =	vshll.u32 v23, $0x4  }
0x101: {  	v24 =	vor.u32 v1, v24;
	_ =	sdelay $0x3  }
0x102: {  	v26 =	vld [tilespmem:s1+$0x20]  }
0x103: {  	v25 =	vld.idx.msk [tilespmem:v24+s11+$0x0], $0xffff;
	_ =	sdelay $0x4  }
0x104: {  	v25 =	vadd.f32 v26, v25;
	_ =	sdelay $0x1  }
0x105: {  	v26 =	vmul.f32 $2.000000030e-01, v25  }
0x106: {  	vm0 =	vgt.f32 v25, $0.0e+00  }
0x107: {  	v25 =	vsel vm0, v25, v26  }
0x108: {  	v25 =	vmul.f32 $1.442695020e+00, v25;
	_ =	sdelay $0x1  }
0x109: {  	(erf) = vpow2.f32 v25;
	_ =	sdelay $0x8  }
0x10a: {  	v25 =	vpop (erf)  }
0x10b: {  	[tilespmem:v24+s20+$0x0] =	vst.idx.add.f32.msk $0xff, v25  }
0x10c: {  	v24 =	vld [tilespmem:s1+$0xFFFFFFE0];
	_ =	sdelay $0x1  }
0x10d: {  	v23 =	vshll.u32 v23, $0x7;
	v26 =	vld [tilespmem:s1+$0xFFFFFFF0]  }
0x10e: {  	v27 =	vor.u32 v4, v23  }
0x10f: {  	v31 =	vor.u32 v9, v23;
	v30 =	vperm.xlane v25, v3;
	v29 =	vld [tilespmem:s1+$0x0]  }
0x110: {  	v33 =	vor.u32 v10, v23;
	v32 =	vunpack.i.u.bf16.f32 v24;
	v24 =	vunpack.i.l.bf16.f32 v24  }
0x111: {  	v36 =	vor.u32 v11, v23;
	v35 =	vperm.xlane v25, v6;
	v24 =	vmul.f32 v30, v24  }
0x112: {  	v37 =	vor.u32 v12, v23;
	v34 =	vld [tilespmem:s1+$0x10];
	v38 =	vunpack.i.l.bf16.f32 v26;
	v30 =	vmul.f32 v30, v32  }
0x113: {  	v59 =	vperm.xlane v25, v7;
	v26 =	vunpack.i.u.bf16.f32 v26;
	[tilespmem:v27+s21+$0x0] =	vst.idx.add.f32.msk $0xffff, v24;
	v24 =	vmul.f32 v35, v38  }
0x114: {  	v28 =	vor.u32 v13, v23;
	v60 =	vunpack.i.l.bf16.f32 v29;
	v26 =	vmul.f32 v35, v26;
	[tilespmem:v31+s21+$0x0] =	vst.idx.add.f32.msk $0xffff, v30  }
0x115: {  	p1 =	sne.s32 s0, $0x1;
	v27 =	vor.u32 v14, v23;
	[tilespmem:v33+s21+$0x0] =	vst.idx.add.f32.msk $0xffff, v24;
	v24 =	vmul.f32 v59, v60  }
.Ltmp8:
0x116: {  	s6 =	sadd.s32 $0x1, s28;
	v25 =	vperm.xlane v25, v8;
	v29 =	vunpack.i.u.bf16.f32 v29;
	v23 =	vor.u32 v15, v23;
	[tilespmem:v36+s21+$0x0] =	vst.idx.add.f32.msk $0xffff, v26;
	(pc) =	sbr.rel @!p1 .LBB2_14-.Ltmp8, $4  }
0x117: {  	v61 =	vunpack.i.l.bf16.f32 v34;
	v26 =	vmul.f32 v59, v29;
	[tilespmem:v37+s21+$0x0] =	vst.idx.add.f32.msk $0xffff, v24;
	v24 =	vmov s6  }
0x118: {  	v63 =	vunpack.i.u.bf16.f32 v34;
	v62 =	vmul.f32 v25, v61  }
0x119: {  	v25 =	vmul.f32 v25, v63;
	[tilespmem:v28+s21+$0x0] =	vst.idx.add.f32.msk $0xffff, v26  }
0x11a: {  	s7 =	sadd.s32 $0xFFFFFFFF, s0;
	p0 =	por $0x1, $0x1;
	s0 =	simm.s32 $0x3C20;
	[tilespmem:v27+s21+$0x0] =	vst.idx.add.f32.msk $0xffff, v62  }
.LBB2_15:
0x11b: {  	p1 =	sne.s32 s7, $0x1;
	s7 =	sadd.s32 $0xFFFFFFFF, s7;
	[tilespmem:v23+s21+$0x0] =	vst.idx.add.f32.msk $0xffff, v25;
	s0 =	sadd.s32 $0x80, s0  }
0x11c: {  	v23 =	vld.idx.msk [tilespmem:v24+s15+$0x0], $0xffff;
	_ =	sdelay $0x5  }
0x11d: {  	v24 =	vshll.u32 v23, $0x4;
	v25 =	vshll.u32 v23, $0x7  }
0x11e: {  	v23 =	vor.u32 v1, v24;
	_ =	sdelay $0x4  }
0x11f: {  	v24 =	vld.idx.msk [tilespmem:v23+s11+$0x0], $0xffff  }
0x120: {  	v26 =	vld [tilespmem:s0+$0x20];
	_ =	sdelay $0x4  }
0x121: {  	v24 =	vadd.f32 v26, v24;
	_ =	sdelay $0x1  }
0x122: {  	v26 =	vmul.f32 $2.000000030e-01, v24  }
0x123: {  	vm0 =	vgt.f32 v24, $0.0e+00  }
0x124: {  	v24 =	vsel vm0, v24, v26  }
0x125: {  	v24 =	vmul.f32 $1.442695020e+00, v24;
	_ =	sdelay $0x1  }
0x126: {  	(erf) = vpow2.f32 v24;
	_ =	sdelay $0x8  }
0x127: {  	v24 =	vpop (erf)  }
0x128: {  	[tilespmem:v23+s20+$0x0] =	vst.idx.add.f32.msk $0xff, v24  }
0x129: {  	v26 =	vld [tilespmem:s0+$0xFFFFFFE0];
	_ =	sdelay $0x1  }
0x12a: {  	v23 =	vor.u32 v15, v25;
	v27 =	vld [tilespmem:s0+$0xFFFFFFF0]  }
0x12b: {  	v28 =	vor.u32 v4, v25;
	v29 =	vor.u32 v13, v25;
	v30 =	vor.u32 v14, v25  }
0x12c: {  	v33 =	vor.u32 v9, v25;
	v34 =	vor.u32 v12, v25;
	v32 =	vperm.xlane v24, v3;
	v31 =	vld [tilespmem:s0+$0x0]  }
0x12d: {  	v36 =	vor.u32 v10, v25;
	v35 =	vunpack.i.u.bf16.f32 v26;
	v26 =	vunpack.i.l.bf16.f32 v26  }
0x12e: {  	v38 =	vperm.xlane v24, v6;
	v25 =	vor.u32 v11, v25;
	v37 =	vld [tilespmem:s0+$0x10];
	v26 =	vmul.f32 v32, v26  }
0x12f: {  	v32 =	vmul.f32 v32, v35;
	v39 =	vunpack.i.u.bf16.f32 v27;
	v27 =	vunpack.i.l.bf16.f32 v27  }
0x130: {  	v35 =	vperm.xlane v24, v7;
	[tilespmem:v28+s21+$0x0] =	vst.idx.add.f32.msk $0xffff, v26;
	v26 =	vmul.f32 v38, v27  }
0x131: {  	v27 =	vunpack.i.u.bf16.f32 v31;
	v28 =	vunpack.i.l.bf16.f32 v31;
	[tilespmem:v33+s21+$0x0] =	vst.idx.add.f32.msk $0xffff, v32;
	v31 =	vmul.f32 v38, v39  }
.Ltmp9:
0x132: {  	s6 =	sadd.s32 $0x1, s6;
	v32 =	vperm.xlane v24, v8;
	[tilespmem:v36+s21+$0x0] =	vst.idx.add.f32.msk $0xffff, v26;
	v26 =	vmul.f32 v35, v28;
	(pc) =	sbr.rel @p1 .LBB2_15-.Ltmp9, $4  }
0x133: {  	v24 =	vmov s6;
	v28 =	vunpack.i.l.bf16.f32 v37;
	[tilespmem:v25+s21+$0x0] =	vst.idx.add.f32.msk $0xffff, v31;
	v25 =	vmul.f32 v35, v27  }
0x134: {  	v27 =	vunpack.i.u.bf16.f32 v37;
	[tilespmem:v34+s21+$0x0] =	vst.idx.add.f32.msk $0xffff, v26;
	v26 =	vmul.f32 v32, v28  }
0x135: {  	[tilespmem:v29+s21+$0x0] =	vst.idx.add.f32.msk $0xffff, v25;
	v25 =	vmul.f32 v32, v27  }
0x136: {  	[tilespmem:v30+s21+$0x0] =	vst.idx.add.f32.msk $0xffff, v26  }
.LBB2_16:
0x137: {  	_ =	sdelay $0x3  }
0x138: {  	[tilespmem:v23+s21+$0x0] =	vst.idx.add.f32.msk @p0 $0xffff, v25  }
0x139: {  	v23 =	vld.idx.msk [tilespmem:v24+s15+$0x0], $0xffff;
	_ =	sdelay $0x4  }
0x13a: {  	v24 =	vshll.u32 v23, $0x4  }
0x13b: {  	v24 =	vor.u32 v1, v24;
	_ =	sdelay $0x1  }
0x13c: {  	s0 =	sadd.s32 @p0 $0x80, s0  }
0x13d: {  	s1 =	smov.u32 @p0 s0  }
0x13e: {  	v26 =	vld [tilespmem:s1+$0x20]  }
0x13f: {  	v25 =	vld.idx.msk [tilespmem:v24+s11+$0x0], $0xffff;
	_ =	sdelay $0x4  }
0x140: {  	v25 =	vadd.f32 v26, v25;
	_ =	sdelay $0x1  }
0x141: {  	v26 =	vmul.f32 $2.000000030e-01, v25  }
0x142: {  	vm0 =	vgt.f32 v25, $0.0e+00  }
0x143: {  	v25 =	vsel vm0, v25, v26  }
0x144: {  	v25 =	vmul.f32 $1.442695020e+00, v25;
	_ =	sdelay $0x1  }
0x145: {  	(erf) = vpow2.f32 v25;
	_ =	sdelay $0x8  }
0x146: {  	v25 =	vpop (erf)  }
0x147: {  	[tilespmem:v24+s20+$0x0] =	vst.idx.add.f32.msk $0xff, v25  }
0x148: {  	v24 =	vld [tilespmem:s1+$0xFFFFFFE0];
	_ =	sdelay $0x1  }
0x149: {  	v23 =	vshll.u32 v23, $0x7;
	v55 =	vld [tilespmem:s1+$0xFFFFFFF0]  }
0x14a: {  	v27 =	vor.u32 v15, v23;
	v28 =	vor.u32 v4, v23  }
0x14b: {  	v29 =	vor.u32 v13, v23;
	v32 =	vor.u32 v9, v23;
	v31 =	vperm.xlane v25, v3;
	v30 =	vld [tilespmem:s1+$0x0]  }
0x14c: {  	v34 =	vor.u32 v10, v23;
	v33 =	vunpack.i.u.bf16.f32 v24;
	v24 =	vunpack.i.l.bf16.f32 v24  }
0x14d: {  	v37 =	vor.u32 v11, v23;
	v36 =	vperm.xlane v25, v6;
	v35 =	vld [tilespmem:s1+$0x10];
	v24 =	vmul.f32 v31, v24  }
0x14e: {  	v38 =	vor.u32 v12, v23;
	v39 =	vunpack.i.l.bf16.f32 v55;
	v31 =	vmul.f32 v31, v33  }
0x14f: {  	v56 =	vperm.xlane v25, v7;
	v26 =	vunpack.i.u.bf16.f32 v55;
	v57 =	vmul.f32 v36, v39;
	[tilespmem:v28+s21+$0x0] =	vst.idx.add.f32.msk $0xffff, v24  }
0x150: {  	v23 =	vor.u32 v14, v23;
	v58 =	vunpack.i.l.bf16.f32 v30;
	v26 =	vmul.f32 v36, v26;
	[tilespmem:v32+s21+$0x0] =	vst.idx.add.f32.msk $0xffff, v31  }
0x151: {  	v25 =	vperm.xlane v25, v8;
	v30 =	vunpack.i.u.bf16.f32 v30;
	v59 =	vmul.f32 v56, v58;
	[tilespmem:v34+s21+$0x0] =	vst.idx.add.f32.msk $0xffff, v57  }
0x152: {  	v60 =	vunpack.i.l.bf16.f32 v35;
	v61 =	vmul.f32 v56, v30;
	[tilespmem:v37+s21+$0x0] =	vst.idx.add.f32.msk $0xffff, v26  }
0x153: {  	v62 =	vunpack.i.u.bf16.f32 v35;
	v63 =	vmul.f32 v25, v60;
	[tilespmem:v38+s21+$0x0] =	vst.idx.add.f32.msk $0xffff, v59  }
0x154: {  	v25 =	vmul.f32 v25, v62;
	[tilespmem:v29+s21+$0x0] =	vst.idx.add.f32.msk $0xffff, v61  }
0x155: {  	[tilespmem:v23+s21+$0x0] =	vst.idx.add.f32.msk $0xffff, v63  }
0x156: {  	[tilespmem:v27+s21+$0x0] =	vst.idx.add.f32.msk $0xffff, v25  }
.LBB2_17:
0x157: {  	s0 =	sadd.s32 $0x8000005F, s29  }
0x158: {  	s1 =	smulhi.u32 $0x2AAAAAAB, s0;
	s6 =	sshra.s32 s0, $0x1F  }
0x159: {  	s6 =	smul.u32 $0x2AAAAAAB, s6;
	_ =	sdelay $0x1  }
0x15a: {  	s1 =	sadd.s32 s6, s1  }
0x15b: {  	s6 =	sshrl.u32 s1, $0x1F;
	s1 =	sshra.s32 s1, $0x4  }
0x15c: {  	s1 =	sadd.s32 s6, s1  }
0x15d: {  	s6 =	smul.u32 $0xFFFFFFA0, s1  }
0x15e: {  	s7 =	ssub.s32 $0x7FFFFFA1, s29  }
0x15f: {  	p0 =	slt.s32 s0, $0x1;
	p1 =	sne.s32 s6, s7  }
0x160: {  	p0 =	por !p0, !p1  }
0x161: {  	s0 =	simm.s32 $0x1;
	p0 =	por !p0, !p0  }
0x162: {  	s0 =	simm.s32 @!p0 $0x0  }
0x163: {  	s29 =	ssub.s32 s1, s0  }
0x164: {  	p0 =	slt.s32 s29, $0x2  }
.Ltmp10:
0x165: {  	_ = 	snop;
	(pc) =	sbr.rel @p0 .LBB2_27-.Ltmp10, $1  }
0x166: {  	_ =	sdelay $0x3  }
.Ltmp11:
0x167: {  	(pc) =	sbr.rel .LBB2_19-.Ltmp11, $2  }
0x168: {  	_ =	sdelay $0x2  }
0x169: {  	s30 =	sadd.s32 $0xFFFFFFA0, s23;
	s31 =	sadd.s32 $0x60, s28;
	s1 =	simm.s32 $0x1  }
.LBB2_21:
0x16a: {  	s6 =	simm.s32 $0x3C20  }
.LBB2_25:
0x16b: {  	_ =	sdelay $0x3  }
0x16c: {  	[tilespmem:v23+s21+$0x0] =	vst.idx.add.f32.msk @p0 $0xffff, v25  }
0x16d: {  	v23 =	vld.idx.msk [tilespmem:v24+s15+$0x0], $0xffff;
	_ =	sdelay $0x4  }
0x16e: {  	v24 =	vshll.u32 v23, $0x4  }
0x16f: {  	v24 =	vor.u32 v1, v24;
	_ =	sdelay $0x1  }
0x170: {  	s6 =	sadd.s32 @p0 $0x80, s6  }
0x171: {  	s0 =	smov.u32 @p0 s6  }
0x172: {  	v26 =	vld [tilespmem:s0+$0x20]  }
0x173: {  	v25 =	vld.idx.msk [tilespmem:v24+s11+$0x0], $0xffff;
	_ =	sdelay $0x4  }
0x174: {  	v25 =	vadd.f32 v26, v25;
	_ =	sdelay $0x1  }
0x175: {  	v26 =	vmul.f32 $2.000000030e-01, v25  }
0x176: {  	vm0 =	vgt.f32 v25, $0.0e+00  }
0x177: {  	v25 =	vsel vm0, v25, v26  }
0x178: {  	v25 =	vmul.f32 $1.442695020e+00, v25;
	_ =	sdelay $0x1  }
0x179: {  	(erf) = vpow2.f32 v25;
	_ =	sdelay $0x8  }
0x17a: {  	v25 =	vpop (erf)  }
0x17b: {  	[tilespmem:v24+s20+$0x0] =	vst.idx.add.f32.msk $0xff, v25  }
0x17c: {  	v24 =	vld [tilespmem:s0+$0xFFFFFFE0];
	_ =	sdelay $0x1  }
0x17d: {  	v23 =	vshll.u32 v23, $0x7;
	v55 =	vld [tilespmem:s0+$0xFFFFFFF0]  }
0x17e: {  	v27 =	vor.u32 v15, v23;
	v28 =	vor.u32 v4, v23  }
0x17f: {  	v29 =	vor.u32 v13, v23;
	v32 =	vor.u32 v9, v23;
	v31 =	vperm.xlane v25, v3;
	v30 =	vld [tilespmem:s0+$0x0]  }
0x180: {  	v34 =	vor.u32 v10, v23;
	v33 =	vunpack.i.u.bf16.f32 v24;
	v24 =	vunpack.i.l.bf16.f32 v24  }
0x181: {  	v37 =	vor.u32 v11, v23;
	v36 =	vperm.xlane v25, v6;
	v35 =	vld [tilespmem:s0+$0x10];
	v24 =	vmul.f32 v31, v24  }
0x182: {  	v38 =	vor.u32 v12, v23;
	v39 =	vunpack.i.l.bf16.f32 v55;
	v31 =	vmul.f32 v31, v33  }
0x183: {  	v56 =	vperm.xlane v25, v7;
	v26 =	vunpack.i.u.bf16.f32 v55;
	v57 =	vmul.f32 v36, v39;
	[tilespmem:v28+s21+$0x0] =	vst.idx.add.f32.msk $0xffff, v24  }
0x184: {  	v23 =	vor.u32 v14, v23;
	v58 =	vunpack.i.l.bf16.f32 v30;
	v26 =	vmul.f32 v36, v26;
	[tilespmem:v32+s21+$0x0] =	vst.idx.add.f32.msk $0xffff, v31  }
0x185: {  	v25 =	vperm.xlane v25, v8;
	v30 =	vunpack.i.u.bf16.f32 v30;
	v59 =	vmul.f32 v56, v58;
	[tilespmem:v34+s21+$0x0] =	vst.idx.add.f32.msk $0xffff, v57  }
0x186: {  	v60 =	vunpack.i.l.bf16.f32 v35;
	v61 =	vmul.f32 v56, v30;
	[tilespmem:v37+s21+$0x0] =	vst.idx.add.f32.msk $0xffff, v26  }
0x187: {  	v62 =	vunpack.i.u.bf16.f32 v35;
	v63 =	vmul.f32 v25, v60;
	[tilespmem:v38+s21+$0x0] =	vst.idx.add.f32.msk $0xffff, v59  }
0x188: {  	v25 =	vmul.f32 v25, v62;
	[tilespmem:v29+s21+$0x0] =	vst.idx.add.f32.msk $0xffff, v61  }
0x189: {  	[tilespmem:v23+s21+$0x0] =	vst.idx.add.f32.msk $0xffff, v63  }
0x18a: {  	[tilespmem:v27+s21+$0x0] =	vst.idx.add.f32.msk $0xffff, v25  }
.LBB2_26:
0x18b: {  	s1 =	sadd.s32 $0x1, s1  }
0x18c: {  	p0 =	sne.s32 s1, s29  }
.Ltmp12:
0x18d: {  	_ = 	snop;
	(pc) =	sbr.rel @!p0 .LBB2_27-.Ltmp12, $2  }
0x18e: {  	_ =	sdelay $0x2  }
0x18f: {  	s30 =	sadd.s32 $0xFFFFFFA0, s30;
	s31 =	sadd.s32 $0x60, s31  }
.LBB2_19:
0x190: {  	s0 =	smul.u32 $0x60, s1;
	_ =	sdelay $0x1  }
0x191: {  	s6 =	sadd.s32 s28, s0;
	s0 =	ssub.s32 s23, s0  }
0x192: {  	p0 =	slt.s32 s0, $0x1  }
.Ltmp13:
0x193: {  	s6 =	sadd.s32 $0x1400, s6;
	(pc) =	sbr.rel @p0 .LBB2_26-.Ltmp13, $4  }
0x194: {  	[tilespmem:s17], [sflag:$0x2] =	stream.indirect.gather [hbm4b:s3+s16], $0x80, s6, s16, $0xb8;
	[tilespmem:$0x13500] =	vst v63  }
0x195: {  	_ =	swait.ge [sflag:s19], $0x3000  }
0x196: {  	[sflag:s19] =	ssyncset.done $0x0  }
0x197: {  	[sflag:s19] =	ssyncadd.s32 $0xFFFFD000  }
0x198: {  	p0 =	sgt.s32 s30, $0x1;
	s0 =	smov.u32 s30  }
0x199: {  	s0 =	simm.s32 @!p0 $0x1  }
0x19a: {  	s6 =	smin.u32 s0, $0x60  }
0x19b: {  	p1 =	sne.s32 s6, $0x1  }
.Ltmp14:
0x19c: {  	_ = 	snop;
	(pc) =	sbr.rel @!p1 .LBB2_21-.Ltmp14, $2  }
0x19d: {  	_ =	sdelay $0x2  }
0x19e: {  	v24 =	vmov s31;
	p0 =	por $0x0, $0x0;
	s0 =	simm.s32 $0x3C20;
	s6 =	sadd.s32 $0xFFFFFFFF, s6  }
0x19f: {  	_ =	sdelay $0x3  }
0x1a0: {  	v23 =	vld.idx.msk [tilespmem:v24+s15+$0x0], $0xffff;
	_ =	sdelay $0x4  }
0x1a1: {  	v24 =	vshll.u32 v23, $0x4  }
0x1a2: {  	v24 =	vor.u32 v1, v24;
	_ =	sdelay $0x3  }
0x1a3: {  	v26 =	vld [tilespmem:s0+$0x20]  }
0x1a4: {  	v25 =	vld.idx.msk [tilespmem:v24+s11+$0x0], $0xffff;
	_ =	sdelay $0x4  }
0x1a5: {  	v25 =	vadd.f32 v26, v25;
	_ =	sdelay $0x1  }
0x1a6: {  	v26 =	vmul.f32 $2.000000030e-01, v25  }
0x1a7: {  	vm0 =	vgt.f32 v25, $0.0e+00  }
0x1a8: {  	v25 =	vsel vm0, v25, v26  }
0x1a9: {  	v25 =	vmul.f32 $1.442695020e+00, v25;
	_ =	sdelay $0x1  }
0x1aa: {  	(erf) = vpow2.f32 v25;
	_ =	sdelay $0x8  }
0x1ab: {  	v25 =	vpop (erf)  }
0x1ac: {  	[tilespmem:v24+s20+$0x0] =	vst.idx.add.f32.msk $0xff, v25  }
0x1ad: {  	v24 =	vld [tilespmem:s0+$0xFFFFFFE0];
	_ =	sdelay $0x1  }
0x1ae: {  	v23 =	vshll.u32 v23, $0x7;
	v26 =	vld [tilespmem:s0+$0xFFFFFFF0]  }
0x1af: {  	v27 =	vor.u32 v4, v23  }
0x1b0: {  	v31 =	vor.u32 v9, v23;
	v30 =	vperm.xlane v25, v3;
	v29 =	vld [tilespmem:s0+$0x0]  }
0x1b1: {  	v33 =	vor.u32 v10, v23;
	v32 =	vunpack.i.u.bf16.f32 v24;
	v24 =	vunpack.i.l.bf16.f32 v24  }
0x1b2: {  	v36 =	vor.u32 v11, v23;
	v35 =	vperm.xlane v25, v6;
	v24 =	vmul.f32 v30, v24  }
0x1b3: {  	v37 =	vor.u32 v12, v23;
	v34 =	vld [tilespmem:s0+$0x10];
	v38 =	vunpack.i.l.bf16.f32 v26;
	v30 =	vmul.f32 v30, v32  }
0x1b4: {  	v59 =	vperm.xlane v25, v7;
	v26 =	vunpack.i.u.bf16.f32 v26;
	[tilespmem:v27+s21+$0x0] =	vst.idx.add.f32.msk $0xffff, v24;
	v24 =	vmul.f32 v35, v38  }
0x1b5: {  	v28 =	vor.u32 v13, v23;
	v60 =	vunpack.i.l.bf16.f32 v29;
	v26 =	vmul.f32 v35, v26;
	[tilespmem:v31+s21+$0x0] =	vst.idx.add.f32.msk $0xffff, v30  }
0x1b6: {  	p1 =	sne.s32 s6, $0x1;
	v27 =	vor.u32 v14, v23;
	[tilespmem:v33+s21+$0x0] =	vst.idx.add.f32.msk $0xffff, v24;
	v24 =	vmul.f32 v59, v60  }
.Ltmp15:
0x1b7: {  	s7 =	sadd.s32 $0x1, s31;
	v25 =	vperm.xlane v25, v8;
	v29 =	vunpack.i.u.bf16.f32 v29;
	v23 =	vor.u32 v15, v23;
	[tilespmem:v36+s21+$0x0] =	vst.idx.add.f32.msk $0xffff, v26;
	(pc) =	sbr.rel @!p1 .LBB2_23-.Ltmp15, $4  }
0x1b8: {  	v61 =	vunpack.i.l.bf16.f32 v34;
	v26 =	vmul.f32 v59, v29;
	[tilespmem:v37+s21+$0x0] =	vst.idx.add.f32.msk $0xffff, v24;
	v24 =	vmov s7  }
0x1b9: {  	v63 =	vunpack.i.u.bf16.f32 v34;
	v62 =	vmul.f32 v25, v61  }
0x1ba: {  	v25 =	vmul.f32 v25, v63;
	[tilespmem:v28+s21+$0x0] =	vst.idx.add.f32.msk $0xffff, v26  }
0x1bb: {  	s8 =	sadd.s32 $0xFFFFFFFF, s6;
	p0 =	por $0x1, $0x1;
	s6 =	simm.s32 $0x3C20;
	[tilespmem:v27+s21+$0x0] =	vst.idx.add.f32.msk $0xffff, v62  }
.LBB2_24:
0x1bc: {  	p1 =	sne.s32 s8, $0x1;
	s8 =	sadd.s32 $0xFFFFFFFF, s8;
	[tilespmem:v23+s21+$0x0] =	vst.idx.add.f32.msk $0xffff, v25;
	s6 =	sadd.s32 $0x80, s6  }
0x1bd: {  	v23 =	vld.idx.msk [tilespmem:v24+s15+$0x0], $0xffff;
	_ =	sdelay $0x5  }
0x1be: {  	v24 =	vshll.u32 v23, $0x4;
	v25 =	vshll.u32 v23, $0x7  }
0x1bf: {  	v23 =	vor.u32 v1, v24;
	_ =	sdelay $0x4  }
0x1c0: {  	v24 =	vld.idx.msk [tilespmem:v23+s11+$0x0], $0xffff  }
0x1c1: {  	v26 =	vld [tilespmem:s6+$0x20];
	_ =	sdelay $0x4  }
0x1c2: {  	v24 =	vadd.f32 v26, v24;
	_ =	sdelay $0x1  }
0x1c3: {  	v26 =	vmul.f32 $2.000000030e-01, v24  }
0x1c4: {  	vm0 =	vgt.f32 v24, $0.0e+00  }
0x1c5: {  	v24 =	vsel vm0, v24, v26  }
0x1c6: {  	v24 =	vmul.f32 $1.442695020e+00, v24;
	_ =	sdelay $0x1  }
0x1c7: {  	(erf) = vpow2.f32 v24;
	_ =	sdelay $0x8  }
0x1c8: {  	v24 =	vpop (erf)  }
0x1c9: {  	[tilespmem:v23+s20+$0x0] =	vst.idx.add.f32.msk $0xff, v24  }
0x1ca: {  	v26 =	vld [tilespmem:s6+$0xFFFFFFE0];
	_ =	sdelay $0x1  }
0x1cb: {  	v23 =	vor.u32 v15, v25;
	v27 =	vld [tilespmem:s6+$0xFFFFFFF0]  }
0x1cc: {  	v28 =	vor.u32 v4, v25;
	v29 =	vor.u32 v13, v25;
	v30 =	vor.u32 v14, v25  }
0x1cd: {  	v33 =	vor.u32 v9, v25;
	v34 =	vor.u32 v12, v25;
	v32 =	vperm.xlane v24, v3;
	v31 =	vld [tilespmem:s6+$0x0]  }
0x1ce: {  	v36 =	vor.u32 v10, v25;
	v35 =	vunpack.i.u.bf16.f32 v26;
	v26 =	vunpack.i.l.bf16.f32 v26  }
0x1cf: {  	v38 =	vperm.xlane v24, v6;
	v25 =	vor.u32 v11, v25;
	v37 =	vld [tilespmem:s6+$0x10];
	v26 =	vmul.f32 v32, v26  }
0x1d0: {  	v32 =	vmul.f32 v32, v35;
	v39 =	vunpack.i.u.bf16.f32 v27;
	v27 =	vunpack.i.l.bf16.f32 v27  }
0x1d1: {  	v35 =	vperm.xlane v24, v7;
	[tilespmem:v28+s21+$0x0] =	vst.idx.add.f32.msk $0xffff, v26;
	v26 =	vmul.f32 v38, v27  }
0x1d2: {  	v27 =	vunpack.i.u.bf16.f32 v31;
	v28 =	vunpack.i.l.bf16.f32 v31;
	[tilespmem:v33+s21+$0x0] =	vst.idx.add.f32.msk $0xffff, v32;
	v31 =	vmul.f32 v38, v39  }
.Ltmp16:
0x1d3: {  	s7 =	sadd.s32 $0x1, s7;
	v32 =	vperm.xlane v24, v8;
	[tilespmem:v36+s21+$0x0] =	vst.idx.add.f32.msk $0xffff, v26;
	v26 =	vmul.f32 v35, v28;
	(pc) =	sbr.rel @p1 .LBB2_24-.Ltmp16, $4  }
0x1d4: {  	v24 =	vmov s7;
	v28 =	vunpack.i.l.bf16.f32 v37;
	[tilespmem:v25+s21+$0x0] =	vst.idx.add.f32.msk $0xffff, v31;
	v25 =	vmul.f32 v35, v27  }
0x1d5: {  	v27 =	vunpack.i.u.bf16.f32 v37;
	[tilespmem:v34+s21+$0x0] =	vst.idx.add.f32.msk $0xffff, v26;
	v26 =	vmul.f32 v32, v28  }
0x1d6: {  	[tilespmem:v29+s21+$0x0] =	vst.idx.add.f32.msk $0xffff, v25;
	v25 =	vmul.f32 v32, v27  }
0x1d7: {  	[tilespmem:v30+s21+$0x0] =	vst.idx.add.f32.msk $0xffff, v26  }
.Ltmp17:
0x1d8: {  	_ = 	snop;
	(pc) =	sbr.rel .LBB2_25-.Ltmp17, $1  }
0x1d9: {  	_ =	sdelay $0x3  }
.LBB2_23:
.Ltmp18:
0x1da: {  	(pc) =	sbr.rel .LBB2_25-.Ltmp18, $2  }
0x1db: {  	_ =	sdelay $0x2  }
0x1dc: {  	s6 =	simm.s32 $0x3C20  }
.LBB2_12:
.Ltmp19:
0x1dd: {  	(pc) =	sbr.rel .LBB2_16-.Ltmp19, $2  }
0x1de: {  	_ =	sdelay $0x2  }
0x1df: {  	s0 =	simm.s32 $0x3C20  }
.LBB2_14:
.Ltmp20:
0x1e0: {  	(pc) =	sbr.rel .LBB2_16-.Ltmp20, $2  }
0x1e1: {  	_ =	sdelay $0x2  }
0x1e2: {  	s0 =	simm.s32 $0x3C20  }
.LBB2_28:
0x1e3: {  	_ =	swait.ge [sflag:s18], $0xA00  }
0x1e4: {  	[sflag:s18] =	ssyncset.done $0x0  }
0x1e5: {  	[sflag:s18] =	ssyncadd.s32 $0xFFFFF600  }
0x1e6: {  	_ =	swait.ge [sflag:s18], $0xA00  }
0x1e7: {  	[sflag:s18] =	ssyncset.done $0x0  }
0x1e8: {  	s0 =	simm.s32 $0x0;
	[sflag:s18] =	ssyncadd.s32 $0xFFFFF600  }
0x1e9: {  	v23 =	vld [tilespmem:s0+$0xA00];
	_ =	sdelay $0x1  }
0x1ea: {  	v24 =	vld [tilespmem:s0+$0xA10];
	_ =	sdelay $0x1  }
0x1eb: {  	v25 =	vld [tilespmem:s0+$0xA20]  }
0x1ec: {  	v23 =	vsub.s32 v23, v0  }
0x1ed: {  	v26 =	vld [tilespmem:s0+$0xA30];
	vm1 =	vlt.u32 v23, $0x140  }
0x1ee: {  	v27 =	vsub.s32 v24, v0;
	v24 =	vsel vm1, $0x1, v5  }
0x1ef: {  	vm2 =	vlt.u32 v27, $0x140;
	(xrf0) =	vadd.scan.msk.s32 $0xffff, v24  }
0x1f0: {  	v28 =	vsub.s32 v25, v0;
	v24 =	vsel vm2, $0x1, v5  }
0x1f1: {  	vm3 =	vlt.u32 v28, $0x140;
	(xrf0) =	vadd.scan.msk.s32 $0xffff, v24  }
0x1f2: {  	v25 =	vsel vm3, $0x1, v5;
	v24 =	vsub.s32 v26, v0  }
0x1f3: {  	vm0 =	vlt.u32 v24, $0x140;
	(xrf0) =	vadd.scan.msk.s32 $0xffff, v25  }
0x1f4: {  	v25 =	vsel vm0, $0x1, v5  }
0x1f5: {  	v29 =	vmpcnt.ones.xlane vm1;
	v26 =	vimm.s32 $0x0;
	v30, _, _ =	vpop (xrf0);
	(xrf0) =	vadd.scan.msk.s32 $0xffff, v25  }
0x1f6: {  	v25 =	vadd.s32 v30, v26  }
0x1f7: {  	v31 =	vld [tilespmem:s0+$0x0];
	v59 =	vmpcnt.ones.xlane vm2;
	v26 =	vadd.s32 v26, v29;
	v60, _, _ =	vpop (xrf0);
	v25 =	vadd.s32 $0xFFFFFFFF, v25  }
0x1f8: {  	v29 =	vadd.s32 v26, v60  }
0x1f9: {  	v61 =	vld [tilespmem:s0+$0x10];
	v32 =	vmpcnt.ones.xlane vm3;
	v26 =	vadd.s32 v59, v26;
	v33, _, _ =	vpop (xrf0);
	v29 =	vadd.s32 $0xFFFFFFFF, v29  }
0x1fa: {  	v33 =	vadd.s32 v26, v33  }
0x1fb: {  	v35 =	vld [tilespmem:s0+$0x20];
	v26 =	vadd.s32 v32, v26;
	v33 =	vadd.s32 $0xFFFFFFFF, v33;
	v62, _, _ =	vpop (xrf0)  }
0x1fc: {  	v34 =	vld [tilespmem:s0+$0x30];
	[tilespmem:v25+s14+$0x0] =	vst.idx.msk vm1, v31;
	v63 =	vadd.s32 v26, v62  }
0x1fd: {  	[tilespmem:v25+s15+$0x0] =	vst.idx.msk vm1, v23;
	v25 =	vadd.s32 $0xFFFFFFFF, v63  }
0x1fe: {  	[tilespmem:v29+s14+$0x0] =	vst.idx.msk vm2, v61  }
0x1ff: {  	[tilespmem:v29+s15+$0x0] =	vst.idx.msk vm2, v27  }
0x200: {  	v23 =	vmpcnt.ones.xlane vm0;
	[tilespmem:v33+s14+$0x0] =	vst.idx.msk vm3, v35  }
0x201: {  	[tilespmem:v33+s15+$0x0] =	vst.idx.msk vm3, v28  }
0x202: {  	s1 =	simm.s32 $0x200;
	s0 =	simm.s32 $0x100;
	v23 =	vadd.s32 v23, v26;
	[tilespmem:v25+s14+$0x0] =	vst.idx.msk vm0, v34  }
.LBB2_29:
0x203: {  	p0 =	sne.s32 s1, $0x2700  }
0x204: {  	s6 =	sshra.s32 s0, $0x2;
	[tilespmem:v25+s15+$0x0] =	vst.idx.msk vm0, v24;
	s0 =	smov.u32 s1;
	s1 =	sadd.s32 $0x100, s1  }
0x205: {  	v24 =	vld [tilespmem:s6+$0xA00];
	_ =	sdelay $0x1  }
0x206: {  	v25 =	vld [tilespmem:s6+$0xA10];
	_ =	sdelay $0x1  }
0x207: {  	v26 =	vld [tilespmem:s6+$0xA20]  }
0x208: {  	v27 =	vsub.s32 v24, v0  }
0x209: {  	v24 =	vld [tilespmem:s6+$0xA30];
	vm1 =	vlt.u32 v27, $0x140  }
0x20a: {  	v28 =	vsub.s32 v25, v0;
	v25 =	vsel vm1, $0x1, v5;
	v29 =	vmpcnt.ones.xlane vm1  }
0x20b: {  	vm2 =	vlt.u32 v28, $0x140;
	(xrf0) =	vadd.scan.msk.s32 $0xffff, v25  }
0x20c: {  	v26 =	vsub.s32 v26, v0;
	v25 =	vsel vm2, $0x1, v5;
	v30 =	vmpcnt.ones.xlane vm2  }
0x20d: {  	vm3 =	vlt.u32 v26, $0x140;
	(xrf0) =	vadd.scan.msk.s32 $0xffff, v25  }
0x20e: {  	v24 =	vsub.s32 v24, v0;
	v25 =	vsel vm3, $0x1, v5  }
0x20f: {  	vm0 =	vlt.u32 v24, $0x140;
	(xrf0) =	vadd.scan.msk.s32 $0xffff, v25  }
0x210: {  	v25 =	vsel vm0, $0x1, v5  }
0x211: {  	v31, _, _ =	vpop (xrf0);
	(xrf0) =	vadd.scan.msk.s32 $0xffff, v25  }
0x212: {  	v25 =	vadd.s32 v31, v23  }
0x213: {  	v23 =	vadd.s32 v23, v29;
	v31 =	vld [tilespmem:s6+$0x0];
	v25 =	vadd.s32 $0xFFFFFFFF, v25;
	v29, _, _ =	vpop (xrf0)  }
0x214: {  	v29 =	vadd.s32 v23, v29;
	v23 =	vadd.s32 v30, v23  }
0x215: {  	v37 =	vmpcnt.ones.xlane vm3;
	v30 =	vld [tilespmem:s6+$0x10];
	v29 =	vadd.s32 $0xFFFFFFFF, v29;
	v33, _, _ =	vpop (xrf0)  }
0x216: {  	v35 =	vmpcnt.ones.xlane vm0;
	v34 =	vld [tilespmem:s6+$0x30];
	v33 =	vadd.s32 v23, v33  }
0x217: {  	v23 =	vadd.s32 v37, v23;
	v36 =	vld [tilespmem:s6+$0x20];
	v33 =	vadd.s32 $0xFFFFFFFF, v33;
	v32, _, _ =	vpop (xrf0)  }
0x218: {  	[tilespmem:v25+s14+$0x0] =	vst.idx.msk vm1, v31;
	v31 =	vadd.s32 v23, v32;
	v23 =	vadd.s32 v35, v23  }
0x219: {  	[tilespmem:v25+s15+$0x0] =	vst.idx.msk vm1, v27;
	v25 =	vadd.s32 $0xFFFFFFFF, v31  }
.Ltmp21:
0x21a: {  	[tilespmem:v29+s14+$0x0] =	vst.idx.msk vm2, v30;
	(pc) =	sbr.rel @p0 .LBB2_29-.Ltmp21, $4  }
0x21b: {  	[tilespmem:v29+s15+$0x0] =	vst.idx.msk vm2, v28  }
0x21c: {  	[tilespmem:v33+s14+$0x0] =	vst.idx.msk vm3, v36  }
0x21d: {  	[tilespmem:v33+s15+$0x0] =	vst.idx.msk vm3, v26  }
0x21e: {  	[tilespmem:v25+s14+$0x0] =	vst.idx.msk vm0, v34  }
0x21f: {  	_ =	sdelay $0x4  }
0x220: {  	s0 =	sshra.s32 s0, $0x2;
	[tilespmem:v25+s15+$0x0] =	vst.idx.msk vm0, v24  }
0x221: {  	v24 =	vld [tilespmem:s0+$0xA00]  }
0x222: {  	v25 =	vld [tilespmem:s0+$0xA10]  }
0x223: {  	v26 =	vld [tilespmem:s0+$0xA20]  }
0x224: {  	v27 =	vld [tilespmem:s0+$0xA30];
	_ =	sdelay $0x2  }
0x225: {  	v24 =	vsub.s32 v24, v0  }
0x226: {  	v25 =	vsub.s32 v25, v0;
	v26 =	vsub.s32 v26, v0;
	vm15 =	vlt.u32 v24, $0x140  }
0x227: {  	v27 =	vsub.s32 v27, v0;
	vm1 =	vlt.u32 v25, $0x140;
	v29 =	vmpcnt.ones.xlane vm15  }
0x228: {  	vm2 =	vlt.u32 v26, $0x140;
	vm3 =	vlt.u32 v27, $0x140;
	v30 =	vmpcnt.ones.xlane vm1  }
0x229: {  	v28 =	vsel vm15, $0x1, v5;
	v31 =	vmpcnt.ones.xlane vm2;
	v29 =	vadd.s32 v23, v29  }
0x22a: {  	v53 =	vsel vm1, $0x1, v5;
	v32 =	vmpcnt.ones.xlane vm3;
	(xrf0) =	vadd.scan.msk.s32 $0xffff, v28;
	v30 =	vadd.s32 v30, v29  }
0x22b: {  	v54 =	vsel vm2, $0x1, v5;
	(xrf0) =	vadd.scan.msk.s32 $0xffff, v53;
	v31 =	vadd.s32 v31, v30  }
0x22c: {  	v55 =	vsel vm3, $0x1, v5;
	(xrf0) =	vadd.scan.msk.s32 $0xffff, v54;
	v32 =	vadd.s32 v32, v31  }
0x22d: {  	(xrf0) =	vadd.scan.msk.s32 $0xffff, v55;
	v56 =	vxor.u32 $0x80000000, v32  }
0x22e: {  	(xrf0) =	vmax.scan.msk.u32 $0xffff, v56;
	_ =	sdelay $0x1  }
0x22f: {  	v57, _, _ =	vpop (xrf0)  }
0x230: {  	v58, _, _ =	vpop (xrf0)  }
0x231: {  	v33, _, _ =	vpop (xrf0)  }
0x232: {  	v34, _, _ =	vpop (xrf0)  }
0x233: {  	v35, _, _ =	vpop (xrf0)  }
0x234: {  	(v2sf) =	vpush v35, $0xF;
	_ =	sdelay $0x1  }
0x235: {  	v23 =	vadd.s32 v57, v23  }
0x236: {  	v59 =	vld [tilespmem:s0+$0x0];
	v23 =	vadd.s32 $0xFFFFFFFF, v23  }
0x237: {  	v29 =	vadd.s32 v29, v58  }
0x238: {  	v60 =	vld [tilespmem:s0+$0x10];
	v29 =	vadd.s32 $0xFFFFFFFF, v29  }
0x239: {  	v30 =	vadd.s32 v30, v33  }
0x23a: {  	v62 =	vld [tilespmem:s0+$0x20];
	v30 =	vadd.s32 $0xFFFFFFFF, v30  }
0x23b: {  	v61 =	vld [tilespmem:s0+$0x30];
	v63 =	vadd.s32 v31, v34;
	[tilespmem:v23+s14+$0x0] =	vst.idx.msk vm15, v59  }
0x23c: {  	[tilespmem:v23+s15+$0x0] =	vst.idx.msk vm15, v24;
	v23 =	vadd.s32 $0xFFFFFFFF, v63  }
0x23d: {  	[tilespmem:v29+s14+$0x0] =	vst.idx.msk vm1, v60  }
0x23e: {  	[tilespmem:v29+s15+$0x0] =	vst.idx.msk vm1, v25  }
0x23f: {  	[tilespmem:v30+s14+$0x0] =	vst.idx.msk vm2, v62  }
0x240: {  	p0 =	slt.s32 s23, $0x1;
	[tilespmem:v30+s15+$0x0] =	vst.idx.msk vm2, v26  }
.Ltmp22:
0x241: {  	[tilespmem:v23+s14+$0x0] =	vst.idx.msk vm3, v61;
	(pc) =	sbr.rel @p0 .LBB2_37-.Ltmp22, $4  }
0x242: {  	[tilespmem:v23+s15+$0x0] =	vst.idx.msk vm3, v27;
	s25 =	spop (v2sf)  }
0x243: {  	_ =	swait.ge [sflag:s19], $0x3000  }
0x244: {  	[sflag:s19] =	ssyncset.done $0x0  }
0x245: {  	[sflag:s19] =	ssyncadd.s32 $0xFFFFD000  }
0x246: {  	p0 =	slt.s32 s23, $0x60;
	s1 =	smov.u32 s23  }
0x247: {  	s1 =	simm.s32 @!p0 $0x60  }
0x248: {  	p1 =	sne.s32 s1, $0x1  }
.Ltmp23:
0x249: {  	_ = 	snop;
	(pc) =	sbr.rel @!p1 .LBB2_32-.Ltmp23, $3  }
0x24a: {  	_ =	sdelay $0x1  }
0x24b: {  	s6 =	simm.s32 $0xA00  }
0x24c: {  	s0 =	simm.s32 $0x3C20;
	v24 =	vmov s6;
	p0 =	por $0x0, $0x0  }
0x24d: {  	_ =	sdelay $0x3  }
0x24e: {  	v23 =	vld.idx.msk [tilespmem:v24+s15+$0x0], $0xffff;
	_ =	sdelay $0x4  }
0x24f: {  	v24 =	vshll.u32 v23, $0x4  }
0x250: {  	v24 =	vor.u32 v1, v24;
	_ =	sdelay $0x3  }
0x251: {  	v26 =	vld [tilespmem:s0+$0x20]  }
0x252: {  	v25 =	vld.idx.msk [tilespmem:v24+s11+$0x0], $0xffff;
	_ =	sdelay $0x4  }
0x253: {  	v25 =	vadd.f32 v26, v25;
	_ =	sdelay $0x1  }
0x254: {  	v26 =	vmul.f32 $2.000000030e-01, v25  }
0x255: {  	vm0 =	vgt.f32 v25, $0.0e+00  }
0x256: {  	v25 =	vsel vm0, v25, v26  }
0x257: {  	v25 =	vmul.f32 $1.442695020e+00, v25;
	_ =	sdelay $0x1  }
0x258: {  	(erf) = vpow2.f32 v25;
	_ =	sdelay $0x8  }
0x259: {  	v25 =	vpop (erf)  }
0x25a: {  	[tilespmem:v24+s20+$0x0] =	vst.idx.add.f32.msk $0xff, v25  }
0x25b: {  	v24 =	vld [tilespmem:s0+$0xFFFFFFE0];
	_ =	sdelay $0x1  }
0x25c: {  	v23 =	vshll.u32 v23, $0x7;
	v26 =	vld [tilespmem:s0+$0xFFFFFFF0]  }
0x25d: {  	v27 =	vor.u32 v4, v23  }
0x25e: {  	v31 =	vor.u32 v9, v23;
	v30 =	vperm.xlane v25, v3;
	v29 =	vld [tilespmem:s0+$0x0]  }
0x25f: {  	v33 =	vor.u32 v10, v23;
	v32 =	vunpack.i.u.bf16.f32 v24;
	v24 =	vunpack.i.l.bf16.f32 v24  }
0x260: {  	v36 =	vor.u32 v11, v23;
	v35 =	vperm.xlane v25, v6;
	v24 =	vmul.f32 v30, v24  }
0x261: {  	v37 =	vor.u32 v12, v23;
	v34 =	vld [tilespmem:s0+$0x10];
	v38 =	vunpack.i.l.bf16.f32 v26;
	v30 =	vmul.f32 v30, v32  }
0x262: {  	v59 =	vperm.xlane v25, v7;
	v26 =	vunpack.i.u.bf16.f32 v26;
	[tilespmem:v27+s21+$0x0] =	vst.idx.add.f32.msk $0xffff, v24;
	v24 =	vmul.f32 v35, v38  }
0x263: {  	v28 =	vor.u32 v13, v23;
	v60 =	vunpack.i.l.bf16.f32 v29;
	v26 =	vmul.f32 v35, v26;
	[tilespmem:v31+s21+$0x0] =	vst.idx.add.f32.msk $0xffff, v30  }
0x264: {  	p1 =	sne.s32 s1, $0x2;
	v27 =	vor.u32 v14, v23;
	[tilespmem:v33+s21+$0x0] =	vst.idx.add.f32.msk $0xffff, v24;
	v24 =	vmul.f32 v59, v60  }
.Ltmp24:
0x265: {  	s7 =	simm.s32 $0xA01;
	v25 =	vperm.xlane v25, v8;
	v29 =	vunpack.i.u.bf16.f32 v29;
	v23 =	vor.u32 v15, v23;
	[tilespmem:v36+s21+$0x0] =	vst.idx.add.f32.msk $0xffff, v26;
	(pc) =	sbr.rel @!p1 .LBB2_34-.Ltmp24, $4  }
0x266: {  	v61 =	vunpack.i.l.bf16.f32 v34;
	v26 =	vmul.f32 v59, v29;
	[tilespmem:v37+s21+$0x0] =	vst.idx.add.f32.msk $0xffff, v24;
	v24 =	vmov s7  }
0x267: {  	v63 =	vunpack.i.u.bf16.f32 v34;
	v62 =	vmul.f32 v25, v61  }
0x268: {  	v25 =	vmul.f32 v25, v63;
	[tilespmem:v28+s21+$0x0] =	vst.idx.add.f32.msk $0xffff, v26  }
0x269: {  	s6 =	simm.s32 $0x2;
	p0 =	por $0x1, $0x1;
	s26 =	simm.s32 $0x3C20;
	[tilespmem:v27+s21+$0x0] =	vst.idx.add.f32.msk $0xffff, v62  }
.LBB2_35:
0x26a: {  	[tilespmem:v23+s21+$0x0] =	vst.idx.add.f32.msk $0xffff, v25;
	s26 =	sadd.s32 $0x80, s26;
	s7 =	smov.u32 s6;
	s6 =	sadd.s32 $0x1, s6  }
0x26b: {  	p1 =	sne.s32 s1, s6;
	v23 =	vld.idx.msk [tilespmem:v24+s15+$0x0], $0xffff;
	_ =	sdelay $0x5  }
0x26c: {  	v24 =	vshll.u32 v23, $0x4;
	v25 =	vshll.u32 v23, $0x7  }
0x26d: {  	v23 =	vor.u32 v1, v24;
	_ =	sdelay $0x4  }
0x26e: {  	v24 =	vld.idx.msk [tilespmem:v23+s11+$0x0], $0xffff  }
0x26f: {  	v26 =	vld [tilespmem:s26+$0x20];
	_ =	sdelay $0x4  }
0x270: {  	v24 =	vadd.f32 v26, v24;
	_ =	sdelay $0x1  }
0x271: {  	v26 =	vmul.f32 $2.000000030e-01, v24  }
0x272: {  	vm0 =	vgt.f32 v24, $0.0e+00  }
0x273: {  	v24 =	vsel vm0, v24, v26  }
0x274: {  	v24 =	vmul.f32 $1.442695020e+00, v24;
	_ =	sdelay $0x1  }
0x275: {  	(erf) = vpow2.f32 v24;
	_ =	sdelay $0x8  }
0x276: {  	v24 =	vpop (erf)  }
0x277: {  	[tilespmem:v23+s20+$0x0] =	vst.idx.add.f32.msk $0xff, v24  }
0x278: {  	v26 =	vld [tilespmem:s26+$0xFFFFFFE0];
	_ =	sdelay $0x1  }
0x279: {  	v23 =	vor.u32 v15, v25;
	v27 =	vld [tilespmem:s26+$0xFFFFFFF0]  }
0x27a: {  	v28 =	vor.u32 v4, v25;
	v29 =	vor.u32 v13, v25;
	v30 =	vor.u32 v14, v25  }
0x27b: {  	v33 =	vor.u32 v9, v25;
	v34 =	vor.u32 v12, v25;
	v32 =	vperm.xlane v24, v3;
	v31 =	vld [tilespmem:s26+$0x0]  }
0x27c: {  	v36 =	vor.u32 v10, v25;
	v35 =	vunpack.i.u.bf16.f32 v26;
	v26 =	vunpack.i.l.bf16.f32 v26  }
0x27d: {  	v38 =	vperm.xlane v24, v6;
	v25 =	vor.u32 v11, v25;
	v37 =	vld [tilespmem:s26+$0x10];
	v26 =	vmul.f32 v32, v26  }
0x27e: {  	v32 =	vmul.f32 v32, v35;
	v39 =	vunpack.i.u.bf16.f32 v27;
	v27 =	vunpack.i.l.bf16.f32 v27  }
0x27f: {  	v35 =	vperm.xlane v24, v7;
	[tilespmem:v28+s21+$0x0] =	vst.idx.add.f32.msk $0xffff, v26;
	v26 =	vmul.f32 v38, v27  }
0x280: {  	v27 =	vunpack.i.u.bf16.f32 v31;
	v28 =	vunpack.i.l.bf16.f32 v31;
	[tilespmem:v33+s21+$0x0] =	vst.idx.add.f32.msk $0xffff, v32;
	v31 =	vmul.f32 v38, v39  }
.Ltmp25:
0x281: {  	s7 =	sadd.s32 $0xA00, s7;
	v32 =	vperm.xlane v24, v8;
	[tilespmem:v36+s21+$0x0] =	vst.idx.add.f32.msk $0xffff, v26;
	v26 =	vmul.f32 v35, v28;
	(pc) =	sbr.rel @p1 .LBB2_35-.Ltmp25, $4  }
0x282: {  	v24 =	vmov s7;
	v28 =	vunpack.i.l.bf16.f32 v37;
	[tilespmem:v25+s21+$0x0] =	vst.idx.add.f32.msk $0xffff, v31;
	v25 =	vmul.f32 v35, v27  }
0x283: {  	v27 =	vunpack.i.u.bf16.f32 v37;
	[tilespmem:v34+s21+$0x0] =	vst.idx.add.f32.msk $0xffff, v26;
	v26 =	vmul.f32 v32, v28  }
0x284: {  	[tilespmem:v29+s21+$0x0] =	vst.idx.add.f32.msk $0xffff, v25;
	v25 =	vmul.f32 v32, v27  }
0x285: {  	[tilespmem:v30+s21+$0x0] =	vst.idx.add.f32.msk $0xffff, v26  }
.LBB2_36:
0x286: {  	_ =	sdelay $0x3  }
0x287: {  	[tilespmem:v23+s21+$0x0] =	vst.idx.add.f32.msk @p0 $0xffff, v25  }
0x288: {  	v23 =	vld.idx.msk [tilespmem:v24+s15+$0x0], $0xffff;
	_ =	sdelay $0x4  }
0x289: {  	v24 =	vshll.u32 v23, $0x4  }
0x28a: {  	v24 =	vor.u32 v1, v24;
	_ =	sdelay $0x1  }
0x28b: {  	s1 =	sadd.s32 @p0 $0x80, s26  }
0x28c: {  	s0 =	smov.u32 @p0 s1  }
0x28d: {  	v26 =	vld [tilespmem:s0+$0x20]  }
0x28e: {  	v25 =	vld.idx.msk [tilespmem:v24+s11+$0x0], $0xffff;
	_ =	sdelay $0x4  }
0x28f: {  	v25 =	vadd.f32 v26, v25;
	_ =	sdelay $0x1  }
0x290: {  	v26 =	vmul.f32 $2.000000030e-01, v25  }
0x291: {  	vm0 =	vgt.f32 v25, $0.0e+00  }
0x292: {  	v25 =	vsel vm0, v25, v26  }
0x293: {  	v25 =	vmul.f32 $1.442695020e+00, v25;
	_ =	sdelay $0x1  }
0x294: {  	(erf) = vpow2.f32 v25;
	_ =	sdelay $0x8  }
0x295: {  	v25 =	vpop (erf)  }
0x296: {  	[tilespmem:v24+s20+$0x0] =	vst.idx.add.f32.msk $0xff, v25  }
0x297: {  	v24 =	vld [tilespmem:s0+$0xFFFFFFE0];
	_ =	sdelay $0x1  }
0x298: {  	v23 =	vshll.u32 v23, $0x7;
	v55 =	vld [tilespmem:s0+$0xFFFFFFF0]  }
0x299: {  	v27 =	vor.u32 v15, v23;
	v28 =	vor.u32 v4, v23  }
0x29a: {  	v29 =	vor.u32 v13, v23;
	v32 =	vor.u32 v9, v23;
	v31 =	vperm.xlane v25, v3;
	v30 =	vld [tilespmem:s0+$0x0]  }
0x29b: {  	v34 =	vor.u32 v10, v23;
	v33 =	vunpack.i.u.bf16.f32 v24;
	v24 =	vunpack.i.l.bf16.f32 v24  }
0x29c: {  	v37 =	vor.u32 v11, v23;
	v36 =	vperm.xlane v25, v6;
	v35 =	vld [tilespmem:s0+$0x10];
	v24 =	vmul.f32 v31, v24  }
0x29d: {  	v38 =	vor.u32 v12, v23;
	v39 =	vunpack.i.l.bf16.f32 v55;
	v31 =	vmul.f32 v31, v33  }
0x29e: {  	v56 =	vperm.xlane v25, v7;
	v26 =	vunpack.i.u.bf16.f32 v55;
	v57 =	vmul.f32 v36, v39;
	[tilespmem:v28+s21+$0x0] =	vst.idx.add.f32.msk $0xffff, v24  }
0x29f: {  	v23 =	vor.u32 v14, v23;
	v58 =	vunpack.i.l.bf16.f32 v30;
	v26 =	vmul.f32 v36, v26;
	[tilespmem:v32+s21+$0x0] =	vst.idx.add.f32.msk $0xffff, v31  }
0x2a0: {  	v25 =	vperm.xlane v25, v8;
	v30 =	vunpack.i.u.bf16.f32 v30;
	v59 =	vmul.f32 v56, v58;
	[tilespmem:v34+s21+$0x0] =	vst.idx.add.f32.msk $0xffff, v57  }
0x2a1: {  	v60 =	vunpack.i.l.bf16.f32 v35;
	v61 =	vmul.f32 v56, v30;
	[tilespmem:v37+s21+$0x0] =	vst.idx.add.f32.msk $0xffff, v26  }
0x2a2: {  	v62 =	vunpack.i.u.bf16.f32 v35;
	v63 =	vmul.f32 v25, v60;
	[tilespmem:v38+s21+$0x0] =	vst.idx.add.f32.msk $0xffff, v59  }
0x2a3: {  	v25 =	vmul.f32 v25, v62;
	[tilespmem:v29+s21+$0x0] =	vst.idx.add.f32.msk $0xffff, v61  }
0x2a4: {  	[tilespmem:v23+s21+$0x0] =	vst.idx.add.f32.msk $0xffff, v63  }
0x2a5: {  	[tilespmem:v27+s21+$0x0] =	vst.idx.add.f32.msk $0xffff, v25  }
.LBB2_37:
0x2a6: {  	s0 =	sadd.s32 $0x8000005F, s24  }
0x2a7: {  	s1 =	smulhi.u32 $0x2AAAAAAB, s0;
	s6 =	sshra.s32 s0, $0x1F  }
0x2a8: {  	s6 =	smul.u32 $0x2AAAAAAB, s6;
	_ =	sdelay $0x1  }
0x2a9: {  	s1 =	sadd.s32 s6, s1  }
0x2aa: {  	s6 =	sshrl.u32 s1, $0x1F;
	s1 =	sshra.s32 s1, $0x4  }
0x2ab: {  	s1 =	sadd.s32 s6, s1  }
0x2ac: {  	s6 =	smul.u32 $0xFFFFFFA0, s1  }
0x2ad: {  	s7 =	ssub.s32 $0x7FFFFFA1, s24  }
0x2ae: {  	p0 =	slt.s32 s0, $0x1;
	p1 =	sne.s32 s6, s7  }
0x2af: {  	p0 =	por !p0, !p1  }
0x2b0: {  	s0 =	simm.s32 $0x1;
	p0 =	por !p0, !p0  }
0x2b1: {  	s0 =	simm.s32 @!p0 $0x0  }
0x2b2: {  	s26 =	ssub.s32 s1, s0  }
0x2b3: {  	p0 =	slt.s32 s26, $0x2  }
.Ltmp26:
0x2b4: {  	_ = 	snop;
	(pc) =	sbr.rel @p0 .LBB2_47-.Ltmp26, $1  }
0x2b5: {  	_ =	sdelay $0x3  }
.Ltmp27:
0x2b6: {  	(pc) =	sbr.rel .LBB2_39-.Ltmp27, $2  }
0x2b7: {  	_ =	sdelay $0x2  }
0x2b8: {  	s24 =	sadd.s32 $0x7FFFFFA0, s24;
	s1 =	simm.s32 $0x1;
	s28 =	simm.s32 $0xA60  }
.LBB2_41:
0x2b9: {  	s6 =	simm.s32 $0x3C20  }
.LBB2_45:
0x2ba: {  	_ =	sdelay $0x3  }
0x2bb: {  	[tilespmem:v23+s21+$0x0] =	vst.idx.add.f32.msk @p0 $0xffff, v25  }
0x2bc: {  	v23 =	vld.idx.msk [tilespmem:v24+s15+$0x0], $0xffff;
	_ =	sdelay $0x4  }
0x2bd: {  	v24 =	vshll.u32 v23, $0x4  }
0x2be: {  	v24 =	vor.u32 v1, v24;
	_ =	sdelay $0x1  }
0x2bf: {  	s6 =	sadd.s32 @p0 $0x80, s6  }
0x2c0: {  	s0 =	smov.u32 @p0 s6  }
0x2c1: {  	v26 =	vld [tilespmem:s0+$0x20]  }
0x2c2: {  	v25 =	vld.idx.msk [tilespmem:v24+s11+$0x0], $0xffff;
	_ =	sdelay $0x4  }
0x2c3: {  	v25 =	vadd.f32 v26, v25;
	_ =	sdelay $0x1  }
0x2c4: {  	v26 =	vmul.f32 $2.000000030e-01, v25  }
0x2c5: {  	vm0 =	vgt.f32 v25, $0.0e+00  }
0x2c6: {  	v25 =	vsel vm0, v25, v26  }
0x2c7: {  	v25 =	vmul.f32 $1.442695020e+00, v25;
	_ =	sdelay $0x1  }
0x2c8: {  	(erf) = vpow2.f32 v25;
	_ =	sdelay $0x8  }
0x2c9: {  	v25 =	vpop (erf)  }
0x2ca: {  	[tilespmem:v24+s20+$0x0] =	vst.idx.add.f32.msk $0xff, v25  }
0x2cb: {  	v24 =	vld [tilespmem:s0+$0xFFFFFFE0];
	_ =	sdelay $0x1  }
0x2cc: {  	v23 =	vshll.u32 v23, $0x7;
	v55 =	vld [tilespmem:s0+$0xFFFFFFF0]  }
0x2cd: {  	v27 =	vor.u32 v15, v23;
	v28 =	vor.u32 v4, v23  }
0x2ce: {  	v29 =	vor.u32 v13, v23;
	v32 =	vor.u32 v9, v23;
	v31 =	vperm.xlane v25, v3;
	v30 =	vld [tilespmem:s0+$0x0]  }
0x2cf: {  	v34 =	vor.u32 v10, v23;
	v33 =	vunpack.i.u.bf16.f32 v24;
	v24 =	vunpack.i.l.bf16.f32 v24  }
0x2d0: {  	v37 =	vor.u32 v11, v23;
	v36 =	vperm.xlane v25, v6;
	v35 =	vld [tilespmem:s0+$0x10];
	v24 =	vmul.f32 v31, v24  }
0x2d1: {  	v38 =	vor.u32 v12, v23;
	v39 =	vunpack.i.l.bf16.f32 v55;
	v31 =	vmul.f32 v31, v33  }
0x2d2: {  	v56 =	vperm.xlane v25, v7;
	v26 =	vunpack.i.u.bf16.f32 v55;
	v57 =	vmul.f32 v36, v39;
	[tilespmem:v28+s21+$0x0] =	vst.idx.add.f32.msk $0xffff, v24  }
0x2d3: {  	v23 =	vor.u32 v14, v23;
	v58 =	vunpack.i.l.bf16.f32 v30;
	v26 =	vmul.f32 v36, v26;
	[tilespmem:v32+s21+$0x0] =	vst.idx.add.f32.msk $0xffff, v31  }
0x2d4: {  	v25 =	vperm.xlane v25, v8;
	v30 =	vunpack.i.u.bf16.f32 v30;
	v59 =	vmul.f32 v56, v58;
	[tilespmem:v34+s21+$0x0] =	vst.idx.add.f32.msk $0xffff, v57  }
0x2d5: {  	v60 =	vunpack.i.l.bf16.f32 v35;
	v61 =	vmul.f32 v56, v30;
	[tilespmem:v37+s21+$0x0] =	vst.idx.add.f32.msk $0xffff, v26  }
0x2d6: {  	v62 =	vunpack.i.u.bf16.f32 v35;
	v63 =	vmul.f32 v25, v60;
	[tilespmem:v38+s21+$0x0] =	vst.idx.add.f32.msk $0xffff, v59  }
0x2d7: {  	v25 =	vmul.f32 v25, v62;
	[tilespmem:v29+s21+$0x0] =	vst.idx.add.f32.msk $0xffff, v61  }
0x2d8: {  	[tilespmem:v23+s21+$0x0] =	vst.idx.add.f32.msk $0xffff, v63  }
0x2d9: {  	[tilespmem:v27+s21+$0x0] =	vst.idx.add.f32.msk $0xffff, v25  }
.LBB2_46:
0x2da: {  	s1 =	sadd.s32 $0x1, s1  }
0x2db: {  	p0 =	sne.s32 s1, s26  }
.Ltmp28:
0x2dc: {  	_ = 	snop;
	(pc) =	sbr.rel @!p0 .LBB2_47-.Ltmp28, $2  }
0x2dd: {  	_ =	sdelay $0x2  }
0x2de: {  	s24 =	sadd.s32 $0xFFFFFFA0, s24;
	s28 =	sadd.s32 $0x60, s28  }
.LBB2_39:
0x2df: {  	s0 =	smul.u32 $0x60, s1;
	_ =	sdelay $0x1  }
0x2e0: {  	s6 =	sadd.s32 $0x1E00, s0;
	s0 =	ssub.s32 s23, s0  }
0x2e1: {  	p0 =	slt.s32 s0, $0x1  }
.Ltmp29:
0x2e2: {  	_ = 	snop;
	(pc) =	sbr.rel @p0 .LBB2_46-.Ltmp29, $4  }
0x2e3: {  	[tilespmem:s17], [sflag:$0x2] =	stream.indirect.gather [hbm4b:s3+s16], $0x80, s6, s16, $0xb8;
	[tilespmem:$0x13500] =	vst v63  }
0x2e4: {  	_ =	swait.ge [sflag:s19], $0x3000  }
0x2e5: {  	[sflag:s19] =	ssyncset.done $0x0  }
0x2e6: {  	[sflag:s19] =	ssyncadd.s32 $0xFFFFD000  }
0x2e7: {  	p0 =	sgt.s32 s24, $0x1;
	s0 =	smov.u32 s24  }
0x2e8: {  	s0 =	simm.s32 @!p0 $0x1  }
0x2e9: {  	s6 =	smin.u32 s0, $0x60  }
0x2ea: {  	p1 =	sne.s32 s6, $0x1  }
.Ltmp30:
0x2eb: {  	_ = 	snop;
	(pc) =	sbr.rel @!p1 .LBB2_41-.Ltmp30, $2  }
0x2ec: {  	_ =	sdelay $0x2  }
0x2ed: {  	v24 =	vmov s28;
	p0 =	por $0x0, $0x0;
	s0 =	simm.s32 $0x3C20;
	s6 =	sadd.s32 $0xFFFFFFFF, s6  }
0x2ee: {  	_ =	sdelay $0x3  }
0x2ef: {  	v23 =	vld.idx.msk [tilespmem:v24+s15+$0x0], $0xffff;
	_ =	sdelay $0x4  }
0x2f0: {  	v24 =	vshll.u32 v23, $0x4  }
0x2f1: {  	v24 =	vor.u32 v1, v24;
	_ =	sdelay $0x3  }
0x2f2: {  	v26 =	vld [tilespmem:s0+$0x20]  }
0x2f3: {  	v25 =	vld.idx.msk [tilespmem:v24+s11+$0x0], $0xffff;
	_ =	sdelay $0x4  }
0x2f4: {  	v25 =	vadd.f32 v26, v25;
	_ =	sdelay $0x1  }
0x2f5: {  	v26 =	vmul.f32 $2.000000030e-01, v25  }
0x2f6: {  	vm0 =	vgt.f32 v25, $0.0e+00  }
0x2f7: {  	v25 =	vsel vm0, v25, v26  }
0x2f8: {  	v25 =	vmul.f32 $1.442695020e+00, v25;
	_ =	sdelay $0x1  }
0x2f9: {  	(erf) = vpow2.f32 v25;
	_ =	sdelay $0x8  }
0x2fa: {  	v25 =	vpop (erf)  }
0x2fb: {  	[tilespmem:v24+s20+$0x0] =	vst.idx.add.f32.msk $0xff, v25  }
0x2fc: {  	v24 =	vld [tilespmem:s0+$0xFFFFFFE0];
	_ =	sdelay $0x1  }
0x2fd: {  	v23 =	vshll.u32 v23, $0x7;
	v26 =	vld [tilespmem:s0+$0xFFFFFFF0]  }
0x2fe: {  	v27 =	vor.u32 v4, v23  }
0x2ff: {  	v31 =	vor.u32 v9, v23;
	v30 =	vperm.xlane v25, v3;
	v29 =	vld [tilespmem:s0+$0x0]  }
0x300: {  	v33 =	vor.u32 v10, v23;
	v32 =	vunpack.i.u.bf16.f32 v24;
	v24 =	vunpack.i.l.bf16.f32 v24  }
0x301: {  	v36 =	vor.u32 v11, v23;
	v35 =	vperm.xlane v25, v6;
	v24 =	vmul.f32 v30, v24  }
0x302: {  	v37 =	vor.u32 v12, v23;
	v34 =	vld [tilespmem:s0+$0x10];
	v38 =	vunpack.i.l.bf16.f32 v26;
	v30 =	vmul.f32 v30, v32  }
0x303: {  	v59 =	vperm.xlane v25, v7;
	v26 =	vunpack.i.u.bf16.f32 v26;
	[tilespmem:v27+s21+$0x0] =	vst.idx.add.f32.msk $0xffff, v24;
	v24 =	vmul.f32 v35, v38  }
0x304: {  	v28 =	vor.u32 v13, v23;
	v60 =	vunpack.i.l.bf16.f32 v29;
	v26 =	vmul.f32 v35, v26;
	[tilespmem:v31+s21+$0x0] =	vst.idx.add.f32.msk $0xffff, v30  }
0x305: {  	p1 =	sne.s32 s6, $0x1;
	v27 =	vor.u32 v14, v23;
	[tilespmem:v33+s21+$0x0] =	vst.idx.add.f32.msk $0xffff, v24;
	v24 =	vmul.f32 v59, v60  }
.Ltmp31:
0x306: {  	s7 =	sadd.s32 $0x1, s28;
	v25 =	vperm.xlane v25, v8;
	v29 =	vunpack.i.u.bf16.f32 v29;
	v23 =	vor.u32 v15, v23;
	[tilespmem:v36+s21+$0x0] =	vst.idx.add.f32.msk $0xffff, v26;
	(pc) =	sbr.rel @!p1 .LBB2_43-.Ltmp31, $4  }
0x307: {  	v61 =	vunpack.i.l.bf16.f32 v34;
	v26 =	vmul.f32 v59, v29;
	[tilespmem:v37+s21+$0x0] =	vst.idx.add.f32.msk $0xffff, v24;
	v24 =	vmov s7  }
0x308: {  	v63 =	vunpack.i.u.bf16.f32 v34;
	v62 =	vmul.f32 v25, v61  }
0x309: {  	v25 =	vmul.f32 v25, v63;
	[tilespmem:v28+s21+$0x0] =	vst.idx.add.f32.msk $0xffff, v26  }
0x30a: {  	s8 =	sadd.s32 $0xFFFFFFFF, s6;
	p0 =	por $0x1, $0x1;
	s6 =	simm.s32 $0x3C20;
	[tilespmem:v27+s21+$0x0] =	vst.idx.add.f32.msk $0xffff, v62  }
.LBB2_44:
0x30b: {  	p1 =	sne.s32 s8, $0x1;
	s8 =	sadd.s32 $0xFFFFFFFF, s8;
	[tilespmem:v23+s21+$0x0] =	vst.idx.add.f32.msk $0xffff, v25;
	s6 =	sadd.s32 $0x80, s6  }
0x30c: {  	v23 =	vld.idx.msk [tilespmem:v24+s15+$0x0], $0xffff;
	_ =	sdelay $0x5  }
0x30d: {  	v24 =	vshll.u32 v23, $0x4;
	v25 =	vshll.u32 v23, $0x7  }
0x30e: {  	v23 =	vor.u32 v1, v24;
	_ =	sdelay $0x4  }
0x30f: {  	v24 =	vld.idx.msk [tilespmem:v23+s11+$0x0], $0xffff  }
0x310: {  	v26 =	vld [tilespmem:s6+$0x20];
	_ =	sdelay $0x4  }
0x311: {  	v24 =	vadd.f32 v26, v24;
	_ =	sdelay $0x1  }
0x312: {  	v26 =	vmul.f32 $2.000000030e-01, v24  }
0x313: {  	vm0 =	vgt.f32 v24, $0.0e+00  }
0x314: {  	v24 =	vsel vm0, v24, v26  }
0x315: {  	v24 =	vmul.f32 $1.442695020e+00, v24;
	_ =	sdelay $0x1  }
0x316: {  	(erf) = vpow2.f32 v24;
	_ =	sdelay $0x8  }
0x317: {  	v24 =	vpop (erf)  }
0x318: {  	[tilespmem:v23+s20+$0x0] =	vst.idx.add.f32.msk $0xff, v24  }
0x319: {  	v26 =	vld [tilespmem:s6+$0xFFFFFFE0];
	_ =	sdelay $0x1  }
0x31a: {  	v23 =	vor.u32 v15, v25;
	v27 =	vld [tilespmem:s6+$0xFFFFFFF0]  }
0x31b: {  	v28 =	vor.u32 v4, v25;
	v29 =	vor.u32 v13, v25;
	v30 =	vor.u32 v14, v25  }
0x31c: {  	v33 =	vor.u32 v9, v25;
	v34 =	vor.u32 v12, v25;
	v32 =	vperm.xlane v24, v3;
	v31 =	vld [tilespmem:s6+$0x0]  }
0x31d: {  	v36 =	vor.u32 v10, v25;
	v35 =	vunpack.i.u.bf16.f32 v26;
	v26 =	vunpack.i.l.bf16.f32 v26  }
0x31e: {  	v38 =	vperm.xlane v24, v6;
	v25 =	vor.u32 v11, v25;
	v37 =	vld [tilespmem:s6+$0x10];
	v26 =	vmul.f32 v32, v26  }
0x31f: {  	v32 =	vmul.f32 v32, v35;
	v39 =	vunpack.i.u.bf16.f32 v27;
	v27 =	vunpack.i.l.bf16.f32 v27  }
0x320: {  	v35 =	vperm.xlane v24, v7;
	[tilespmem:v28+s21+$0x0] =	vst.idx.add.f32.msk $0xffff, v26;
	v26 =	vmul.f32 v38, v27  }
0x321: {  	v27 =	vunpack.i.u.bf16.f32 v31;
	v28 =	vunpack.i.l.bf16.f32 v31;
	[tilespmem:v33+s21+$0x0] =	vst.idx.add.f32.msk $0xffff, v32;
	v31 =	vmul.f32 v38, v39  }
.Ltmp32:
0x322: {  	s7 =	sadd.s32 $0x1, s7;
	v32 =	vperm.xlane v24, v8;
	[tilespmem:v36+s21+$0x0] =	vst.idx.add.f32.msk $0xffff, v26;
	v26 =	vmul.f32 v35, v28;
	(pc) =	sbr.rel @p1 .LBB2_44-.Ltmp32, $4  }
0x323: {  	v24 =	vmov s7;
	v28 =	vunpack.i.l.bf16.f32 v37;
	[tilespmem:v25+s21+$0x0] =	vst.idx.add.f32.msk $0xffff, v31;
	v25 =	vmul.f32 v35, v27  }
0x324: {  	v27 =	vunpack.i.u.bf16.f32 v37;
	[tilespmem:v34+s21+$0x0] =	vst.idx.add.f32.msk $0xffff, v26;
	v26 =	vmul.f32 v32, v28  }
0x325: {  	[tilespmem:v29+s21+$0x0] =	vst.idx.add.f32.msk $0xffff, v25;
	v25 =	vmul.f32 v32, v27  }
0x326: {  	[tilespmem:v30+s21+$0x0] =	vst.idx.add.f32.msk $0xffff, v26  }
.Ltmp33:
0x327: {  	_ = 	snop;
	(pc) =	sbr.rel .LBB2_45-.Ltmp33, $1  }
0x328: {  	_ =	sdelay $0x3  }
.LBB2_43:
.Ltmp34:
0x329: {  	(pc) =	sbr.rel .LBB2_45-.Ltmp34, $2  }
0x32a: {  	_ =	sdelay $0x2  }
0x32b: {  	s6 =	simm.s32 $0x3C20  }
.LBB2_47:
0x32c: {  	s23 =	sxor.u32 $0x80000000, s25  }
0x32d: {  	p0 =	slt.s32 s23, $0x1  }
.Ltmp35:
0x32e: {  	_ = 	snop;
	(pc) =	sbr.rel @p0 .LBB2_54-.Ltmp35, $4  }
0x32f: {  	[tilespmem:s17], [sflag:$0x2] =	stream.indirect.gather [hbm4b:s3+s16], $0x80, s14, s16, $0xb8;
	[tilespmem:$0x13500] =	vst v63  }
0x330: {  	_ =	swait.ge [sflag:s19], $0x3000  }
0x331: {  	[sflag:s19] =	ssyncset.done $0x0  }
0x332: {  	[sflag:s19] =	ssyncadd.s32 $0xFFFFD000  }
0x333: {  	p0 =	slt.s32 s23, $0x60;
	s1 =	smov.u32 s23  }
0x334: {  	s1 =	simm.s32 @!p0 $0x60  }
0x335: {  	p1 =	sne.s32 s1, $0x1  }
.Ltmp36:
0x336: {  	_ = 	snop;
	(pc) =	sbr.rel @!p1 .LBB2_49-.Ltmp36, $3  }
0x337: {  	_ =	sdelay $0x1  }
0x338: {  	s7 =	simm.s32 $0x0  }
0x339: {  	s0 =	simm.s32 $0x3C20;
	s6 =	simm.s32 $0x1;
	v24 =	vmov s7;
	p0 =	por $0x0, $0x0  }
0x33a: {  	_ =	sdelay $0x3  }
0x33b: {  	v23 =	vld.idx.msk [tilespmem:v24+s15+$0x0], $0xffff;
	_ =	sdelay $0x4  }
0x33c: {  	v24 =	vshll.u32 v23, $0x4  }
0x33d: {  	v24 =	vor.u32 v1, v24;
	_ =	sdelay $0x3  }
0x33e: {  	v26 =	vld [tilespmem:s0+$0x20]  }
0x33f: {  	v25 =	vld.idx.msk [tilespmem:v24+s11+$0x0], $0xffff;
	_ =	sdelay $0x4  }
0x340: {  	v25 =	vadd.f32 v26, v25;
	_ =	sdelay $0x1  }
0x341: {  	v26 =	vmul.f32 $2.000000030e-01, v25  }
0x342: {  	vm0 =	vgt.f32 v25, $0.0e+00  }
0x343: {  	v25 =	vsel vm0, v25, v26  }
0x344: {  	v25 =	vmul.f32 $1.442695020e+00, v25;
	_ =	sdelay $0x1  }
0x345: {  	(erf) = vpow2.f32 v25;
	_ =	sdelay $0x8  }
0x346: {  	v25 =	vpop (erf)  }
0x347: {  	[tilespmem:v24+s20+$0x0] =	vst.idx.add.f32.msk $0xff, v25  }
0x348: {  	v24 =	vld [tilespmem:s0+$0xFFFFFFE0];
	_ =	sdelay $0x1  }
0x349: {  	v23 =	vshll.u32 v23, $0x7;
	v26 =	vld [tilespmem:s0+$0xFFFFFFF0]  }
0x34a: {  	v27 =	vor.u32 v4, v23  }
0x34b: {  	v31 =	vor.u32 v9, v23;
	v30 =	vperm.xlane v25, v3;
	v29 =	vld [tilespmem:s0+$0x0]  }
0x34c: {  	v33 =	vor.u32 v10, v23;
	v32 =	vunpack.i.u.bf16.f32 v24;
	v24 =	vunpack.i.l.bf16.f32 v24  }
0x34d: {  	v36 =	vor.u32 v11, v23;
	v35 =	vperm.xlane v25, v6;
	v24 =	vmul.f32 v30, v24  }
0x34e: {  	v37 =	vor.u32 v12, v23;
	v34 =	vld [tilespmem:s0+$0x10];
	v38 =	vunpack.i.l.bf16.f32 v26;
	v30 =	vmul.f32 v30, v32  }
0x34f: {  	v59 =	vperm.xlane v25, v7;
	v26 =	vunpack.i.u.bf16.f32 v26;
	[tilespmem:v27+s21+$0x0] =	vst.idx.add.f32.msk $0xffff, v24;
	v24 =	vmul.f32 v35, v38  }
0x350: {  	v28 =	vor.u32 v13, v23;
	v60 =	vunpack.i.l.bf16.f32 v29;
	v26 =	vmul.f32 v35, v26;
	[tilespmem:v31+s21+$0x0] =	vst.idx.add.f32.msk $0xffff, v30  }
0x351: {  	p1 =	sne.s32 s1, $0x2;
	v27 =	vor.u32 v14, v23;
	[tilespmem:v33+s21+$0x0] =	vst.idx.add.f32.msk $0xffff, v24;
	v24 =	vmul.f32 v59, v60  }
.Ltmp37:
0x352: {  	v25 =	vperm.xlane v25, v8;
	v29 =	vunpack.i.u.bf16.f32 v29;
	v23 =	vor.u32 v15, v23;
	[tilespmem:v36+s21+$0x0] =	vst.idx.add.f32.msk $0xffff, v26;
	(pc) =	sbr.rel @!p1 .LBB2_51-.Ltmp37, $4  }
0x353: {  	v61 =	vunpack.i.l.bf16.f32 v34;
	v26 =	vmul.f32 v59, v29;
	[tilespmem:v37+s21+$0x0] =	vst.idx.add.f32.msk $0xffff, v24;
	v24 =	vmov s6  }
0x354: {  	v63 =	vunpack.i.u.bf16.f32 v34;
	v62 =	vmul.f32 v25, v61  }
0x355: {  	v25 =	vmul.f32 v25, v63;
	[tilespmem:v28+s21+$0x0] =	vst.idx.add.f32.msk $0xffff, v26  }
0x356: {  	s7 =	simm.s32 $0x2;
	p0 =	por $0x1, $0x1;
	s6 =	simm.s32 $0x3C20;
	[tilespmem:v27+s21+$0x0] =	vst.idx.add.f32.msk $0xffff, v62  }
.LBB2_52:
0x357: {  	[tilespmem:v23+s21+$0x0] =	vst.idx.add.f32.msk $0xffff, v25;
	s6 =	sadd.s32 $0x80, s6;
	s8 =	smov.u32 s7;
	s7 =	sadd.s32 $0x1, s7  }
0x358: {  	p1 =	sne.s32 s1, s7;
	v23 =	vld.idx.msk [tilespmem:v24+s15+$0x0], $0xffff;
	_ =	sdelay $0x5  }
0x359: {  	v24 =	vshll.u32 v23, $0x4;
	v25 =	vshll.u32 v23, $0x7  }
0x35a: {  	v23 =	vor.u32 v1, v24;
	_ =	sdelay $0x4  }
0x35b: {  	v24 =	vld.idx.msk [tilespmem:v23+s11+$0x0], $0xffff  }
0x35c: {  	v26 =	vld [tilespmem:s6+$0x20];
	_ =	sdelay $0x4  }
0x35d: {  	v24 =	vadd.f32 v26, v24;
	_ =	sdelay $0x1  }
0x35e: {  	v26 =	vmul.f32 $2.000000030e-01, v24  }
0x35f: {  	vm0 =	vgt.f32 v24, $0.0e+00  }
0x360: {  	v24 =	vsel vm0, v24, v26  }
0x361: {  	v24 =	vmul.f32 $1.442695020e+00, v24;
	_ =	sdelay $0x1  }
0x362: {  	(erf) = vpow2.f32 v24;
	_ =	sdelay $0x8  }
0x363: {  	v24 =	vpop (erf)  }
0x364: {  	[tilespmem:v23+s20+$0x0] =	vst.idx.add.f32.msk $0xff, v24  }
0x365: {  	v26 =	vld [tilespmem:s6+$0xFFFFFFE0];
	_ =	sdelay $0x1  }
0x366: {  	v23 =	vor.u32 v15, v25;
	v27 =	vld [tilespmem:s6+$0xFFFFFFF0]  }
0x367: {  	v28 =	vor.u32 v4, v25;
	v29 =	vor.u32 v13, v25;
	v30 =	vor.u32 v14, v25  }
0x368: {  	v33 =	vor.u32 v9, v25;
	v34 =	vor.u32 v12, v25;
	v32 =	vperm.xlane v24, v3;
	v31 =	vld [tilespmem:s6+$0x0]  }
0x369: {  	v36 =	vor.u32 v10, v25;
	v35 =	vunpack.i.u.bf16.f32 v26;
	v26 =	vunpack.i.l.bf16.f32 v26  }
0x36a: {  	v38 =	vperm.xlane v24, v6;
	v25 =	vor.u32 v11, v25;
	v37 =	vld [tilespmem:s6+$0x10];
	v26 =	vmul.f32 v32, v26  }
0x36b: {  	v32 =	vmul.f32 v32, v35;
	v39 =	vunpack.i.u.bf16.f32 v27;
	v27 =	vunpack.i.l.bf16.f32 v27  }
0x36c: {  	v35 =	vperm.xlane v24, v7;
	[tilespmem:v28+s21+$0x0] =	vst.idx.add.f32.msk $0xffff, v26;
	v26 =	vmul.f32 v38, v27  }
0x36d: {  	v27 =	vunpack.i.u.bf16.f32 v31;
	v28 =	vunpack.i.l.bf16.f32 v31;
	[tilespmem:v33+s21+$0x0] =	vst.idx.add.f32.msk $0xffff, v32;
	v31 =	vmul.f32 v38, v39  }
.Ltmp38:
0x36e: {  	v32 =	vperm.xlane v24, v8;
	[tilespmem:v36+s21+$0x0] =	vst.idx.add.f32.msk $0xffff, v26;
	v26 =	vmul.f32 v35, v28;
	(pc) =	sbr.rel @p1 .LBB2_52-.Ltmp38, $4  }
0x36f: {  	v24 =	vmov s8;
	v28 =	vunpack.i.l.bf16.f32 v37;
	[tilespmem:v25+s21+$0x0] =	vst.idx.add.f32.msk $0xffff, v31;
	v25 =	vmul.f32 v35, v27  }
0x370: {  	v27 =	vunpack.i.u.bf16.f32 v37;
	[tilespmem:v34+s21+$0x0] =	vst.idx.add.f32.msk $0xffff, v26;
	v26 =	vmul.f32 v32, v28  }
0x371: {  	[tilespmem:v29+s21+$0x0] =	vst.idx.add.f32.msk $0xffff, v25;
	v25 =	vmul.f32 v32, v27  }
0x372: {  	[tilespmem:v30+s21+$0x0] =	vst.idx.add.f32.msk $0xffff, v26  }
.LBB2_53:
0x373: {  	_ =	sdelay $0x3  }
0x374: {  	[tilespmem:v23+s21+$0x0] =	vst.idx.add.f32.msk @p0 $0xffff, v25  }
0x375: {  	v23 =	vld.idx.msk [tilespmem:v24+s15+$0x0], $0xffff;
	_ =	sdelay $0x4  }
0x376: {  	v24 =	vshll.u32 v23, $0x4  }
0x377: {  	v24 =	vor.u32 v1, v24;
	_ =	sdelay $0x1  }
0x378: {  	s1 =	sadd.s32 @p0 $0x80, s6  }
0x379: {  	s0 =	smov.u32 @p0 s1  }
0x37a: {  	v26 =	vld [tilespmem:s0+$0x20]  }
0x37b: {  	v25 =	vld.idx.msk [tilespmem:v24+s11+$0x0], $0xffff;
	_ =	sdelay $0x4  }
0x37c: {  	v25 =	vadd.f32 v26, v25;
	_ =	sdelay $0x1  }
0x37d: {  	v26 =	vmul.f32 $2.000000030e-01, v25  }
0x37e: {  	vm0 =	vgt.f32 v25, $0.0e+00  }
0x37f: {  	v25 =	vsel vm0, v25, v26  }
0x380: {  	v25 =	vmul.f32 $1.442695020e+00, v25;
	_ =	sdelay $0x1  }
0x381: {  	(erf) = vpow2.f32 v25;
	_ =	sdelay $0x8  }
0x382: {  	v25 =	vpop (erf)  }
0x383: {  	[tilespmem:v24+s20+$0x0] =	vst.idx.add.f32.msk $0xff, v25  }
0x384: {  	v24 =	vld [tilespmem:s0+$0xFFFFFFE0];
	_ =	sdelay $0x1  }
0x385: {  	v23 =	vshll.u32 v23, $0x7;
	v55 =	vld [tilespmem:s0+$0xFFFFFFF0]  }
0x386: {  	v27 =	vor.u32 v15, v23;
	v28 =	vor.u32 v4, v23  }
0x387: {  	v29 =	vor.u32 v13, v23;
	v32 =	vor.u32 v9, v23;
	v31 =	vperm.xlane v25, v3;
	v30 =	vld [tilespmem:s0+$0x0]  }
0x388: {  	v34 =	vor.u32 v10, v23;
	v33 =	vunpack.i.u.bf16.f32 v24;
	v24 =	vunpack.i.l.bf16.f32 v24  }
0x389: {  	v37 =	vor.u32 v11, v23;
	v36 =	vperm.xlane v25, v6;
	v35 =	vld [tilespmem:s0+$0x10];
	v24 =	vmul.f32 v31, v24  }
0x38a: {  	v38 =	vor.u32 v12, v23;
	v39 =	vunpack.i.l.bf16.f32 v55;
	v31 =	vmul.f32 v31, v33  }
0x38b: {  	v56 =	vperm.xlane v25, v7;
	v26 =	vunpack.i.u.bf16.f32 v55;
	v57 =	vmul.f32 v36, v39;
	[tilespmem:v28+s21+$0x0] =	vst.idx.add.f32.msk $0xffff, v24  }
0x38c: {  	v23 =	vor.u32 v14, v23;
	v58 =	vunpack.i.l.bf16.f32 v30;
	v26 =	vmul.f32 v36, v26;
	[tilespmem:v32+s21+$0x0] =	vst.idx.add.f32.msk $0xffff, v31  }
0x38d: {  	v25 =	vperm.xlane v25, v8;
	v30 =	vunpack.i.u.bf16.f32 v30;
	v59 =	vmul.f32 v56, v58;
	[tilespmem:v34+s21+$0x0] =	vst.idx.add.f32.msk $0xffff, v57  }
0x38e: {  	v60 =	vunpack.i.l.bf16.f32 v35;
	v61 =	vmul.f32 v56, v30;
	[tilespmem:v37+s21+$0x0] =	vst.idx.add.f32.msk $0xffff, v26  }
0x38f: {  	v62 =	vunpack.i.u.bf16.f32 v35;
	v63 =	vmul.f32 v25, v60;
	[tilespmem:v38+s21+$0x0] =	vst.idx.add.f32.msk $0xffff, v59  }
0x390: {  	v25 =	vmul.f32 v25, v62;
	[tilespmem:v29+s21+$0x0] =	vst.idx.add.f32.msk $0xffff, v61  }
0x391: {  	[tilespmem:v23+s21+$0x0] =	vst.idx.add.f32.msk $0xffff, v63  }
0x392: {  	[tilespmem:v27+s21+$0x0] =	vst.idx.add.f32.msk $0xffff, v25  }
.LBB2_54:
0x393: {  	s0 =	sadd.s32 $0x8000005F, s25  }
0x394: {  	s1 =	smulhi.u32 $0x2AAAAAAB, s0;
	s6 =	sshra.s32 s0, $0x1F  }
0x395: {  	s6 =	smul.u32 $0x2AAAAAAB, s6;
	_ =	sdelay $0x1  }
0x396: {  	s1 =	sadd.s32 s6, s1  }
0x397: {  	s6 =	sshrl.u32 s1, $0x1F;
	s1 =	sshra.s32 s1, $0x4  }
0x398: {  	s1 =	sadd.s32 s6, s1  }
0x399: {  	s6 =	smul.u32 $0xFFFFFFA0, s1  }
0x39a: {  	s7 =	ssub.s32 $0x7FFFFFA1, s25  }
0x39b: {  	p0 =	slt.s32 s0, $0x1;
	p1 =	sne.s32 s6, s7  }
0x39c: {  	p0 =	por !p0, !p1  }
0x39d: {  	s0 =	simm.s32 $0x1;
	p0 =	por !p0, !p0  }
0x39e: {  	s0 =	simm.s32 @!p0 $0x0  }
0x39f: {  	s24 =	ssub.s32 s1, s0  }
0x3a0: {  	p0 =	slt.s32 s24, $0x2  }
.Ltmp39:
0x3a1: {  	_ = 	snop;
	(pc) =	sbr.rel @p0 .LBB2_64-.Ltmp39, $1  }
0x3a2: {  	_ =	sdelay $0x3  }
.Ltmp40:
0x3a3: {  	(pc) =	sbr.rel .LBB2_56-.Ltmp40, $2  }
0x3a4: {  	_ =	sdelay $0x2  }
0x3a5: {  	s25 =	sadd.s32 $0x7FFFFFA0, s25;
	s1 =	simm.s32 $0x1;
	s26 =	simm.s32 $0x60  }
.LBB2_58:
0x3a6: {  	s6 =	simm.s32 $0x3C20  }
.LBB2_62:
0x3a7: {  	_ =	sdelay $0x3  }
0x3a8: {  	[tilespmem:v23+s21+$0x0] =	vst.idx.add.f32.msk @p0 $0xffff, v25  }
0x3a9: {  	v23 =	vld.idx.msk [tilespmem:v24+s15+$0x0], $0xffff;
	_ =	sdelay $0x4  }
0x3aa: {  	v24 =	vshll.u32 v23, $0x4  }
0x3ab: {  	v24 =	vor.u32 v1, v24;
	_ =	sdelay $0x1  }
0x3ac: {  	s6 =	sadd.s32 @p0 $0x80, s6  }
0x3ad: {  	s0 =	smov.u32 @p0 s6  }
0x3ae: {  	v26 =	vld [tilespmem:s0+$0x20]  }
0x3af: {  	v25 =	vld.idx.msk [tilespmem:v24+s11+$0x0], $0xffff;
	_ =	sdelay $0x4  }
0x3b0: {  	v25 =	vadd.f32 v26, v25;
	_ =	sdelay $0x1  }
0x3b1: {  	v26 =	vmul.f32 $2.000000030e-01, v25  }
0x3b2: {  	vm0 =	vgt.f32 v25, $0.0e+00  }
0x3b3: {  	v25 =	vsel vm0, v25, v26  }
0x3b4: {  	v25 =	vmul.f32 $1.442695020e+00, v25;
	_ =	sdelay $0x1  }
0x3b5: {  	(erf) = vpow2.f32 v25;
	_ =	sdelay $0x8  }
0x3b6: {  	v25 =	vpop (erf)  }
0x3b7: {  	[tilespmem:v24+s20+$0x0] =	vst.idx.add.f32.msk $0xff, v25  }
0x3b8: {  	v24 =	vld [tilespmem:s0+$0xFFFFFFE0];
	_ =	sdelay $0x1  }
0x3b9: {  	v23 =	vshll.u32 v23, $0x7;
	v55 =	vld [tilespmem:s0+$0xFFFFFFF0]  }
0x3ba: {  	v27 =	vor.u32 v15, v23;
	v28 =	vor.u32 v4, v23  }
0x3bb: {  	v29 =	vor.u32 v13, v23;
	v32 =	vor.u32 v9, v23;
	v31 =	vperm.xlane v25, v3;
	v30 =	vld [tilespmem:s0+$0x0]  }
0x3bc: {  	v34 =	vor.u32 v10, v23;
	v33 =	vunpack.i.u.bf16.f32 v24;
	v24 =	vunpack.i.l.bf16.f32 v24  }
0x3bd: {  	v37 =	vor.u32 v11, v23;
	v36 =	vperm.xlane v25, v6;
	v35 =	vld [tilespmem:s0+$0x10];
	v24 =	vmul.f32 v31, v24  }
0x3be: {  	v38 =	vor.u32 v12, v23;
	v39 =	vunpack.i.l.bf16.f32 v55;
	v31 =	vmul.f32 v31, v33  }
0x3bf: {  	v56 =	vperm.xlane v25, v7;
	v26 =	vunpack.i.u.bf16.f32 v55;
	v57 =	vmul.f32 v36, v39;
	[tilespmem:v28+s21+$0x0] =	vst.idx.add.f32.msk $0xffff, v24  }
0x3c0: {  	v23 =	vor.u32 v14, v23;
	v58 =	vunpack.i.l.bf16.f32 v30;
	v26 =	vmul.f32 v36, v26;
	[tilespmem:v32+s21+$0x0] =	vst.idx.add.f32.msk $0xffff, v31  }
0x3c1: {  	v25 =	vperm.xlane v25, v8;
	v30 =	vunpack.i.u.bf16.f32 v30;
	v59 =	vmul.f32 v56, v58;
	[tilespmem:v34+s21+$0x0] =	vst.idx.add.f32.msk $0xffff, v57  }
0x3c2: {  	v60 =	vunpack.i.l.bf16.f32 v35;
	v61 =	vmul.f32 v56, v30;
	[tilespmem:v37+s21+$0x0] =	vst.idx.add.f32.msk $0xffff, v26  }
0x3c3: {  	v62 =	vunpack.i.u.bf16.f32 v35;
	v63 =	vmul.f32 v25, v60;
	[tilespmem:v38+s21+$0x0] =	vst.idx.add.f32.msk $0xffff, v59  }
0x3c4: {  	v25 =	vmul.f32 v25, v62;
	[tilespmem:v29+s21+$0x0] =	vst.idx.add.f32.msk $0xffff, v61  }
0x3c5: {  	[tilespmem:v23+s21+$0x0] =	vst.idx.add.f32.msk $0xffff, v63  }
0x3c6: {  	[tilespmem:v27+s21+$0x0] =	vst.idx.add.f32.msk $0xffff, v25  }
.LBB2_63:
0x3c7: {  	s1 =	sadd.s32 $0x1, s1  }
0x3c8: {  	p0 =	sne.s32 s1, s24  }
.Ltmp41:
0x3c9: {  	_ = 	snop;
	(pc) =	sbr.rel @!p0 .LBB2_64-.Ltmp41, $2  }
0x3ca: {  	_ =	sdelay $0x2  }
0x3cb: {  	s25 =	sadd.s32 $0xFFFFFFA0, s25;
	s26 =	sadd.s32 $0x60, s26  }
.LBB2_56:
0x3cc: {  	s0 =	smul.u32 $0x60, s1;
	_ =	sdelay $0x1  }
0x3cd: {  	s6 =	sadd.s32 $0x1400, s0;
	s0 =	ssub.s32 s23, s0  }
0x3ce: {  	p0 =	slt.s32 s0, $0x1  }
.Ltmp42:
0x3cf: {  	_ = 	snop;
	(pc) =	sbr.rel @p0 .LBB2_63-.Ltmp42, $4  }
0x3d0: {  	[tilespmem:s17], [sflag:$0x2] =	stream.indirect.gather [hbm4b:s3+s16], $0x80, s6, s16, $0xb8;
	[tilespmem:$0x13500] =	vst v63  }
0x3d1: {  	_ =	swait.ge [sflag:s19], $0x3000  }
0x3d2: {  	[sflag:s19] =	ssyncset.done $0x0  }
0x3d3: {  	[sflag:s19] =	ssyncadd.s32 $0xFFFFD000  }
0x3d4: {  	p0 =	sgt.s32 s25, $0x1;
	s0 =	smov.u32 s25  }
0x3d5: {  	s0 =	simm.s32 @!p0 $0x1  }
0x3d6: {  	s6 =	smin.u32 s0, $0x60  }
0x3d7: {  	p1 =	sne.s32 s6, $0x1  }
.Ltmp43:
0x3d8: {  	_ = 	snop;
	(pc) =	sbr.rel @!p1 .LBB2_58-.Ltmp43, $2  }
0x3d9: {  	_ =	sdelay $0x2  }
0x3da: {  	v24 =	vmov s26;
	p0 =	por $0x0, $0x0;
	s0 =	simm.s32 $0x3C20;
	s6 =	sadd.s32 $0xFFFFFFFF, s6  }
0x3db: {  	_ =	sdelay $0x3  }
0x3dc: {  	v23 =	vld.idx.msk [tilespmem:v24+s15+$0x0], $0xffff;
	_ =	sdelay $0x4  }
0x3dd: {  	v24 =	vshll.u32 v23, $0x4  }
0x3de: {  	v24 =	vor.u32 v1, v24;
	_ =	sdelay $0x3  }
0x3df: {  	v26 =	vld [tilespmem:s0+$0x20]  }
0x3e0: {  	v25 =	vld.idx.msk [tilespmem:v24+s11+$0x0], $0xffff;
	_ =	sdelay $0x4  }
0x3e1: {  	v25 =	vadd.f32 v26, v25;
	_ =	sdelay $0x1  }
0x3e2: {  	v26 =	vmul.f32 $2.000000030e-01, v25  }
0x3e3: {  	vm0 =	vgt.f32 v25, $0.0e+00  }
0x3e4: {  	v25 =	vsel vm0, v25, v26  }
0x3e5: {  	v25 =	vmul.f32 $1.442695020e+00, v25;
	_ =	sdelay $0x1  }
0x3e6: {  	(erf) = vpow2.f32 v25;
	_ =	sdelay $0x8  }
0x3e7: {  	v25 =	vpop (erf)  }
0x3e8: {  	[tilespmem:v24+s20+$0x0] =	vst.idx.add.f32.msk $0xff, v25  }
0x3e9: {  	v24 =	vld [tilespmem:s0+$0xFFFFFFE0];
	_ =	sdelay $0x1  }
0x3ea: {  	v23 =	vshll.u32 v23, $0x7;
	v26 =	vld [tilespmem:s0+$0xFFFFFFF0]  }
0x3eb: {  	v27 =	vor.u32 v4, v23  }
0x3ec: {  	v31 =	vor.u32 v9, v23;
	v30 =	vperm.xlane v25, v3;
	v29 =	vld [tilespmem:s0+$0x0]  }
0x3ed: {  	v33 =	vor.u32 v10, v23;
	v32 =	vunpack.i.u.bf16.f32 v24;
	v24 =	vunpack.i.l.bf16.f32 v24  }
0x3ee: {  	v36 =	vor.u32 v11, v23;
	v35 =	vperm.xlane v25, v6;
	v24 =	vmul.f32 v30, v24  }
0x3ef: {  	v37 =	vor.u32 v12, v23;
	v34 =	vld [tilespmem:s0+$0x10];
	v38 =	vunpack.i.l.bf16.f32 v26;
	v30 =	vmul.f32 v30, v32  }
0x3f0: {  	v59 =	vperm.xlane v25, v7;
	v26 =	vunpack.i.u.bf16.f32 v26;
	[tilespmem:v27+s21+$0x0] =	vst.idx.add.f32.msk $0xffff, v24;
	v24 =	vmul.f32 v35, v38  }
0x3f1: {  	v28 =	vor.u32 v13, v23;
	v60 =	vunpack.i.l.bf16.f32 v29;
	v26 =	vmul.f32 v35, v26;
	[tilespmem:v31+s21+$0x0] =	vst.idx.add.f32.msk $0xffff, v30  }
0x3f2: {  	p1 =	sne.s32 s6, $0x1;
	v27 =	vor.u32 v14, v23;
	[tilespmem:v33+s21+$0x0] =	vst.idx.add.f32.msk $0xffff, v24;
	v24 =	vmul.f32 v59, v60  }
.Ltmp44:
0x3f3: {  	s7 =	sadd.s32 $0x1, s26;
	v25 =	vperm.xlane v25, v8;
	v29 =	vunpack.i.u.bf16.f32 v29;
	v23 =	vor.u32 v15, v23;
	[tilespmem:v36+s21+$0x0] =	vst.idx.add.f32.msk $0xffff, v26;
	(pc) =	sbr.rel @!p1 .LBB2_60-.Ltmp44, $4  }
0x3f4: {  	v61 =	vunpack.i.l.bf16.f32 v34;
	v26 =	vmul.f32 v59, v29;
	[tilespmem:v37+s21+$0x0] =	vst.idx.add.f32.msk $0xffff, v24;
	v24 =	vmov s7  }
0x3f5: {  	v63 =	vunpack.i.u.bf16.f32 v34;
	v62 =	vmul.f32 v25, v61  }
0x3f6: {  	v25 =	vmul.f32 v25, v63;
	[tilespmem:v28+s21+$0x0] =	vst.idx.add.f32.msk $0xffff, v26  }
0x3f7: {  	s8 =	sadd.s32 $0xFFFFFFFF, s6;
	p0 =	por $0x1, $0x1;
	s6 =	simm.s32 $0x3C20;
	[tilespmem:v27+s21+$0x0] =	vst.idx.add.f32.msk $0xffff, v62  }
.LBB2_61:
0x3f8: {  	p1 =	sne.s32 s8, $0x1;
	s8 =	sadd.s32 $0xFFFFFFFF, s8;
	[tilespmem:v23+s21+$0x0] =	vst.idx.add.f32.msk $0xffff, v25;
	s6 =	sadd.s32 $0x80, s6  }
0x3f9: {  	v23 =	vld.idx.msk [tilespmem:v24+s15+$0x0], $0xffff;
	_ =	sdelay $0x5  }
0x3fa: {  	v24 =	vshll.u32 v23, $0x4;
	v25 =	vshll.u32 v23, $0x7  }
0x3fb: {  	v23 =	vor.u32 v1, v24;
	_ =	sdelay $0x4  }
0x3fc: {  	v24 =	vld.idx.msk [tilespmem:v23+s11+$0x0], $0xffff  }
0x3fd: {  	v26 =	vld [tilespmem:s6+$0x20];
	_ =	sdelay $0x4  }
0x3fe: {  	v24 =	vadd.f32 v26, v24;
	_ =	sdelay $0x1  }
0x3ff: {  	v26 =	vmul.f32 $2.000000030e-01, v24  }
0x400: {  	vm0 =	vgt.f32 v24, $0.0e+00  }
0x401: {  	v24 =	vsel vm0, v24, v26  }
0x402: {  	v24 =	vmul.f32 $1.442695020e+00, v24;
	_ =	sdelay $0x1  }
0x403: {  	(erf) = vpow2.f32 v24;
	_ =	sdelay $0x8  }
0x404: {  	v24 =	vpop (erf)  }
0x405: {  	[tilespmem:v23+s20+$0x0] =	vst.idx.add.f32.msk $0xff, v24  }
0x406: {  	v26 =	vld [tilespmem:s6+$0xFFFFFFE0];
	_ =	sdelay $0x1  }
0x407: {  	v23 =	vor.u32 v15, v25;
	v27 =	vld [tilespmem:s6+$0xFFFFFFF0]  }
0x408: {  	v28 =	vor.u32 v4, v25;
	v29 =	vor.u32 v13, v25;
	v30 =	vor.u32 v14, v25  }
0x409: {  	v33 =	vor.u32 v9, v25;
	v34 =	vor.u32 v12, v25;
	v32 =	vperm.xlane v24, v3;
	v31 =	vld [tilespmem:s6+$0x0]  }
0x40a: {  	v36 =	vor.u32 v10, v25;
	v35 =	vunpack.i.u.bf16.f32 v26;
	v26 =	vunpack.i.l.bf16.f32 v26  }
0x40b: {  	v38 =	vperm.xlane v24, v6;
	v25 =	vor.u32 v11, v25;
	v37 =	vld [tilespmem:s6+$0x10];
	v26 =	vmul.f32 v32, v26  }
0x40c: {  	v32 =	vmul.f32 v32, v35;
	v39 =	vunpack.i.u.bf16.f32 v27;
	v27 =	vunpack.i.l.bf16.f32 v27  }
0x40d: {  	v35 =	vperm.xlane v24, v7;
	[tilespmem:v28+s21+$0x0] =	vst.idx.add.f32.msk $0xffff, v26;
	v26 =	vmul.f32 v38, v27  }
0x40e: {  	v27 =	vunpack.i.u.bf16.f32 v31;
	v28 =	vunpack.i.l.bf16.f32 v31;
	[tilespmem:v33+s21+$0x0] =	vst.idx.add.f32.msk $0xffff, v32;
	v31 =	vmul.f32 v38, v39  }
.Ltmp45:
0x40f: {  	s7 =	sadd.s32 $0x1, s7;
	v32 =	vperm.xlane v24, v8;
	[tilespmem:v36+s21+$0x0] =	vst.idx.add.f32.msk $0xffff, v26;
	v26 =	vmul.f32 v35, v28;
	(pc) =	sbr.rel @p1 .LBB2_61-.Ltmp45, $4  }
0x410: {  	v24 =	vmov s7;
	v28 =	vunpack.i.l.bf16.f32 v37;
	[tilespmem:v25+s21+$0x0] =	vst.idx.add.f32.msk $0xffff, v31;
	v25 =	vmul.f32 v35, v27  }
0x411: {  	v27 =	vunpack.i.u.bf16.f32 v37;
	[tilespmem:v34+s21+$0x0] =	vst.idx.add.f32.msk $0xffff, v26;
	v26 =	vmul.f32 v32, v28  }
0x412: {  	[tilespmem:v29+s21+$0x0] =	vst.idx.add.f32.msk $0xffff, v25;
	v25 =	vmul.f32 v32, v27  }
0x413: {  	[tilespmem:v30+s21+$0x0] =	vst.idx.add.f32.msk $0xffff, v26  }
.Ltmp46:
0x414: {  	_ = 	snop;
	(pc) =	sbr.rel .LBB2_62-.Ltmp46, $1  }
0x415: {  	_ =	sdelay $0x3  }
.LBB2_60:
.Ltmp47:
0x416: {  	(pc) =	sbr.rel .LBB2_62-.Ltmp47, $2  }
0x417: {  	_ =	sdelay $0x2  }
0x418: {  	s6 =	simm.s32 $0x3C20  }
.LBB2_64:
0x419: {  	s0 =	simm.s32 $0x0  }
0x41a: {  	v23 =	vld [tilespmem:s0+$0x12080];
	_ =	sdelay $0x4  }
0x41b: {  	(erf) = vrcp.f32 v23;
	_ =	sdelay $0x6  }
0x41c: {  	s0 =	simm.s32 $0x8040  }
0x41d: {  	v24 =	vld [tilespmem:s0+$0xFFFFFFC0]  }
0x41e: {  	v25 =	vld [tilespmem:s0+$0xFFFFFFD0];
	vm0 =	vgt.f32 v23, $0.0e+00;
	v23 =	vpop (erf)  }
0x41f: {  	v26 =	vld [tilespmem:s0+$0xFFFFFFE0];
	v23 =	vnsel vm0, $0x0, v23  }
0x420: {  	v27 =	vld [tilespmem:s0+$0xFFFFFFF0];
	v28 =	vperm.xlane v23, v5;
	v29 =	vperm.xlane v23, v16  }
0x421: {  	v31 =	vld [tilespmem:s0+$0x10];
	v32 =	vperm.xlane v23, v17;
	v58 =	vperm.xlane v23, v18  }
0x422: {  	v33 =	vld [tilespmem:s0+$0x30];
	v60 =	vperm.xlane v23, v19;
	v24 =	vmul.f32 v24, v28  }
0x423: {  	v30 =	vld [tilespmem:s0+$0x0];
	v61 =	vperm.xlane v23, v20;
	v25 =	vmul.f32 v25, v29  }
0x424: {  	v59 =	vld [tilespmem:s0+$0x20];
	v62 =	vperm.xlane v23, v21;
	v26 =	vmul.f32 v26, v32;
	[tilespmem:s0+$0xFFFFFFC0] =	vst v24  }
0x425: {  	v23 =	vperm.xlane v23, v22;
	v27 =	vmul.f32 v27, v58;
	[tilespmem:s0+$0xFFFFFFD0] =	vst v25  }
0x426: {  	v63 =	vmul.f32 v31, v61;
	[tilespmem:s0+$0xFFFFFFE0] =	vst v26  }
0x427: {  	v23 =	vmul.f32 v33, v23;
	[tilespmem:s0+$0xFFFFFFF0] =	vst v27  }
0x428: {  	v24 =	vmul.f32 v30, v60;
	[tilespmem:s0+$0x10] =	vst v63  }
0x429: {  	v25 =	vmul.f32 v59, v62;
	[tilespmem:s0+$0x30] =	vst v23  }
0x42a: {  	[tilespmem:s0+$0x0] =	vst v24  }
0x42b: {  	s6 =	simm.s32 $0x10;
	s1 =	simm.s32 $0x80;
	[tilespmem:s0+$0x20] =	vst v25  }
.LBB2_65:
0x42c: {  	p0 =	sne.s32 s1, $0x4FC0;
	v23 =	vld [tilespmem:s6+$0x12080];
	_ =	sdelay $0x4  }
0x42d: {  	(erf) = vrcp.f32 v23;
	_ =	sdelay $0x4  }
0x42e: {  	s0 =	sadd.s32 $0x80, s0  }
0x42f: {  	v24 =	vld [tilespmem:s0+$0xFFFFFFF0]  }
0x430: {  	v25 =	vld [tilespmem:s0+$0xFFFFFFD0]  }
0x431: {  	v26 =	vld [tilespmem:s0+$0xFFFFFFC0]  }
0x432: {  	vm0 =	vgt.f32 v23, $0.0e+00;
	v23 =	vld [tilespmem:s0+$0xFFFFFFE0];
	v27 =	vpop (erf)  }
0x433: {  	v27 =	vnsel vm0, $0x0, v27;
	v28 =	vld [tilespmem:s0+$0x30]  }
0x434: {  	v29 =	vperm.xlane v27, v5;
	v30 =	vperm.xlane v27, v16;
	v31 =	vld [tilespmem:s0+$0x10]  }
0x435: {  	v32 =	vperm.xlane v27, v17;
	v33 =	vperm.xlane v27, v18;
	v34 =	vld [tilespmem:s0+$0x0]  }
0x436: {  	v26 =	vmul.f32 v26, v29;
	v25 =	vmul.f32 v25, v30;
	v29 =	vld [tilespmem:s0+$0x20]  }
0x437: {  	v24 =	vmul.f32 v24, v33;
	v23 =	vmul.f32 v23, v32  }
0x438: {  	v30 =	vperm.xlane v27, v20;
	[tilespmem:s0+$0xFFFFFFC0] =	vst v26;
	v26 =	vperm.xlane v27, v19  }
0x439: {  	[tilespmem:s0+$0xFFFFFFD0] =	vst v25;
	v25 =	vperm.xlane v27, v21;
	v27 =	vperm.xlane v27, v22  }
0x43a: {  	[tilespmem:s0+$0xFFFFFFE0] =	vst v23;
	v23 =	vmul.f32 v34, v26;
	v26 =	vmul.f32 v31, v30  }
.Ltmp48:
0x43b: {  	[tilespmem:s0+$0xFFFFFFF0] =	vst v24;
	v24 =	vmul.f32 v29, v25;
	v25 =	vmul.f32 v28, v27;
	(pc) =	sbr.rel @p0 .LBB2_65-.Ltmp48, $4  }
0x43c: {  	[tilespmem:s0+$0x0] =	vst v23  }
0x43d: {  	[tilespmem:s0+$0x10] =	vst v26  }
0x43e: {  	[tilespmem:s0+$0x20] =	vst v24  }
0x43f: {  	s6 =	sshra.s32 s1, $0x2;
	s1 =	sadd.s32 $0x40, s1;
	[tilespmem:s0+$0x30] =	vst v25  }
0x440: {  	v23 =	vld [tilespmem:s6+$0x12080];
	_ =	sdelay $0x4  }
0x441: {  	(erf) = vrcp.f32 v23;
	_ =	sdelay $0x6  }
0x442: {  	s0 =	sadd.s32 $0x80, s0  }
0x443: {  	v24 =	vld [tilespmem:s0+$0xFFFFFFC0]  }
0x444: {  	v25 =	vld [tilespmem:s0+$0xFFFFFFD0];
	vm0 =	vgt.f32 v23, $0.0e+00;
	v23 =	vpop (erf)  }
0x445: {  	v26 =	vld [tilespmem:s0+$0xFFFFFFE0];
	v23 =	vnsel vm0, $0x0, v23  }
0x446: {  	v27 =	vld [tilespmem:s0+$0xFFFFFFF0];
	v28 =	vperm.xlane v23, v5;
	v29 =	vperm.xlane v23, v16  }
0x447: {  	v31 =	vld [tilespmem:s0+$0x10];
	v32 =	vperm.xlane v23, v17;
	v58 =	vperm.xlane v23, v18  }
0x448: {  	v33 =	vld [tilespmem:s0+$0x30];
	v60 =	vperm.xlane v23, v19;
	v24 =	vmul.f32 v24, v28  }
0x449: {  	v30 =	vld [tilespmem:s0+$0x0];
	v61 =	vperm.xlane v23, v20;
	v25 =	vmul.f32 v25, v29  }
0x44a: {  	v59 =	vld [tilespmem:s0+$0x20];
	v62 =	vperm.xlane v23, v21;
	v26 =	vmul.f32 v26, v32;
	[tilespmem:s0+$0xFFFFFFC0] =	vst v24  }
0x44b: {  	v23 =	vperm.xlane v23, v22;
	v27 =	vmul.f32 v27, v58;
	[tilespmem:s0+$0xFFFFFFD0] =	vst v25  }
0x44c: {  	v63 =	vmul.f32 v31, v61;
	[tilespmem:s0+$0xFFFFFFE0] =	vst v26  }
0x44d: {  	v23 =	vmul.f32 v33, v23;
	[tilespmem:s0+$0xFFFFFFF0] =	vst v27  }
0x44e: {  	v24 =	vmul.f32 v30, v60;
	[tilespmem:s0+$0x10] =	vst v63  }
0x44f: {  	v25 =	vmul.f32 v59, v62;
	[tilespmem:s0+$0x30] =	vst v23  }
0x450: {  	s22 =	sadd.s32 $0x1, s22;
	[tilespmem:s0+$0x0] =	vst v24  }
0x451: {  	p0 =	sne.s32 s22, s10;
	[tilespmem:s0+$0x20] =	vst v25  }
0x452: {  	[hbm4b:s9+s4] =	stream.linear.scatter [tilespmem:s21], [sflag:$0x3], $0xA000, $0x38;
	[tilespmem:$0x13500] =	vst v63  }
.Ltmp49:
0x453: {  	_ = 	snop;
	(pc) =	sbr.rel @p0 .LBB2_1-.Ltmp49, $4  }
.Ltmp50:
0x454: {  	_ = 	snop;
	(pc) =	sbr.rel @!p0 .LBB2_67-.Ltmp50, $4  }
0x455: {  	_ =	swait.ge [sflag:s12], $0xA000  }
0x456: {  	[sflag:s12] =	ssyncset.done $0x0  }
0x457: {  	[sflag:s12] =	ssyncadd.s32 $0xFFFF6000  }
0x458: {  	_ = 	snop  }
.LBB2_32:
.Ltmp51:
0x459: {  	(pc) =	sbr.rel .LBB2_36-.Ltmp51, $2  }
0x45a: {  	_ =	sdelay $0x2  }
0x45b: {  	s26 =	simm.s32 $0x3C20  }
.LBB2_49:
.Ltmp52:
0x45c: {  	(pc) =	sbr.rel .LBB2_53-.Ltmp52, $2  }
0x45d: {  	_ =	sdelay $0x2  }
0x45e: {  	s6 =	simm.s32 $0x3C20  }
.LBB2_34:
.Ltmp53:
0x45f: {  	(pc) =	sbr.rel .LBB2_36-.Ltmp53, $2  }
0x460: {  	_ =	sdelay $0x2  }
0x461: {  	s26 =	simm.s32 $0x3C20  }
.LBB2_51:
.Ltmp54:
0x462: {  	(pc) =	sbr.rel .LBB2_53-.Ltmp54, $2  }
0x463: {  	_ =	sdelay $0x2  }
0x464: {  	s6 =	simm.s32 $0x3C20  }
.LBB2_67:
0x465: {  	_ =	sfence.sel $0x180000  }
0x466: {  	[bflag:$0x0] =	sbarrier.arrive $0xFFFF  }
0x467: {  	_ =	strace $0x90000047  }
0x468: {  	s0 =	stileid.u32;
	[bflag:$0x2] =	sbarrier.arrive $0xFFFF  }
0x469: {  	p0 =	sne.s32 s0, $0x0;
	s0 =	rddreg [dreg:$0x2]  }
0x46a: {  	s0 =	sadd.s32 @!p0 $0x100000, s0  }
0x46b: {  	[sflag:s0] =	ssyncadd.tile.s32 @!p0 $0x1;
	_ =	shalt  }
.Lfunc_end2:
_tile_overlayer_lowered:
.L_overlay_start_2:
0x46c: {  	(tag) =	ssettag $0x2  }
0x46d: {  	s0 =	rddreg [dreg:$0x0];
	s2 =	stileid.u32  }
0x46e: {  	s1 =	rddreg [dreg:$0x1];
	p0 =	sne.s32 s2, $0x0  }
0x46f: {  	s3 =	rddreg [dreg:$0x2];
	[bflag:$0x3] =	sbarrier.arrive $0xFFFF;
	s2 =	simm.s32 @!p0 $0x1C03  }
0x470: {  	[timem:s3], [sflag:s2] =	dma.local @!p0 [hbm:s0], s1  }
0x471: {  	s0 =	simm.s32 @!p0 $0x3  }
0x472: {  	_ =	swait.ge @!p0 [sflag:s0], s1  }
0x473: {  	s1 =	ssub.s32 @!p0 $0x0, s1;
	[sflag:s0] =	ssyncset.done @!p0 $0x0  }
0x474: {  	[sflag:s0] =	ssyncadd.s32 @!p0 s1  }
0x475: {  	[bflag:$0x3] =	sbarrier.arrive $0xFFFF  }
0x476: {  	_ =	shalt  }

</sc_bundles>
